<compile_context>
chip_gen: v7x
topology: tpu7x:2x2x1
jax: 0.10.2.dev20260603
libtpu: 0.0.44.dev20260713+nightly
codegen_flags: <defaults>
</compile_context>

<pallas_src>
import functools

import jax
import jax.numpy as jnp
from jax import lax
from jax.experimental import pallas as pl
from jax.experimental.pallas import tpu as pltpu
from jax.experimental.pallas import tpu_sc as plsc

_B = 16384
_D = 64
_NC = 2
_NS = 16
_L = 16
_NBLK = 7813
_SPT = 489
_G = 4
_NG = (_SPT + _G - 1) // _G
_CAP = 1536
_GCAP = 40
_SROWS = 64
_OUTROWS = _B + _SROWS
_DUMP = _B
_BPT = _B // _NS
_XCH = 2048

_mesh = plsc.VectorSubcoreMesh(core_axis_name="c", subcore_axis_name="s",
                               num_cores=_NC, num_subcores=_NS)


@functools.partial(
    pl.kernel,
    out_type=(
        jax.ShapeDtypeStruct((_OUTROWS, 128), jnp.float32),
        jax.ShapeDtypeStruct((_OUTROWS, 128), jnp.float32),
        jax.ShapeDtypeStruct((_B,), jnp.float32),
        jax.ShapeDtypeStruct((_B,), jnp.float32),
    ),
    mesh=_mesh,
    compiler_params=pltpu.CompilerParams(
        needs_layout_passes=False,
        use_tc_tiling_on_sc=True,
        disable_bounds_checks=True,
    ),
    scratch_types=[
        pltpu.VMEM((2 * _XCH,), jnp.int32),
        pltpu.VMEM((2 * _XCH,), jnp.int32),
        pltpu.VMEM((_CAP,), jnp.int32),
        pltpu.VMEM((_CAP,), jnp.int32),
        pltpu.VMEM((_NG * _GCAP,), jnp.int32),
        pltpu.VMEM((_NG * _GCAP,), jnp.int32),
        pltpu.VMEM((_D, _G * 128), jnp.float32),
        pltpu.VMEM((_D, _G * 128), jnp.float32),
        pltpu.VMEM((_D, _G * 128), jnp.float32),
        pltpu.VMEM((_SROWS, 128), jnp.float32),
        pltpu.VMEM((_SROWS,), jnp.int32),
        pltpu.VMEM((_BPT,), jnp.int32),
        pltpu.VMEM((_BPT,), jnp.float32),
        pltpu.SMEM((_SPT + 1,), jnp.int32),
        pltpu.SMEM((_SPT + 1,), jnp.int32),
        pltpu.SemaphoreType.DMA,
        pltpu.SemaphoreType.DMA,
        pltpu.SemaphoreType.DMA,
        pltpu.SemaphoreType.DMA,
        pltpu.SemaphoreType.DMA,
        pltpu.SemaphoreType.DMA,
    ],
)
def _gather_phase(x_hbm, ut_hbm, it_hbm, ub_hbm, ib_hbm,
                  urows_hbm, irows_hbm, ubg_hbm, ibg_hbm,
                  xc_v, xd_v, fb_v, fr_v, sb_v, sr_v,
                  gbuf0_v, gbuf1_v, gbuf2_v,
                  stage_v, pos_v, bidx_v, bval_v,
                  bin_s, end_s, sem0, sem1, sem2, sem_sc, sem_b, sem_x):
    cid = lax.axis_index("c")
    sid = lax.axis_index("s")
    lanes = lax.iota(jnp.int32, _L)
    lane0 = lanes == 0
    tau = cid

    tstart = sid * _SPT
    tend = jnp.minimum(tstart + _SPT, _NBLK)
    nbins = tend - tstart

    bbase = sid * _BPT
    pltpu.sync_copy(x_hbm.at[pl.ds(2 * bbase, 2 * _BPT)],
                    xc_v.at[pl.ds(0, 2 * _BPT)])

    def bias_idx_body(k, _):
        bidx_v[pl.ds(k * _L, _L)] = plsc.load_gather(
            xc_v, [2 * (lanes + k * _L) + tau])
        return 0

    lax.fori_loop(0, _BPT // _L, bias_idx_body, 0, unroll=4)

    bufs = (gbuf0_v, gbuf1_v, gbuf2_v)
    sems = (sem0, sem1, sem2)

    def gclamp(g):
        gstart = tstart + _G * g
        return jnp.minimum(gstart, _NBLK - _G)

    def fire(g, buf, sem):
        gstart = tstart + _G * g
        off = pl.multiple_of(gclamp(g) * 128, 128)

        @pl.when((gstart < tend) & (cid == 0))
        def _():
            pltpu.async_copy(ut_hbm.at[:, pl.ds(off, _G * 128)], buf, sem)

        @pl.when((gstart < tend) & (cid == 1))
        def _():
            pltpu.async_copy(it_hbm.at[:, pl.ds(off, _G * 128)], buf, sem)

    fire(0, bufs[0], sems[0])
    fire(1, bufs[1], sems[1])
    fire(2, bufs[2], sems[2])

    @pl.when(cid == 0)
    def _():
        pltpu.async_copy(ub_hbm.at[bidx_v], bval_v, sem_b)

    @pl.when(cid == 1)
    def _():
        pltpu.async_copy(ib_hbm.at[bidx_v], bval_v, sem_b)

    xbufs = (xc_v, xd_v)
    nch = _B // _XCH
    pltpu.async_copy(x_hbm.at[pl.ds(0, 2 * _XCH)], xc_v, sem_x)
    cnt = jnp.int32(0)
    for c8 in range(nch):
        xbuf = xbufs[c8 % 2]
        pltpu.make_async_copy(x_hbm.at[pl.ds(0, 2 * _XCH)], xbuf,
                              sem_x).wait()
        if c8 + 1 < nch:
            pltpu.async_copy(
                x_hbm.at[pl.ds((c8 + 1) * 2 * _XCH, 2 * _XCH)],
                xbufs[(c8 + 1) % 2], sem_x)

        def filt_body(k, cnt, c8=c8, xbuf=xbuf):
            idx = plsc.load_gather(xbuf, [2 * (lanes + k * _L) + tau])
            slab = lax.shift_right_logical(idx, 7)
            m = (slab >= tstart) & (slab < tstart + _SPT)
            rank = plsc.cumsum(m.astype(jnp.int32))
            dest = jnp.minimum(cnt + rank - 1, _CAP - 1)
            b = c8 * _XCH + k * _L + lanes
            plsc.store_scatter(fb_v, [dest], b, mask=m)
            plsc.store_scatter(fr_v, [dest], idx, mask=m)
            return cnt + plsc.all_reduce_population_count(m)[0]

        cnt = lax.fori_loop(0, _XCH // _L, filt_body, cnt, unroll=4)

    def zero_body(s, _):
        bin_s[s] = 0
        return 0

    lax.fori_loop(0, _NG + 1, zero_body, 0)

    def place_body(e, _):
        ev = jnp.full((_L,), e, jnp.int32)
        idx = plsc.load_gather(fr_v, [ev])
        b = plsc.load_gather(fb_v, [ev])
        g = lax.shift_right_logical(
            lax.shift_right_logical(idx, 7)[0] - tstart, 2)
        o = jnp.minimum(bin_s[g], _GCAP - 1)
        bin_s[g] = o + 1
        ov = jnp.full((_L,), g * _GCAP + o, jnp.int32)
        plsc.store_scatter(sb_v, [ov], b, mask=lane0)
        plsc.store_scatter(sr_v, [ov], idx, mask=lane0)
        return 0

    lax.fori_loop(0, cnt, place_body, 0)

    def init_pos(k, _):
        pos_v[pl.ds(k * _L, _L)] = jnp.full((_L,), _DUMP, jnp.int32)
        return 0

    lax.fori_loop(0, _SROWS // _L, init_pos, 0)

    def drain(g, buf, sem):
        gstart = tstart + _G * g

        @pl.when(gstart < tend)
        def _():
            pltpu.make_async_copy(
                ut_hbm.at[:, pl.ds(0, _G * 128)], buf, sem).wait()

    def flush():
        @pl.when(cid == 0)
        def _():
            pltpu.async_copy(stage_v, urows_hbm.at[pos_v], sem_sc).wait()

        @pl.when(cid == 1)
        def _():
            pltpu.async_copy(stage_v, irows_hbm.at[pos_v], sem_sc).wait()

    def process(g, buf, carry):
        cstart = gclamp(g)
        gsafe = jnp.minimum(g, _NG - 1)
        end = bin_s[gsafe]

        def member(c):
            ptr, fill = c
            pv = jnp.full((_L,), gsafe * _GCAP + ptr, jnp.int32)
            b = plsc.load_gather(sb_v, [pv])[0]
            idx = plsc.load_gather(sr_v, [pv])
            colv = idx - cstart * 128
            for d in range(_D // _L):
                stage_v[fill, pl.ds(d * _L, _L)] = plsc.load_gather(
                    buf, [lanes + d * _L, colv])
            plsc.store_scatter(pos_v, [jnp.full((_L,), fill, jnp.int32)],
                               jnp.full((_L,), b, jnp.int32), mask=lane0)
            fill = fill + 1

            @pl.when(fill == _SROWS)
            def _():
                flush()

            fill = jnp.where(fill == _SROWS, 0, fill)
            return ptr + 1, fill

        def cond(c):
            return c[0] < end

        return lax.while_loop(cond, member, (jnp.int32(0), carry))[1]

    def triple_body(gp, carry):
        g0 = 3 * gp
        for j in range(3):
            drain(g0 + j, bufs[j], sems[j])
            carry = process(g0 + j, bufs[j], carry)
            fire(g0 + j + 3, bufs[j], sems[j])
        return carry

    lax.fori_loop(0, (_NG + 2) // 3, triple_body, jnp.int32(0))
    flush()

    @pl.when(cid == 0)
    def _():
        pltpu.make_async_copy(ub_hbm.at[bidx_v], bval_v, sem_b).wait()
        pltpu.sync_copy(bval_v, ubg_hbm.at[pl.ds(bbase, _BPT)])

    @pl.when(cid == 1)
    def _():
        pltpu.make_async_copy(ib_hbm.at[bidx_v], bval_v, sem_b).wait()
        pltpu.sync_copy(bval_v, ibg_hbm.at[pl.ds(bbase, _BPT)])


@functools.partial(
    pl.pallas_call,
    out_shape=jax.ShapeDtypeStruct((_B,), jnp.float32),
    grid=(_B // 2048,),
    in_specs=[
        pl.BlockSpec((2048, 128), lambda g: (g, 0)),
        pl.BlockSpec((2048, 128), lambda g: (g, 0)),
        pl.BlockSpec((2048,), lambda g: (g,)),
        pl.BlockSpec((2048,), lambda g: (g,)),
    ],
    out_specs=pl.BlockSpec((2048,), lambda g: (g,)),
)
def _dot_phase(u_ref, i_ref, ub_ref, ib_ref, o_ref):
    prod = u_ref[:, :_D] * i_ref[:, :_D]
    o_ref[:] = jnp.sum(prod, axis=1) + ub_ref[:] + ib_ref[:]


def kernel(x, u_emb, i_emb, u_bias, i_bias):
    x_flat = x.astype(jnp.int32).reshape(-1)
    urows, irows, ubg, ibg = _gather_phase(
        x_flat, u_emb.T, i_emb.T, u_bias.reshape(-1), i_bias.reshape(-1))
    return _dot_phase(urows, irows, ubg, ibg)

# --- scband reference (transcript-rebuilt; emitter-appended) ---
"""Pipeline reference for scband-mfrecommender-56032143344200 (READ-ONLY COPY).

The authoritative reference and input builder live on the scoring server;
editing this copy changes nothing except your own understanding.
"""

import jax, jax.numpy as jnp
import numpy as np

N_USERS = 1000000
N_ITEMS = 1000000
D = 64
BATCH = 16384

def setup_inputs(seed: int = 0) -> dict:
    key = jax.random.key(seed)
    k1, k2, k3, k4, k5 = jax.random.split(key, 5)
    x = jax.random.randint(k1, (BATCH, 2), 0, N_USERS, dtype=jnp.int64) if jax.config.jax_enable_x64 else jax.random.randint(k1, (BATCH, 2), 0, N_USERS, dtype=jnp.int32)
    # he_normal init: stddev = sqrt(2 / fan_in); Keras Embedding fan_in = d for he_normal on (vocab, d)
    u_emb = jax.random.normal(k2, (N_USERS, D), dtype=jnp.float32) * np.sqrt(2.0 / D)
    i_emb = jax.random.normal(k3, (N_ITEMS, D), dtype=jnp.float32) * np.sqrt(2.0 / D)
    u_bias = jax.random.uniform(k4, (N_USERS, 1), dtype=jnp.float32, minval=-0.05, maxval=0.05)
    i_bias = jax.random.uniform(k5, (N_ITEMS, 1), dtype=jnp.float32, minval=-0.05, maxval=0.05)
    return {"x": x, "u_emb": u_emb, "i_emb": i_emb, "u_bias": u_bias, "i_bias": i_bias}

def reference(x, u_emb, i_emb, u_bias, i_bias):
    u_idx = x[:, 0]
    i_idx = x[:, 1]
    u = jnp.take(u_emb, u_idx, axis=0)          # [B, D]
    i = jnp.take(i_emb, i_idx, axis=0)          # [B, D]
    dot = jnp.sum(u * i, axis=1, keepdims=True)  # [B, 1]
    ub = jnp.take(u_bias, u_idx, axis=0)         # [B, 1]
    ib = jnp.take(i_bias, i_idx, axis=0)         # [B, 1]
    out = jnp.squeeze(dot + ub + ib, axis=1)     # [B]
    return out

if __name__ == "__main__":
    import jax
    _d = setup_inputs()
    print(jax.jit(kernel)(*tuple(_d.values())))

</pallas_src>

<mosaic_0001>
#map = affine_map<(d0, d1) -> (0)>
#map1 = affine_map<(d0, d1) -> (0, 0)>
module attributes {stable_mosaic.version = 14 : i64} {
  func.func @_gather_phase(%arg0: i32, %arg1: i32, %arg2: memref<32768xi32, #tpu.memory_space<hbm>>, %arg3: memref<64x1000000xf32, #tpu.memory_space<hbm>>, %arg4: memref<64x1000000xf32, #tpu.memory_space<hbm>>, %arg5: memref<1000000xf32, #tpu.memory_space<hbm>>, %arg6: memref<1000000xf32, #tpu.memory_space<hbm>>, %arg7: memref<16448x128xf32, #tpu.memory_space<hbm>>, %arg8: memref<16448x128xf32, #tpu.memory_space<hbm>>, %arg9: memref<16384xf32, #tpu.memory_space<hbm>>, %arg10: memref<16384xf32, #tpu.memory_space<hbm>>, %arg11: memref<4096xi32, #tpu.memory_space<vmem>>, %arg12: memref<4096xi32, #tpu.memory_space<vmem>>, %arg13: memref<1536xi32, #tpu.memory_space<vmem>>, %arg14: memref<1536xi32, #tpu.memory_space<vmem>>, %arg15: memref<4920xi32, #tpu.memory_space<vmem>>, %arg16: memref<4920xi32, #tpu.memory_space<vmem>>, %arg17: memref<64x512xf32, #tpu.memory_space<vmem>>, %arg18: memref<64x512xf32, #tpu.memory_space<vmem>>, %arg19: memref<64x512xf32, #tpu.memory_space<vmem>>, %arg20: memref<64x128xf32, #tpu.memory_space<vmem>>, %arg21: memref<64xi32, #tpu.memory_space<vmem>>, %arg22: memref<1024xi32, #tpu.memory_space<vmem>>, %arg23: memref<1024xf32, #tpu.memory_space<vmem>>, %arg24: memref<490xi32, #tpu.memory_space<smem>>, %arg25: memref<490xi32, #tpu.memory_space<smem>>, %arg26: memref<!tpu.dma_semaphore, #tpu.memory_space<semaphore_mem>>, %arg27: memref<!tpu.dma_semaphore, #tpu.memory_space<semaphore_mem>>, %arg28: memref<!tpu.dma_semaphore, #tpu.memory_space<semaphore_mem>>, %arg29: memref<!tpu.dma_semaphore, #tpu.memory_space<semaphore_mem>>, %arg30: memref<!tpu.dma_semaphore, #tpu.memory_space<semaphore_mem>>, %arg31: memref<!tpu.dma_semaphore, #tpu.memory_space<semaphore_mem>>) attributes {dimension_semantics = [#tpu.dimension_semantics<core_parallel>, #tpu.dimension_semantics<subcore_parallel>], iteration_bounds = array<i64: 2, 16>, scalar_prefetch = 0 : i64, scratch_operands = 21 : i64, tpu.core_type = #tpu.core_type<sc_vector_subcore>, window_params = [{transform_indices = #map}, {transform_indices = #map1}, {transform_indices = #map1}, {transform_indices = #map}, {transform_indices = #map}, {transform_indices = #map1}, {transform_indices = #map1}, {transform_indices = #map}, {transform_indices = #map}]} {
    %iota3A = tpu.iota {dimensions = array<i32: 0>} : vector<16xi32>
    %eq3A = arith.constant 0 : i32
    %eq3A_0 = vector.broadcast %eq3A : i32 to vector<16xi32>
    %eq3A_1 = arith.cmpi eq, %iota3A, %eq3A_0 : vector<16xi32>
    %mul3A = arith.constant 489 : i32
    %mul3A_2 = arith.muli %arg1, %mul3A : i32
    %add3A = arith.constant 489 : i32
    %add3A_3 = arith.addi %mul3A_2, %add3A : i32
    %min3A = arith.constant 7813 : i32
    %min3A_4 = arith.minsi %add3A_3, %min3A : i32
    %sub3A = arith.subi %min3A_4, %mul3A_2 : i32
    %mul3A_5 = arith.constant 1024 : i32
    %mul3A_6 = arith.muli %arg1, %mul3A_5 : i32
    %mul3A_7 = arith.constant 2 : i32
    %mul3A_8 = arith.muli %mul3A_7, %mul3A_6 : i32
    "tpu.region"() ({
      %run_scoped3A = tpu.sem_alloc : memref<!tpu.dma_semaphore, #tpu.memory_space<semaphore_mem>>
      %dma_start3A_252 = arith.constant 0 : i32
      %dma_start3A_253 = tpu.memref_slice %arg11[%dma_start3A_252] : memref<4096xi32, #tpu.memory_space<vmem>> -> memref<2048xi32, #tpu.memory_space<vmem>>
      %dma_start3A_254 = tpu.memref_slice %arg2[%mul3A_8] : memref<32768xi32, #tpu.memory_space<hbm>> -> memref<2048xi32, #tpu.memory_space<hbm>>
      %dma_start3A_255 = arith.constant 0 : i32
      %dma_start3A_256 = tpu.memref_slice %arg11[%dma_start3A_255] : memref<4096xi32, #tpu.memory_space<vmem>> -> memref<2048xi32, #tpu.memory_space<vmem>>
      %dma_start3A_257 = tpu.memref_slice %arg2[%mul3A_8] : memref<32768xi32, #tpu.memory_space<hbm>> -> memref<2048xi32, #tpu.memory_space<hbm>>
      tpu.enqueue_dma source(%dma_start3A_257 : memref<2048xi32, #tpu.memory_space<hbm>>) target(%dma_start3A_256 : memref<2048xi32, #tpu.memory_space<vmem>>) target_semaphore(%run_scoped3A : memref<!tpu.dma_semaphore, #tpu.memory_space<semaphore_mem>>)
      %dma_wait3A_258 = arith.constant 0 : i32
      %dma_wait3A_259 = tpu.memref_slice %arg11[%dma_wait3A_258] : memref<4096xi32, #tpu.memory_space<vmem>> -> memref<2048xi32, #tpu.memory_space<vmem>>
      %dma_wait3A_260 = tpu.memref_slice %arg2[%mul3A_8] : memref<32768xi32, #tpu.memory_space<hbm>> -> memref<2048xi32, #tpu.memory_space<hbm>>
      %dma_wait3A_261 = arith.constant 0 : i32
      %dma_wait3A_262 = tpu.memref_slice %arg11[%dma_wait3A_261] : memref<4096xi32, #tpu.memory_space<vmem>> -> memref<2048xi32, #tpu.memory_space<vmem>>
      %dma_wait3A_263 = tpu.memref_slice %arg2[%mul3A_8] : memref<32768xi32, #tpu.memory_space<hbm>> -> memref<2048xi32, #tpu.memory_space<hbm>>
      tpu.wait_dma2 semaphore(%run_scoped3A : memref<!tpu.dma_semaphore, #tpu.memory_space<semaphore_mem>>) src(%dma_wait3A_263 : memref<2048xi32, #tpu.memory_space<hbm>>) dst(%dma_wait3A_262 : memref<2048xi32, #tpu.memory_space<vmem>>)
      tpu.yield
    }) : () -> ()
    %scan3A = arith.constant 0 : i32
    %scan3A_9 = arith.constant 0 : i32
    %scan3A_10 = arith.constant 64 : i32
    %scan3A_11 = arith.addi %scan3A_9, %scan3A_10 : i32
    %scan3A_12 = arith.constant 4 : i32
    %scan3A_13 = scf.for %scan3A_252 = %scan3A_9 to %scan3A_11 step %scan3A_12 iter_args(%scan3A_253 = %scan3A) -> (i32)  : i32 {
      %mul3A_254 = arith.constant 16 : i32
      %mul3A_255 = arith.muli %scan3A_252, %mul3A_254 : i32
      %add3A_256 = vector.broadcast %mul3A_255 : i32 to vector<16xi32>
      %add3A_257 = arith.addi %iota3A, %add3A_256 : vector<16xi32>
      %mul3A_258 = arith.constant 2 : i32
      %mul3A_259 = vector.broadcast %mul3A_258 : i32 to vector<16xi32>
      %mul3A_260 = arith.muli %mul3A_259, %add3A_257 : vector<16xi32>
      %add3A_261 = vector.broadcast %arg0 : i32 to vector<16xi32>
      %add3A_262 = arith.addi %mul3A_260, %add3A_261 : vector<16xi32>
      %gather3A = tpu.vector_load_idx %arg11[%add3A_262] : memref<4096xi32, #tpu.memory_space<vmem>>[vector<16xi32>], vector<16xi32>,
      %mul3A_263 = arith.constant 16 : i32
      %mul3A_264 = arith.muli %scan3A_252, %mul3A_263 : i32
      %swap3A = arith.index_cast %mul3A_264 : i32 to index
      %swap3A_265 = tpu.vector_load %arg22[%swap3A] {strides = array<i32>} : memref<1024xi32, #tpu.memory_space<vmem>>, vector<16xi32>,
      tpu.vector_store %arg22[%swap3A], %gather3A {strides = array<i32>} : memref<1024xi32, #tpu.memory_space<vmem>>, vector<16xi32>,
      %scan3A_266 = arith.constant 0 : i32
      %scan3A_267 = arith.constant 1 : i32
      %scan3A_268 = arith.addi %scan3A_252, %scan3A_267 : i32
      %mul3A_269 = arith.constant 16 : i32
      %mul3A_270 = arith.muli %scan3A_268, %mul3A_269 : i32
      %add3A_271 = vector.broadcast %mul3A_270 : i32 to vector<16xi32>
      %add3A_272 = arith.addi %iota3A, %add3A_271 : vector<16xi32>
      %mul3A_273 = arith.constant 2 : i32
      %mul3A_274 = vector.broadcast %mul3A_273 : i32 to vector<16xi32>
      %mul3A_275 = arith.muli %mul3A_274, %add3A_272 : vector<16xi32>
      %add3A_276 = vector.broadcast %arg0 : i32 to vector<16xi32>
      %add3A_277 = arith.addi %mul3A_275, %add3A_276 : vector<16xi32>
      %gather3A_278 = tpu.vector_load_idx %arg11[%add3A_277] : memref<4096xi32, #tpu.memory_space<vmem>>[vector<16xi32>], vector<16xi32>,
      %mul3A_279 = arith.constant 16 : i32
      %mul3A_280 = arith.muli %scan3A_268, %mul3A_279 : i32
      %swap3A_281 = arith.index_cast %mul3A_280 : i32 to index
      %swap3A_282 = tpu.vector_load %arg22[%swap3A_281] {strides = array<i32>} : memref<1024xi32, #tpu.memory_space<vmem>>, vector<16xi32>,
      tpu.vector_store %arg22[%swap3A_281], %gather3A_278 {strides = array<i32>} : memref<1024xi32, #tpu.memory_space<vmem>>, vector<16xi32>,
      %scan3A_283 = arith.constant 0 : i32
      %scan3A_284 = arith.constant 2 : i32
      %scan3A_285 = arith.addi %scan3A_252, %scan3A_284 : i32
      %mul3A_286 = arith.constant 16 : i32
      %mul3A_287 = arith.muli %scan3A_285, %mul3A_286 : i32
      %add3A_288 = vector.broadcast %mul3A_287 : i32 to vector<16xi32>
      %add3A_289 = arith.addi %iota3A, %add3A_288 : vector<16xi32>
      %mul3A_290 = arith.constant 2 : i32
      %mul3A_291 = vector.broadcast %mul3A_290 : i32 to vector<16xi32>
      %mul3A_292 = arith.muli %mul3A_291, %add3A_289 : vector<16xi32>
      %add3A_293 = vector.broadcast %arg0 : i32 to vector<16xi32>
      %add3A_294 = arith.addi %mul3A_292, %add3A_293 : vector<16xi32>
      %gather3A_295 = tpu.vector_load_idx %arg11[%add3A_294] : memref<4096xi32, #tpu.memory_space<vmem>>[vector<16xi32>], vector<16xi32>,
      %mul3A_296 = arith.constant 16 : i32
      %mul3A_297 = arith.muli %scan3A_285, %mul3A_296 : i32
      %swap3A_298 = arith.index_cast %mul3A_297 : i32 to index
      %swap3A_299 = tpu.vector_load %arg22[%swap3A_298] {strides = array<i32>} : memref<1024xi32, #tpu.memory_space<vmem>>, vector<16xi32>,
      tpu.vector_store %arg22[%swap3A_298], %gather3A_295 {strides = array<i32>} : memref<1024xi32, #tpu.memory_space<vmem>>, vector<16xi32>,
      %scan3A_300 = arith.constant 0 : i32
      %scan3A_301 = arith.constant 3 : i32
      %scan3A_302 = arith.addi %scan3A_252, %scan3A_301 : i32
      %mul3A_303 = arith.constant 16 : i32
      %mul3A_304 = arith.muli %scan3A_302, %mul3A_303 : i32
      %add3A_305 = vector.broadcast %mul3A_304 : i32 to vector<16xi32>
      %add3A_306 = arith.addi %iota3A, %add3A_305 : vector<16xi32>
      %mul3A_307 = arith.constant 2 : i32
      %mul3A_308 = vector.broadcast %mul3A_307 : i32 to vector<16xi32>
      %mul3A_309 = arith.muli %mul3A_308, %add3A_306 : vector<16xi32>
      %add3A_310 = vector.broadcast %arg0 : i32 to vector<16xi32>
      %add3A_311 = arith.addi %mul3A_309, %add3A_310 : vector<16xi32>
      %gather3A_312 = tpu.vector_load_idx %arg11[%add3A_311] : memref<4096xi32, #tpu.memory_space<vmem>>[vector<16xi32>], vector<16xi32>,
      %mul3A_313 = arith.constant 16 : i32
      %mul3A_314 = arith.muli %scan3A_302, %mul3A_313 : i32
      %swap3A_315 = arith.index_cast %mul3A_314 : i32 to index
      %swap3A_316 = tpu.vector_load %arg22[%swap3A_315] {strides = array<i32>} : memref<1024xi32, #tpu.memory_space<vmem>>, vector<16xi32>,
      tpu.vector_store %arg22[%swap3A_315], %gather3A_312 {strides = array<i32>} : memref<1024xi32, #tpu.memory_space<vmem>>, vector<16xi32>,
      %scan3A_317 = arith.constant 0 : i32
      scf.yield %scan3A_317 : i32
    }
    %scan3A_14 = arith.constant 64 : i32
    %add3A_15 = arith.constant 0 : i32
    %add3A_16 = arith.addi %mul3A_2, %add3A_15 : i32
    %add3A_17 = arith.constant 0 : i32
    %add3A_18 = arith.addi %mul3A_2, %add3A_17 : i32
    %min3A_19 = arith.constant 7809 : i32
    %min3A_20 = arith.minsi %add3A_18, %min3A_19 : i32
    %mul3A_21 = arith.constant 128 : i32
    %mul3A_22 = arith.muli %min3A_20, %mul3A_21 : i32
    %multiple_of3A = tpu.assume_multiple %mul3A_22, 128 : i32
    %lt3A = arith.cmpi slt, %add3A_16, %min3A_4 : i32
    %eq3A_23 = arith.constant 0 : i32
    %eq3A_24 = arith.cmpi eq, %arg0, %eq3A_23 : i32
    %and3A = arith.andi %lt3A, %eq3A_24 : i1
    %convert_element_type3A = arith.extui %and3A : i1 to i32
    %cond3A = arith.constant 0 : i32
    %cond3A_25 = arith.cmpi ne, %convert_element_type3A, %cond3A : i32
    scf.if %cond3A_25 {
      %dma_start3A_252 = arith.constant 0 : i32
      %dma_start3A_253 = tpu.memref_slice %arg3[%dma_start3A_252, %multiple_of3A] : memref<64x1000000xf32, #tpu.memory_space<hbm>> -> memref<64x512xf32, #tpu.memory_space<hbm>>
      %dma_start3A_254 = arith.constant 0 : i32
      %dma_start3A_255 = tpu.memref_slice %arg3[%dma_start3A_254, %multiple_of3A] : memref<64x1000000xf32, #tpu.memory_space<hbm>> -> memref<64x512xf32, #tpu.memory_space<hbm>>
      tpu.enqueue_dma source(%dma_start3A_255 : memref<64x512xf32, #tpu.memory_space<hbm>>) target(%arg17 : memref<64x512xf32, #tpu.memory_space<vmem>>) target_semaphore(%arg26 : memref<!tpu.dma_semaphore, #tpu.memory_space<semaphore_mem>>)
    } else {
    }
    %lt3A_26 = arith.cmpi slt, %add3A_16, %min3A_4 : i32
    %eq3A_27 = arith.constant 1 : i32
    %eq3A_28 = arith.cmpi eq, %arg0, %eq3A_27 : i32
    %and3A_29 = arith.andi %lt3A_26, %eq3A_28 : i1
    %convert_element_type3A_30 = arith.extui %and3A_29 : i1 to i32
    %cond3A_31 = arith.constant 0 : i32
    %cond3A_32 = arith.cmpi ne, %convert_element_type3A_30, %cond3A_31 : i32
    scf.if %cond3A_32 {
      %dma_start3A_252 = arith.constant 0 : i32
      %dma_start3A_253 = tpu.memref_slice %arg4[%dma_start3A_252, %multiple_of3A] : memref<64x1000000xf32, #tpu.memory_space<hbm>> -> memref<64x512xf32, #tpu.memory_space<hbm>>
      %dma_start3A_254 = arith.constant 0 : i32
      %dma_start3A_255 = tpu.memref_slice %arg4[%dma_start3A_254, %multiple_of3A] : memref<64x1000000xf32, #tpu.memory_space<hbm>> -> memref<64x512xf32, #tpu.memory_space<hbm>>
      tpu.enqueue_dma source(%dma_start3A_255 : memref<64x512xf32, #tpu.memory_space<hbm>>) target(%arg17 : memref<64x512xf32, #tpu.memory_space<vmem>>) target_semaphore(%arg26 : memref<!tpu.dma_semaphore, #tpu.memory_space<semaphore_mem>>)
    } else {
    }
    %add3A_33 = arith.constant 4 : i32
    %add3A_34 = arith.addi %mul3A_2, %add3A_33 : i32
    %add3A_35 = arith.constant 4 : i32
    %add3A_36 = arith.addi %mul3A_2, %add3A_35 : i32
    %min3A_37 = arith.constant 7809 : i32
    %min3A_38 = arith.minsi %add3A_36, %min3A_37 : i32
    %mul3A_39 = arith.constant 128 : i32
    %mul3A_40 = arith.muli %min3A_38, %mul3A_39 : i32
    %multiple_of3A_41 = tpu.assume_multiple %mul3A_40, 128 : i32
    %lt3A_42 = arith.cmpi slt, %add3A_34, %min3A_4 : i32
    %eq3A_43 = arith.constant 0 : i32
    %eq3A_44 = arith.cmpi eq, %arg0, %eq3A_43 : i32
    %and3A_45 = arith.andi %lt3A_42, %eq3A_44 : i1
    %convert_element_type3A_46 = arith.extui %and3A_45 : i1 to i32
    %cond3A_47 = arith.constant 0 : i32
    %cond3A_48 = arith.cmpi ne, %convert_element_type3A_46, %cond3A_47 : i32
    scf.if %cond3A_48 {
      %dma_start3A_252 = arith.constant 0 : i32
      %dma_start3A_253 = tpu.memref_slice %arg3[%dma_start3A_252, %multiple_of3A_41] : memref<64x1000000xf32, #tpu.memory_space<hbm>> -> memref<64x512xf32, #tpu.memory_space<hbm>>
      %dma_start3A_254 = arith.constant 0 : i32
      %dma_start3A_255 = tpu.memref_slice %arg3[%dma_start3A_254, %multiple_of3A_41] : memref<64x1000000xf32, #tpu.memory_space<hbm>> -> memref<64x512xf32, #tpu.memory_space<hbm>>
      tpu.enqueue_dma source(%dma_start3A_255 : memref<64x512xf32, #tpu.memory_space<hbm>>) target(%arg18 : memref<64x512xf32, #tpu.memory_space<vmem>>) target_semaphore(%arg27 : memref<!tpu.dma_semaphore, #tpu.memory_space<semaphore_mem>>)
    } else {
    }
    %lt3A_49 = arith.cmpi slt, %add3A_34, %min3A_4 : i32
    %eq3A_50 = arith.constant 1 : i32
    %eq3A_51 = arith.cmpi eq, %arg0, %eq3A_50 : i32
    %and3A_52 = arith.andi %lt3A_49, %eq3A_51 : i1
    %convert_element_type3A_53 = arith.extui %and3A_52 : i1 to i32
    %cond3A_54 = arith.constant 0 : i32
    %cond3A_55 = arith.cmpi ne, %convert_element_type3A_53, %cond3A_54 : i32
    scf.if %cond3A_55 {
      %dma_start3A_252 = arith.constant 0 : i32
      %dma_start3A_253 = tpu.memref_slice %arg4[%dma_start3A_252, %multiple_of3A_41] : memref<64x1000000xf32, #tpu.memory_space<hbm>> -> memref<64x512xf32, #tpu.memory_space<hbm>>
      %dma_start3A_254 = arith.constant 0 : i32
      %dma_start3A_255 = tpu.memref_slice %arg4[%dma_start3A_254, %multiple_of3A_41] : memref<64x1000000xf32, #tpu.memory_space<hbm>> -> memref<64x512xf32, #tpu.memory_space<hbm>>
      tpu.enqueue_dma source(%dma_start3A_255 : memref<64x512xf32, #tpu.memory_space<hbm>>) target(%arg18 : memref<64x512xf32, #tpu.memory_space<vmem>>) target_semaphore(%arg27 : memref<!tpu.dma_semaphore, #tpu.memory_space<semaphore_mem>>)
    } else {
    }
    %add3A_56 = arith.constant 8 : i32
    %add3A_57 = arith.addi %mul3A_2, %add3A_56 : i32
    %add3A_58 = arith.constant 8 : i32
    %add3A_59 = arith.addi %mul3A_2, %add3A_58 : i32
    %min3A_60 = arith.constant 7809 : i32
    %min3A_61 = arith.minsi %add3A_59, %min3A_60 : i32
    %mul3A_62 = arith.constant 128 : i32
    %mul3A_63 = arith.muli %min3A_61, %mul3A_62 : i32
    %multiple_of3A_64 = tpu.assume_multiple %mul3A_63, 128 : i32
    %lt3A_65 = arith.cmpi slt, %add3A_57, %min3A_4 : i32
    %eq3A_66 = arith.constant 0 : i32
    %eq3A_67 = arith.cmpi eq, %arg0, %eq3A_66 : i32
    %and3A_68 = arith.andi %lt3A_65, %eq3A_67 : i1
    %convert_element_type3A_69 = arith.extui %and3A_68 : i1 to i32
    %cond3A_70 = arith.constant 0 : i32
    %cond3A_71 = arith.cmpi ne, %convert_element_type3A_69, %cond3A_70 : i32
    scf.if %cond3A_71 {
      %dma_start3A_252 = arith.constant 0 : i32
      %dma_start3A_253 = tpu.memref_slice %arg3[%dma_start3A_252, %multiple_of3A_64] : memref<64x1000000xf32, #tpu.memory_space<hbm>> -> memref<64x512xf32, #tpu.memory_space<hbm>>
      %dma_start3A_254 = arith.constant 0 : i32
      %dma_start3A_255 = tpu.memref_slice %arg3[%dma_start3A_254, %multiple_of3A_64] : memref<64x1000000xf32, #tpu.memory_space<hbm>> -> memref<64x512xf32, #tpu.memory_space<hbm>>
      tpu.enqueue_dma source(%dma_start3A_255 : memref<64x512xf32, #tpu.memory_space<hbm>>) target(%arg19 : memref<64x512xf32, #tpu.memory_space<vmem>>) target_semaphore(%arg28 : memref<!tpu.dma_semaphore, #tpu.memory_space<semaphore_mem>>)
    } else {
    }
    %lt3A_72 = arith.cmpi slt, %add3A_57, %min3A_4 : i32
    %eq3A_73 = arith.constant 1 : i32
    %eq3A_74 = arith.cmpi eq, %arg0, %eq3A_73 : i32
    %and3A_75 = arith.andi %lt3A_72, %eq3A_74 : i1
    %convert_element_type3A_76 = arith.extui %and3A_75 : i1 to i32
    %cond3A_77 = arith.constant 0 : i32
    %cond3A_78 = arith.cmpi ne, %convert_element_type3A_76, %cond3A_77 : i32
    scf.if %cond3A_78 {
      %dma_start3A_252 = arith.constant 0 : i32
      %dma_start3A_253 = tpu.memref_slice %arg4[%dma_start3A_252, %multiple_of3A_64] : memref<64x1000000xf32, #tpu.memory_space<hbm>> -> memref<64x512xf32, #tpu.memory_space<hbm>>
      %dma_start3A_254 = arith.constant 0 : i32
      %dma_start3A_255 = tpu.memref_slice %arg4[%dma_start3A_254, %multiple_of3A_64] : memref<64x1000000xf32, #tpu.memory_space<hbm>> -> memref<64x512xf32, #tpu.memory_space<hbm>>
      tpu.enqueue_dma source(%dma_start3A_255 : memref<64x512xf32, #tpu.memory_space<hbm>>) target(%arg19 : memref<64x512xf32, #tpu.memory_space<vmem>>) target_semaphore(%arg28 : memref<!tpu.dma_semaphore, #tpu.memory_space<semaphore_mem>>)
    } else {
    }
    %eq3A_79 = arith.constant 0 : i32
    %eq3A_80 = arith.cmpi eq, %arg0, %eq3A_79 : i32
    %convert_element_type3A_81 = arith.extui %eq3A_80 : i1 to i32
    %cond3A_82 = arith.constant 0 : i32
    %cond3A_83 = arith.cmpi ne, %convert_element_type3A_81, %cond3A_82 : i32
    scf.if %cond3A_83 {
      %dma_start3A_252 = arith.constant 0 : i32
      %dma_start3A_253 = tpu.memref_slice %arg5[%dma_start3A_252] : memref<1000000xf32, #tpu.memory_space<hbm>> -> memref<1000000xf32, #tpu.memory_space<hbm>>
      tpu.enqueue_indirect_dma source(%dma_start3A_253 : memref<1000000xf32, #tpu.memory_space<hbm>>) target(%arg23 : memref<1024xf32, #tpu.memory_space<vmem>>) offsets(%arg22 : memref<1024xi32, #tpu.memory_space<vmem>>) semaphore(%arg30 : memref<!tpu.dma_semaphore, #tpu.memory_space<semaphore_mem>>)
    } else {
    }
    %eq3A_84 = arith.constant 1 : i32
    %eq3A_85 = arith.cmpi eq, %arg0, %eq3A_84 : i32
    %convert_element_type3A_86 = arith.extui %eq3A_85 : i1 to i32
    %cond3A_87 = arith.constant 0 : i32
    %cond3A_88 = arith.cmpi ne, %convert_element_type3A_86, %cond3A_87 : i32
    scf.if %cond3A_88 {
      %dma_start3A_252 = arith.constant 0 : i32
      %dma_start3A_253 = tpu.memref_slice %arg6[%dma_start3A_252] : memref<1000000xf32, #tpu.memory_space<hbm>> -> memref<1000000xf32, #tpu.memory_space<hbm>>
      tpu.enqueue_indirect_dma source(%dma_start3A_253 : memref<1000000xf32, #tpu.memory_space<hbm>>) target(%arg23 : memref<1024xf32, #tpu.memory_space<vmem>>) offsets(%arg22 : memref<1024xi32, #tpu.memory_space<vmem>>) semaphore(%arg30 : memref<!tpu.dma_semaphore, #tpu.memory_space<semaphore_mem>>)
    } else {
    }
    %dma_start3A = arith.constant 0 : i32
    %dma_start3A_89 = tpu.memref_slice %arg2[%dma_start3A] : memref<32768xi32, #tpu.memory_space<hbm>> -> memref<4096xi32, #tpu.memory_space<hbm>>
    %dma_start3A_90 = arith.constant 0 : i32
    %dma_start3A_91 = tpu.memref_slice %arg2[%dma_start3A_90] : memref<32768xi32, #tpu.memory_space<hbm>> -> memref<4096xi32, #tpu.memory_space<hbm>>
    tpu.enqueue_dma source(%dma_start3A_91 : memref<4096xi32, #tpu.memory_space<hbm>>) target(%arg11 : memref<4096xi32, #tpu.memory_space<vmem>>) target_semaphore(%arg31 : memref<!tpu.dma_semaphore, #tpu.memory_space<semaphore_mem>>)
    %dma_wait3A = arith.constant 0 : i32
    %dma_wait3A_92 = tpu.memref_slice %arg2[%dma_wait3A] : memref<32768xi32, #tpu.memory_space<hbm>> -> memref<4096xi32, #tpu.memory_space<hbm>>
    %dma_wait3A_93 = arith.constant 0 : i32
    %dma_wait3A_94 = tpu.memref_slice %arg2[%dma_wait3A_93] : memref<32768xi32, #tpu.memory_space<hbm>> -> memref<4096xi32, #tpu.memory_space<hbm>>
    tpu.wait_dma2 semaphore(%arg31 : memref<!tpu.dma_semaphore, #tpu.memory_space<semaphore_mem>>) src(%dma_wait3A_94 : memref<4096xi32, #tpu.memory_space<hbm>>) dst(%arg11 : memref<4096xi32, #tpu.memory_space<vmem>>)
    %dma_start3A_95 = arith.constant 4096 : i32
    %dma_start3A_96 = tpu.memref_slice %arg2[%dma_start3A_95] : memref<32768xi32, #tpu.memory_space<hbm>> -> memref<4096xi32, #tpu.memory_space<hbm>>
    %dma_start3A_97 = arith.constant 4096 : i32
    %dma_start3A_98 = tpu.memref_slice %arg2[%dma_start3A_97] : memref<32768xi32, #tpu.memory_space<hbm>> -> memref<4096xi32, #tpu.memory_space<hbm>>
    tpu.enqueue_dma source(%dma_start3A_98 : memref<4096xi32, #tpu.memory_space<hbm>>) target(%arg12 : memref<4096xi32, #tpu.memory_space<vmem>>) target_semaphore(%arg31 : memref<!tpu.dma_semaphore, #tpu.memory_space<semaphore_mem>>)
    %scan3A_99 = arith.constant 0 : i32
    %scan3A_100 = arith.constant 0 : i32
    %scan3A_101 = arith.constant 128 : i32
    %scan3A_102 = arith.addi %scan3A_100, %scan3A_101 : i32
    %scan3A_103 = arith.constant 4 : i32
    %scan3A_104 = scf.for %scan3A_252 = %scan3A_100 to %scan3A_102 step %scan3A_103 iter_args(%scan3A_253 = %scan3A_99) -> (i32)  : i32 {
      %mul3A_254 = arith.constant 16 : i32
      %mul3A_255 = arith.muli %scan3A_252, %mul3A_254 : i32
      %add3A_256 = vector.broadcast %mul3A_255 : i32 to vector<16xi32>
      %add3A_257 = arith.addi %iota3A, %add3A_256 : vector<16xi32>
      %mul3A_258 = arith.constant 2 : i32
      %mul3A_259 = vector.broadcast %mul3A_258 : i32 to vector<16xi32>
      %mul3A_260 = arith.muli %mul3A_259, %add3A_257 : vector<16xi32>
      %add3A_261 = vector.broadcast %arg0 : i32 to vector<16xi32>
      %add3A_262 = arith.addi %mul3A_260, %add3A_261 : vector<16xi32>
      %gather3A = tpu.vector_load_idx %arg11[%add3A_262] : memref<4096xi32, #tpu.memory_space<vmem>>[vector<16xi32>], vector<16xi32>,
      %shift_right_logical3A = arith.constant 7 : i32
      %shift_right_logical3A_263 = vector.broadcast %shift_right_logical3A : i32 to vector<16xi32>
      %shift_right_logical3A_264 = arith.shrui %gather3A, %shift_right_logical3A_263 : vector<16xi32>
      %ge3A = vector.broadcast %mul3A_2 : i32 to vector<16xi32>
      %ge3A_265 = arith.cmpi sge, %shift_right_logical3A_264, %ge3A : vector<16xi32>
      %add3A_266 = arith.constant 489 : i32
      %add3A_267 = arith.addi %mul3A_2, %add3A_266 : i32
      %lt3A_268 = vector.broadcast %add3A_267 : i32 to vector<16xi32>
      %lt3A_269 = arith.cmpi slt, %shift_right_logical3A_264, %lt3A_268 : vector<16xi32>
      %and3A_270 = arith.andi %ge3A_265, %lt3A_269 : vector<16xi1>
      %convert_element_type3A_271 = arith.extui %and3A_270 : vector<16xi1> to vector<16xi32>
      %broadcast_in_dim3A = arith.constant true
      %broadcast_in_dim3A_272 = vector.broadcast %broadcast_in_dim3A : i1 to vector<16xi1>
      %masked_cumsum3A = tpu.scan <sum>, %convert_element_type3A_271 masked %broadcast_in_dim3A_272 : vector<16xi32>, vector<16xi1> -> vector<16xi32>
      %add3A_273 = vector.broadcast %scan3A_253 : i32 to vector<16xi32>
      %add3A_274 = arith.addi %add3A_273, %masked_cumsum3A : vector<16xi32>
      %sub3A_275 = arith.constant 1 : i32
      %sub3A_276 = vector.broadcast %sub3A_275 : i32 to vector<16xi32>
      %sub3A_277 = arith.subi %add3A_274, %sub3A_276 : vector<16xi32>
      %min3A_278 = arith.constant 1535 : i32
      %min3A_279 = vector.broadcast %min3A_278 : i32 to vector<16xi32>
      %min3A_280 = arith.minsi %sub3A_277, %min3A_279 : vector<16xi32>
      %mul3A_281 = arith.constant 16 : i32
      %mul3A_282 = arith.muli %scan3A_252, %mul3A_281 : i32
      %add3A_283 = arith.constant 0 : i32
      %add3A_284 = arith.addi %add3A_283, %mul3A_282 : i32
      %add3A_285 = vector.broadcast %add3A_284 : i32 to vector<16xi32>
      %add3A_286 = arith.addi %add3A_285, %iota3A : vector<16xi32>
      tpu.vector_store_idx %arg13[%min3A_280], %add3A_286 masked %and3A_270 : memref<1536xi32, #tpu.memory_space<vmem>>[vector<16xi32>], vector<16xi32>, vector<16xi1>
      tpu.vector_store_idx %arg14[%min3A_280], %gather3A masked %and3A_270 : memref<1536xi32, #tpu.memory_space<vmem>>[vector<16xi32>], vector<16xi32>, vector<16xi1>
      %all_reduce_population_count3A = tpu.all_reduce %and3A_270 {dim = 0 : i64, kind = #tpu.reduction_kind<sum>} : vector<16xi1> -> vector<16xi32>
      %slice3A = vector.extract_strided_slice %all_reduce_population_count3A {offsets = [0], sizes = [1], strides = [1]} : vector<16xi32> to vector<1xi32>
      %squeeze3A = vector.extract %slice3A[0] : i32 from vector<1xi32>
      %add3A_287 = arith.addi %scan3A_253, %squeeze3A : i32
      %scan3A_288 = arith.constant 1 : i32
      %scan3A_289 = arith.addi %scan3A_252, %scan3A_288 : i32
      %mul3A_290 = arith.constant 16 : i32
      %mul3A_291 = arith.muli %scan3A_289, %mul3A_290 : i32
      %add3A_292 = vector.broadcast %mul3A_291 : i32 to vector<16xi32>
      %add3A_293 = arith.addi %iota3A, %add3A_292 : vector<16xi32>
      %mul3A_294 = arith.constant 2 : i32
      %mul3A_295 = vector.broadcast %mul3A_294 : i32 to vector<16xi32>
      %mul3A_296 = arith.muli %mul3A_295, %add3A_293 : vector<16xi32>
      %add3A_297 = vector.broadcast %arg0 : i32 to vector<16xi32>
      %add3A_298 = arith.addi %mul3A_296, %add3A_297 : vector<16xi32>
      %gather3A_299 = tpu.vector_load_idx %arg11[%add3A_298] : memref<4096xi32, #tpu.memory_space<vmem>>[vector<16xi32>], vector<16xi32>,
      %shift_right_logical3A_300 = arith.constant 7 : i32
      %shift_right_logical3A_301 = vector.broadcast %shift_right_logical3A_300 : i32 to vector<16xi32>
      %shift_right_logical3A_302 = arith.shrui %gather3A_299, %shift_right_logical3A_301 : vector<16xi32>
      %ge3A_303 = vector.broadcast %mul3A_2 : i32 to vector<16xi32>
      %ge3A_304 = arith.cmpi sge, %shift_right_logical3A_302, %ge3A_303 : vector<16xi32>
      %add3A_305 = arith.constant 489 : i32
      %add3A_306 = arith.addi %mul3A_2, %add3A_305 : i32
      %lt3A_307 = vector.broadcast %add3A_306 : i32 to vector<16xi32>
      %lt3A_308 = arith.cmpi slt, %shift_right_logical3A_302, %lt3A_307 : vector<16xi32>
      %and3A_309 = arith.andi %ge3A_304, %lt3A_308 : vector<16xi1>
      %convert_element_type3A_310 = arith.extui %and3A_309 : vector<16xi1> to vector<16xi32>
      %broadcast_in_dim3A_311 = arith.constant true
      %broadcast_in_dim3A_312 = vector.broadcast %broadcast_in_dim3A_311 : i1 to vector<16xi1>
      %masked_cumsum3A_313 = tpu.scan <sum>, %convert_element_type3A_310 masked %broadcast_in_dim3A_312 : vector<16xi32>, vector<16xi1> -> vector<16xi32>
      %add3A_314 = vector.broadcast %add3A_287 : i32 to vector<16xi32>
      %add3A_315 = arith.addi %add3A_314, %masked_cumsum3A_313 : vector<16xi32>
      %sub3A_316 = arith.constant 1 : i32
      %sub3A_317 = vector.broadcast %sub3A_316 : i32 to vector<16xi32>
      %sub3A_318 = arith.subi %add3A_315, %sub3A_317 : vector<16xi32>
      %min3A_319 = arith.constant 1535 : i32
      %min3A_320 = vector.broadcast %min3A_319 : i32 to vector<16xi32>
      %min3A_321 = arith.minsi %sub3A_318, %min3A_320 : vector<16xi32>
      %mul3A_322 = arith.constant 16 : i32
      %mul3A_323 = arith.muli %scan3A_289, %mul3A_322 : i32
      %add3A_324 = arith.constant 0 : i32
      %add3A_325 = arith.addi %add3A_324, %mul3A_323 : i32
      %add3A_326 = vector.broadcast %add3A_325 : i32 to vector<16xi32>
      %add3A_327 = arith.addi %add3A_326, %iota3A : vector<16xi32>
      tpu.vector_store_idx %arg13[%min3A_321], %add3A_327 masked %and3A_309 : memref<1536xi32, #tpu.memory_space<vmem>>[vector<16xi32>], vector<16xi32>, vector<16xi1>
      tpu.vector_store_idx %arg14[%min3A_321], %gather3A_299 masked %and3A_309 : memref<1536xi32, #tpu.memory_space<vmem>>[vector<16xi32>], vector<16xi32>, vector<16xi1>
      %all_reduce_population_count3A_328 = tpu.all_reduce %and3A_309 {dim = 0 : i64, kind = #tpu.reduction_kind<sum>} : vector<16xi1> -> vector<16xi32>
      %slice3A_329 = vector.extract_strided_slice %all_reduce_population_count3A_328 {offsets = [0], sizes = [1], strides = [1]} : vector<16xi32> to vector<1xi32>
      %squeeze3A_330 = vector.extract %slice3A_329[0] : i32 from vector<1xi32>
      %add3A_331 = arith.addi %add3A_287, %squeeze3A_330 : i32
      %scan3A_332 = arith.constant 2 : i32
      %scan3A_333 = arith.addi %scan3A_252, %scan3A_332 : i32
      %mul3A_334 = arith.constant 16 : i32
      %mul3A_335 = arith.muli %scan3A_333, %mul3A_334 : i32
      %add3A_336 = vector.broadcast %mul3A_335 : i32 to vector<16xi32>
      %add3A_337 = arith.addi %iota3A, %add3A_336 : vector<16xi32>
      %mul3A_338 = arith.constant 2 : i32
      %mul3A_339 = vector.broadcast %mul3A_338 : i32 to vector<16xi32>
      %mul3A_340 = arith.muli %mul3A_339, %add3A_337 : vector<16xi32>
      %add3A_341 = vector.broadcast %arg0 : i32 to vector<16xi32>
      %add3A_342 = arith.addi %mul3A_340, %add3A_341 : vector<16xi32>
      %gather3A_343 = tpu.vector_load_idx %arg11[%add3A_342] : memref<4096xi32, #tpu.memory_space<vmem>>[vector<16xi32>], vector<16xi32>,
      %shift_right_logical3A_344 = arith.constant 7 : i32
      %shift_right_logical3A_345 = vector.broadcast %shift_right_logical3A_344 : i32 to vector<16xi32>
      %shift_right_logical3A_346 = arith.shrui %gather3A_343, %shift_right_logical3A_345 : vector<16xi32>
      %ge3A_347 = vector.broadcast %mul3A_2 : i32 to vector<16xi32>
      %ge3A_348 = arith.cmpi sge, %shift_right_logical3A_346, %ge3A_347 : vector<16xi32>
      %add3A_349 = arith.constant 489 : i32
      %add3A_350 = arith.addi %mul3A_2, %add3A_349 : i32
      %lt3A_351 = vector.broadcast %add3A_350 : i32 to vector<16xi32>
      %lt3A_352 = arith.cmpi slt, %shift_right_logical3A_346, %lt3A_351 : vector<16xi32>
      %and3A_353 = arith.andi %ge3A_348, %lt3A_352 : vector<16xi1>
      %convert_element_type3A_354 = arith.extui %and3A_353 : vector<16xi1> to vector<16xi32>
      %broadcast_in_dim3A_355 = arith.constant true
      %broadcast_in_dim3A_356 = vector.broadcast %broadcast_in_dim3A_355 : i1 to vector<16xi1>
      %masked_cumsum3A_357 = tpu.scan <sum>, %convert_element_type3A_354 masked %broadcast_in_dim3A_356 : vector<16xi32>, vector<16xi1> -> vector<16xi32>
      %add3A_358 = vector.broadcast %add3A_331 : i32 to vector<16xi32>
      %add3A_359 = arith.addi %add3A_358, %masked_cumsum3A_357 : vector<16xi32>
      %sub3A_360 = arith.constant 1 : i32
      %sub3A_361 = vector.broadcast %sub3A_360 : i32 to vector<16xi32>
      %sub3A_362 = arith.subi %add3A_359, %sub3A_361 : vector<16xi32>
      %min3A_363 = arith.constant 1535 : i32
      %min3A_364 = vector.broadcast %min3A_363 : i32 to vector<16xi32>
      %min3A_365 = arith.minsi %sub3A_362, %min3A_364 : vector<16xi32>
      %mul3A_366 = arith.constant 16 : i32
      %mul3A_367 = arith.muli %scan3A_333, %mul3A_366 : i32
      %add3A_368 = arith.constant 0 : i32
      %add3A_369 = arith.addi %add3A_368, %mul3A_367 : i32
      %add3A_370 = vector.broadcast %add3A_369 : i32 to vector<16xi32>
      %add3A_371 = arith.addi %add3A_370, %iota3A : vector<16xi32>
      tpu.vector_store_idx %arg13[%min3A_365], %add3A_371 masked %and3A_353 : memref<1536xi32, #tpu.memory_space<vmem>>[vector<16xi32>], vector<16xi32>, vector<16xi1>
      tpu.vector_store_idx %arg14[%min3A_365], %gather3A_343 masked %and3A_353 : memref<1536xi32, #tpu.memory_space<vmem>>[vector<16xi32>], vector<16xi32>, vector<16xi1>
      %all_reduce_population_count3A_372 = tpu.all_reduce %and3A_353 {dim = 0 : i64, kind = #tpu.reduction_kind<sum>} : vector<16xi1> -> vector<16xi32>
      %slice3A_373 = vector.extract_strided_slice %all_reduce_population_count3A_372 {offsets = [0], sizes = [1], strides = [1]} : vector<16xi32> to vector<1xi32>
      %squeeze3A_374 = vector.extract %slice3A_373[0] : i32 from vector<1xi32>
      %add3A_375 = arith.addi %add3A_331, %squeeze3A_374 : i32
      %scan3A_376 = arith.constant 3 : i32
      %scan3A_377 = arith.addi %scan3A_252, %scan3A_376 : i32
      %mul3A_378 = arith.constant 16 : i32
      %mul3A_379 = arith.muli %scan3A_377, %mul3A_378 : i32
      %add3A_380 = vector.broadcast %mul3A_379 : i32 to vector<16xi32>
      %add3A_381 = arith.addi %iota3A, %add3A_380 : vector<16xi32>
      %mul3A_382 = arith.constant 2 : i32
      %mul3A_383 = vector.broadcast %mul3A_382 : i32 to vector<16xi32>
      %mul3A_384 = arith.muli %mul3A_383, %add3A_381 : vector<16xi32>
      %add3A_385 = vector.broadcast %arg0 : i32 to vector<16xi32>
      %add3A_386 = arith.addi %mul3A_384, %add3A_385 : vector<16xi32>
      %gather3A_387 = tpu.vector_load_idx %arg11[%add3A_386] : memref<4096xi32, #tpu.memory_space<vmem>>[vector<16xi32>], vector<16xi32>,
      %shift_right_logical3A_388 = arith.constant 7 : i32
      %shift_right_logical3A_389 = vector.broadcast %shift_right_logical3A_388 : i32 to vector<16xi32>
      %shift_right_logical3A_390 = arith.shrui %gather3A_387, %shift_right_logical3A_389 : vector<16xi32>
      %ge3A_391 = vector.broadcast %mul3A_2 : i32 to vector<16xi32>
      %ge3A_392 = arith.cmpi sge, %shift_right_logical3A_390, %ge3A_391 : vector<16xi32>
      %add3A_393 = arith.constant 489 : i32
      %add3A_394 = arith.addi %mul3A_2, %add3A_393 : i32
      %lt3A_395 = vector.broadcast %add3A_394 : i32 to vector<16xi32>
      %lt3A_396 = arith.cmpi slt, %shift_right_logical3A_390, %lt3A_395 : vector<16xi32>
      %and3A_397 = arith.andi %ge3A_392, %lt3A_396 : vector<16xi1>
      %convert_element_type3A_398 = arith.extui %and3A_397 : vector<16xi1> to vector<16xi32>
      %broadcast_in_dim3A_399 = arith.constant true
      %broadcast_in_dim3A_400 = vector.broadcast %broadcast_in_dim3A_399 : i1 to vector<16xi1>
      %masked_cumsum3A_401 = tpu.scan <sum>, %convert_element_type3A_398 masked %broadcast_in_dim3A_400 : vector<16xi32>, vector<16xi1> -> vector<16xi32>
      %add3A_402 = vector.broadcast %add3A_375 : i32 to vector<16xi32>
      %add3A_403 = arith.addi %add3A_402, %masked_cumsum3A_401 : vector<16xi32>
      %sub3A_404 = arith.constant 1 : i32
      %sub3A_405 = vector.broadcast %sub3A_404 : i32 to vector<16xi32>
      %sub3A_406 = arith.subi %add3A_403, %sub3A_405 : vector<16xi32>
      %min3A_407 = arith.constant 1535 : i32
      %min3A_408 = vector.broadcast %min3A_407 : i32 to vector<16xi32>
      %min3A_409 = arith.minsi %sub3A_406, %min3A_408 : vector<16xi32>
      %mul3A_410 = arith.constant 16 : i32
      %mul3A_411 = arith.muli %scan3A_377, %mul3A_410 : i32
      %add3A_412 = arith.constant 0 : i32
      %add3A_413 = arith.addi %add3A_412, %mul3A_411 : i32
      %add3A_414 = vector.broadcast %add3A_413 : i32 to vector<16xi32>
      %add3A_415 = arith.addi %add3A_414, %iota3A : vector<16xi32>
      tpu.vector_store_idx %arg13[%min3A_409], %add3A_415 masked %and3A_397 : memref<1536xi32, #tpu.memory_space<vmem>>[vector<16xi32>], vector<16xi32>, vector<16xi1>
      tpu.vector_store_idx %arg14[%min3A_409], %gather3A_387 masked %and3A_397 : memref<1536xi32, #tpu.memory_space<vmem>>[vector<16xi32>], vector<16xi32>, vector<16xi1>
      %all_reduce_population_count3A_416 = tpu.all_reduce %and3A_397 {dim = 0 : i64, kind = #tpu.reduction_kind<sum>} : vector<16xi1> -> vector<16xi32>
      %slice3A_417 = vector.extract_strided_slice %all_reduce_population_count3A_416 {offsets = [0], sizes = [1], strides = [1]} : vector<16xi32> to vector<1xi32>
      %squeeze3A_418 = vector.extract %slice3A_417[0] : i32 from vector<1xi32>
      %add3A_419 = arith.addi %add3A_375, %squeeze3A_418 : i32
      scf.yield %add3A_419 : i32
    }
    %scan3A_105 = arith.constant 128 : i32
    %dma_wait3A_106 = arith.constant 0 : i32
    %dma_wait3A_107 = tpu.memref_slice %arg2[%dma_wait3A_106] : memref<32768xi32, #tpu.memory_space<hbm>> -> memref<4096xi32, #tpu.memory_space<hbm>>
    %dma_wait3A_108 = arith.constant 0 : i32
    %dma_wait3A_109 = tpu.memref_slice %arg2[%dma_wait3A_108] : memref<32768xi32, #tpu.memory_space<hbm>> -> memref<4096xi32, #tpu.memory_space<hbm>>
    tpu.wait_dma2 semaphore(%arg31 : memref<!tpu.dma_semaphore, #tpu.memory_space<semaphore_mem>>) src(%dma_wait3A_109 : memref<4096xi32, #tpu.memory_space<hbm>>) dst(%arg12 : memref<4096xi32, #tpu.memory_space<vmem>>)
    %dma_start3A_110 = arith.constant 8192 : i32
    %dma_start3A_111 = tpu.memref_slice %arg2[%dma_start3A_110] : memref<32768xi32, #tpu.memory_space<hbm>> -> memref<4096xi32, #tpu.memory_space<hbm>>
    %dma_start3A_112 = arith.constant 8192 : i32
    %dma_start3A_113 = tpu.memref_slice %arg2[%dma_start3A_112] : memref<32768xi32, #tpu.memory_space<hbm>> -> memref<4096xi32, #tpu.memory_space<hbm>>
    tpu.enqueue_dma source(%dma_start3A_113 : memref<4096xi32, #tpu.memory_space<hbm>>) target(%arg11 : memref<4096xi32, #tpu.memory_space<vmem>>) target_semaphore(%arg31 : memref<!tpu.dma_semaphore, #tpu.memory_space<semaphore_mem>>)
    %scan3A_114 = arith.constant 0 : i32
    %scan3A_115 = arith.constant 128 : i32
    %scan3A_116 = arith.addi %scan3A_114, %scan3A_115 : i32
    %scan3A_117 = arith.constant 4 : i32
    %scan3A_118 = scf.for %scan3A_252 = %scan3A_114 to %scan3A_116 step %scan3A_117 iter_args(%scan3A_253 = %scan3A_104) -> (i32)  : i32 {
      %mul3A_254 = arith.constant 16 : i32
      %mul3A_255 = arith.muli %scan3A_252, %mul3A_254 : i32
      %add3A_256 = vector.broadcast %mul3A_255 : i32 to vector<16xi32>
      %add3A_257 = arith.addi %iota3A, %add3A_256 : vector<16xi32>
      %mul3A_258 = arith.constant 2 : i32
      %mul3A_259 = vector.broadcast %mul3A_258 : i32 to vector<16xi32>
      %mul3A_260 = arith.muli %mul3A_259, %add3A_257 : vector<16xi32>
      %add3A_261 = vector.broadcast %arg0 : i32 to vector<16xi32>
      %add3A_262 = arith.addi %mul3A_260, %add3A_261 : vector<16xi32>
      %gather3A = tpu.vector_load_idx %arg12[%add3A_262] : memref<4096xi32, #tpu.memory_space<vmem>>[vector<16xi32>], vector<16xi32>,
      %shift_right_logical3A = arith.constant 7 : i32
      %shift_right_logical3A_263 = vector.broadcast %shift_right_logical3A : i32 to vector<16xi32>
      %shift_right_logical3A_264 = arith.shrui %gather3A, %shift_right_logical3A_263 : vector<16xi32>
      %ge3A = vector.broadcast %mul3A_2 : i32 to vector<16xi32>
      %ge3A_265 = arith.cmpi sge, %shift_right_logical3A_264, %ge3A : vector<16xi32>
      %add3A_266 = arith.constant 489 : i32
      %add3A_267 = arith.addi %mul3A_2, %add3A_266 : i32
      %lt3A_268 = vector.broadcast %add3A_267 : i32 to vector<16xi32>
      %lt3A_269 = arith.cmpi slt, %shift_right_logical3A_264, %lt3A_268 : vector<16xi32>
      %and3A_270 = arith.andi %ge3A_265, %lt3A_269 : vector<16xi1>
      %convert_element_type3A_271 = arith.extui %and3A_270 : vector<16xi1> to vector<16xi32>
      %broadcast_in_dim3A = arith.constant true
      %broadcast_in_dim3A_272 = vector.broadcast %broadcast_in_dim3A : i1 to vector<16xi1>
      %masked_cumsum3A = tpu.scan <sum>, %convert_element_type3A_271 masked %broadcast_in_dim3A_272 : vector<16xi32>, vector<16xi1> -> vector<16xi32>
      %add3A_273 = vector.broadcast %scan3A_253 : i32 to vector<16xi32>
      %add3A_274 = arith.addi %add3A_273, %masked_cumsum3A : vector<16xi32>
      %sub3A_275 = arith.constant 1 : i32
      %sub3A_276 = vector.broadcast %sub3A_275 : i32 to vector<16xi32>
      %sub3A_277 = arith.subi %add3A_274, %sub3A_276 : vector<16xi32>
      %min3A_278 = arith.constant 1535 : i32
      %min3A_279 = vector.broadcast %min3A_278 : i32 to vector<16xi32>
      %min3A_280 = arith.minsi %sub3A_277, %min3A_279 : vector<16xi32>
      %mul3A_281 = arith.constant 16 : i32
      %mul3A_282 = arith.muli %scan3A_252, %mul3A_281 : i32
      %add3A_283 = arith.constant 2048 : i32
      %add3A_284 = arith.addi %add3A_283, %mul3A_282 : i32
      %add3A_285 = vector.broadcast %add3A_284 : i32 to vector<16xi32>
      %add3A_286 = arith.addi %add3A_285, %iota3A : vector<16xi32>
      tpu.vector_store_idx %arg13[%min3A_280], %add3A_286 masked %and3A_270 : memref<1536xi32, #tpu.memory_space<vmem>>[vector<16xi32>], vector<16xi32>, vector<16xi1>
      tpu.vector_store_idx %arg14[%min3A_280], %gather3A masked %and3A_270 : memref<1536xi32, #tpu.memory_space<vmem>>[vector<16xi32>], vector<16xi32>, vector<16xi1>
      %all_reduce_population_count3A = tpu.all_reduce %and3A_270 {dim = 0 : i64, kind = #tpu.reduction_kind<sum>} : vector<16xi1> -> vector<16xi32>
      %slice3A = vector.extract_strided_slice %all_reduce_population_count3A {offsets = [0], sizes = [1], strides = [1]} : vector<16xi32> to vector<1xi32>
      %squeeze3A = vector.extract %slice3A[0] : i32 from vector<1xi32>
      %add3A_287 = arith.addi %scan3A_253, %squeeze3A : i32
      %scan3A_288 = arith.constant 1 : i32
      %scan3A_289 = arith.addi %scan3A_252, %scan3A_288 : i32
      %mul3A_290 = arith.constant 16 : i32
      %mul3A_291 = arith.muli %scan3A_289, %mul3A_290 : i32
      %add3A_292 = vector.broadcast %mul3A_291 : i32 to vector<16xi32>
      %add3A_293 = arith.addi %iota3A, %add3A_292 : vector<16xi32>
      %mul3A_294 = arith.constant 2 : i32
      %mul3A_295 = vector.broadcast %mul3A_294 : i32 to vector<16xi32>
      %mul3A_296 = arith.muli %mul3A_295, %add3A_293 : vector<16xi32>
      %add3A_297 = vector.broadcast %arg0 : i32 to vector<16xi32>
      %add3A_298 = arith.addi %mul3A_296, %add3A_297 : vector<16xi32>
      %gather3A_299 = tpu.vector_load_idx %arg12[%add3A_298] : memref<4096xi32, #tpu.memory_space<vmem>>[vector<16xi32>], vector<16xi32>,
      %shift_right_logical3A_300 = arith.constant 7 : i32
      %shift_right_logical3A_301 = vector.broadcast %shift_right_logical3A_300 : i32 to vector<16xi32>
      %shift_right_logical3A_302 = arith.shrui %gather3A_299, %shift_right_logical3A_301 : vector<16xi32>
      %ge3A_303 = vector.broadcast %mul3A_2 : i32 to vector<16xi32>
      %ge3A_304 = arith.cmpi sge, %shift_right_logical3A_302, %ge3A_303 : vector<16xi32>
      %add3A_305 = arith.constant 489 : i32
      %add3A_306 = arith.addi %mul3A_2, %add3A_305 : i32
      %lt3A_307 = vector.broadcast %add3A_306 : i32 to vector<16xi32>
      %lt3A_308 = arith.cmpi slt, %shift_right_logical3A_302, %lt3A_307 : vector<16xi32>
      %and3A_309 = arith.andi %ge3A_304, %lt3A_308 : vector<16xi1>
      %convert_element_type3A_310 = arith.extui %and3A_309 : vector<16xi1> to vector<16xi32>
      %broadcast_in_dim3A_311 = arith.constant true
      %broadcast_in_dim3A_312 = vector.broadcast %broadcast_in_dim3A_311 : i1 to vector<16xi1>
      %masked_cumsum3A_313 = tpu.scan <sum>, %convert_element_type3A_310 masked %broadcast_in_dim3A_312 : vector<16xi32>, vector<16xi1> -> vector<16xi32>
      %add3A_314 = vector.broadcast %add3A_287 : i32 to vector<16xi32>
      %add3A_315 = arith.addi %add3A_314, %masked_cumsum3A_313 : vector<16xi32>
      %sub3A_316 = arith.constant 1 : i32
      %sub3A_317 = vector.broadcast %sub3A_316 : i32 to vector<16xi32>
      %sub3A_318 = arith.subi %add3A_315, %sub3A_317 : vector<16xi32>
      %min3A_319 = arith.constant 1535 : i32
      %min3A_320 = vector.broadcast %min3A_319 : i32 to vector<16xi32>
      %min3A_321 = arith.minsi %sub3A_318, %min3A_320 : vector<16xi32>
      %mul3A_322 = arith.constant 16 : i32
      %mul3A_323 = arith.muli %scan3A_289, %mul3A_322 : i32
      %add3A_324 = arith.constant 2048 : i32
      %add3A_325 = arith.addi %add3A_324, %mul3A_323 : i32
      %add3A_326 = vector.broadcast %add3A_325 : i32 to vector<16xi32>
      %add3A_327 = arith.addi %add3A_326, %iota3A : vector<16xi32>
      tpu.vector_store_idx %arg13[%min3A_321], %add3A_327 masked %and3A_309 : memref<1536xi32, #tpu.memory_space<vmem>>[vector<16xi32>], vector<16xi32>, vector<16xi1>
      tpu.vector_store_idx %arg14[%min3A_321], %gather3A_299 masked %and3A_309 : memref<1536xi32, #tpu.memory_space<vmem>>[vector<16xi32>], vector<16xi32>, vector<16xi1>
      %all_reduce_population_count3A_328 = tpu.all_reduce %and3A_309 {dim = 0 : i64, kind = #tpu.reduction_kind<sum>} : vector<16xi1> -> vector<16xi32>
      %slice3A_329 = vector.extract_strided_slice %all_reduce_population_count3A_328 {offsets = [0], sizes = [1], strides = [1]} : vector<16xi32> to vector<1xi32>
      %squeeze3A_330 = vector.extract %slice3A_329[0] : i32 from vector<1xi32>
      %add3A_331 = arith.addi %add3A_287, %squeeze3A_330 : i32
      %scan3A_332 = arith.constant 2 : i32
      %scan3A_333 = arith.addi %scan3A_252, %scan3A_332 : i32
      %mul3A_334 = arith.constant 16 : i32
      %mul3A_335 = arith.muli %scan3A_333, %mul3A_334 : i32
      %add3A_336 = vector.broadcast %mul3A_335 : i32 to vector<16xi32>
      %add3A_337 = arith.addi %iota3A, %add3A_336 : vector<16xi32>
      %mul3A_338 = arith.constant 2 : i32
      %mul3A_339 = vector.broadcast %mul3A_338 : i32 to vector<16xi32>
      %mul3A_340 = arith.muli %mul3A_339, %add3A_337 : vector<16xi32>
      %add3A_341 = vector.broadcast %arg0 : i32 to vector<16xi32>
      %add3A_342 = arith.addi %mul3A_340, %add3A_341 : vector<16xi32>
      %gather3A_343 = tpu.vector_load_idx %arg12[%add3A_342] : memref<4096xi32, #tpu.memory_space<vmem>>[vector<16xi32>], vector<16xi32>,
      %shift_right_logical3A_344 = arith.constant 7 : i32
      %shift_right_logical3A_345 = vector.broadcast %shift_right_logical3A_344 : i32 to vector<16xi32>
      %shift_right_logical3A_346 = arith.shrui %gather3A_343, %shift_right_logical3A_345 : vector<16xi32>
      %ge3A_347 = vector.broadcast %mul3A_2 : i32 to vector<16xi32>
      %ge3A_348 = arith.cmpi sge, %shift_right_logical3A_346, %ge3A_347 : vector<16xi32>
      %add3A_349 = arith.constant 489 : i32
      %add3A_350 = arith.addi %mul3A_2, %add3A_349 : i32
      %lt3A_351 = vector.broadcast %add3A_350 : i32 to vector<16xi32>
      %lt3A_352 = arith.cmpi slt, %shift_right_logical3A_346, %lt3A_351 : vector<16xi32>
      %and3A_353 = arith.andi %ge3A_348, %lt3A_352 : vector<16xi1>
      %convert_element_type3A_354 = arith.extui %and3A_353 : vector<16xi1> to vector<16xi32>
      %broadcast_in_dim3A_355 = arith.constant true
      %broadcast_in_dim3A_356 = vector.broadcast %broadcast_in_dim3A_355 : i1 to vector<16xi1>
      %masked_cumsum3A_357 = tpu.scan <sum>, %convert_element_type3A_354 masked %broadcast_in_dim3A_356 : vector<16xi32>, vector<16xi1> -> vector<16xi32>
      %add3A_358 = vector.broadcast %add3A_331 : i32 to vector<16xi32>
      %add3A_359 = arith.addi %add3A_358, %masked_cumsum3A_357 : vector<16xi32>
      %sub3A_360 = arith.constant 1 : i32
      %sub3A_361 = vector.broadcast %sub3A_360 : i32 to vector<16xi32>
      %sub3A_362 = arith.subi %add3A_359, %sub3A_361 : vector<16xi32>
      %min3A_363 = arith.constant 1535 : i32
      %min3A_364 = vector.broadcast %min3A_363 : i32 to vector<16xi32>
      %min3A_365 = arith.minsi %sub3A_362, %min3A_364 : vector<16xi32>
      %mul3A_366 = arith.constant 16 : i32
      %mul3A_367 = arith.muli %scan3A_333, %mul3A_366 : i32
      %add3A_368 = arith.constant 2048 : i32
      %add3A_369 = arith.addi %add3A_368, %mul3A_367 : i32
      %add3A_370 = vector.broadcast %add3A_369 : i32 to vector<16xi32>
      %add3A_371 = arith.addi %add3A_370, %iota3A : vector<16xi32>
      tpu.vector_store_idx %arg13[%min3A_365], %add3A_371 masked %and3A_353 : memref<1536xi32, #tpu.memory_space<vmem>>[vector<16xi32>], vector<16xi32>, vector<16xi1>
      tpu.vector_store_idx %arg14[%min3A_365], %gather3A_343 masked %and3A_353 : memref<1536xi32, #tpu.memory_space<vmem>>[vector<16xi32>], vector<16xi32>, vector<16xi1>
      %all_reduce_population_count3A_372 = tpu.all_reduce %and3A_353 {dim = 0 : i64, kind = #tpu.reduction_kind<sum>} : vector<16xi1> -> vector<16xi32>
      %slice3A_373 = vector.extract_strided_slice %all_reduce_population_count3A_372 {offsets = [0], sizes = [1], strides = [1]} : vector<16xi32> to vector<1xi32>
      %squeeze3A_374 = vector.extract %slice3A_373[0] : i32 from vector<1xi32>
      %add3A_375 = arith.addi %add3A_331, %squeeze3A_374 : i32
      %scan3A_376 = arith.constant 3 : i32
      %scan3A_377 = arith.addi %scan3A_252, %scan3A_376 : i32
      %mul3A_378 = arith.constant 16 : i32
      %mul3A_379 = arith.muli %scan3A_377, %mul3A_378 : i32
      %add3A_380 = vector.broadcast %mul3A_379 : i32 to vector<16xi32>
      %add3A_381 = arith.addi %iota3A, %add3A_380 : vector<16xi32>
      %mul3A_382 = arith.constant 2 : i32
      %mul3A_383 = vector.broadcast %mul3A_382 : i32 to vector<16xi32>
      %mul3A_384 = arith.muli %mul3A_383, %add3A_381 : vector<16xi32>
      %add3A_385 = vector.broadcast %arg0 : i32 to vector<16xi32>
      %add3A_386 = arith.addi %mul3A_384, %add3A_385 : vector<16xi32>
      %gather3A_387 = tpu.vector_load_idx %arg12[%add3A_386] : memref<4096xi32, #tpu.memory_space<vmem>>[vector<16xi32>], vector<16xi32>,
      %shift_right_logical3A_388 = arith.constant 7 : i32
      %shift_right_logical3A_389 = vector.broadcast %shift_right_logical3A_388 : i32 to vector<16xi32>
      %shift_right_logical3A_390 = arith.shrui %gather3A_387, %shift_right_logical3A_389 : vector<16xi32>
      %ge3A_391 = vector.broadcast %mul3A_2 : i32 to vector<16xi32>
      %ge3A_392 = arith.cmpi sge, %shift_right_logical3A_390, %ge3A_391 : vector<16xi32>
      %add3A_393 = arith.constant 489 : i32
      %add3A_394 = arith.addi %mul3A_2, %add3A_393 : i32
      %lt3A_395 = vector.broadcast %add3A_394 : i32 to vector<16xi32>
      %lt3A_396 = arith.cmpi slt, %shift_right_logical3A_390, %lt3A_395 : vector<16xi32>
      %and3A_397 = arith.andi %ge3A_392, %lt3A_396 : vector<16xi1>
      %convert_element_type3A_398 = arith.extui %and3A_397 : vector<16xi1> to vector<16xi32>
      %broadcast_in_dim3A_399 = arith.constant true
      %broadcast_in_dim3A_400 = vector.broadcast %broadcast_in_dim3A_399 : i1 to vector<16xi1>
      %masked_cumsum3A_401 = tpu.scan <sum>, %convert_element_type3A_398 masked %broadcast_in_dim3A_400 : vector<16xi32>, vector<16xi1> -> vector<16xi32>
      %add3A_402 = vector.broadcast %add3A_375 : i32 to vector<16xi32>
      %add3A_403 = arith.addi %add3A_402, %masked_cumsum3A_401 : vector<16xi32>
      %sub3A_404 = arith.constant 1 : i32
      %sub3A_405 = vector.broadcast %sub3A_404 : i32 to vector<16xi32>
      %sub3A_406 = arith.subi %add3A_403, %sub3A_405 : vector<16xi32>
      %min3A_407 = arith.constant 1535 : i32
      %min3A_408 = vector.broadcast %min3A_407 : i32 to vector<16xi32>
      %min3A_409 = arith.minsi %sub3A_406, %min3A_408 : vector<16xi32>
      %mul3A_410 = arith.constant 16 : i32
      %mul3A_411 = arith.muli %scan3A_377, %mul3A_410 : i32
      %add3A_412 = arith.constant 2048 : i32
      %add3A_413 = arith.addi %add3A_412, %mul3A_411 : i32
      %add3A_414 = vector.broadcast %add3A_413 : i32 to vector<16xi32>
      %add3A_415 = arith.addi %add3A_414, %iota3A : vector<16xi32>
      tpu.vector_store_idx %arg13[%min3A_409], %add3A_415 masked %and3A_397 : memref<1536xi32, #tpu.memory_space<vmem>>[vector<16xi32>], vector<16xi32>, vector<16xi1>
      tpu.vector_store_idx %arg14[%min3A_409], %gather3A_387 masked %and3A_397 : memref<1536xi32, #tpu.memory_space<vmem>>[vector<16xi32>], vector<16xi32>, vector<16xi1>
      %all_reduce_population_count3A_416 = tpu.all_reduce %and3A_397 {dim = 0 : i64, kind = #tpu.reduction_kind<sum>} : vector<16xi1> -> vector<16xi32>
      %slice3A_417 = vector.extract_strided_slice %all_reduce_population_count3A_416 {offsets = [0], sizes = [1], strides = [1]} : vector<16xi32> to vector<1xi32>
      %squeeze3A_418 = vector.extract %slice3A_417[0] : i32 from vector<1xi32>
      %add3A_419 = arith.addi %add3A_375, %squeeze3A_418 : i32
      scf.yield %add3A_419 : i32
    }
    %scan3A_119 = arith.constant 128 : i32
    %dma_wait3A_120 = arith.constant 0 : i32
    %dma_wait3A_121 = tpu.memref_slice %arg2[%dma_wait3A_120] : memref<32768xi32, #tpu.memory_space<hbm>> -> memref<4096xi32, #tpu.memory_space<hbm>>
    %dma_wait3A_122 = arith.constant 0 : i32
    %dma_wait3A_123 = tpu.memref_slice %arg2[%dma_wait3A_122] : memref<32768xi32, #tpu.memory_space<hbm>> -> memref<4096xi32, #tpu.memory_space<hbm>>
    tpu.wait_dma2 semaphore(%arg31 : memref<!tpu.dma_semaphore, #tpu.memory_space<semaphore_mem>>) src(%dma_wait3A_123 : memref<4096xi32, #tpu.memory_space<hbm>>) dst(%arg11 : memref<4096xi32, #tpu.memory_space<vmem>>)
    %dma_start3A_124 = arith.constant 12288 : i32
    %dma_start3A_125 = tpu.memref_slice %arg2[%dma_start3A_124] : memref<32768xi32, #tpu.memory_space<hbm>> -> memref<4096xi32, #tpu.memory_space<hbm>>
    %dma_start3A_126 = arith.constant 12288 : i32
    %dma_start3A_127 = tpu.memref_slice %arg2[%dma_start3A_126] : memref<32768xi32, #tpu.memory_space<hbm>> -> memref<4096xi32, #tpu.memory_space<hbm>>
    tpu.enqueue_dma source(%dma_start3A_127 : memref<4096xi32, #tpu.memory_space<hbm>>) target(%arg12 : memref<4096xi32, #tpu.memory_space<vmem>>) target_semaphore(%arg31 : memref<!tpu.dma_semaphore, #tpu.memory_space<semaphore_mem>>)
    %scan3A_128 = arith.constant 0 : i32
    %scan3A_129 = arith.constant 128 : i32
    %scan3A_130 = arith.addi %scan3A_128, %scan3A_129 : i32
    %scan3A_131 = arith.constant 4 : i32
    %scan3A_132 = scf.for %scan3A_252 = %scan3A_128 to %scan3A_130 step %scan3A_131 iter_args(%scan3A_253 = %scan3A_118) -> (i32)  : i32 {
      %mul3A_254 = arith.constant 16 : i32
      %mul3A_255 = arith.muli %scan3A_252, %mul3A_254 : i32
      %add3A_256 = vector.broadcast %mul3A_255 : i32 to vector<16xi32>
      %add3A_257 = arith.addi %iota3A, %add3A_256 : vector<16xi32>
      %mul3A_258 = arith.constant 2 : i32
      %mul3A_259 = vector.broadcast %mul3A_258 : i32 to vector<16xi32>
      %mul3A_260 = arith.muli %mul3A_259, %add3A_257 : vector<16xi32>
      %add3A_261 = vector.broadcast %arg0 : i32 to vector<16xi32>
      %add3A_262 = arith.addi %mul3A_260, %add3A_261 : vector<16xi32>
      %gather3A = tpu.vector_load_idx %arg11[%add3A_262] : memref<4096xi32, #tpu.memory_space<vmem>>[vector<16xi32>], vector<16xi32>,
      %shift_right_logical3A = arith.constant 7 : i32
      %shift_right_logical3A_263 = vector.broadcast %shift_right_logical3A : i32 to vector<16xi32>
      %shift_right_logical3A_264 = arith.shrui %gather3A, %shift_right_logical3A_263 : vector<16xi32>
      %ge3A = vector.broadcast %mul3A_2 : i32 to vector<16xi32>
      %ge3A_265 = arith.cmpi sge, %shift_right_logical3A_264, %ge3A : vector<16xi32>
      %add3A_266 = arith.constant 489 : i32
      %add3A_267 = arith.addi %mul3A_2, %add3A_266 : i32
      %lt3A_268 = vector.broadcast %add3A_267 : i32 to vector<16xi32>
      %lt3A_269 = arith.cmpi slt, %shift_right_logical3A_264, %lt3A_268 : vector<16xi32>
      %and3A_270 = arith.andi %ge3A_265, %lt3A_269 : vector<16xi1>
      %convert_element_type3A_271 = arith.extui %and3A_270 : vector<16xi1> to vector<16xi32>
      %broadcast_in_dim3A = arith.constant true
      %broadcast_in_dim3A_272 = vector.broadcast %broadcast_in_dim3A : i1 to vector<16xi1>
      %masked_cumsum3A = tpu.scan <sum>, %convert_element_type3A_271 masked %broadcast_in_dim3A_272 : vector<16xi32>, vector<16xi1> -> vector<16xi32>
      %add3A_273 = vector.broadcast %scan3A_253 : i32 to vector<16xi32>
      %add3A_274 = arith.addi %add3A_273, %masked_cumsum3A : vector<16xi32>
      %sub3A_275 = arith.constant 1 : i32
      %sub3A_276 = vector.broadcast %sub3A_275 : i32 to vector<16xi32>
      %sub3A_277 = arith.subi %add3A_274, %sub3A_276 : vector<16xi32>
      %min3A_278 = arith.constant 1535 : i32
      %min3A_279 = vector.broadcast %min3A_278 : i32 to vector<16xi32>
      %min3A_280 = arith.minsi %sub3A_277, %min3A_279 : vector<16xi32>
      %mul3A_281 = arith.constant 16 : i32
      %mul3A_282 = arith.muli %scan3A_252, %mul3A_281 : i32
      %add3A_283 = arith.constant 4096 : i32
      %add3A_284 = arith.addi %add3A_283, %mul3A_282 : i32
      %add3A_285 = vector.broadcast %add3A_284 : i32 to vector<16xi32>
      %add3A_286 = arith.addi %add3A_285, %iota3A : vector<16xi32>
      tpu.vector_store_idx %arg13[%min3A_280], %add3A_286 masked %and3A_270 : memref<1536xi32, #tpu.memory_space<vmem>>[vector<16xi32>], vector<16xi32>, vector<16xi1>
      tpu.vector_store_idx %arg14[%min3A_280], %gather3A masked %and3A_270 : memref<1536xi32, #tpu.memory_space<vmem>>[vector<16xi32>], vector<16xi32>, vector<16xi1>
      %all_reduce_population_count3A = tpu.all_reduce %and3A_270 {dim = 0 : i64, kind = #tpu.reduction_kind<sum>} : vector<16xi1> -> vector<16xi32>
      %slice3A = vector.extract_strided_slice %all_reduce_population_count3A {offsets = [0], sizes = [1], strides = [1]} : vector<16xi32> to vector<1xi32>
      %squeeze3A = vector.extract %slice3A[0] : i32 from vector<1xi32>
      %add3A_287 = arith.addi %scan3A_253, %squeeze3A : i32
      %scan3A_288 = arith.constant 1 : i32
      %scan3A_289 = arith.addi %scan3A_252, %scan3A_288 : i32
      %mul3A_290 = arith.constant 16 : i32
      %mul3A_291 = arith.muli %scan3A_289, %mul3A_290 : i32
      %add3A_292 = vector.broadcast %mul3A_291 : i32 to vector<16xi32>
      %add3A_293 = arith.addi %iota3A, %add3A_292 : vector<16xi32>
      %mul3A_294 = arith.constant 2 : i32
      %mul3A_295 = vector.broadcast %mul3A_294 : i32 to vector<16xi32>
      %mul3A_296 = arith.muli %mul3A_295, %add3A_293 : vector<16xi32>
      %add3A_297 = vector.broadcast %arg0 : i32 to vector<16xi32>
      %add3A_298 = arith.addi %mul3A_296, %add3A_297 : vector<16xi32>
      %gather3A_299 = tpu.vector_load_idx %arg11[%add3A_298] : memref<4096xi32, #tpu.memory_space<vmem>>[vector<16xi32>], vector<16xi32>,
      %shift_right_logical3A_300 = arith.constant 7 : i32
      %shift_right_logical3A_301 = vector.broadcast %shift_right_logical3A_300 : i32 to vector<16xi32>
      %shift_right_logical3A_302 = arith.shrui %gather3A_299, %shift_right_logical3A_301 : vector<16xi32>
      %ge3A_303 = vector.broadcast %mul3A_2 : i32 to vector<16xi32>
      %ge3A_304 = arith.cmpi sge, %shift_right_logical3A_302, %ge3A_303 : vector<16xi32>
      %add3A_305 = arith.constant 489 : i32
      %add3A_306 = arith.addi %mul3A_2, %add3A_305 : i32
      %lt3A_307 = vector.broadcast %add3A_306 : i32 to vector<16xi32>
      %lt3A_308 = arith.cmpi slt, %shift_right_logical3A_302, %lt3A_307 : vector<16xi32>
      %and3A_309 = arith.andi %ge3A_304, %lt3A_308 : vector<16xi1>
      %convert_element_type3A_310 = arith.extui %and3A_309 : vector<16xi1> to vector<16xi32>
      %broadcast_in_dim3A_311 = arith.constant true
      %broadcast_in_dim3A_312 = vector.broadcast %broadcast_in_dim3A_311 : i1 to vector<16xi1>
      %masked_cumsum3A_313 = tpu.scan <sum>, %convert_element_type3A_310 masked %broadcast_in_dim3A_312 : vector<16xi32>, vector<16xi1> -> vector<16xi32>
      %add3A_314 = vector.broadcast %add3A_287 : i32 to vector<16xi32>
      %add3A_315 = arith.addi %add3A_314, %masked_cumsum3A_313 : vector<16xi32>
      %sub3A_316 = arith.constant 1 : i32
      %sub3A_317 = vector.broadcast %sub3A_316 : i32 to vector<16xi32>
      %sub3A_318 = arith.subi %add3A_315, %sub3A_317 : vector<16xi32>
      %min3A_319 = arith.constant 1535 : i32
      %min3A_320 = vector.broadcast %min3A_319 : i32 to vector<16xi32>
      %min3A_321 = arith.minsi %sub3A_318, %min3A_320 : vector<16xi32>
      %mul3A_322 = arith.constant 16 : i32
      %mul3A_323 = arith.muli %scan3A_289, %mul3A_322 : i32
      %add3A_324 = arith.constant 4096 : i32
      %add3A_325 = arith.addi %add3A_324, %mul3A_323 : i32
      %add3A_326 = vector.broadcast %add3A_325 : i32 to vector<16xi32>
      %add3A_327 = arith.addi %add3A_326, %iota3A : vector<16xi32>
      tpu.vector_store_idx %arg13[%min3A_321], %add3A_327 masked %and3A_309 : memref<1536xi32, #tpu.memory_space<vmem>>[vector<16xi32>], vector<16xi32>, vector<16xi1>
      tpu.vector_store_idx %arg14[%min3A_321], %gather3A_299 masked %and3A_309 : memref<1536xi32, #tpu.memory_space<vmem>>[vector<16xi32>], vector<16xi32>, vector<16xi1>
      %all_reduce_population_count3A_328 = tpu.all_reduce %and3A_309 {dim = 0 : i64, kind = #tpu.reduction_kind<sum>} : vector<16xi1> -> vector<16xi32>
      %slice3A_329 = vector.extract_strided_slice %all_reduce_population_count3A_328 {offsets = [0], sizes = [1], strides = [1]} : vector<16xi32> to vector<1xi32>
      %squeeze3A_330 = vector.extract %slice3A_329[0] : i32 from vector<1xi32>
      %add3A_331 = arith.addi %add3A_287, %squeeze3A_330 : i32
      %scan3A_332 = arith.constant 2 : i32
      %scan3A_333 = arith.addi %scan3A_252, %scan3A_332 : i32
      %mul3A_334 = arith.constant 16 : i32
      %mul3A_335 = arith.muli %scan3A_333, %mul3A_334 : i32
      %add3A_336 = vector.broadcast %mul3A_335 : i32 to vector<16xi32>
      %add3A_337 = arith.addi %iota3A, %add3A_336 : vector<16xi32>
      %mul3A_338 = arith.constant 2 : i32
      %mul3A_339 = vector.broadcast %mul3A_338 : i32 to vector<16xi32>
      %mul3A_340 = arith.muli %mul3A_339, %add3A_337 : vector<16xi32>
      %add3A_341 = vector.broadcast %arg0 : i32 to vector<16xi32>
      %add3A_342 = arith.addi %mul3A_340, %add3A_341 : vector<16xi32>
      %gather3A_343 = tpu.vector_load_idx %arg11[%add3A_342] : memref<4096xi32, #tpu.memory_space<vmem>>[vector<16xi32>], vector<16xi32>,
      %shift_right_logical3A_344 = arith.constant 7 : i32
      %shift_right_logical3A_345 = vector.broadcast %shift_right_logical3A_344 : i32 to vector<16xi32>
      %shift_right_logical3A_346 = arith.shrui %gather3A_343, %shift_right_logical3A_345 : vector<16xi32>
      %ge3A_347 = vector.broadcast %mul3A_2 : i32 to vector<16xi32>
      %ge3A_348 = arith.cmpi sge, %shift_right_logical3A_346, %ge3A_347 : vector<16xi32>
      %add3A_349 = arith.constant 489 : i32
      %add3A_350 = arith.addi %mul3A_2, %add3A_349 : i32
      %lt3A_351 = vector.broadcast %add3A_350 : i32 to vector<16xi32>
      %lt3A_352 = arith.cmpi slt, %shift_right_logical3A_346, %lt3A_351 : vector<16xi32>
      %and3A_353 = arith.andi %ge3A_348, %lt3A_352 : vector<16xi1>
      %convert_element_type3A_354 = arith.extui %and3A_353 : vector<16xi1> to vector<16xi32>
      %broadcast_in_dim3A_355 = arith.constant true
      %broadcast_in_dim3A_356 = vector.broadcast %broadcast_in_dim3A_355 : i1 to vector<16xi1>
      %masked_cumsum3A_357 = tpu.scan <sum>, %convert_element_type3A_354 masked %broadcast_in_dim3A_356 : vector<16xi32>, vector<16xi1> -> vector<16xi32>
      %add3A_358 = vector.broadcast %add3A_331 : i32 to vector<16xi32>
      %add3A_359 = arith.addi %add3A_358, %masked_cumsum3A_357 : vector<16xi32>
      %sub3A_360 = arith.constant 1 : i32
      %sub3A_361 = vector.broadcast %sub3A_360 : i32 to vector<16xi32>
      %sub3A_362 = arith.subi %add3A_359, %sub3A_361 : vector<16xi32>
      %min3A_363 = arith.constant 1535 : i32
      %min3A_364 = vector.broadcast %min3A_363 : i32 to vector<16xi32>
      %min3A_365 = arith.minsi %sub3A_362, %min3A_364 : vector<16xi32>
      %mul3A_366 = arith.constant 16 : i32
      %mul3A_367 = arith.muli %scan3A_333, %mul3A_366 : i32
      %add3A_368 = arith.constant 4096 : i32
      %add3A_369 = arith.addi %add3A_368, %mul3A_367 : i32
      %add3A_370 = vector.broadcast %add3A_369 : i32 to vector<16xi32>
      %add3A_371 = arith.addi %add3A_370, %iota3A : vector<16xi32>
      tpu.vector_store_idx %arg13[%min3A_365], %add3A_371 masked %and3A_353 : memref<1536xi32, #tpu.memory_space<vmem>>[vector<16xi32>], vector<16xi32>, vector<16xi1>
      tpu.vector_store_idx %arg14[%min3A_365], %gather3A_343 masked %and3A_353 : memref<1536xi32, #tpu.memory_space<vmem>>[vector<16xi32>], vector<16xi32>, vector<16xi1>
      %all_reduce_population_count3A_372 = tpu.all_reduce %and3A_353 {dim = 0 : i64, kind = #tpu.reduction_kind<sum>} : vector<16xi1> -> vector<16xi32>
      %slice3A_373 = vector.extract_strided_slice %all_reduce_population_count3A_372 {offsets = [0], sizes = [1], strides = [1]} : vector<16xi32> to vector<1xi32>
      %squeeze3A_374 = vector.extract %slice3A_373[0] : i32 from vector<1xi32>
      %add3A_375 = arith.addi %add3A_331, %squeeze3A_374 : i32
      %scan3A_376 = arith.constant 3 : i32
      %scan3A_377 = arith.addi %scan3A_252, %scan3A_376 : i32
      %mul3A_378 = arith.constant 16 : i32
      %mul3A_379 = arith.muli %scan3A_377, %mul3A_378 : i32
      %add3A_380 = vector.broadcast %mul3A_379 : i32 to vector<16xi32>
      %add3A_381 = arith.addi %iota3A, %add3A_380 : vector<16xi32>
      %mul3A_382 = arith.constant 2 : i32
      %mul3A_383 = vector.broadcast %mul3A_382 : i32 to vector<16xi32>
      %mul3A_384 = arith.muli %mul3A_383, %add3A_381 : vector<16xi32>
      %add3A_385 = vector.broadcast %arg0 : i32 to vector<16xi32>
      %add3A_386 = arith.addi %mul3A_384, %add3A_385 : vector<16xi32>
      %gather3A_387 = tpu.vector_load_idx %arg11[%add3A_386] : memref<4096xi32, #tpu.memory_space<vmem>>[vector<16xi32>], vector<16xi32>,
      %shift_right_logical3A_388 = arith.constant 7 : i32
      %shift_right_logical3A_389 = vector.broadcast %shift_right_logical3A_388 : i32 to vector<16xi32>
      %shift_right_logical3A_390 = arith.shrui %gather3A_387, %shift_right_logical3A_389 : vector<16xi32>
      %ge3A_391 = vector.broadcast %mul3A_2 : i32 to vector<16xi32>
      %ge3A_392 = arith.cmpi sge, %shift_right_logical3A_390, %ge3A_391 : vector<16xi32>
      %add3A_393 = arith.constant 489 : i32
      %add3A_394 = arith.addi %mul3A_2, %add3A_393 : i32
      %lt3A_395 = vector.broadcast %add3A_394 : i32 to vector<16xi32>
      %lt3A_396 = arith.cmpi slt, %shift_right_logical3A_390, %lt3A_395 : vector<16xi32>
      %and3A_397 = arith.andi %ge3A_392, %lt3A_396 : vector<16xi1>
      %convert_element_type3A_398 = arith.extui %and3A_397 : vector<16xi1> to vector<16xi32>
      %broadcast_in_dim3A_399 = arith.constant true
      %broadcast_in_dim3A_400 = vector.broadcast %broadcast_in_dim3A_399 : i1 to vector<16xi1>
      %masked_cumsum3A_401 = tpu.scan <sum>, %convert_element_type3A_398 masked %broadcast_in_dim3A_400 : vector<16xi32>, vector<16xi1> -> vector<16xi32>
      %add3A_402 = vector.broadcast %add3A_375 : i32 to vector<16xi32>
      %add3A_403 = arith.addi %add3A_402, %masked_cumsum3A_401 : vector<16xi32>
      %sub3A_404 = arith.constant 1 : i32
      %sub3A_405 = vector.broadcast %sub3A_404 : i32 to vector<16xi32>
      %sub3A_406 = arith.subi %add3A_403, %sub3A_405 : vector<16xi32>
      %min3A_407 = arith.constant 1535 : i32
      %min3A_408 = vector.broadcast %min3A_407 : i32 to vector<16xi32>
      %min3A_409 = arith.minsi %sub3A_406, %min3A_408 : vector<16xi32>
      %mul3A_410 = arith.constant 16 : i32
      %mul3A_411 = arith.muli %scan3A_377, %mul3A_410 : i32
      %add3A_412 = arith.constant 4096 : i32
      %add3A_413 = arith.addi %add3A_412, %mul3A_411 : i32
      %add3A_414 = vector.broadcast %add3A_413 : i32 to vector<16xi32>
      %add3A_415 = arith.addi %add3A_414, %iota3A : vector<16xi32>
      tpu.vector_store_idx %arg13[%min3A_409], %add3A_415 masked %and3A_397 : memref<1536xi32, #tpu.memory_space<vmem>>[vector<16xi32>], vector<16xi32>, vector<16xi1>
      tpu.vector_store_idx %arg14[%min3A_409], %gather3A_387 masked %and3A_397 : memref<1536xi32, #tpu.memory_space<vmem>>[vector<16xi32>], vector<16xi32>, vector<16xi1>
      %all_reduce_population_count3A_416 = tpu.all_reduce %and3A_397 {dim = 0 : i64, kind = #tpu.reduction_kind<sum>} : vector<16xi1> -> vector<16xi32>
      %slice3A_417 = vector.extract_strided_slice %all_reduce_population_count3A_416 {offsets = [0], sizes = [1], strides = [1]} : vector<16xi32> to vector<1xi32>
      %squeeze3A_418 = vector.extract %slice3A_417[0] : i32 from vector<1xi32>
      %add3A_419 = arith.addi %add3A_375, %squeeze3A_418 : i32
      scf.yield %add3A_419 : i32
    }
    %scan3A_133 = arith.constant 128 : i32
    %dma_wait3A_134 = arith.constant 0 : i32
    %dma_wait3A_135 = tpu.memref_slice %arg2[%dma_wait3A_134] : memref<32768xi32, #tpu.memory_space<hbm>> -> memref<4096xi32, #tpu.memory_space<hbm>>
    %dma_wait3A_136 = arith.constant 0 : i32
    %dma_wait3A_137 = tpu.memref_slice %arg2[%dma_wait3A_136] : memref<32768xi32, #tpu.memory_space<hbm>> -> memref<4096xi32, #tpu.memory_space<hbm>>
    tpu.wait_dma2 semaphore(%arg31 : memref<!tpu.dma_semaphore, #tpu.memory_space<semaphore_mem>>) src(%dma_wait3A_137 : memref<4096xi32, #tpu.memory_space<hbm>>) dst(%arg12 : memref<4096xi32, #tpu.memory_space<vmem>>)
    %dma_start3A_138 = arith.constant 16384 : i32
    %dma_start3A_139 = tpu.memref_slice %arg2[%dma_start3A_138] : memref<32768xi32, #tpu.memory_space<hbm>> -> memref<4096xi32, #tpu.memory_space<hbm>>
    %dma_start3A_140 = arith.constant 16384 : i32
    %dma_start3A_141 = tpu.memref_slice %arg2[%dma_start3A_140] : memref<32768xi32, #tpu.memory_space<hbm>> -> memref<4096xi32, #tpu.memory_space<hbm>>
    tpu.enqueue_dma source(%dma_start3A_141 : memref<4096xi32, #tpu.memory_space<hbm>>) target(%arg11 : memref<4096xi32, #tpu.memory_space<vmem>>) target_semaphore(%arg31 : memref<!tpu.dma_semaphore, #tpu.memory_space<semaphore_mem>>)
    %scan3A_142 = arith.constant 0 : i32
    %scan3A_143 = arith.constant 128 : i32
    %scan3A_144 = arith.addi %scan3A_142, %scan3A_143 : i32
    %scan3A_145 = arith.constant 4 : i32
    %scan3A_146 = scf.for %scan3A_252 = %scan3A_142 to %scan3A_144 step %scan3A_145 iter_args(%scan3A_253 = %scan3A_132) -> (i32)  : i32 {
      %mul3A_254 = arith.constant 16 : i32
      %mul3A_255 = arith.muli %scan3A_252, %mul3A_254 : i32
      %add3A_256 = vector.broadcast %mul3A_255 : i32 to vector<16xi32>
      %add3A_257 = arith.addi %iota3A, %add3A_256 : vector<16xi32>
      %mul3A_258 = arith.constant 2 : i32
      %mul3A_259 = vector.broadcast %mul3A_258 : i32 to vector<16xi32>
      %mul3A_260 = arith.muli %mul3A_259, %add3A_257 : vector<16xi32>
      %add3A_261 = vector.broadcast %arg0 : i32 to vector<16xi32>
      %add3A_262 = arith.addi %mul3A_260, %add3A_261 : vector<16xi32>
      %gather3A = tpu.vector_load_idx %arg12[%add3A_262] : memref<4096xi32, #tpu.memory_space<vmem>>[vector<16xi32>], vector<16xi32>,
      %shift_right_logical3A = arith.constant 7 : i32
      %shift_right_logical3A_263 = vector.broadcast %shift_right_logical3A : i32 to vector<16xi32>
      %shift_right_logical3A_264 = arith.shrui %gather3A, %shift_right_logical3A_263 : vector<16xi32>
      %ge3A = vector.broadcast %mul3A_2 : i32 to vector<16xi32>
      %ge3A_265 = arith.cmpi sge, %shift_right_logical3A_264, %ge3A : vector<16xi32>
      %add3A_266 = arith.constant 489 : i32
      %add3A_267 = arith.addi %mul3A_2, %add3A_266 : i32
      %lt3A_268 = vector.broadcast %add3A_267 : i32 to vector<16xi32>
      %lt3A_269 = arith.cmpi slt, %shift_right_logical3A_264, %lt3A_268 : vector<16xi32>
      %and3A_270 = arith.andi %ge3A_265, %lt3A_269 : vector<16xi1>
      %convert_element_type3A_271 = arith.extui %and3A_270 : vector<16xi1> to vector<16xi32>
      %broadcast_in_dim3A = arith.constant true
      %broadcast_in_dim3A_272 = vector.broadcast %broadcast_in_dim3A : i1 to vector<16xi1>
      %masked_cumsum3A = tpu.scan <sum>, %convert_element_type3A_271 masked %broadcast_in_dim3A_272 : vector<16xi32>, vector<16xi1> -> vector<16xi32>
      %add3A_273 = vector.broadcast %scan3A_253 : i32 to vector<16xi32>
      %add3A_274 = arith.addi %add3A_273, %masked_cumsum3A : vector<16xi32>
      %sub3A_275 = arith.constant 1 : i32
      %sub3A_276 = vector.broadcast %sub3A_275 : i32 to vector<16xi32>
      %sub3A_277 = arith.subi %add3A_274, %sub3A_276 : vector<16xi32>
      %min3A_278 = arith.constant 1535 : i32
      %min3A_279 = vector.broadcast %min3A_278 : i32 to vector<16xi32>
      %min3A_280 = arith.minsi %sub3A_277, %min3A_279 : vector<16xi32>
      %mul3A_281 = arith.constant 16 : i32
      %mul3A_282 = arith.muli %scan3A_252, %mul3A_281 : i32
      %add3A_283 = arith.constant 6144 : i32
      %add3A_284 = arith.addi %add3A_283, %mul3A_282 : i32
      %add3A_285 = vector.broadcast %add3A_284 : i32 to vector<16xi32>
      %add3A_286 = arith.addi %add3A_285, %iota3A : vector<16xi32>
      tpu.vector_store_idx %arg13[%min3A_280], %add3A_286 masked %and3A_270 : memref<1536xi32, #tpu.memory_space<vmem>>[vector<16xi32>], vector<16xi32>, vector<16xi1>
      tpu.vector_store_idx %arg14[%min3A_280], %gather3A masked %and3A_270 : memref<1536xi32, #tpu.memory_space<vmem>>[vector<16xi32>], vector<16xi32>, vector<16xi1>
      %all_reduce_population_count3A = tpu.all_reduce %and3A_270 {dim = 0 : i64, kind = #tpu.reduction_kind<sum>} : vector<16xi1> -> vector<16xi32>
      %slice3A = vector.extract_strided_slice %all_reduce_population_count3A {offsets = [0], sizes = [1], strides = [1]} : vector<16xi32> to vector<1xi32>
      %squeeze3A = vector.extract %slice3A[0] : i32 from vector<1xi32>
      %add3A_287 = arith.addi %scan3A_253, %squeeze3A : i32
      %scan3A_288 = arith.constant 1 : i32
      %scan3A_289 = arith.addi %scan3A_252, %scan3A_288 : i32
      %mul3A_290 = arith.constant 16 : i32
      %mul3A_291 = arith.muli %scan3A_289, %mul3A_290 : i32
      %add3A_292 = vector.broadcast %mul3A_291 : i32 to vector<16xi32>
      %add3A_293 = arith.addi %iota3A, %add3A_292 : vector<16xi32>
      %mul3A_294 = arith.constant 2 : i32
      %mul3A_295 = vector.broadcast %mul3A_294 : i32 to vector<16xi32>
      %mul3A_296 = arith.muli %mul3A_295, %add3A_293 : vector<16xi32>
      %add3A_297 = vector.broadcast %arg0 : i32 to vector<16xi32>
      %add3A_298 = arith.addi %mul3A_296, %add3A_297 : vector<16xi32>
      %gather3A_299 = tpu.vector_load_idx %arg12[%add3A_298] : memref<4096xi32, #tpu.memory_space<vmem>>[vector<16xi32>], vector<16xi32>,
      %shift_right_logical3A_300 = arith.constant 7 : i32
      %shift_right_logical3A_301 = vector.broadcast %shift_right_logical3A_300 : i32 to vector<16xi32>
      %shift_right_logical3A_302 = arith.shrui %gather3A_299, %shift_right_logical3A_301 : vector<16xi32>
      %ge3A_303 = vector.broadcast %mul3A_2 : i32 to vector<16xi32>
      %ge3A_304 = arith.cmpi sge, %shift_right_logical3A_302, %ge3A_303 : vector<16xi32>
      %add3A_305 = arith.constant 489 : i32
      %add3A_306 = arith.addi %mul3A_2, %add3A_305 : i32
      %lt3A_307 = vector.broadcast %add3A_306 : i32 to vector<16xi32>
      %lt3A_308 = arith.cmpi slt, %shift_right_logical3A_302, %lt3A_307 : vector<16xi32>
      %and3A_309 = arith.andi %ge3A_304, %lt3A_308 : vector<16xi1>
      %convert_element_type3A_310 = arith.extui %and3A_309 : vector<16xi1> to vector<16xi32>
      %broadcast_in_dim3A_311 = arith.constant true
      %broadcast_in_dim3A_312 = vector.broadcast %broadcast_in_dim3A_311 : i1 to vector<16xi1>
      %masked_cumsum3A_313 = tpu.scan <sum>, %convert_element_type3A_310 masked %broadcast_in_dim3A_312 : vector<16xi32>, vector<16xi1> -> vector<16xi32>
      %add3A_314 = vector.broadcast %add3A_287 : i32 to vector<16xi32>
      %add3A_315 = arith.addi %add3A_314, %masked_cumsum3A_313 : vector<16xi32>
      %sub3A_316 = arith.constant 1 : i32
      %sub3A_317 = vector.broadcast %sub3A_316 : i32 to vector<16xi32>
      %sub3A_318 = arith.subi %add3A_315, %sub3A_317 : vector<16xi32>
      %min3A_319 = arith.constant 1535 : i32
      %min3A_320 = vector.broadcast %min3A_319 : i32 to vector<16xi32>
      %min3A_321 = arith.minsi %sub3A_318, %min3A_320 : vector<16xi32>
      %mul3A_322 = arith.constant 16 : i32
      %mul3A_323 = arith.muli %scan3A_289, %mul3A_322 : i32
      %add3A_324 = arith.constant 6144 : i32
      %add3A_325 = arith.addi %add3A_324, %mul3A_323 : i32
      %add3A_326 = vector.broadcast %add3A_325 : i32 to vector<16xi32>
      %add3A_327 = arith.addi %add3A_326, %iota3A : vector<16xi32>
      tpu.vector_store_idx %arg13[%min3A_321], %add3A_327 masked %and3A_309 : memref<1536xi32, #tpu.memory_space<vmem>>[vector<16xi32>], vector<16xi32>, vector<16xi1>
      tpu.vector_store_idx %arg14[%min3A_321], %gather3A_299 masked %and3A_309 : memref<1536xi32, #tpu.memory_space<vmem>>[vector<16xi32>], vector<16xi32>, vector<16xi1>
      %all_reduce_population_count3A_328 = tpu.all_reduce %and3A_309 {dim = 0 : i64, kind = #tpu.reduction_kind<sum>} : vector<16xi1> -> vector<16xi32>
      %slice3A_329 = vector.extract_strided_slice %all_reduce_population_count3A_328 {offsets = [0], sizes = [1], strides = [1]} : vector<16xi32> to vector<1xi32>
      %squeeze3A_330 = vector.extract %slice3A_329[0] : i32 from vector<1xi32>
      %add3A_331 = arith.addi %add3A_287, %squeeze3A_330 : i32
      %scan3A_332 = arith.constant 2 : i32
      %scan3A_333 = arith.addi %scan3A_252, %scan3A_332 : i32
      %mul3A_334 = arith.constant 16 : i32
      %mul3A_335 = arith.muli %scan3A_333, %mul3A_334 : i32
      %add3A_336 = vector.broadcast %mul3A_335 : i32 to vector<16xi32>
      %add3A_337 = arith.addi %iota3A, %add3A_336 : vector<16xi32>
      %mul3A_338 = arith.constant 2 : i32
      %mul3A_339 = vector.broadcast %mul3A_338 : i32 to vector<16xi32>
      %mul3A_340 = arith.muli %mul3A_339, %add3A_337 : vector<16xi32>
      %add3A_341 = vector.broadcast %arg0 : i32 to vector<16xi32>
      %add3A_342 = arith.addi %mul3A_340, %add3A_341 : vector<16xi32>
      %gather3A_343 = tpu.vector_load_idx %arg12[%add3A_342] : memref<4096xi32, #tpu.memory_space<vmem>>[vector<16xi32>], vector<16xi32>,
      %shift_right_logical3A_344 = arith.constant 7 : i32
      %shift_right_logical3A_345 = vector.broadcast %shift_right_logical3A_344 : i32 to vector<16xi32>
      %shift_right_logical3A_346 = arith.shrui %gather3A_343, %shift_right_logical3A_345 : vector<16xi32>
      %ge3A_347 = vector.broadcast %mul3A_2 : i32 to vector<16xi32>
      %ge3A_348 = arith.cmpi sge, %shift_right_logical3A_346, %ge3A_347 : vector<16xi32>
      %add3A_349 = arith.constant 489 : i32
      %add3A_350 = arith.addi %mul3A_2, %add3A_349 : i32
      %lt3A_351 = vector.broadcast %add3A_350 : i32 to vector<16xi32>
      %lt3A_352 = arith.cmpi slt, %shift_right_logical3A_346, %lt3A_351 : vector<16xi32>
      %and3A_353 = arith.andi %ge3A_348, %lt3A_352 : vector<16xi1>
      %convert_element_type3A_354 = arith.extui %and3A_353 : vector<16xi1> to vector<16xi32>
      %broadcast_in_dim3A_355 = arith.constant true
      %broadcast_in_dim3A_356 = vector.broadcast %broadcast_in_dim3A_355 : i1 to vector<16xi1>
      %masked_cumsum3A_357 = tpu.scan <sum>, %convert_element_type3A_354 masked %broadcast_in_dim3A_356 : vector<16xi32>, vector<16xi1> -> vector<16xi32>
      %add3A_358 = vector.broadcast %add3A_331 : i32 to vector<16xi32>
      %add3A_359 = arith.addi %add3A_358, %masked_cumsum3A_357 : vector<16xi32>
      %sub3A_360 = arith.constant 1 : i32
      %sub3A_361 = vector.broadcast %sub3A_360 : i32 to vector<16xi32>
      %sub3A_362 = arith.subi %add3A_359, %sub3A_361 : vector<16xi32>
      %min3A_363 = arith.constant 1535 : i32
      %min3A_364 = vector.broadcast %min3A_363 : i32 to vector<16xi32>
      %min3A_365 = arith.minsi %sub3A_362, %min3A_364 : vector<16xi32>
      %mul3A_366 = arith.constant 16 : i32
      %mul3A_367 = arith.muli %scan3A_333, %mul3A_366 : i32
      %add3A_368 = arith.constant 6144 : i32
      %add3A_369 = arith.addi %add3A_368, %mul3A_367 : i32
      %add3A_370 = vector.broadcast %add3A_369 : i32 to vector<16xi32>
      %add3A_371 = arith.addi %add3A_370, %iota3A : vector<16xi32>
      tpu.vector_store_idx %arg13[%min3A_365], %add3A_371 masked %and3A_353 : memref<1536xi32, #tpu.memory_space<vmem>>[vector<16xi32>], vector<16xi32>, vector<16xi1>
      tpu.vector_store_idx %arg14[%min3A_365], %gather3A_343 masked %and3A_353 : memref<1536xi32, #tpu.memory_space<vmem>>[vector<16xi32>], vector<16xi32>, vector<16xi1>
      %all_reduce_population_count3A_372 = tpu.all_reduce %and3A_353 {dim = 0 : i64, kind = #tpu.reduction_kind<sum>} : vector<16xi1> -> vector<16xi32>
      %slice3A_373 = vector.extract_strided_slice %all_reduce_population_count3A_372 {offsets = [0], sizes = [1], strides = [1]} : vector<16xi32> to vector<1xi32>
      %squeeze3A_374 = vector.extract %slice3A_373[0] : i32 from vector<1xi32>
      %add3A_375 = arith.addi %add3A_331, %squeeze3A_374 : i32
      %scan3A_376 = arith.constant 3 : i32
      %scan3A_377 = arith.addi %scan3A_252, %scan3A_376 : i32
      %mul3A_378 = arith.constant 16 : i32
      %mul3A_379 = arith.muli %scan3A_377, %mul3A_378 : i32
      %add3A_380 = vector.broadcast %mul3A_379 : i32 to vector<16xi32>
      %add3A_381 = arith.addi %iota3A, %add3A_380 : vector<16xi32>
      %mul3A_382 = arith.constant 2 : i32
      %mul3A_383 = vector.broadcast %mul3A_382 : i32 to vector<16xi32>
      %mul3A_384 = arith.muli %mul3A_383, %add3A_381 : vector<16xi32>
      %add3A_385 = vector.broadcast %arg0 : i32 to vector<16xi32>
      %add3A_386 = arith.addi %mul3A_384, %add3A_385 : vector<16xi32>
      %gather3A_387 = tpu.vector_load_idx %arg12[%add3A_386] : memref<4096xi32, #tpu.memory_space<vmem>>[vector<16xi32>], vector<16xi32>,
      %shift_right_logical3A_388 = arith.constant 7 : i32
      %shift_right_logical3A_389 = vector.broadcast %shift_right_logical3A_388 : i32 to vector<16xi32>
      %shift_right_logical3A_390 = arith.shrui %gather3A_387, %shift_right_logical3A_389 : vector<16xi32>
      %ge3A_391 = vector.broadcast %mul3A_2 : i32 to vector<16xi32>
      %ge3A_392 = arith.cmpi sge, %shift_right_logical3A_390, %ge3A_391 : vector<16xi32>
      %add3A_393 = arith.constant 489 : i32
      %add3A_394 = arith.addi %mul3A_2, %add3A_393 : i32
      %lt3A_395 = vector.broadcast %add3A_394 : i32 to vector<16xi32>
      %lt3A_396 = arith.cmpi slt, %shift_right_logical3A_390, %lt3A_395 : vector<16xi32>
      %and3A_397 = arith.andi %ge3A_392, %lt3A_396 : vector<16xi1>
      %convert_element_type3A_398 = arith.extui %and3A_397 : vector<16xi1> to vector<16xi32>
      %broadcast_in_dim3A_399 = arith.constant true
      %broadcast_in_dim3A_400 = vector.broadcast %broadcast_in_dim3A_399 : i1 to vector<16xi1>
      %masked_cumsum3A_401 = tpu.scan <sum>, %convert_element_type3A_398 masked %broadcast_in_dim3A_400 : vector<16xi32>, vector<16xi1> -> vector<16xi32>
      %add3A_402 = vector.broadcast %add3A_375 : i32 to vector<16xi32>
      %add3A_403 = arith.addi %add3A_402, %masked_cumsum3A_401 : vector<16xi32>
      %sub3A_404 = arith.constant 1 : i32
      %sub3A_405 = vector.broadcast %sub3A_404 : i32 to vector<16xi32>
      %sub3A_406 = arith.subi %add3A_403, %sub3A_405 : vector<16xi32>
      %min3A_407 = arith.constant 1535 : i32
      %min3A_408 = vector.broadcast %min3A_407 : i32 to vector<16xi32>
      %min3A_409 = arith.minsi %sub3A_406, %min3A_408 : vector<16xi32>
      %mul3A_410 = arith.constant 16 : i32
      %mul3A_411 = arith.muli %scan3A_377, %mul3A_410 : i32
      %add3A_412 = arith.constant 6144 : i32
      %add3A_413 = arith.addi %add3A_412, %mul3A_411 : i32
      %add3A_414 = vector.broadcast %add3A_413 : i32 to vector<16xi32>
      %add3A_415 = arith.addi %add3A_414, %iota3A : vector<16xi32>
      tpu.vector_store_idx %arg13[%min3A_409], %add3A_415 masked %and3A_397 : memref<1536xi32, #tpu.memory_space<vmem>>[vector<16xi32>], vector<16xi32>, vector<16xi1>
      tpu.vector_store_idx %arg14[%min3A_409], %gather3A_387 masked %and3A_397 : memref<1536xi32, #tpu.memory_space<vmem>>[vector<16xi32>], vector<16xi32>, vector<16xi1>
      %all_reduce_population_count3A_416 = tpu.all_reduce %and3A_397 {dim = 0 : i64, kind = #tpu.reduction_kind<sum>} : vector<16xi1> -> vector<16xi32>
      %slice3A_417 = vector.extract_strided_slice %all_reduce_population_count3A_416 {offsets = [0], sizes = [1], strides = [1]} : vector<16xi32> to vector<1xi32>
      %squeeze3A_418 = vector.extract %slice3A_417[0] : i32 from vector<1xi32>
      %add3A_419 = arith.addi %add3A_375, %squeeze3A_418 : i32
      scf.yield %add3A_419 : i32
    }
    %scan3A_147 = arith.constant 128 : i32
    %dma_wait3A_148 = arith.constant 0 : i32
    %dma_wait3A_149 = tpu.memref_slice %arg2[%dma_wait3A_148] : memref<32768xi32, #tpu.memory_space<hbm>> -> memref<4096xi32, #tpu.memory_space<hbm>>
    %dma_wait3A_150 = arith.constant 0 : i32
    %dma_wait3A_151 = tpu.memref_slice %arg2[%dma_wait3A_150] : memref<32768xi32, #tpu.memory_space<hbm>> -> memref<4096xi32, #tpu.memory_space<hbm>>
    tpu.wait_dma2 semaphore(%arg31 : memref<!tpu.dma_semaphore, #tpu.memory_space<semaphore_mem>>) src(%dma_wait3A_151 : memref<4096xi32, #tpu.memory_space<hbm>>) dst(%arg11 : memref<4096xi32, #tpu.memory_space<vmem>>)
    %dma_start3A_152 = arith.constant 20480 : i32
    %dma_start3A_153 = tpu.memref_slice %arg2[%dma_start3A_152] : memref<32768xi32, #tpu.memory_space<hbm>> -> memref<4096xi32, #tpu.memory_space<hbm>>
    %dma_start3A_154 = arith.constant 20480 : i32
    %dma_start3A_155 = tpu.memref_slice %arg2[%dma_start3A_154] : memref<32768xi32, #tpu.memory_space<hbm>> -> memref<4096xi32, #tpu.memory_space<hbm>>
    tpu.enqueue_dma source(%dma_start3A_155 : memref<4096xi32, #tpu.memory_space<hbm>>) target(%arg12 : memref<4096xi32, #tpu.memory_space<vmem>>) target_semaphore(%arg31 : memref<!tpu.dma_semaphore, #tpu.memory_space<semaphore_mem>>)
    %scan3A_156 = arith.constant 0 : i32
    %scan3A_157 = arith.constant 128 : i32
    %scan3A_158 = arith.addi %scan3A_156, %scan3A_157 : i32
    %scan3A_159 = arith.constant 4 : i32
    %scan3A_160 = scf.for %scan3A_252 = %scan3A_156 to %scan3A_158 step %scan3A_159 iter_args(%scan3A_253 = %scan3A_146) -> (i32)  : i32 {
      %mul3A_254 = arith.constant 16 : i32
      %mul3A_255 = arith.muli %scan3A_252, %mul3A_254 : i32
      %add3A_256 = vector.broadcast %mul3A_255 : i32 to vector<16xi32>
      %add3A_257 = arith.addi %iota3A, %add3A_256 : vector<16xi32>
      %mul3A_258 = arith.constant 2 : i32
      %mul3A_259 = vector.broadcast %mul3A_258 : i32 to vector<16xi32>
      %mul3A_260 = arith.muli %mul3A_259, %add3A_257 : vector<16xi32>
      %add3A_261 = vector.broadcast %arg0 : i32 to vector<16xi32>
      %add3A_262 = arith.addi %mul3A_260, %add3A_261 : vector<16xi32>
      %gather3A = tpu.vector_load_idx %arg11[%add3A_262] : memref<4096xi32, #tpu.memory_space<vmem>>[vector<16xi32>], vector<16xi32>,
      %shift_right_logical3A = arith.constant 7 : i32
      %shift_right_logical3A_263 = vector.broadcast %shift_right_logical3A : i32 to vector<16xi32>
      %shift_right_logical3A_264 = arith.shrui %gather3A, %shift_right_logical3A_263 : vector<16xi32>
      %ge3A = vector.broadcast %mul3A_2 : i32 to vector<16xi32>
      %ge3A_265 = arith.cmpi sge, %shift_right_logical3A_264, %ge3A : vector<16xi32>
      %add3A_266 = arith.constant 489 : i32
      %add3A_267 = arith.addi %mul3A_2, %add3A_266 : i32
      %lt3A_268 = vector.broadcast %add3A_267 : i32 to vector<16xi32>
      %lt3A_269 = arith.cmpi slt, %shift_right_logical3A_264, %lt3A_268 : vector<16xi32>
      %and3A_270 = arith.andi %ge3A_265, %lt3A_269 : vector<16xi1>
      %convert_element_type3A_271 = arith.extui %and3A_270 : vector<16xi1> to vector<16xi32>
      %broadcast_in_dim3A = arith.constant true
      %broadcast_in_dim3A_272 = vector.broadcast %broadcast_in_dim3A : i1 to vector<16xi1>
      %masked_cumsum3A = tpu.scan <sum>, %convert_element_type3A_271 masked %broadcast_in_dim3A_272 : vector<16xi32>, vector<16xi1> -> vector<16xi32>
      %add3A_273 = vector.broadcast %scan3A_253 : i32 to vector<16xi32>
      %add3A_274 = arith.addi %add3A_273, %masked_cumsum3A : vector<16xi32>
      %sub3A_275 = arith.constant 1 : i32
      %sub3A_276 = vector.broadcast %sub3A_275 : i32 to vector<16xi32>
      %sub3A_277 = arith.subi %add3A_274, %sub3A_276 : vector<16xi32>
      %min3A_278 = arith.constant 1535 : i32
      %min3A_279 = vector.broadcast %min3A_278 : i32 to vector<16xi32>
      %min3A_280 = arith.minsi %sub3A_277, %min3A_279 : vector<16xi32>
      %mul3A_281 = arith.constant 16 : i32
      %mul3A_282 = arith.muli %scan3A_252, %mul3A_281 : i32
      %add3A_283 = arith.constant 8192 : i32
      %add3A_284 = arith.addi %add3A_283, %mul3A_282 : i32
      %add3A_285 = vector.broadcast %add3A_284 : i32 to vector<16xi32>
      %add3A_286 = arith.addi %add3A_285, %iota3A : vector<16xi32>
      tpu.vector_store_idx %arg13[%min3A_280], %add3A_286 masked %and3A_270 : memref<1536xi32, #tpu.memory_space<vmem>>[vector<16xi32>], vector<16xi32>, vector<16xi1>
      tpu.vector_store_idx %arg14[%min3A_280], %gather3A masked %and3A_270 : memref<1536xi32, #tpu.memory_space<vmem>>[vector<16xi32>], vector<16xi32>, vector<16xi1>
      %all_reduce_population_count3A = tpu.all_reduce %and3A_270 {dim = 0 : i64, kind = #tpu.reduction_kind<sum>} : vector<16xi1> -> vector<16xi32>
      %slice3A = vector.extract_strided_slice %all_reduce_population_count3A {offsets = [0], sizes = [1], strides = [1]} : vector<16xi32> to vector<1xi32>
      %squeeze3A = vector.extract %slice3A[0] : i32 from vector<1xi32>
      %add3A_287 = arith.addi %scan3A_253, %squeeze3A : i32
      %scan3A_288 = arith.constant 1 : i32
      %scan3A_289 = arith.addi %scan3A_252, %scan3A_288 : i32
      %mul3A_290 = arith.constant 16 : i32
      %mul3A_291 = arith.muli %scan3A_289, %mul3A_290 : i32
      %add3A_292 = vector.broadcast %mul3A_291 : i32 to vector<16xi32>
      %add3A_293 = arith.addi %iota3A, %add3A_292 : vector<16xi32>
      %mul3A_294 = arith.constant 2 : i32
      %mul3A_295 = vector.broadcast %mul3A_294 : i32 to vector<16xi32>
      %mul3A_296 = arith.muli %mul3A_295, %add3A_293 : vector<16xi32>
      %add3A_297 = vector.broadcast %arg0 : i32 to vector<16xi32>
      %add3A_298 = arith.addi %mul3A_296, %add3A_297 : vector<16xi32>
      %gather3A_299 = tpu.vector_load_idx %arg11[%add3A_298] : memref<4096xi32, #tpu.memory_space<vmem>>[vector<16xi32>], vector<16xi32>,
      %shift_right_logical3A_300 = arith.constant 7 : i32
      %shift_right_logical3A_301 = vector.broadcast %shift_right_logical3A_300 : i32 to vector<16xi32>
      %shift_right_logical3A_302 = arith.shrui %gather3A_299, %shift_right_logical3A_301 : vector<16xi32>
      %ge3A_303 = vector.broadcast %mul3A_2 : i32 to vector<16xi32>
      %ge3A_304 = arith.cmpi sge, %shift_right_logical3A_302, %ge3A_303 : vector<16xi32>
      %add3A_305 = arith.constant 489 : i32
      %add3A_306 = arith.addi %mul3A_2, %add3A_305 : i32
      %lt3A_307 = vector.broadcast %add3A_306 : i32 to vector<16xi32>
      %lt3A_308 = arith.cmpi slt, %shift_right_logical3A_302, %lt3A_307 : vector<16xi32>
      %and3A_309 = arith.andi %ge3A_304, %lt3A_308 : vector<16xi1>
      %convert_element_type3A_310 = arith.extui %and3A_309 : vector<16xi1> to vector<16xi32>
      %broadcast_in_dim3A_311 = arith.constant true
      %broadcast_in_dim3A_312 = vector.broadcast %broadcast_in_dim3A_311 : i1 to vector<16xi1>
      %masked_cumsum3A_313 = tpu.scan <sum>, %convert_element_type3A_310 masked %broadcast_in_dim3A_312 : vector<16xi32>, vector<16xi1> -> vector<16xi32>
      %add3A_314 = vector.broadcast %add3A_287 : i32 to vector<16xi32>
      %add3A_315 = arith.addi %add3A_314, %masked_cumsum3A_313 : vector<16xi32>
      %sub3A_316 = arith.constant 1 : i32
      %sub3A_317 = vector.broadcast %sub3A_316 : i32 to vector<16xi32>
      %sub3A_318 = arith.subi %add3A_315, %sub3A_317 : vector<16xi32>
      %min3A_319 = arith.constant 1535 : i32
      %min3A_320 = vector.broadcast %min3A_319 : i32 to vector<16xi32>
      %min3A_321 = arith.minsi %sub3A_318, %min3A_320 : vector<16xi32>
      %mul3A_322 = arith.constant 16 : i32
      %mul3A_323 = arith.muli %scan3A_289, %mul3A_322 : i32
      %add3A_324 = arith.constant 8192 : i32
      %add3A_325 = arith.addi %add3A_324, %mul3A_323 : i32
      %add3A_326 = vector.broadcast %add3A_325 : i32 to vector<16xi32>
      %add3A_327 = arith.addi %add3A_326, %iota3A : vector<16xi32>
      tpu.vector_store_idx %arg13[%min3A_321], %add3A_327 masked %and3A_309 : memref<1536xi32, #tpu.memory_space<vmem>>[vector<16xi32>], vector<16xi32>, vector<16xi1>
      tpu.vector_store_idx %arg14[%min3A_321], %gather3A_299 masked %and3A_309 : memref<1536xi32, #tpu.memory_space<vmem>>[vector<16xi32>], vector<16xi32>, vector<16xi1>
      %all_reduce_population_count3A_328 = tpu.all_reduce %and3A_309 {dim = 0 : i64, kind = #tpu.reduction_kind<sum>} : vector<16xi1> -> vector<16xi32>
      %slice3A_329 = vector.extract_strided_slice %all_reduce_population_count3A_328 {offsets = [0], sizes = [1], strides = [1]} : vector<16xi32> to vector<1xi32>
      %squeeze3A_330 = vector.extract %slice3A_329[0] : i32 from vector<1xi32>
      %add3A_331 = arith.addi %add3A_287, %squeeze3A_330 : i32
      %scan3A_332 = arith.constant 2 : i32
      %scan3A_333 = arith.addi %scan3A_252, %scan3A_332 : i32
      %mul3A_334 = arith.constant 16 : i32
      %mul3A_335 = arith.muli %scan3A_333, %mul3A_334 : i32
      %add3A_336 = vector.broadcast %mul3A_335 : i32 to vector<16xi32>
      %add3A_337 = arith.addi %iota3A, %add3A_336 : vector<16xi32>
      %mul3A_338 = arith.constant 2 : i32
      %mul3A_339 = vector.broadcast %mul3A_338 : i32 to vector<16xi32>
      %mul3A_340 = arith.muli %mul3A_339, %add3A_337 : vector<16xi32>
      %add3A_341 = vector.broadcast %arg0 : i32 to vector<16xi32>
      %add3A_342 = arith.addi %mul3A_340, %add3A_341 : vector<16xi32>
      %gather3A_343 = tpu.vector_load_idx %arg11[%add3A_342] : memref<4096xi32, #tpu.memory_space<vmem>>[vector<16xi32>], vector<16xi32>,
      %shift_right_logical3A_344 = arith.constant 7 : i32
      %shift_right_logical3A_345 = vector.broadcast %shift_right_logical3A_344 : i32 to vector<16xi32>
      %shift_right_logical3A_346 = arith.shrui %gather3A_343, %shift_right_logical3A_345 : vector<16xi32>
      %ge3A_347 = vector.broadcast %mul3A_2 : i32 to vector<16xi32>
      %ge3A_348 = arith.cmpi sge, %shift_right_logical3A_346, %ge3A_347 : vector<16xi32>
      %add3A_349 = arith.constant 489 : i32
      %add3A_350 = arith.addi %mul3A_2, %add3A_349 : i32
      %lt3A_351 = vector.broadcast %add3A_350 : i32 to vector<16xi32>
      %lt3A_352 = arith.cmpi slt, %shift_right_logical3A_346, %lt3A_351 : vector<16xi32>
      %and3A_353 = arith.andi %ge3A_348, %lt3A_352 : vector<16xi1>
      %convert_element_type3A_354 = arith.extui %and3A_353 : vector<16xi1> to vector<16xi32>
      %broadcast_in_dim3A_355 = arith.constant true
      %broadcast_in_dim3A_356 = vector.broadcast %broadcast_in_dim3A_355 : i1 to vector<16xi1>
      %masked_cumsum3A_357 = tpu.scan <sum>, %convert_element_type3A_354 masked %broadcast_in_dim3A_356 : vector<16xi32>, vector<16xi1> -> vector<16xi32>
      %add3A_358 = vector.broadcast %add3A_331 : i32 to vector<16xi32>
      %add3A_359 = arith.addi %add3A_358, %masked_cumsum3A_357 : vector<16xi32>
      %sub3A_360 = arith.constant 1 : i32
      %sub3A_361 = vector.broadcast %sub3A_360 : i32 to vector<16xi32>
      %sub3A_362 = arith.subi %add3A_359, %sub3A_361 : vector<16xi32>
      %min3A_363 = arith.constant 1535 : i32
      %min3A_364 = vector.broadcast %min3A_363 : i32 to vector<16xi32>
      %min3A_365 = arith.minsi %sub3A_362, %min3A_364 : vector<16xi32>
      %mul3A_366 = arith.constant 16 : i32
      %mul3A_367 = arith.muli %scan3A_333, %mul3A_366 : i32
      %add3A_368 = arith.constant 8192 : i32
      %add3A_369 = arith.addi %add3A_368, %mul3A_367 : i32
      %add3A_370 = vector.broadcast %add3A_369 : i32 to vector<16xi32>
      %add3A_371 = arith.addi %add3A_370, %iota3A : vector<16xi32>
      tpu.vector_store_idx %arg13[%min3A_365], %add3A_371 masked %and3A_353 : memref<1536xi32, #tpu.memory_space<vmem>>[vector<16xi32>], vector<16xi32>, vector<16xi1>
      tpu.vector_store_idx %arg14[%min3A_365], %gather3A_343 masked %and3A_353 : memref<1536xi32, #tpu.memory_space<vmem>>[vector<16xi32>], vector<16xi32>, vector<16xi1>
      %all_reduce_population_count3A_372 = tpu.all_reduce %and3A_353 {dim = 0 : i64, kind = #tpu.reduction_kind<sum>} : vector<16xi1> -> vector<16xi32>
      %slice3A_373 = vector.extract_strided_slice %all_reduce_population_count3A_372 {offsets = [0], sizes = [1], strides = [1]} : vector<16xi32> to vector<1xi32>
      %squeeze3A_374 = vector.extract %slice3A_373[0] : i32 from vector<1xi32>
      %add3A_375 = arith.addi %add3A_331, %squeeze3A_374 : i32
      %scan3A_376 = arith.constant 3 : i32
      %scan3A_377 = arith.addi %scan3A_252, %scan3A_376 : i32
      %mul3A_378 = arith.constant 16 : i32
      %mul3A_379 = arith.muli %scan3A_377, %mul3A_378 : i32
      %add3A_380 = vector.broadcast %mul3A_379 : i32 to vector<16xi32>
      %add3A_381 = arith.addi %iota3A, %add3A_380 : vector<16xi32>
      %mul3A_382 = arith.constant 2 : i32
      %mul3A_383 = vector.broadcast %mul3A_382 : i32 to vector<16xi32>
      %mul3A_384 = arith.muli %mul3A_383, %add3A_381 : vector<16xi32>
      %add3A_385 = vector.broadcast %arg0 : i32 to vector<16xi32>
      %add3A_386 = arith.addi %mul3A_384, %add3A_385 : vector<16xi32>
      %gather3A_387 = tpu.vector_load_idx %arg11[%add3A_386] : memref<4096xi32, #tpu.memory_space<vmem>>[vector<16xi32>], vector<16xi32>,
      %shift_right_logical3A_388 = arith.constant 7 : i32
      %shift_right_logical3A_389 = vector.broadcast %shift_right_logical3A_388 : i32 to vector<16xi32>
      %shift_right_logical3A_390 = arith.shrui %gather3A_387, %shift_right_logical3A_389 : vector<16xi32>
      %ge3A_391 = vector.broadcast %mul3A_2 : i32 to vector<16xi32>
      %ge3A_392 = arith.cmpi sge, %shift_right_logical3A_390, %ge3A_391 : vector<16xi32>
      %add3A_393 = arith.constant 489 : i32
      %add3A_394 = arith.addi %mul3A_2, %add3A_393 : i32
      %lt3A_395 = vector.broadcast %add3A_394 : i32 to vector<16xi32>
      %lt3A_396 = arith.cmpi slt, %shift_right_logical3A_390, %lt3A_395 : vector<16xi32>
      %and3A_397 = arith.andi %ge3A_392, %lt3A_396 : vector<16xi1>
      %convert_element_type3A_398 = arith.extui %and3A_397 : vector<16xi1> to vector<16xi32>
      %broadcast_in_dim3A_399 = arith.constant true
      %broadcast_in_dim3A_400 = vector.broadcast %broadcast_in_dim3A_399 : i1 to vector<16xi1>
      %masked_cumsum3A_401 = tpu.scan <sum>, %convert_element_type3A_398 masked %broadcast_in_dim3A_400 : vector<16xi32>, vector<16xi1> -> vector<16xi32>
      %add3A_402 = vector.broadcast %add3A_375 : i32 to vector<16xi32>
      %add3A_403 = arith.addi %add3A_402, %masked_cumsum3A_401 : vector<16xi32>
      %sub3A_404 = arith.constant 1 : i32
      %sub3A_405 = vector.broadcast %sub3A_404 : i32 to vector<16xi32>
      %sub3A_406 = arith.subi %add3A_403, %sub3A_405 : vector<16xi32>
      %min3A_407 = arith.constant 1535 : i32
      %min3A_408 = vector.broadcast %min3A_407 : i32 to vector<16xi32>
      %min3A_409 = arith.minsi %sub3A_406, %min3A_408 : vector<16xi32>
      %mul3A_410 = arith.constant 16 : i32
      %mul3A_411 = arith.muli %scan3A_377, %mul3A_410 : i32
      %add3A_412 = arith.constant 8192 : i32
      %add3A_413 = arith.addi %add3A_412, %mul3A_411 : i32
      %add3A_414 = vector.broadcast %add3A_413 : i32 to vector<16xi32>
      %add3A_415 = arith.addi %add3A_414, %iota3A : vector<16xi32>
      tpu.vector_store_idx %arg13[%min3A_409], %add3A_415 masked %and3A_397 : memref<1536xi32, #tpu.memory_space<vmem>>[vector<16xi32>], vector<16xi32>, vector<16xi1>
      tpu.vector_store_idx %arg14[%min3A_409], %gather3A_387 masked %and3A_397 : memref<1536xi32, #tpu.memory_space<vmem>>[vector<16xi32>], vector<16xi32>, vector<16xi1>
      %all_reduce_population_count3A_416 = tpu.all_reduce %and3A_397 {dim = 0 : i64, kind = #tpu.reduction_kind<sum>} : vector<16xi1> -> vector<16xi32>
      %slice3A_417 = vector.extract_strided_slice %all_reduce_population_count3A_416 {offsets = [0], sizes = [1], strides = [1]} : vector<16xi32> to vector<1xi32>
      %squeeze3A_418 = vector.extract %slice3A_417[0] : i32 from vector<1xi32>
      %add3A_419 = arith.addi %add3A_375, %squeeze3A_418 : i32
      scf.yield %add3A_419 : i32
    }
    %scan3A_161 = arith.constant 128 : i32
    %dma_wait3A_162 = arith.constant 0 : i32
    %dma_wait3A_163 = tpu.memref_slice %arg2[%dma_wait3A_162] : memref<32768xi32, #tpu.memory_space<hbm>> -> memref<4096xi32, #tpu.memory_space<hbm>>
    %dma_wait3A_164 = arith.constant 0 : i32
    %dma_wait3A_165 = tpu.memref_slice %arg2[%dma_wait3A_164] : memref<32768xi32, #tpu.memory_space<hbm>> -> memref<4096xi32, #tpu.memory_space<hbm>>
    tpu.wait_dma2 semaphore(%arg31 : memref<!tpu.dma_semaphore, #tpu.memory_space<semaphore_mem>>) src(%dma_wait3A_165 : memref<4096xi32, #tpu.memory_space<hbm>>) dst(%arg12 : memref<4096xi32, #tpu.memory_space<vmem>>)
    %dma_start3A_166 = arith.constant 24576 : i32
    %dma_start3A_167 = tpu.memref_slice %arg2[%dma_start3A_166] : memref<32768xi32, #tpu.memory_space<hbm>> -> memref<4096xi32, #tpu.memory_space<hbm>>
    %dma_start3A_168 = arith.constant 24576 : i32
    %dma_start3A_169 = tpu.memref_slice %arg2[%dma_start3A_168] : memref<32768xi32, #tpu.memory_space<hbm>> -> memref<4096xi32, #tpu.memory_space<hbm>>
    tpu.enqueue_dma source(%dma_start3A_169 : memref<4096xi32, #tpu.memory_space<hbm>>) target(%arg11 : memref<4096xi32, #tpu.memory_space<vmem>>) target_semaphore(%arg31 : memref<!tpu.dma_semaphore, #tpu.memory_space<semaphore_mem>>)
    %scan3A_170 = arith.constant 0 : i32
    %scan3A_171 = arith.constant 128 : i32
    %scan3A_172 = arith.addi %scan3A_170, %scan3A_171 : i32
    %scan3A_173 = arith.constant 4 : i32
    %scan3A_174 = scf.for %scan3A_252 = %scan3A_170 to %scan3A_172 step %scan3A_173 iter_args(%scan3A_253 = %scan3A_160) -> (i32)  : i32 {
      %mul3A_254 = arith.constant 16 : i32
      %mul3A_255 = arith.muli %scan3A_252, %mul3A_254 : i32
      %add3A_256 = vector.broadcast %mul3A_255 : i32 to vector<16xi32>
      %add3A_257 = arith.addi %iota3A, %add3A_256 : vector<16xi32>
      %mul3A_258 = arith.constant 2 : i32
      %mul3A_259 = vector.broadcast %mul3A_258 : i32 to vector<16xi32>
      %mul3A_260 = arith.muli %mul3A_259, %add3A_257 : vector<16xi32>
      %add3A_261 = vector.broadcast %arg0 : i32 to vector<16xi32>
      %add3A_262 = arith.addi %mul3A_260, %add3A_261 : vector<16xi32>
      %gather3A = tpu.vector_load_idx %arg12[%add3A_262] : memref<4096xi32, #tpu.memory_space<vmem>>[vector<16xi32>], vector<16xi32>,
      %shift_right_logical3A = arith.constant 7 : i32
      %shift_right_logical3A_263 = vector.broadcast %shift_right_logical3A : i32 to vector<16xi32>
      %shift_right_logical3A_264 = arith.shrui %gather3A, %shift_right_logical3A_263 : vector<16xi32>
      %ge3A = vector.broadcast %mul3A_2 : i32 to vector<16xi32>
      %ge3A_265 = arith.cmpi sge, %shift_right_logical3A_264, %ge3A : vector<16xi32>
      %add3A_266 = arith.constant 489 : i32
      %add3A_267 = arith.addi %mul3A_2, %add3A_266 : i32
      %lt3A_268 = vector.broadcast %add3A_267 : i32 to vector<16xi32>
      %lt3A_269 = arith.cmpi slt, %shift_right_logical3A_264, %lt3A_268 : vector<16xi32>
      %and3A_270 = arith.andi %ge3A_265, %lt3A_269 : vector<16xi1>
      %convert_element_type3A_271 = arith.extui %and3A_270 : vector<16xi1> to vector<16xi32>
      %broadcast_in_dim3A = arith.constant true
      %broadcast_in_dim3A_272 = vector.broadcast %broadcast_in_dim3A : i1 to vector<16xi1>
      %masked_cumsum3A = tpu.scan <sum>, %convert_element_type3A_271 masked %broadcast_in_dim3A_272 : vector<16xi32>, vector<16xi1> -> vector<16xi32>
      %add3A_273 = vector.broadcast %scan3A_253 : i32 to vector<16xi32>
      %add3A_274 = arith.addi %add3A_273, %masked_cumsum3A : vector<16xi32>
      %sub3A_275 = arith.constant 1 : i32
      %sub3A_276 = vector.broadcast %sub3A_275 : i32 to vector<16xi32>
      %sub3A_277 = arith.subi %add3A_274, %sub3A_276 : vector<16xi32>
      %min3A_278 = arith.constant 1535 : i32
      %min3A_279 = vector.broadcast %min3A_278 : i32 to vector<16xi32>
      %min3A_280 = arith.minsi %sub3A_277, %min3A_279 : vector<16xi32>
      %mul3A_281 = arith.constant 16 : i32
      %mul3A_282 = arith.muli %scan3A_252, %mul3A_281 : i32
      %add3A_283 = arith.constant 10240 : i32
      %add3A_284 = arith.addi %add3A_283, %mul3A_282 : i32
      %add3A_285 = vector.broadcast %add3A_284 : i32 to vector<16xi32>
      %add3A_286 = arith.addi %add3A_285, %iota3A : vector<16xi32>
      tpu.vector_store_idx %arg13[%min3A_280], %add3A_286 masked %and3A_270 : memref<1536xi32, #tpu.memory_space<vmem>>[vector<16xi32>], vector<16xi32>, vector<16xi1>
      tpu.vector_store_idx %arg14[%min3A_280], %gather3A masked %and3A_270 : memref<1536xi32, #tpu.memory_space<vmem>>[vector<16xi32>], vector<16xi32>, vector<16xi1>
      %all_reduce_population_count3A = tpu.all_reduce %and3A_270 {dim = 0 : i64, kind = #tpu.reduction_kind<sum>} : vector<16xi1> -> vector<16xi32>
      %slice3A = vector.extract_strided_slice %all_reduce_population_count3A {offsets = [0], sizes = [1], strides = [1]} : vector<16xi32> to vector<1xi32>
      %squeeze3A = vector.extract %slice3A[0] : i32 from vector<1xi32>
      %add3A_287 = arith.addi %scan3A_253, %squeeze3A : i32
      %scan3A_288 = arith.constant 1 : i32
      %scan3A_289 = arith.addi %scan3A_252, %scan3A_288 : i32
      %mul3A_290 = arith.constant 16 : i32
      %mul3A_291 = arith.muli %scan3A_289, %mul3A_290 : i32
      %add3A_292 = vector.broadcast %mul3A_291 : i32 to vector<16xi32>
      %add3A_293 = arith.addi %iota3A, %add3A_292 : vector<16xi32>
      %mul3A_294 = arith.constant 2 : i32
      %mul3A_295 = vector.broadcast %mul3A_294 : i32 to vector<16xi32>
      %mul3A_296 = arith.muli %mul3A_295, %add3A_293 : vector<16xi32>
      %add3A_297 = vector.broadcast %arg0 : i32 to vector<16xi32>
      %add3A_298 = arith.addi %mul3A_296, %add3A_297 : vector<16xi32>
      %gather3A_299 = tpu.vector_load_idx %arg12[%add3A_298] : memref<4096xi32, #tpu.memory_space<vmem>>[vector<16xi32>], vector<16xi32>,
      %shift_right_logical3A_300 = arith.constant 7 : i32
      %shift_right_logical3A_301 = vector.broadcast %shift_right_logical3A_300 : i32 to vector<16xi32>
      %shift_right_logical3A_302 = arith.shrui %gather3A_299, %shift_right_logical3A_301 : vector<16xi32>
      %ge3A_303 = vector.broadcast %mul3A_2 : i32 to vector<16xi32>
      %ge3A_304 = arith.cmpi sge, %shift_right_logical3A_302, %ge3A_303 : vector<16xi32>
      %add3A_305 = arith.constant 489 : i32
      %add3A_306 = arith.addi %mul3A_2, %add3A_305 : i32
      %lt3A_307 = vector.broadcast %add3A_306 : i32 to vector<16xi32>
      %lt3A_308 = arith.cmpi slt, %shift_right_logical3A_302, %lt3A_307 : vector<16xi32>
      %and3A_309 = arith.andi %ge3A_304, %lt3A_308 : vector<16xi1>
      %convert_element_type3A_310 = arith.extui %and3A_309 : vector<16xi1> to vector<16xi32>
      %broadcast_in_dim3A_311 = arith.constant true
      %broadcast_in_dim3A_312 = vector.broadcast %broadcast_in_dim3A_311 : i1 to vector<16xi1>
      %masked_cumsum3A_313 = tpu.scan <sum>, %convert_element_type3A_310 masked %broadcast_in_dim3A_312 : vector<16xi32>, vector<16xi1> -> vector<16xi32>
      %add3A_314 = vector.broadcast %add3A_287 : i32 to vector<16xi32>
      %add3A_315 = arith.addi %add3A_314, %masked_cumsum3A_313 : vector<16xi32>
      %sub3A_316 = arith.constant 1 : i32
      %sub3A_317 = vector.broadcast %sub3A_316 : i32 to vector<16xi32>
      %sub3A_318 = arith.subi %add3A_315, %sub3A_317 : vector<16xi32>
      %min3A_319 = arith.constant 1535 : i32
      %min3A_320 = vector.broadcast %min3A_319 : i32 to vector<16xi32>
      %min3A_321 = arith.minsi %sub3A_318, %min3A_320 : vector<16xi32>
      %mul3A_322 = arith.constant 16 : i32
      %mul3A_323 = arith.muli %scan3A_289, %mul3A_322 : i32
      %add3A_324 = arith.constant 10240 : i32
      %add3A_325 = arith.addi %add3A_324, %mul3A_323 : i32
      %add3A_326 = vector.broadcast %add3A_325 : i32 to vector<16xi32>
      %add3A_327 = arith.addi %add3A_326, %iota3A : vector<16xi32>
      tpu.vector_store_idx %arg13[%min3A_321], %add3A_327 masked %and3A_309 : memref<1536xi32, #tpu.memory_space<vmem>>[vector<16xi32>], vector<16xi32>, vector<16xi1>
      tpu.vector_store_idx %arg14[%min3A_321], %gather3A_299 masked %and3A_309 : memref<1536xi32, #tpu.memory_space<vmem>>[vector<16xi32>], vector<16xi32>, vector<16xi1>
      %all_reduce_population_count3A_328 = tpu.all_reduce %and3A_309 {dim = 0 : i64, kind = #tpu.reduction_kind<sum>} : vector<16xi1> -> vector<16xi32>
      %slice3A_329 = vector.extract_strided_slice %all_reduce_population_count3A_328 {offsets = [0], sizes = [1], strides = [1]} : vector<16xi32> to vector<1xi32>
      %squeeze3A_330 = vector.extract %slice3A_329[0] : i32 from vector<1xi32>
      %add3A_331 = arith.addi %add3A_287, %squeeze3A_330 : i32
      %scan3A_332 = arith.constant 2 : i32
      %scan3A_333 = arith.addi %scan3A_252, %scan3A_332 : i32
      %mul3A_334 = arith.constant 16 : i32
      %mul3A_335 = arith.muli %scan3A_333, %mul3A_334 : i32
      %add3A_336 = vector.broadcast %mul3A_335 : i32 to vector<16xi32>
      %add3A_337 = arith.addi %iota3A, %add3A_336 : vector<16xi32>
      %mul3A_338 = arith.constant 2 : i32
      %mul3A_339 = vector.broadcast %mul3A_338 : i32 to vector<16xi32>
      %mul3A_340 = arith.muli %mul3A_339, %add3A_337 : vector<16xi32>
      %add3A_341 = vector.broadcast %arg0 : i32 to vector<16xi32>
      %add3A_342 = arith.addi %mul3A_340, %add3A_341 : vector<16xi32>
      %gather3A_343 = tpu.vector_load_idx %arg12[%add3A_342] : memref<4096xi32, #tpu.memory_space<vmem>>[vector<16xi32>], vector<16xi32>,
      %shift_right_logical3A_344 = arith.constant 7 : i32
      %shift_right_logical3A_345 = vector.broadcast %shift_right_logical3A_344 : i32 to vector<16xi32>
      %shift_right_logical3A_346 = arith.shrui %gather3A_343, %shift_right_logical3A_345 : vector<16xi32>
      %ge3A_347 = vector.broadcast %mul3A_2 : i32 to vector<16xi32>
      %ge3A_348 = arith.cmpi sge, %shift_right_logical3A_346, %ge3A_347 : vector<16xi32>
      %add3A_349 = arith.constant 489 : i32
      %add3A_350 = arith.addi %mul3A_2, %add3A_349 : i32
      %lt3A_351 = vector.broadcast %add3A_350 : i32 to vector<16xi32>
      %lt3A_352 = arith.cmpi slt, %shift_right_logical3A_346, %lt3A_351 : vector<16xi32>
      %and3A_353 = arith.andi %ge3A_348, %lt3A_352 : vector<16xi1>
      %convert_element_type3A_354 = arith.extui %and3A_353 : vector<16xi1> to vector<16xi32>
      %broadcast_in_dim3A_355 = arith.constant true
      %broadcast_in_dim3A_356 = vector.broadcast %broadcast_in_dim3A_355 : i1 to vector<16xi1>
      %masked_cumsum3A_357 = tpu.scan <sum>, %convert_element_type3A_354 masked %broadcast_in_dim3A_356 : vector<16xi32>, vector<16xi1> -> vector<16xi32>
      %add3A_358 = vector.broadcast %add3A_331 : i32 to vector<16xi32>
      %add3A_359 = arith.addi %add3A_358, %masked_cumsum3A_357 : vector<16xi32>
      %sub3A_360 = arith.constant 1 : i32
      %sub3A_361 = vector.broadcast %sub3A_360 : i32 to vector<16xi32>
      %sub3A_362 = arith.subi %add3A_359, %sub3A_361 : vector<16xi32>
      %min3A_363 = arith.constant 1535 : i32
      %min3A_364 = vector.broadcast %min3A_363 : i32 to vector<16xi32>
      %min3A_365 = arith.minsi %sub3A_362, %min3A_364 : vector<16xi32>
      %mul3A_366 = arith.constant 16 : i32
      %mul3A_367 = arith.muli %scan3A_333, %mul3A_366 : i32
      %add3A_368 = arith.constant 10240 : i32
      %add3A_369 = arith.addi %add3A_368, %mul3A_367 : i32
      %add3A_370 = vector.broadcast %add3A_369 : i32 to vector<16xi32>
      %add3A_371 = arith.addi %add3A_370, %iota3A : vector<16xi32>
      tpu.vector_store_idx %arg13[%min3A_365], %add3A_371 masked %and3A_353 : memref<1536xi32, #tpu.memory_space<vmem>>[vector<16xi32>], vector<16xi32>, vector<16xi1>
      tpu.vector_store_idx %arg14[%min3A_365], %gather3A_343 masked %and3A_353 : memref<1536xi32, #tpu.memory_space<vmem>>[vector<16xi32>], vector<16xi32>, vector<16xi1>
      %all_reduce_population_count3A_372 = tpu.all_reduce %and3A_353 {dim = 0 : i64, kind = #tpu.reduction_kind<sum>} : vector<16xi1> -> vector<16xi32>
      %slice3A_373 = vector.extract_strided_slice %all_reduce_population_count3A_372 {offsets = [0], sizes = [1], strides = [1]} : vector<16xi32> to vector<1xi32>
      %squeeze3A_374 = vector.extract %slice3A_373[0] : i32 from vector<1xi32>
      %add3A_375 = arith.addi %add3A_331, %squeeze3A_374 : i32
      %scan3A_376 = arith.constant 3 : i32
      %scan3A_377 = arith.addi %scan3A_252, %scan3A_376 : i32
      %mul3A_378 = arith.constant 16 : i32
      %mul3A_379 = arith.muli %scan3A_377, %mul3A_378 : i32
      %add3A_380 = vector.broadcast %mul3A_379 : i32 to vector<16xi32>
      %add3A_381 = arith.addi %iota3A, %add3A_380 : vector<16xi32>
      %mul3A_382 = arith.constant 2 : i32
      %mul3A_383 = vector.broadcast %mul3A_382 : i32 to vector<16xi32>
      %mul3A_384 = arith.muli %mul3A_383, %add3A_381 : vector<16xi32>
      %add3A_385 = vector.broadcast %arg0 : i32 to vector<16xi32>
      %add3A_386 = arith.addi %mul3A_384, %add3A_385 : vector<16xi32>
      %gather3A_387 = tpu.vector_load_idx %arg12[%add3A_386] : memref<4096xi32, #tpu.memory_space<vmem>>[vector<16xi32>], vector<16xi32>,
      %shift_right_logical3A_388 = arith.constant 7 : i32
      %shift_right_logical3A_389 = vector.broadcast %shift_right_logical3A_388 : i32 to vector<16xi32>
      %shift_right_logical3A_390 = arith.shrui %gather3A_387, %shift_right_logical3A_389 : vector<16xi32>
      %ge3A_391 = vector.broadcast %mul3A_2 : i32 to vector<16xi32>
      %ge3A_392 = arith.cmpi sge, %shift_right_logical3A_390, %ge3A_391 : vector<16xi32>
      %add3A_393 = arith.constant 489 : i32
      %add3A_394 = arith.addi %mul3A_2, %add3A_393 : i32
      %lt3A_395 = vector.broadcast %add3A_394 : i32 to vector<16xi32>
      %lt3A_396 = arith.cmpi slt, %shift_right_logical3A_390, %lt3A_395 : vector<16xi32>
      %and3A_397 = arith.andi %ge3A_392, %lt3A_396 : vector<16xi1>
      %convert_element_type3A_398 = arith.extui %and3A_397 : vector<16xi1> to vector<16xi32>
      %broadcast_in_dim3A_399 = arith.constant true
      %broadcast_in_dim3A_400 = vector.broadcast %broadcast_in_dim3A_399 : i1 to vector<16xi1>
      %masked_cumsum3A_401 = tpu.scan <sum>, %convert_element_type3A_398 masked %broadcast_in_dim3A_400 : vector<16xi32>, vector<16xi1> -> vector<16xi32>
      %add3A_402 = vector.broadcast %add3A_375 : i32 to vector<16xi32>
      %add3A_403 = arith.addi %add3A_402, %masked_cumsum3A_401 : vector<16xi32>
      %sub3A_404 = arith.constant 1 : i32
      %sub3A_405 = vector.broadcast %sub3A_404 : i32 to vector<16xi32>
      %sub3A_406 = arith.subi %add3A_403, %sub3A_405 : vector<16xi32>
      %min3A_407 = arith.constant 1535 : i32
      %min3A_408 = vector.broadcast %min3A_407 : i32 to vector<16xi32>
      %min3A_409 = arith.minsi %sub3A_406, %min3A_408 : vector<16xi32>
      %mul3A_410 = arith.constant 16 : i32
      %mul3A_411 = arith.muli %scan3A_377, %mul3A_410 : i32
      %add3A_412 = arith.constant 10240 : i32
      %add3A_413 = arith.addi %add3A_412, %mul3A_411 : i32
      %add3A_414 = vector.broadcast %add3A_413 : i32 to vector<16xi32>
      %add3A_415 = arith.addi %add3A_414, %iota3A : vector<16xi32>
      tpu.vector_store_idx %arg13[%min3A_409], %add3A_415 masked %and3A_397 : memref<1536xi32, #tpu.memory_space<vmem>>[vector<16xi32>], vector<16xi32>, vector<16xi1>
      tpu.vector_store_idx %arg14[%min3A_409], %gather3A_387 masked %and3A_397 : memref<1536xi32, #tpu.memory_space<vmem>>[vector<16xi32>], vector<16xi32>, vector<16xi1>
      %all_reduce_population_count3A_416 = tpu.all_reduce %and3A_397 {dim = 0 : i64, kind = #tpu.reduction_kind<sum>} : vector<16xi1> -> vector<16xi32>
      %slice3A_417 = vector.extract_strided_slice %all_reduce_population_count3A_416 {offsets = [0], sizes = [1], strides = [1]} : vector<16xi32> to vector<1xi32>
      %squeeze3A_418 = vector.extract %slice3A_417[0] : i32 from vector<1xi32>
      %add3A_419 = arith.addi %add3A_375, %squeeze3A_418 : i32
      scf.yield %add3A_419 : i32
    }
    %scan3A_175 = arith.constant 128 : i32
    %dma_wait3A_176 = arith.constant 0 : i32
    %dma_wait3A_177 = tpu.memref_slice %arg2[%dma_wait3A_176] : memref<32768xi32, #tpu.memory_space<hbm>> -> memref<4096xi32, #tpu.memory_space<hbm>>
    %dma_wait3A_178 = arith.constant 0 : i32
    %dma_wait3A_179 = tpu.memref_slice %arg2[%dma_wait3A_178] : memref<32768xi32, #tpu.memory_space<hbm>> -> memref<4096xi32, #tpu.memory_space<hbm>>
    tpu.wait_dma2 semaphore(%arg31 : memref<!tpu.dma_semaphore, #tpu.memory_space<semaphore_mem>>) src(%dma_wait3A_179 : memref<4096xi32, #tpu.memory_space<hbm>>) dst(%arg11 : memref<4096xi32, #tpu.memory_space<vmem>>)
    %dma_start3A_180 = arith.constant 28672 : i32
    %dma_start3A_181 = tpu.memref_slice %arg2[%dma_start3A_180] : memref<32768xi32, #tpu.memory_space<hbm>> -> memref<4096xi32, #tpu.memory_space<hbm>>
    %dma_start3A_182 = arith.constant 28672 : i32
    %dma_start3A_183 = tpu.memref_slice %arg2[%dma_start3A_182] : memref<32768xi32, #tpu.memory_space<hbm>> -> memref<4096xi32, #tpu.memory_space<hbm>>
    tpu.enqueue_dma source(%dma_start3A_183 : memref<4096xi32, #tpu.memory_space<hbm>>) target(%arg12 : memref<4096xi32, #tpu.memory_space<vmem>>) target_semaphore(%arg31 : memref<!tpu.dma_semaphore, #tpu.memory_space<semaphore_mem>>)
    %scan3A_184 = arith.constant 0 : i32
    %scan3A_185 = arith.constant 128 : i32
    %scan3A_186 = arith.addi %scan3A_184, %scan3A_185 : i32
    %scan3A_187 = arith.constant 4 : i32
    %scan3A_188 = scf.for %scan3A_252 = %scan3A_184 to %scan3A_186 step %scan3A_187 iter_args(%scan3A_253 = %scan3A_174) -> (i32)  : i32 {
      %mul3A_254 = arith.constant 16 : i32
      %mul3A_255 = arith.muli %scan3A_252, %mul3A_254 : i32
      %add3A_256 = vector.broadcast %mul3A_255 : i32 to vector<16xi32>
      %add3A_257 = arith.addi %iota3A, %add3A_256 : vector<16xi32>
      %mul3A_258 = arith.constant 2 : i32
      %mul3A_259 = vector.broadcast %mul3A_258 : i32 to vector<16xi32>
      %mul3A_260 = arith.muli %mul3A_259, %add3A_257 : vector<16xi32>
      %add3A_261 = vector.broadcast %arg0 : i32 to vector<16xi32>
      %add3A_262 = arith.addi %mul3A_260, %add3A_261 : vector<16xi32>
      %gather3A = tpu.vector_load_idx %arg11[%add3A_262] : memref<4096xi32, #tpu.memory_space<vmem>>[vector<16xi32>], vector<16xi32>,
      %shift_right_logical3A = arith.constant 7 : i32
      %shift_right_logical3A_263 = vector.broadcast %shift_right_logical3A : i32 to vector<16xi32>
      %shift_right_logical3A_264 = arith.shrui %gather3A, %shift_right_logical3A_263 : vector<16xi32>
      %ge3A = vector.broadcast %mul3A_2 : i32 to vector<16xi32>
      %ge3A_265 = arith.cmpi sge, %shift_right_logical3A_264, %ge3A : vector<16xi32>
      %add3A_266 = arith.constant 489 : i32
      %add3A_267 = arith.addi %mul3A_2, %add3A_266 : i32
      %lt3A_268 = vector.broadcast %add3A_267 : i32 to vector<16xi32>
      %lt3A_269 = arith.cmpi slt, %shift_right_logical3A_264, %lt3A_268 : vector<16xi32>
      %and3A_270 = arith.andi %ge3A_265, %lt3A_269 : vector<16xi1>
      %convert_element_type3A_271 = arith.extui %and3A_270 : vector<16xi1> to vector<16xi32>
      %broadcast_in_dim3A = arith.constant true
      %broadcast_in_dim3A_272 = vector.broadcast %broadcast_in_dim3A : i1 to vector<16xi1>
      %masked_cumsum3A = tpu.scan <sum>, %convert_element_type3A_271 masked %broadcast_in_dim3A_272 : vector<16xi32>, vector<16xi1> -> vector<16xi32>
      %add3A_273 = vector.broadcast %scan3A_253 : i32 to vector<16xi32>
      %add3A_274 = arith.addi %add3A_273, %masked_cumsum3A : vector<16xi32>
      %sub3A_275 = arith.constant 1 : i32
      %sub3A_276 = vector.broadcast %sub3A_275 : i32 to vector<16xi32>
      %sub3A_277 = arith.subi %add3A_274, %sub3A_276 : vector<16xi32>
      %min3A_278 = arith.constant 1535 : i32
      %min3A_279 = vector.broadcast %min3A_278 : i32 to vector<16xi32>
      %min3A_280 = arith.minsi %sub3A_277, %min3A_279 : vector<16xi32>
      %mul3A_281 = arith.constant 16 : i32
      %mul3A_282 = arith.muli %scan3A_252, %mul3A_281 : i32
      %add3A_283 = arith.constant 12288 : i32
      %add3A_284 = arith.addi %add3A_283, %mul3A_282 : i32
      %add3A_285 = vector.broadcast %add3A_284 : i32 to vector<16xi32>
      %add3A_286 = arith.addi %add3A_285, %iota3A : vector<16xi32>
      tpu.vector_store_idx %arg13[%min3A_280], %add3A_286 masked %and3A_270 : memref<1536xi32, #tpu.memory_space<vmem>>[vector<16xi32>], vector<16xi32>, vector<16xi1>
      tpu.vector_store_idx %arg14[%min3A_280], %gather3A masked %and3A_270 : memref<1536xi32, #tpu.memory_space<vmem>>[vector<16xi32>], vector<16xi32>, vector<16xi1>
      %all_reduce_population_count3A = tpu.all_reduce %and3A_270 {dim = 0 : i64, kind = #tpu.reduction_kind<sum>} : vector<16xi1> -> vector<16xi32>
      %slice3A = vector.extract_strided_slice %all_reduce_population_count3A {offsets = [0], sizes = [1], strides = [1]} : vector<16xi32> to vector<1xi32>
      %squeeze3A = vector.extract %slice3A[0] : i32 from vector<1xi32>
      %add3A_287 = arith.addi %scan3A_253, %squeeze3A : i32
      %scan3A_288 = arith.constant 1 : i32
      %scan3A_289 = arith.addi %scan3A_252, %scan3A_288 : i32
      %mul3A_290 = arith.constant 16 : i32
      %mul3A_291 = arith.muli %scan3A_289, %mul3A_290 : i32
      %add3A_292 = vector.broadcast %mul3A_291 : i32 to vector<16xi32>
      %add3A_293 = arith.addi %iota3A, %add3A_292 : vector<16xi32>
      %mul3A_294 = arith.constant 2 : i32
      %mul3A_295 = vector.broadcast %mul3A_294 : i32 to vector<16xi32>
      %mul3A_296 = arith.muli %mul3A_295, %add3A_293 : vector<16xi32>
      %add3A_297 = vector.broadcast %arg0 : i32 to vector<16xi32>
      %add3A_298 = arith.addi %mul3A_296, %add3A_297 : vector<16xi32>
      %gather3A_299 = tpu.vector_load_idx %arg11[%add3A_298] : memref<4096xi32, #tpu.memory_space<vmem>>[vector<16xi32>], vector<16xi32>,
      %shift_right_logical3A_300 = arith.constant 7 : i32
      %shift_right_logical3A_301 = vector.broadcast %shift_right_logical3A_300 : i32 to vector<16xi32>
      %shift_right_logical3A_302 = arith.shrui %gather3A_299, %shift_right_logical3A_301 : vector<16xi32>
      %ge3A_303 = vector.broadcast %mul3A_2 : i32 to vector<16xi32>
      %ge3A_304 = arith.cmpi sge, %shift_right_logical3A_302, %ge3A_303 : vector<16xi32>
      %add3A_305 = arith.constant 489 : i32
      %add3A_306 = arith.addi %mul3A_2, %add3A_305 : i32
      %lt3A_307 = vector.broadcast %add3A_306 : i32 to vector<16xi32>
      %lt3A_308 = arith.cmpi slt, %shift_right_logical3A_302, %lt3A_307 : vector<16xi32>
      %and3A_309 = arith.andi %ge3A_304, %lt3A_308 : vector<16xi1>
      %convert_element_type3A_310 = arith.extui %and3A_309 : vector<16xi1> to vector<16xi32>
      %broadcast_in_dim3A_311 = arith.constant true
      %broadcast_in_dim3A_312 = vector.broadcast %broadcast_in_dim3A_311 : i1 to vector<16xi1>
      %masked_cumsum3A_313 = tpu.scan <sum>, %convert_element_type3A_310 masked %broadcast_in_dim3A_312 : vector<16xi32>, vector<16xi1> -> vector<16xi32>
      %add3A_314 = vector.broadcast %add3A_287 : i32 to vector<16xi32>
      %add3A_315 = arith.addi %add3A_314, %masked_cumsum3A_313 : vector<16xi32>
      %sub3A_316 = arith.constant 1 : i32
      %sub3A_317 = vector.broadcast %sub3A_316 : i32 to vector<16xi32>
      %sub3A_318 = arith.subi %add3A_315, %sub3A_317 : vector<16xi32>
      %min3A_319 = arith.constant 1535 : i32
      %min3A_320 = vector.broadcast %min3A_319 : i32 to vector<16xi32>
      %min3A_321 = arith.minsi %sub3A_318, %min3A_320 : vector<16xi32>
      %mul3A_322 = arith.constant 16 : i32
      %mul3A_323 = arith.muli %scan3A_289, %mul3A_322 : i32
      %add3A_324 = arith.constant 12288 : i32
      %add3A_325 = arith.addi %add3A_324, %mul3A_323 : i32
      %add3A_326 = vector.broadcast %add3A_325 : i32 to vector<16xi32>
      %add3A_327 = arith.addi %add3A_326, %iota3A : vector<16xi32>
      tpu.vector_store_idx %arg13[%min3A_321], %add3A_327 masked %and3A_309 : memref<1536xi32, #tpu.memory_space<vmem>>[vector<16xi32>], vector<16xi32>, vector<16xi1>
      tpu.vector_store_idx %arg14[%min3A_321], %gather3A_299 masked %and3A_309 : memref<1536xi32, #tpu.memory_space<vmem>>[vector<16xi32>], vector<16xi32>, vector<16xi1>
      %all_reduce_population_count3A_328 = tpu.all_reduce %and3A_309 {dim = 0 : i64, kind = #tpu.reduction_kind<sum>} : vector<16xi1> -> vector<16xi32>
      %slice3A_329 = vector.extract_strided_slice %all_reduce_population_count3A_328 {offsets = [0], sizes = [1], strides = [1]} : vector<16xi32> to vector<1xi32>
      %squeeze3A_330 = vector.extract %slice3A_329[0] : i32 from vector<1xi32>
      %add3A_331 = arith.addi %add3A_287, %squeeze3A_330 : i32
      %scan3A_332 = arith.constant 2 : i32
      %scan3A_333 = arith.addi %scan3A_252, %scan3A_332 : i32
      %mul3A_334 = arith.constant 16 : i32
      %mul3A_335 = arith.muli %scan3A_333, %mul3A_334 : i32
      %add3A_336 = vector.broadcast %mul3A_335 : i32 to vector<16xi32>
      %add3A_337 = arith.addi %iota3A, %add3A_336 : vector<16xi32>
      %mul3A_338 = arith.constant 2 : i32
      %mul3A_339 = vector.broadcast %mul3A_338 : i32 to vector<16xi32>
      %mul3A_340 = arith.muli %mul3A_339, %add3A_337 : vector<16xi32>
      %add3A_341 = vector.broadcast %arg0 : i32 to vector<16xi32>
      %add3A_342 = arith.addi %mul3A_340, %add3A_341 : vector<16xi32>
      %gather3A_343 = tpu.vector_load_idx %arg11[%add3A_342] : memref<4096xi32, #tpu.memory_space<vmem>>[vector<16xi32>], vector<16xi32>,
      %shift_right_logical3A_344 = arith.constant 7 : i32
      %shift_right_logical3A_345 = vector.broadcast %shift_right_logical3A_344 : i32 to vector<16xi32>
      %shift_right_logical3A_346 = arith.shrui %gather3A_343, %shift_right_logical3A_345 : vector<16xi32>
      %ge3A_347 = vector.broadcast %mul3A_2 : i32 to vector<16xi32>
      %ge3A_348 = arith.cmpi sge, %shift_right_logical3A_346, %ge3A_347 : vector<16xi32>
      %add3A_349 = arith.constant 489 : i32
      %add3A_350 = arith.addi %mul3A_2, %add3A_349 : i32
      %lt3A_351 = vector.broadcast %add3A_350 : i32 to vector<16xi32>
      %lt3A_352 = arith.cmpi slt, %shift_right_logical3A_346, %lt3A_351 : vector<16xi32>
      %and3A_353 = arith.andi %ge3A_348, %lt3A_352 : vector<16xi1>
      %convert_element_type3A_354 = arith.extui %and3A_353 : vector<16xi1> to vector<16xi32>
      %broadcast_in_dim3A_355 = arith.constant true
      %broadcast_in_dim3A_356 = vector.broadcast %broadcast_in_dim3A_355 : i1 to vector<16xi1>
      %masked_cumsum3A_357 = tpu.scan <sum>, %convert_element_type3A_354 masked %broadcast_in_dim3A_356 : vector<16xi32>, vector<16xi1> -> vector<16xi32>
      %add3A_358 = vector.broadcast %add3A_331 : i32 to vector<16xi32>
      %add3A_359 = arith.addi %add3A_358, %masked_cumsum3A_357 : vector<16xi32>
      %sub3A_360 = arith.constant 1 : i32
      %sub3A_361 = vector.broadcast %sub3A_360 : i32 to vector<16xi32>
      %sub3A_362 = arith.subi %add3A_359, %sub3A_361 : vector<16xi32>
      %min3A_363 = arith.constant 1535 : i32
      %min3A_364 = vector.broadcast %min3A_363 : i32 to vector<16xi32>
      %min3A_365 = arith.minsi %sub3A_362, %min3A_364 : vector<16xi32>
      %mul3A_366 = arith.constant 16 : i32
      %mul3A_367 = arith.muli %scan3A_333, %mul3A_366 : i32
      %add3A_368 = arith.constant 12288 : i32
      %add3A_369 = arith.addi %add3A_368, %mul3A_367 : i32
      %add3A_370 = vector.broadcast %add3A_369 : i32 to vector<16xi32>
      %add3A_371 = arith.addi %add3A_370, %iota3A : vector<16xi32>
      tpu.vector_store_idx %arg13[%min3A_365], %add3A_371 masked %and3A_353 : memref<1536xi32, #tpu.memory_space<vmem>>[vector<16xi32>], vector<16xi32>, vector<16xi1>
      tpu.vector_store_idx %arg14[%min3A_365], %gather3A_343 masked %and3A_353 : memref<1536xi32, #tpu.memory_space<vmem>>[vector<16xi32>], vector<16xi32>, vector<16xi1>
      %all_reduce_population_count3A_372 = tpu.all_reduce %and3A_353 {dim = 0 : i64, kind = #tpu.reduction_kind<sum>} : vector<16xi1> -> vector<16xi32>
      %slice3A_373 = vector.extract_strided_slice %all_reduce_population_count3A_372 {offsets = [0], sizes = [1], strides = [1]} : vector<16xi32> to vector<1xi32>
      %squeeze3A_374 = vector.extract %slice3A_373[0] : i32 from vector<1xi32>
      %add3A_375 = arith.addi %add3A_331, %squeeze3A_374 : i32
      %scan3A_376 = arith.constant 3 : i32
      %scan3A_377 = arith.addi %scan3A_252, %scan3A_376 : i32
      %mul3A_378 = arith.constant 16 : i32
      %mul3A_379 = arith.muli %scan3A_377, %mul3A_378 : i32
      %add3A_380 = vector.broadcast %mul3A_379 : i32 to vector<16xi32>
      %add3A_381 = arith.addi %iota3A, %add3A_380 : vector<16xi32>
      %mul3A_382 = arith.constant 2 : i32
      %mul3A_383 = vector.broadcast %mul3A_382 : i32 to vector<16xi32>
      %mul3A_384 = arith.muli %mul3A_383, %add3A_381 : vector<16xi32>
      %add3A_385 = vector.broadcast %arg0 : i32 to vector<16xi32>
      %add3A_386 = arith.addi %mul3A_384, %add3A_385 : vector<16xi32>
      %gather3A_387 = tpu.vector_load_idx %arg11[%add3A_386] : memref<4096xi32, #tpu.memory_space<vmem>>[vector<16xi32>], vector<16xi32>,
      %shift_right_logical3A_388 = arith.constant 7 : i32
      %shift_right_logical3A_389 = vector.broadcast %shift_right_logical3A_388 : i32 to vector<16xi32>
      %shift_right_logical3A_390 = arith.shrui %gather3A_387, %shift_right_logical3A_389 : vector<16xi32>
      %ge3A_391 = vector.broadcast %mul3A_2 : i32 to vector<16xi32>
      %ge3A_392 = arith.cmpi sge, %shift_right_logical3A_390, %ge3A_391 : vector<16xi32>
      %add3A_393 = arith.constant 489 : i32
      %add3A_394 = arith.addi %mul3A_2, %add3A_393 : i32
      %lt3A_395 = vector.broadcast %add3A_394 : i32 to vector<16xi32>
      %lt3A_396 = arith.cmpi slt, %shift_right_logical3A_390, %lt3A_395 : vector<16xi32>
      %and3A_397 = arith.andi %ge3A_392, %lt3A_396 : vector<16xi1>
      %convert_element_type3A_398 = arith.extui %and3A_397 : vector<16xi1> to vector<16xi32>
      %broadcast_in_dim3A_399 = arith.constant true
      %broadcast_in_dim3A_400 = vector.broadcast %broadcast_in_dim3A_399 : i1 to vector<16xi1>
      %masked_cumsum3A_401 = tpu.scan <sum>, %convert_element_type3A_398 masked %broadcast_in_dim3A_400 : vector<16xi32>, vector<16xi1> -> vector<16xi32>
      %add3A_402 = vector.broadcast %add3A_375 : i32 to vector<16xi32>
      %add3A_403 = arith.addi %add3A_402, %masked_cumsum3A_401 : vector<16xi32>
      %sub3A_404 = arith.constant 1 : i32
      %sub3A_405 = vector.broadcast %sub3A_404 : i32 to vector<16xi32>
      %sub3A_406 = arith.subi %add3A_403, %sub3A_405 : vector<16xi32>
      %min3A_407 = arith.constant 1535 : i32
      %min3A_408 = vector.broadcast %min3A_407 : i32 to vector<16xi32>
      %min3A_409 = arith.minsi %sub3A_406, %min3A_408 : vector<16xi32>
      %mul3A_410 = arith.constant 16 : i32
      %mul3A_411 = arith.muli %scan3A_377, %mul3A_410 : i32
      %add3A_412 = arith.constant 12288 : i32
      %add3A_413 = arith.addi %add3A_412, %mul3A_411 : i32
      %add3A_414 = vector.broadcast %add3A_413 : i32 to vector<16xi32>
      %add3A_415 = arith.addi %add3A_414, %iota3A : vector<16xi32>
      tpu.vector_store_idx %arg13[%min3A_409], %add3A_415 masked %and3A_397 : memref<1536xi32, #tpu.memory_space<vmem>>[vector<16xi32>], vector<16xi32>, vector<16xi1>
      tpu.vector_store_idx %arg14[%min3A_409], %gather3A_387 masked %and3A_397 : memref<1536xi32, #tpu.memory_space<vmem>>[vector<16xi32>], vector<16xi32>, vector<16xi1>
      %all_reduce_population_count3A_416 = tpu.all_reduce %and3A_397 {dim = 0 : i64, kind = #tpu.reduction_kind<sum>} : vector<16xi1> -> vector<16xi32>
      %slice3A_417 = vector.extract_strided_slice %all_reduce_population_count3A_416 {offsets = [0], sizes = [1], strides = [1]} : vector<16xi32> to vector<1xi32>
      %squeeze3A_418 = vector.extract %slice3A_417[0] : i32 from vector<1xi32>
      %add3A_419 = arith.addi %add3A_375, %squeeze3A_418 : i32
      scf.yield %add3A_419 : i32
    }
    %scan3A_189 = arith.constant 128 : i32
    %dma_wait3A_190 = arith.constant 0 : i32
    %dma_wait3A_191 = tpu.memref_slice %arg2[%dma_wait3A_190] : memref<32768xi32, #tpu.memory_space<hbm>> -> memref<4096xi32, #tpu.memory_space<hbm>>
    %dma_wait3A_192 = arith.constant 0 : i32
    %dma_wait3A_193 = tpu.memref_slice %arg2[%dma_wait3A_192] : memref<32768xi32, #tpu.memory_space<hbm>> -> memref<4096xi32, #tpu.memory_space<hbm>>
    tpu.wait_dma2 semaphore(%arg31 : memref<!tpu.dma_semaphore, #tpu.memory_space<semaphore_mem>>) src(%dma_wait3A_193 : memref<4096xi32, #tpu.memory_space<hbm>>) dst(%arg12 : memref<4096xi32, #tpu.memory_space<vmem>>)
    %scan3A_194 = arith.constant 0 : i32
    %scan3A_195 = arith.constant 128 : i32
    %scan3A_196 = arith.addi %scan3A_194, %scan3A_195 : i32
    %scan3A_197 = arith.constant 4 : i32
    %scan3A_198 = scf.for %scan3A_252 = %scan3A_194 to %scan3A_196 step %scan3A_197 iter_args(%scan3A_253 = %scan3A_188) -> (i32)  : i32 {
      %mul3A_254 = arith.constant 16 : i32
      %mul3A_255 = arith.muli %scan3A_252, %mul3A_254 : i32
      %add3A_256 = vector.broadcast %mul3A_255 : i32 to vector<16xi32>
      %add3A_257 = arith.addi %iota3A, %add3A_256 : vector<16xi32>
      %mul3A_258 = arith.constant 2 : i32
      %mul3A_259 = vector.broadcast %mul3A_258 : i32 to vector<16xi32>
      %mul3A_260 = arith.muli %mul3A_259, %add3A_257 : vector<16xi32>
      %add3A_261 = vector.broadcast %arg0 : i32 to vector<16xi32>
      %add3A_262 = arith.addi %mul3A_260, %add3A_261 : vector<16xi32>
      %gather3A = tpu.vector_load_idx %arg12[%add3A_262] : memref<4096xi32, #tpu.memory_space<vmem>>[vector<16xi32>], vector<16xi32>,
      %shift_right_logical3A = arith.constant 7 : i32
      %shift_right_logical3A_263 = vector.broadcast %shift_right_logical3A : i32 to vector<16xi32>
      %shift_right_logical3A_264 = arith.shrui %gather3A, %shift_right_logical3A_263 : vector<16xi32>
      %ge3A = vector.broadcast %mul3A_2 : i32 to vector<16xi32>
      %ge3A_265 = arith.cmpi sge, %shift_right_logical3A_264, %ge3A : vector<16xi32>
      %add3A_266 = arith.constant 489 : i32
      %add3A_267 = arith.addi %mul3A_2, %add3A_266 : i32
      %lt3A_268 = vector.broadcast %add3A_267 : i32 to vector<16xi32>
      %lt3A_269 = arith.cmpi slt, %shift_right_logical3A_264, %lt3A_268 : vector<16xi32>
      %and3A_270 = arith.andi %ge3A_265, %lt3A_269 : vector<16xi1>
      %convert_element_type3A_271 = arith.extui %and3A_270 : vector<16xi1> to vector<16xi32>
      %broadcast_in_dim3A = arith.constant true
      %broadcast_in_dim3A_272 = vector.broadcast %broadcast_in_dim3A : i1 to vector<16xi1>
      %masked_cumsum3A = tpu.scan <sum>, %convert_element_type3A_271 masked %broadcast_in_dim3A_272 : vector<16xi32>, vector<16xi1> -> vector<16xi32>
      %add3A_273 = vector.broadcast %scan3A_253 : i32 to vector<16xi32>
      %add3A_274 = arith.addi %add3A_273, %masked_cumsum3A : vector<16xi32>
      %sub3A_275 = arith.constant 1 : i32
      %sub3A_276 = vector.broadcast %sub3A_275 : i32 to vector<16xi32>
      %sub3A_277 = arith.subi %add3A_274, %sub3A_276 : vector<16xi32>
      %min3A_278 = arith.constant 1535 : i32
      %min3A_279 = vector.broadcast %min3A_278 : i32 to vector<16xi32>
      %min3A_280 = arith.minsi %sub3A_277, %min3A_279 : vector<16xi32>
      %mul3A_281 = arith.constant 16 : i32
      %mul3A_282 = arith.muli %scan3A_252, %mul3A_281 : i32
      %add3A_283 = arith.constant 14336 : i32
      %add3A_284 = arith.addi %add3A_283, %mul3A_282 : i32
      %add3A_285 = vector.broadcast %add3A_284 : i32 to vector<16xi32>
      %add3A_286 = arith.addi %add3A_285, %iota3A : vector<16xi32>
      tpu.vector_store_idx %arg13[%min3A_280], %add3A_286 masked %and3A_270 : memref<1536xi32, #tpu.memory_space<vmem>>[vector<16xi32>], vector<16xi32>, vector<16xi1>
      tpu.vector_store_idx %arg14[%min3A_280], %gather3A masked %and3A_270 : memref<1536xi32, #tpu.memory_space<vmem>>[vector<16xi32>], vector<16xi32>, vector<16xi1>
      %all_reduce_population_count3A = tpu.all_reduce %and3A_270 {dim = 0 : i64, kind = #tpu.reduction_kind<sum>} : vector<16xi1> -> vector<16xi32>
      %slice3A = vector.extract_strided_slice %all_reduce_population_count3A {offsets = [0], sizes = [1], strides = [1]} : vector<16xi32> to vector<1xi32>
      %squeeze3A = vector.extract %slice3A[0] : i32 from vector<1xi32>
      %add3A_287 = arith.addi %scan3A_253, %squeeze3A : i32
      %scan3A_288 = arith.constant 1 : i32
      %scan3A_289 = arith.addi %scan3A_252, %scan3A_288 : i32
      %mul3A_290 = arith.constant 16 : i32
      %mul3A_291 = arith.muli %scan3A_289, %mul3A_290 : i32
      %add3A_292 = vector.broadcast %mul3A_291 : i32 to vector<16xi32>
      %add3A_293 = arith.addi %iota3A, %add3A_292 : vector<16xi32>
      %mul3A_294 = arith.constant 2 : i32
      %mul3A_295 = vector.broadcast %mul3A_294 : i32 to vector<16xi32>
      %mul3A_296 = arith.muli %mul3A_295, %add3A_293 : vector<16xi32>
      %add3A_297 = vector.broadcast %arg0 : i32 to vector<16xi32>
      %add3A_298 = arith.addi %mul3A_296, %add3A_297 : vector<16xi32>
      %gather3A_299 = tpu.vector_load_idx %arg12[%add3A_298] : memref<4096xi32, #tpu.memory_space<vmem>>[vector<16xi32>], vector<16xi32>,
      %shift_right_logical3A_300 = arith.constant 7 : i32
      %shift_right_logical3A_301 = vector.broadcast %shift_right_logical3A_300 : i32 to vector<16xi32>
      %shift_right_logical3A_302 = arith.shrui %gather3A_299, %shift_right_logical3A_301 : vector<16xi32>
      %ge3A_303 = vector.broadcast %mul3A_2 : i32 to vector<16xi32>
      %ge3A_304 = arith.cmpi sge, %shift_right_logical3A_302, %ge3A_303 : vector<16xi32>
      %add3A_305 = arith.constant 489 : i32
      %add3A_306 = arith.addi %mul3A_2, %add3A_305 : i32
      %lt3A_307 = vector.broadcast %add3A_306 : i32 to vector<16xi32>
      %lt3A_308 = arith.cmpi slt, %shift_right_logical3A_302, %lt3A_307 : vector<16xi32>
      %and3A_309 = arith.andi %ge3A_304, %lt3A_308 : vector<16xi1>
      %convert_element_type3A_310 = arith.extui %and3A_309 : vector<16xi1> to vector<16xi32>
      %broadcast_in_dim3A_311 = arith.constant true
      %broadcast_in_dim3A_312 = vector.broadcast %broadcast_in_dim3A_311 : i1 to vector<16xi1>
      %masked_cumsum3A_313 = tpu.scan <sum>, %convert_element_type3A_310 masked %broadcast_in_dim3A_312 : vector<16xi32>, vector<16xi1> -> vector<16xi32>
      %add3A_314 = vector.broadcast %add3A_287 : i32 to vector<16xi32>
      %add3A_315 = arith.addi %add3A_314, %masked_cumsum3A_313 : vector<16xi32>
      %sub3A_316 = arith.constant 1 : i32
      %sub3A_317 = vector.broadcast %sub3A_316 : i32 to vector<16xi32>
      %sub3A_318 = arith.subi %add3A_315, %sub3A_317 : vector<16xi32>
      %min3A_319 = arith.constant 1535 : i32
      %min3A_320 = vector.broadcast %min3A_319 : i32 to vector<16xi32>
      %min3A_321 = arith.minsi %sub3A_318, %min3A_320 : vector<16xi32>
      %mul3A_322 = arith.constant 16 : i32
      %mul3A_323 = arith.muli %scan3A_289, %mul3A_322 : i32
      %add3A_324 = arith.constant 14336 : i32
      %add3A_325 = arith.addi %add3A_324, %mul3A_323 : i32
      %add3A_326 = vector.broadcast %add3A_325 : i32 to vector<16xi32>
      %add3A_327 = arith.addi %add3A_326, %iota3A : vector<16xi32>
      tpu.vector_store_idx %arg13[%min3A_321], %add3A_327 masked %and3A_309 : memref<1536xi32, #tpu.memory_space<vmem>>[vector<16xi32>], vector<16xi32>, vector<16xi1>
      tpu.vector_store_idx %arg14[%min3A_321], %gather3A_299 masked %and3A_309 : memref<1536xi32, #tpu.memory_space<vmem>>[vector<16xi32>], vector<16xi32>, vector<16xi1>
      %all_reduce_population_count3A_328 = tpu.all_reduce %and3A_309 {dim = 0 : i64, kind = #tpu.reduction_kind<sum>} : vector<16xi1> -> vector<16xi32>
      %slice3A_329 = vector.extract_strided_slice %all_reduce_population_count3A_328 {offsets = [0], sizes = [1], strides = [1]} : vector<16xi32> to vector<1xi32>
      %squeeze3A_330 = vector.extract %slice3A_329[0] : i32 from vector<1xi32>
      %add3A_331 = arith.addi %add3A_287, %squeeze3A_330 : i32
      %scan3A_332 = arith.constant 2 : i32
      %scan3A_333 = arith.addi %scan3A_252, %scan3A_332 : i32
      %mul3A_334 = arith.constant 16 : i32
      %mul3A_335 = arith.muli %scan3A_333, %mul3A_334 : i32
      %add3A_336 = vector.broadcast %mul3A_335 : i32 to vector<16xi32>
      %add3A_337 = arith.addi %iota3A, %add3A_336 : vector<16xi32>
      %mul3A_338 = arith.constant 2 : i32
      %mul3A_339 = vector.broadcast %mul3A_338 : i32 to vector<16xi32>
      %mul3A_340 = arith.muli %mul3A_339, %add3A_337 : vector<16xi32>
      %add3A_341 = vector.broadcast %arg0 : i32 to vector<16xi32>
      %add3A_342 = arith.addi %mul3A_340, %add3A_341 : vector<16xi32>
      %gather3A_343 = tpu.vector_load_idx %arg12[%add3A_342] : memref<4096xi32, #tpu.memory_space<vmem>>[vector<16xi32>], vector<16xi32>,
      %shift_right_logical3A_344 = arith.constant 7 : i32
      %shift_right_logical3A_345 = vector.broadcast %shift_right_logical3A_344 : i32 to vector<16xi32>
      %shift_right_logical3A_346 = arith.shrui %gather3A_343, %shift_right_logical3A_345 : vector<16xi32>
      %ge3A_347 = vector.broadcast %mul3A_2 : i32 to vector<16xi32>
      %ge3A_348 = arith.cmpi sge, %shift_right_logical3A_346, %ge3A_347 : vector<16xi32>
      %add3A_349 = arith.constant 489 : i32
      %add3A_350 = arith.addi %mul3A_2, %add3A_349 : i32
      %lt3A_351 = vector.broadcast %add3A_350 : i32 to vector<16xi32>
      %lt3A_352 = arith.cmpi slt, %shift_right_logical3A_346, %lt3A_351 : vector<16xi32>
      %and3A_353 = arith.andi %ge3A_348, %lt3A_352 : vector<16xi1>
      %convert_element_type3A_354 = arith.extui %and3A_353 : vector<16xi1> to vector<16xi32>
      %broadcast_in_dim3A_355 = arith.constant true
      %broadcast_in_dim3A_356 = vector.broadcast %broadcast_in_dim3A_355 : i1 to vector<16xi1>
      %masked_cumsum3A_357 = tpu.scan <sum>, %convert_element_type3A_354 masked %broadcast_in_dim3A_356 : vector<16xi32>, vector<16xi1> -> vector<16xi32>
      %add3A_358 = vector.broadcast %add3A_331 : i32 to vector<16xi32>
      %add3A_359 = arith.addi %add3A_358, %masked_cumsum3A_357 : vector<16xi32>
      %sub3A_360 = arith.constant 1 : i32
      %sub3A_361 = vector.broadcast %sub3A_360 : i32 to vector<16xi32>
      %sub3A_362 = arith.subi %add3A_359, %sub3A_361 : vector<16xi32>
      %min3A_363 = arith.constant 1535 : i32
      %min3A_364 = vector.broadcast %min3A_363 : i32 to vector<16xi32>
      %min3A_365 = arith.minsi %sub3A_362, %min3A_364 : vector<16xi32>
      %mul3A_366 = arith.constant 16 : i32
      %mul3A_367 = arith.muli %scan3A_333, %mul3A_366 : i32
      %add3A_368 = arith.constant 14336 : i32
      %add3A_369 = arith.addi %add3A_368, %mul3A_367 : i32
      %add3A_370 = vector.broadcast %add3A_369 : i32 to vector<16xi32>
      %add3A_371 = arith.addi %add3A_370, %iota3A : vector<16xi32>
      tpu.vector_store_idx %arg13[%min3A_365], %add3A_371 masked %and3A_353 : memref<1536xi32, #tpu.memory_space<vmem>>[vector<16xi32>], vector<16xi32>, vector<16xi1>
      tpu.vector_store_idx %arg14[%min3A_365], %gather3A_343 masked %and3A_353 : memref<1536xi32, #tpu.memory_space<vmem>>[vector<16xi32>], vector<16xi32>, vector<16xi1>
      %all_reduce_population_count3A_372 = tpu.all_reduce %and3A_353 {dim = 0 : i64, kind = #tpu.reduction_kind<sum>} : vector<16xi1> -> vector<16xi32>
      %slice3A_373 = vector.extract_strided_slice %all_reduce_population_count3A_372 {offsets = [0], sizes = [1], strides = [1]} : vector<16xi32> to vector<1xi32>
      %squeeze3A_374 = vector.extract %slice3A_373[0] : i32 from vector<1xi32>
      %add3A_375 = arith.addi %add3A_331, %squeeze3A_374 : i32
      %scan3A_376 = arith.constant 3 : i32
      %scan3A_377 = arith.addi %scan3A_252, %scan3A_376 : i32
      %mul3A_378 = arith.constant 16 : i32
      %mul3A_379 = arith.muli %scan3A_377, %mul3A_378 : i32
      %add3A_380 = vector.broadcast %mul3A_379 : i32 to vector<16xi32>
      %add3A_381 = arith.addi %iota3A, %add3A_380 : vector<16xi32>
      %mul3A_382 = arith.constant 2 : i32
      %mul3A_383 = vector.broadcast %mul3A_382 : i32 to vector<16xi32>
      %mul3A_384 = arith.muli %mul3A_383, %add3A_381 : vector<16xi32>
      %add3A_385 = vector.broadcast %arg0 : i32 to vector<16xi32>
      %add3A_386 = arith.addi %mul3A_384, %add3A_385 : vector<16xi32>
      %gather3A_387 = tpu.vector_load_idx %arg12[%add3A_386] : memref<4096xi32, #tpu.memory_space<vmem>>[vector<16xi32>], vector<16xi32>,
      %shift_right_logical3A_388 = arith.constant 7 : i32
      %shift_right_logical3A_389 = vector.broadcast %shift_right_logical3A_388 : i32 to vector<16xi32>
      %shift_right_logical3A_390 = arith.shrui %gather3A_387, %shift_right_logical3A_389 : vector<16xi32>
      %ge3A_391 = vector.broadcast %mul3A_2 : i32 to vector<16xi32>
      %ge3A_392 = arith.cmpi sge, %shift_right_logical3A_390, %ge3A_391 : vector<16xi32>
      %add3A_393 = arith.constant 489 : i32
      %add3A_394 = arith.addi %mul3A_2, %add3A_393 : i32
      %lt3A_395 = vector.broadcast %add3A_394 : i32 to vector<16xi32>
      %lt3A_396 = arith.cmpi slt, %shift_right_logical3A_390, %lt3A_395 : vector<16xi32>
      %and3A_397 = arith.andi %ge3A_392, %lt3A_396 : vector<16xi1>
      %convert_element_type3A_398 = arith.extui %and3A_397 : vector<16xi1> to vector<16xi32>
      %broadcast_in_dim3A_399 = arith.constant true
      %broadcast_in_dim3A_400 = vector.broadcast %broadcast_in_dim3A_399 : i1 to vector<16xi1>
      %masked_cumsum3A_401 = tpu.scan <sum>, %convert_element_type3A_398 masked %broadcast_in_dim3A_400 : vector<16xi32>, vector<16xi1> -> vector<16xi32>
      %add3A_402 = vector.broadcast %add3A_375 : i32 to vector<16xi32>
      %add3A_403 = arith.addi %add3A_402, %masked_cumsum3A_401 : vector<16xi32>
      %sub3A_404 = arith.constant 1 : i32
      %sub3A_405 = vector.broadcast %sub3A_404 : i32 to vector<16xi32>
      %sub3A_406 = arith.subi %add3A_403, %sub3A_405 : vector<16xi32>
      %min3A_407 = arith.constant 1535 : i32
      %min3A_408 = vector.broadcast %min3A_407 : i32 to vector<16xi32>
      %min3A_409 = arith.minsi %sub3A_406, %min3A_408 : vector<16xi32>
      %mul3A_410 = arith.constant 16 : i32
      %mul3A_411 = arith.muli %scan3A_377, %mul3A_410 : i32
      %add3A_412 = arith.constant 14336 : i32
      %add3A_413 = arith.addi %add3A_412, %mul3A_411 : i32
      %add3A_414 = vector.broadcast %add3A_413 : i32 to vector<16xi32>
      %add3A_415 = arith.addi %add3A_414, %iota3A : vector<16xi32>
      tpu.vector_store_idx %arg13[%min3A_409], %add3A_415 masked %and3A_397 : memref<1536xi32, #tpu.memory_space<vmem>>[vector<16xi32>], vector<16xi32>, vector<16xi1>
      tpu.vector_store_idx %arg14[%min3A_409], %gather3A_387 masked %and3A_397 : memref<1536xi32, #tpu.memory_space<vmem>>[vector<16xi32>], vector<16xi32>, vector<16xi1>
      %all_reduce_population_count3A_416 = tpu.all_reduce %and3A_397 {dim = 0 : i64, kind = #tpu.reduction_kind<sum>} : vector<16xi1> -> vector<16xi32>
      %slice3A_417 = vector.extract_strided_slice %all_reduce_population_count3A_416 {offsets = [0], sizes = [1], strides = [1]} : vector<16xi32> to vector<1xi32>
      %squeeze3A_418 = vector.extract %slice3A_417[0] : i32 from vector<1xi32>
      %add3A_419 = arith.addi %add3A_375, %squeeze3A_418 : i32
      scf.yield %add3A_419 : i32
    }
    %scan3A_199 = arith.constant 128 : i32
    %scan3A_200 = arith.constant 0 : i32
    %scan3A_201 = arith.constant 0 : i32
    %scan3A_202 = arith.constant 124 : i32
    %scan3A_203 = arith.addi %scan3A_201, %scan3A_202 : i32
    %scan3A_204 = arith.constant 1 : i32
    %scan3A_205 = scf.for %scan3A_252 = %scan3A_201 to %scan3A_203 step %scan3A_204 iter_args(%scan3A_253 = %scan3A_200) -> (i32)  : i32 {
      %swap3A = arith.constant 0 : i32
      %swap3A_254 = arith.index_cast %scan3A_252 : i32 to index
      %swap3A_255 = memref.load %arg24[%swap3A_254] : memref<490xi32, #tpu.memory_space<smem>>
      memref.store %swap3A, %arg24[%swap3A_254] : memref<490xi32, #tpu.memory_space<smem>>
      %scan3A_256 = arith.constant 0 : i32
      scf.yield %scan3A_256 : i32
    }
    %scan3A_206 = arith.constant 124 : i32
    %while3A = arith.constant 0 : i32
    %while3A_207 = arith.constant 0 : i32
    %while3A_208 = arith.subi %scan3A_198, %while3A : i32
    %while3A_209 = arith.addi %while3A, %while3A_208 : i32
    %while3A_210 = arith.constant 1 : i32
    %while3A_211 = arith.divsi %while3A_208, %while3A_210 : i32
    %while3A_212 = arith.muli %while3A_211, %while3A_210 : i32
    %while3A_213 = arith.addi %while3A, %while3A_212 : i32
    %while3A_214 = arith.constant 1 : i32
    %while3A_215 = scf.for %while3A_252 = %while3A to %while3A_213 step %while3A_214 iter_args(%while3A_253 = %while3A_207) -> (i32)  : i32 {
      %broadcast_in_dim3A = vector.broadcast %while3A_252 : i32 to vector<16xi32>
      %gather3A = tpu.vector_load_idx %arg14[%broadcast_in_dim3A] : memref<1536xi32, #tpu.memory_space<vmem>>[vector<16xi32>], vector<16xi32>,
      %gather3A_254 = tpu.vector_load_idx %arg13[%broadcast_in_dim3A] : memref<1536xi32, #tpu.memory_space<vmem>>[vector<16xi32>], vector<16xi32>,
      %shift_right_logical3A = arith.constant 7 : i32
      %shift_right_logical3A_255 = vector.broadcast %shift_right_logical3A : i32 to vector<16xi32>
      %shift_right_logical3A_256 = arith.shrui %gather3A, %shift_right_logical3A_255 : vector<16xi32>
      %slice3A = vector.extract_strided_slice %shift_right_logical3A_256 {offsets = [0], sizes = [1], strides = [1]} : vector<16xi32> to vector<1xi32>
      %squeeze3A = vector.extract %slice3A[0] : i32 from vector<1xi32>
      %sub3A_257 = arith.subi %squeeze3A, %mul3A_2 : i32
      %shift_right_logical3A_258 = arith.constant 2 : i32
      %shift_right_logical3A_259 = arith.shrui %sub3A_257, %shift_right_logical3A_258 : i32
      %get3A = arith.index_cast %shift_right_logical3A_259 : i32 to index
      %get3A_260 = memref.load %arg24[%get3A] : memref<490xi32, #tpu.memory_space<smem>>
      %min3A_261 = arith.constant 39 : i32
      %min3A_262 = arith.minsi %get3A_260, %min3A_261 : i32
      %add3A_263 = arith.constant 1 : i32
      %add3A_264 = arith.addi %min3A_262, %add3A_263 : i32
      %swap3A = arith.index_cast %shift_right_logical3A_259 : i32 to index
      %swap3A_265 = memref.load %arg24[%swap3A] : memref<490xi32, #tpu.memory_space<smem>>
      memref.store %add3A_264, %arg24[%swap3A] : memref<490xi32, #tpu.memory_space<smem>>
      %mul3A_266 = arith.constant 40 : i32
      %mul3A_267 = arith.muli %shift_right_logical3A_259, %mul3A_266 : i32
      %add3A_268 = arith.addi %mul3A_267, %min3A_262 : i32
      %broadcast_in_dim3A_269 = vector.broadcast %add3A_268 : i32 to vector<16xi32>
      tpu.vector_store_idx %arg15[%broadcast_in_dim3A_269], %gather3A_254 masked %eq3A_1 : memref<4920xi32, #tpu.memory_space<vmem>>[vector<16xi32>], vector<16xi32>, vector<16xi1>
      tpu.vector_store_idx %arg16[%broadcast_in_dim3A_269], %gather3A masked %eq3A_1 : memref<4920xi32, #tpu.memory_space<vmem>>[vector<16xi32>], vector<16xi32>, vector<16xi1>
      %while3A_270 = arith.constant 0 : i32
      scf.yield %while3A_270 : i32
    }
    %while3A_216 = arith.constant 1 : i32
    %while3A_217 = scf.for %while3A_252 = %while3A_213 to %while3A_209 step %while3A_216 iter_args(%while3A_253 = %while3A_215) -> (i32)  : i32 {
      %broadcast_in_dim3A = vector.broadcast %while3A_252 : i32 to vector<16xi32>
      %gather3A = tpu.vector_load_idx %arg14[%broadcast_in_dim3A] : memref<1536xi32, #tpu.memory_space<vmem>>[vector<16xi32>], vector<16xi32>,
      %gather3A_254 = tpu.vector_load_idx %arg13[%broadcast_in_dim3A] : memref<1536xi32, #tpu.memory_space<vmem>>[vector<16xi32>], vector<16xi32>,
      %shift_right_logical3A = arith.constant 7 : i32
      %shift_right_logical3A_255 = vector.broadcast %shift_right_logical3A : i32 to vector<16xi32>
      %shift_right_logical3A_256 = arith.shrui %gather3A, %shift_right_logical3A_255 : vector<16xi32>
      %slice3A = vector.extract_strided_slice %shift_right_logical3A_256 {offsets = [0], sizes = [1], strides = [1]} : vector<16xi32> to vector<1xi32>
      %squeeze3A = vector.extract %slice3A[0] : i32 from vector<1xi32>
      %sub3A_257 = arith.subi %squeeze3A, %mul3A_2 : i32
      %shift_right_logical3A_258 = arith.constant 2 : i32
      %shift_right_logical3A_259 = arith.shrui %sub3A_257, %shift_right_logical3A_258 : i32
      %get3A = arith.index_cast %shift_right_logical3A_259 : i32 to index
      %get3A_260 = memref.load %arg24[%get3A] : memref<490xi32, #tpu.memory_space<smem>>
      %min3A_261 = arith.constant 39 : i32
      %min3A_262 = arith.minsi %get3A_260, %min3A_261 : i32
      %add3A_263 = arith.constant 1 : i32
      %add3A_264 = arith.addi %min3A_262, %add3A_263 : i32
      %swap3A = arith.index_cast %shift_right_logical3A_259 : i32 to index
      %swap3A_265 = memref.load %arg24[%swap3A] : memref<490xi32, #tpu.memory_space<smem>>
      memref.store %add3A_264, %arg24[%swap3A] : memref<490xi32, #tpu.memory_space<smem>>
      %mul3A_266 = arith.constant 40 : i32
      %mul3A_267 = arith.muli %shift_right_logical3A_259, %mul3A_266 : i32
      %add3A_268 = arith.addi %mul3A_267, %min3A_262 : i32
      %broadcast_in_dim3A_269 = vector.broadcast %add3A_268 : i32 to vector<16xi32>
      tpu.vector_store_idx %arg15[%broadcast_in_dim3A_269], %gather3A_254 masked %eq3A_1 : memref<4920xi32, #tpu.memory_space<vmem>>[vector<16xi32>], vector<16xi32>, vector<16xi1>
      tpu.vector_store_idx %arg16[%broadcast_in_dim3A_269], %gather3A masked %eq3A_1 : memref<4920xi32, #tpu.memory_space<vmem>>[vector<16xi32>], vector<16xi32>, vector<16xi1>
      %while3A_270 = arith.constant 0 : i32
      scf.yield %while3A_270 : i32
    }
    %scan3A_218 = arith.constant 0 : i32
    %scan3A_219 = arith.constant 0 : i32
    %scan3A_220 = arith.constant 4 : i32
    %scan3A_221 = arith.addi %scan3A_219, %scan3A_220 : i32
    %scan3A_222 = arith.constant 1 : i32
    %scan3A_223 = scf.for %scan3A_252 = %scan3A_219 to %scan3A_221 step %scan3A_222 iter_args(%scan3A_253 = %scan3A_218) -> (i32)  : i32 {
      %broadcast_in_dim3A = arith.constant 16384 : i32
      %broadcast_in_dim3A_254 = vector.broadcast %broadcast_in_dim3A : i32 to vector<16xi32>
      %mul3A_255 = arith.constant 16 : i32
      %mul3A_256 = arith.muli %scan3A_252, %mul3A_255 : i32
      %swap3A = arith.index_cast %mul3A_256 : i32 to index
      %swap3A_257 = tpu.vector_load %arg21[%swap3A] {strides = array<i32>} : memref<64xi32, #tpu.memory_space<vmem>>, vector<16xi32>,
      tpu.vector_store %arg21[%swap3A], %broadcast_in_dim3A_254 {strides = array<i32>} : memref<64xi32, #tpu.memory_space<vmem>>, vector<16xi32>,
      %scan3A_258 = arith.constant 0 : i32
      scf.yield %scan3A_258 : i32
    }
    %scan3A_224 = arith.constant 4 : i32
    %scan3A_225 = arith.constant 0 : i32
    %scan3A_226 = arith.constant 0 : i32
    %scan3A_227 = arith.constant 41 : i32
    %scan3A_228 = arith.addi %scan3A_226, %scan3A_227 : i32
    %scan3A_229 = arith.constant 1 : i32
    %scan3A_230 = scf.for %scan3A_252 = %scan3A_226 to %scan3A_228 step %scan3A_229 iter_args(%scan3A_253 = %scan3A_225) -> (i32)  : i32 {
      %mul3A_254 = arith.constant 3 : i32
      %mul3A_255 = arith.muli %mul3A_254, %scan3A_252 : i32
      %add3A_256 = arith.constant 0 : i32
      %add3A_257 = arith.addi %mul3A_255, %add3A_256 : i32
      %mul3A_258 = arith.constant 4 : i32
      %mul3A_259 = arith.muli %mul3A_258, %add3A_257 : i32
      %add3A_260 = arith.addi %mul3A_2, %mul3A_259 : i32
      %lt3A_261 = arith.cmpi slt, %add3A_260, %min3A_4 : i32
      %convert_element_type3A_262 = arith.extui %lt3A_261 : i1 to i32
      %cond3A_263 = arith.constant 0 : i32
      %cond3A_264 = arith.cmpi ne, %convert_element_type3A_262, %cond3A_263 : i32
      scf.if %cond3A_264 {
        %dma_wait3A_408 = arith.constant 0 : i32
        %dma_wait3A_409 = arith.constant 0 : i32
        %dma_wait3A_410 = tpu.memref_slice %arg3[%dma_wait3A_408, %dma_wait3A_409] : memref<64x1000000xf32, #tpu.memory_space<hbm>> -> memref<64x512xf32, #tpu.memory_space<hbm>>
        %dma_wait3A_411 = arith.constant 0 : i32
        %dma_wait3A_412 = arith.constant 0 : i32
        %dma_wait3A_413 = tpu.memref_slice %arg3[%dma_wait3A_411, %dma_wait3A_412] : memref<64x1000000xf32, #tpu.memory_space<hbm>> -> memref<64x512xf32, #tpu.memory_space<hbm>>
        tpu.wait_dma2 semaphore(%arg26 : memref<!tpu.dma_semaphore, #tpu.memory_space<semaphore_mem>>) src(%dma_wait3A_413 : memref<64x512xf32, #tpu.memory_space<hbm>>) dst(%arg17 : memref<64x512xf32, #tpu.memory_space<vmem>>)
      } else {
      }
      %add3A_265 = arith.constant 0 : i32
      %add3A_266 = arith.addi %mul3A_255, %add3A_265 : i32
      %mul3A_267 = arith.constant 4 : i32
      %mul3A_268 = arith.muli %mul3A_267, %add3A_266 : i32
      %add3A_269 = arith.addi %mul3A_2, %mul3A_268 : i32
      %min3A_270 = arith.constant 7809 : i32
      %min3A_271 = arith.minsi %add3A_269, %min3A_270 : i32
      %min3A_272 = arith.constant 122 : i32
      %min3A_273 = arith.minsi %add3A_266, %min3A_272 : i32
      %get3A = arith.index_cast %min3A_273 : i32 to index
      %get3A_274 = memref.load %arg24[%get3A] : memref<490xi32, #tpu.memory_space<smem>>
      %while3A_275 = arith.constant 0 : i32
      %while3A_276:2 = scf.while (%while3A_408 = %while3A_275, %while3A_409 = %scan3A_253) : (i32, i32) -> (i32, i32) {
        %lt3A_410 = arith.cmpi slt, %while3A_408, %get3A_274 : i32
        scf.condition(%lt3A_410) %while3A_408, %while3A_409 : i32, i32
      } do {
      ^bb0(%while3A_408: i32, %while3A_409: i32):
        %mul3A_410 = arith.constant 40 : i32
        %mul3A_411 = arith.muli %min3A_273, %mul3A_410 : i32
        %add3A_412 = arith.addi %mul3A_411, %while3A_408 : i32
        %broadcast_in_dim3A = vector.broadcast %add3A_412 : i32 to vector<16xi32>
        %gather3A = tpu.vector_load_idx %arg15[%broadcast_in_dim3A] : memref<4920xi32, #tpu.memory_space<vmem>>[vector<16xi32>], vector<16xi32>,
        %slice3A = vector.extract_strided_slice %gather3A {offsets = [0], sizes = [1], strides = [1]} : vector<16xi32> to vector<1xi32>
        %squeeze3A = vector.extract %slice3A[0] : i32 from vector<1xi32>
        %gather3A_413 = tpu.vector_load_idx %arg16[%broadcast_in_dim3A] : memref<4920xi32, #tpu.memory_space<vmem>>[vector<16xi32>], vector<16xi32>,
        %mul3A_414 = arith.constant 128 : i32
        %mul3A_415 = arith.muli %min3A_271, %mul3A_414 : i32
        %sub3A_416 = vector.broadcast %mul3A_415 : i32 to vector<16xi32>
        %sub3A_417 = arith.subi %gather3A_413, %sub3A_416 : vector<16xi32>
        %add3A_418 = arith.constant 0 : i32
        %add3A_419 = vector.broadcast %add3A_418 : i32 to vector<16xi32>
        %add3A_420 = arith.addi %iota3A, %add3A_419 : vector<16xi32>
        %gather3A_421 = tpu.vector_load_idx %arg17[%add3A_420, %sub3A_417] : memref<64x512xf32, #tpu.memory_space<vmem>>[vector<16xi32>, vector<16xi32>], vector<16xf32>,
        %swap3A = arith.index_cast %while3A_409 : i32 to index
        %swap3A_422 = arith.constant 0 : index
        %swap3A_423 = tpu.vector_load %arg20[%swap3A, %swap3A_422] {strides = array<i32>} : memref<64x128xf32, #tpu.memory_space<vmem>>, vector<16xf32>,
        tpu.vector_store %arg20[%swap3A, %swap3A_422], %gather3A_421 {strides = array<i32>} : memref<64x128xf32, #tpu.memory_space<vmem>>, vector<16xf32>,
        %add3A_424 = arith.constant 16 : i32
        %add3A_425 = vector.broadcast %add3A_424 : i32 to vector<16xi32>
        %add3A_426 = arith.addi %iota3A, %add3A_425 : vector<16xi32>
        %gather3A_427 = tpu.vector_load_idx %arg17[%add3A_426, %sub3A_417] : memref<64x512xf32, #tpu.memory_space<vmem>>[vector<16xi32>, vector<16xi32>], vector<16xf32>,
        %swap3A_428 = arith.index_cast %while3A_409 : i32 to index
        %swap3A_429 = arith.constant 16 : index
        %swap3A_430 = tpu.vector_load %arg20[%swap3A_428, %swap3A_429] {strides = array<i32>} : memref<64x128xf32, #tpu.memory_space<vmem>>, vector<16xf32>,
        tpu.vector_store %arg20[%swap3A_428, %swap3A_429], %gather3A_427 {strides = array<i32>} : memref<64x128xf32, #tpu.memory_space<vmem>>, vector<16xf32>,
        %add3A_431 = arith.constant 32 : i32
        %add3A_432 = vector.broadcast %add3A_431 : i32 to vector<16xi32>
        %add3A_433 = arith.addi %iota3A, %add3A_432 : vector<16xi32>
        %gather3A_434 = tpu.vector_load_idx %arg17[%add3A_433, %sub3A_417] : memref<64x512xf32, #tpu.memory_space<vmem>>[vector<16xi32>, vector<16xi32>], vector<16xf32>,
        %swap3A_435 = arith.index_cast %while3A_409 : i32 to index
        %swap3A_436 = arith.constant 32 : index
        %swap3A_437 = tpu.vector_load %arg20[%swap3A_435, %swap3A_436] {strides = array<i32>} : memref<64x128xf32, #tpu.memory_space<vmem>>, vector<16xf32>,
        tpu.vector_store %arg20[%swap3A_435, %swap3A_436], %gather3A_434 {strides = array<i32>} : memref<64x128xf32, #tpu.memory_space<vmem>>, vector<16xf32>,
        %add3A_438 = arith.constant 48 : i32
        %add3A_439 = vector.broadcast %add3A_438 : i32 to vector<16xi32>
        %add3A_440 = arith.addi %iota3A, %add3A_439 : vector<16xi32>
        %gather3A_441 = tpu.vector_load_idx %arg17[%add3A_440, %sub3A_417] : memref<64x512xf32, #tpu.memory_space<vmem>>[vector<16xi32>, vector<16xi32>], vector<16xf32>,
        %swap3A_442 = arith.index_cast %while3A_409 : i32 to index
        %swap3A_443 = arith.constant 48 : index
        %swap3A_444 = tpu.vector_load %arg20[%swap3A_442, %swap3A_443] {strides = array<i32>} : memref<64x128xf32, #tpu.memory_space<vmem>>, vector<16xf32>,
        tpu.vector_store %arg20[%swap3A_442, %swap3A_443], %gather3A_441 {strides = array<i32>} : memref<64x128xf32, #tpu.memory_space<vmem>>, vector<16xf32>,
        %broadcast_in_dim3A_445 = vector.broadcast %while3A_409 : i32 to vector<16xi32>
        %broadcast_in_dim3A_446 = vector.broadcast %squeeze3A : i32 to vector<16xi32>
        tpu.vector_store_idx %arg21[%broadcast_in_dim3A_445], %broadcast_in_dim3A_446 masked %eq3A_1 : memref<64xi32, #tpu.memory_space<vmem>>[vector<16xi32>], vector<16xi32>, vector<16xi1>
        %add3A_447 = arith.constant 1 : i32
        %add3A_448 = arith.addi %while3A_409, %add3A_447 : i32
        %eq3A_449 = arith.constant 64 : i32
        %eq3A_450 = arith.cmpi eq, %add3A_448, %eq3A_449 : i32
        %convert_element_type3A_451 = arith.extui %eq3A_450 : i1 to i32
        %cond3A_452 = arith.constant 0 : i32
        %cond3A_453 = arith.cmpi ne, %convert_element_type3A_451, %cond3A_452 : i32
        scf.if %cond3A_453 {
          %eq3A_458 = arith.constant 0 : i32
          %eq3A_459 = arith.cmpi eq, %arg0, %eq3A_458 : i32
          %convert_element_type3A_460 = arith.extui %eq3A_459 : i1 to i32
          %cond3A_461 = arith.constant 0 : i32
          %cond3A_462 = arith.cmpi ne, %convert_element_type3A_460, %cond3A_461 : i32
          scf.if %cond3A_462 {
            %dma_start3A_468 = arith.constant 0 : i32
            %dma_start3A_469 = arith.constant 0 : i32
            %dma_start3A_470 = tpu.memref_slice %arg7[%dma_start3A_468, %dma_start3A_469] : memref<16448x128xf32, #tpu.memory_space<hbm>> -> memref<16448x128xf32, #tpu.memory_space<hbm>>
            tpu.enqueue_indirect_dma source(%arg20 : memref<64x128xf32, #tpu.memory_space<vmem>>) target(%dma_start3A_470 : memref<16448x128xf32, #tpu.memory_space<hbm>>) offsets(%arg21 : memref<64xi32, #tpu.memory_space<vmem>>) semaphore(%arg29 : memref<!tpu.dma_semaphore, #tpu.memory_space<semaphore_mem>>)
            %dma_wait3A_471 = arith.constant 0 : i32
            %dma_wait3A_472 = arith.constant 0 : i32
            %dma_wait3A_473 = tpu.memref_slice %arg7[%dma_wait3A_471, %dma_wait3A_472] : memref<16448x128xf32, #tpu.memory_space<hbm>> -> memref<16448x128xf32, #tpu.memory_space<hbm>>
            tpu.wait_indirect_dma semaphore(%arg29 : memref<!tpu.dma_semaphore, #tpu.memory_space<semaphore_mem>>) src(%arg20 : memref<64x128xf32, #tpu.memory_space<vmem>>) dst(%dma_wait3A_473 : memref<16448x128xf32, #tpu.memory_space<hbm>>)
          } else {
          }
          %eq3A_463 = arith.constant 1 : i32
          %eq3A_464 = arith.cmpi eq, %arg0, %eq3A_463 : i32
          %convert_element_type3A_465 = arith.extui %eq3A_464 : i1 to i32
          %cond3A_466 = arith.constant 0 : i32
          %cond3A_467 = arith.cmpi ne, %convert_element_type3A_465, %cond3A_466 : i32
          scf.if %cond3A_467 {
            %dma_start3A_468 = arith.constant 0 : i32
            %dma_start3A_469 = arith.constant 0 : i32
            %dma_start3A_470 = tpu.memref_slice %arg8[%dma_start3A_468, %dma_start3A_469] : memref<16448x128xf32, #tpu.memory_space<hbm>> -> memref<16448x128xf32, #tpu.memory_space<hbm>>
            tpu.enqueue_indirect_dma source(%arg20 : memref<64x128xf32, #tpu.memory_space<vmem>>) target(%dma_start3A_470 : memref<16448x128xf32, #tpu.memory_space<hbm>>) offsets(%arg21 : memref<64xi32, #tpu.memory_space<vmem>>) semaphore(%arg29 : memref<!tpu.dma_semaphore, #tpu.memory_space<semaphore_mem>>)
            %dma_wait3A_471 = arith.constant 0 : i32
            %dma_wait3A_472 = arith.constant 0 : i32
            %dma_wait3A_473 = tpu.memref_slice %arg8[%dma_wait3A_471, %dma_wait3A_472] : memref<16448x128xf32, #tpu.memory_space<hbm>> -> memref<16448x128xf32, #tpu.memory_space<hbm>>
            tpu.wait_indirect_dma semaphore(%arg29 : memref<!tpu.dma_semaphore, #tpu.memory_space<semaphore_mem>>) src(%arg20 : memref<64x128xf32, #tpu.memory_space<vmem>>) dst(%dma_wait3A_473 : memref<16448x128xf32, #tpu.memory_space<hbm>>)
          } else {
          }
        } else {
        }
        %eq3A_454 = arith.constant 64 : i32
        %eq3A_455 = arith.cmpi eq, %add3A_448, %eq3A_454 : i32
        %jit3A = arith.constant 0 : i32
        %select_n3A = arith.select %eq3A_455, %jit3A, %add3A_448 : i32
        %add3A_456 = arith.constant 1 : i32
        %add3A_457 = arith.addi %while3A_408, %add3A_456 : i32
        scf.yield %add3A_457, %select_n3A : i32, i32
      }
      %add3A_277 = arith.constant 0 : i32
      %add3A_278 = arith.addi %mul3A_255, %add3A_277 : i32
      %add3A_279 = arith.constant 3 : i32
      %add3A_280 = arith.addi %add3A_278, %add3A_279 : i32
      %mul3A_281 = arith.constant 4 : i32
      %mul3A_282 = arith.muli %mul3A_281, %add3A_280 : i32
      %add3A_283 = arith.addi %mul3A_2, %mul3A_282 : i32
      %mul3A_284 = arith.constant 4 : i32
      %mul3A_285 = arith.muli %mul3A_284, %add3A_280 : i32
      %add3A_286 = arith.addi %mul3A_2, %mul3A_285 : i32
      %min3A_287 = arith.constant 7809 : i32
      %min3A_288 = arith.minsi %add3A_286, %min3A_287 : i32
      %mul3A_289 = arith.constant 128 : i32
      %mul3A_290 = arith.muli %min3A_288, %mul3A_289 : i32
      %multiple_of3A_291 = tpu.assume_multiple %mul3A_290, 128 : i32
      %lt3A_292 = arith.cmpi slt, %add3A_283, %min3A_4 : i32
      %eq3A_293 = arith.constant 0 : i32
      %eq3A_294 = arith.cmpi eq, %arg0, %eq3A_293 : i32
      %and3A_295 = arith.andi %lt3A_292, %eq3A_294 : i1
      %convert_element_type3A_296 = arith.extui %and3A_295 : i1 to i32
      %cond3A_297 = arith.constant 0 : i32
      %cond3A_298 = arith.cmpi ne, %convert_element_type3A_296, %cond3A_297 : i32
      scf.if %cond3A_298 {
        %dma_start3A_408 = arith.constant 0 : i32
        %dma_start3A_409 = tpu.memref_slice %arg3[%dma_start3A_408, %multiple_of3A_291] : memref<64x1000000xf32, #tpu.memory_space<hbm>> -> memref<64x512xf32, #tpu.memory_space<hbm>>
        %dma_start3A_410 = arith.constant 0 : i32
        %dma_start3A_411 = tpu.memref_slice %arg3[%dma_start3A_410, %multiple_of3A_291] : memref<64x1000000xf32, #tpu.memory_space<hbm>> -> memref<64x512xf32, #tpu.memory_space<hbm>>
        tpu.enqueue_dma source(%dma_start3A_411 : memref<64x512xf32, #tpu.memory_space<hbm>>) target(%arg17 : memref<64x512xf32, #tpu.memory_space<vmem>>) target_semaphore(%arg26 : memref<!tpu.dma_semaphore, #tpu.memory_space<semaphore_mem>>)
      } else {
      }
      %lt3A_299 = arith.cmpi slt, %add3A_283, %min3A_4 : i32
      %eq3A_300 = arith.constant 1 : i32
      %eq3A_301 = arith.cmpi eq, %arg0, %eq3A_300 : i32
      %and3A_302 = arith.andi %lt3A_299, %eq3A_301 : i1
      %convert_element_type3A_303 = arith.extui %and3A_302 : i1 to i32
      %cond3A_304 = arith.constant 0 : i32
      %cond3A_305 = arith.cmpi ne, %convert_element_type3A_303, %cond3A_304 : i32
      scf.if %cond3A_305 {
        %dma_start3A_408 = arith.constant 0 : i32
        %dma_start3A_409 = tpu.memref_slice %arg4[%dma_start3A_408, %multiple_of3A_291] : memref<64x1000000xf32, #tpu.memory_space<hbm>> -> memref<64x512xf32, #tpu.memory_space<hbm>>
        %dma_start3A_410 = arith.constant 0 : i32
        %dma_start3A_411 = tpu.memref_slice %arg4[%dma_start3A_410, %multiple_of3A_291] : memref<64x1000000xf32, #tpu.memory_space<hbm>> -> memref<64x512xf32, #tpu.memory_space<hbm>>
        tpu.enqueue_dma source(%dma_start3A_411 : memref<64x512xf32, #tpu.memory_space<hbm>>) target(%arg17 : memref<64x512xf32, #tpu.memory_space<vmem>>) target_semaphore(%arg26 : memref<!tpu.dma_semaphore, #tpu.memory_space<semaphore_mem>>)
      } else {
      }
      %add3A_306 = arith.constant 1 : i32
      %add3A_307 = arith.addi %mul3A_255, %add3A_306 : i32
      %mul3A_308 = arith.constant 4 : i32
      %mul3A_309 = arith.muli %mul3A_308, %add3A_307 : i32
      %add3A_310 = arith.addi %mul3A_2, %mul3A_309 : i32
      %lt3A_311 = arith.cmpi slt, %add3A_310, %min3A_4 : i32
      %convert_element_type3A_312 = arith.extui %lt3A_311 : i1 to i32
      %cond3A_313 = arith.constant 0 : i32
      %cond3A_314 = arith.cmpi ne, %convert_element_type3A_312, %cond3A_313 : i32
      scf.if %cond3A_314 {
        %dma_wait3A_408 = arith.constant 0 : i32
        %dma_wait3A_409 = arith.constant 0 : i32
        %dma_wait3A_410 = tpu.memref_slice %arg3[%dma_wait3A_408, %dma_wait3A_409] : memref<64x1000000xf32, #tpu.memory_space<hbm>> -> memref<64x512xf32, #tpu.memory_space<hbm>>
        %dma_wait3A_411 = arith.constant 0 : i32
        %dma_wait3A_412 = arith.constant 0 : i32
        %dma_wait3A_413 = tpu.memref_slice %arg3[%dma_wait3A_411, %dma_wait3A_412] : memref<64x1000000xf32, #tpu.memory_space<hbm>> -> memref<64x512xf32, #tpu.memory_space<hbm>>
        tpu.wait_dma2 semaphore(%arg27 : memref<!tpu.dma_semaphore, #tpu.memory_space<semaphore_mem>>) src(%dma_wait3A_413 : memref<64x512xf32, #tpu.memory_space<hbm>>) dst(%arg18 : memref<64x512xf32, #tpu.memory_space<vmem>>)
      } else {
      }
      %add3A_315 = arith.constant 1 : i32
      %add3A_316 = arith.addi %mul3A_255, %add3A_315 : i32
      %mul3A_317 = arith.constant 4 : i32
      %mul3A_318 = arith.muli %mul3A_317, %add3A_316 : i32
      %add3A_319 = arith.addi %mul3A_2, %mul3A_318 : i32
      %min3A_320 = arith.constant 7809 : i32
      %min3A_321 = arith.minsi %add3A_319, %min3A_320 : i32
      %min3A_322 = arith.constant 122 : i32
      %min3A_323 = arith.minsi %add3A_316, %min3A_322 : i32
      %get3A_324 = arith.index_cast %min3A_323 : i32 to index
      %get3A_325 = memref.load %arg24[%get3A_324] : memref<490xi32, #tpu.memory_space<smem>>
      %while3A_326 = arith.constant 0 : i32
      %while3A_327:2 = scf.while (%while3A_408 = %while3A_326, %while3A_409 = %while3A_276#1) : (i32, i32) -> (i32, i32) {
        %lt3A_410 = arith.cmpi slt, %while3A_408, %get3A_325 : i32
        scf.condition(%lt3A_410) %while3A_408, %while3A_409 : i32, i32
      } do {
      ^bb0(%while3A_408: i32, %while3A_409: i32):
        %mul3A_410 = arith.constant 40 : i32
        %mul3A_411 = arith.muli %min3A_323, %mul3A_410 : i32
        %add3A_412 = arith.addi %mul3A_411, %while3A_408 : i32
        %broadcast_in_dim3A = vector.broadcast %add3A_412 : i32 to vector<16xi32>
        %gather3A = tpu.vector_load_idx %arg15[%broadcast_in_dim3A] : memref<4920xi32, #tpu.memory_space<vmem>>[vector<16xi32>], vector<16xi32>,
        %slice3A = vector.extract_strided_slice %gather3A {offsets = [0], sizes = [1], strides = [1]} : vector<16xi32> to vector<1xi32>
        %squeeze3A = vector.extract %slice3A[0] : i32 from vector<1xi32>
        %gather3A_413 = tpu.vector_load_idx %arg16[%broadcast_in_dim3A] : memref<4920xi32, #tpu.memory_space<vmem>>[vector<16xi32>], vector<16xi32>,
        %mul3A_414 = arith.constant 128 : i32
        %mul3A_415 = arith.muli %min3A_321, %mul3A_414 : i32
        %sub3A_416 = vector.broadcast %mul3A_415 : i32 to vector<16xi32>
        %sub3A_417 = arith.subi %gather3A_413, %sub3A_416 : vector<16xi32>
        %add3A_418 = arith.constant 0 : i32
        %add3A_419 = vector.broadcast %add3A_418 : i32 to vector<16xi32>
        %add3A_420 = arith.addi %iota3A, %add3A_419 : vector<16xi32>
        %gather3A_421 = tpu.vector_load_idx %arg18[%add3A_420, %sub3A_417] : memref<64x512xf32, #tpu.memory_space<vmem>>[vector<16xi32>, vector<16xi32>], vector<16xf32>,
        %swap3A = arith.index_cast %while3A_409 : i32 to index
        %swap3A_422 = arith.constant 0 : index
        %swap3A_423 = tpu.vector_load %arg20[%swap3A, %swap3A_422] {strides = array<i32>} : memref<64x128xf32, #tpu.memory_space<vmem>>, vector<16xf32>,
        tpu.vector_store %arg20[%swap3A, %swap3A_422], %gather3A_421 {strides = array<i32>} : memref<64x128xf32, #tpu.memory_space<vmem>>, vector<16xf32>,
        %add3A_424 = arith.constant 16 : i32
        %add3A_425 = vector.broadcast %add3A_424 : i32 to vector<16xi32>
        %add3A_426 = arith.addi %iota3A, %add3A_425 : vector<16xi32>
        %gather3A_427 = tpu.vector_load_idx %arg18[%add3A_426, %sub3A_417] : memref<64x512xf32, #tpu.memory_space<vmem>>[vector<16xi32>, vector<16xi32>], vector<16xf32>,
        %swap3A_428 = arith.index_cast %while3A_409 : i32 to index
        %swap3A_429 = arith.constant 16 : index
        %swap3A_430 = tpu.vector_load %arg20[%swap3A_428, %swap3A_429] {strides = array<i32>} : memref<64x128xf32, #tpu.memory_space<vmem>>, vector<16xf32>,
        tpu.vector_store %arg20[%swap3A_428, %swap3A_429], %gather3A_427 {strides = array<i32>} : memref<64x128xf32, #tpu.memory_space<vmem>>, vector<16xf32>,
        %add3A_431 = arith.constant 32 : i32
        %add3A_432 = vector.broadcast %add3A_431 : i32 to vector<16xi32>
        %add3A_433 = arith.addi %iota3A, %add3A_432 : vector<16xi32>
        %gather3A_434 = tpu.vector_load_idx %arg18[%add3A_433, %sub3A_417] : memref<64x512xf32, #tpu.memory_space<vmem>>[vector<16xi32>, vector<16xi32>], vector<16xf32>,
        %swap3A_435 = arith.index_cast %while3A_409 : i32 to index
        %swap3A_436 = arith.constant 32 : index
        %swap3A_437 = tpu.vector_load %arg20[%swap3A_435, %swap3A_436] {strides = array<i32>} : memref<64x128xf32, #tpu.memory_space<vmem>>, vector<16xf32>,
        tpu.vector_store %arg20[%swap3A_435, %swap3A_436], %gather3A_434 {strides = array<i32>} : memref<64x128xf32, #tpu.memory_space<vmem>>, vector<16xf32>,
        %add3A_438 = arith.constant 48 : i32
        %add3A_439 = vector.broadcast %add3A_438 : i32 to vector<16xi32>
        %add3A_440 = arith.addi %iota3A, %add3A_439 : vector<16xi32>
        %gather3A_441 = tpu.vector_load_idx %arg18[%add3A_440, %sub3A_417] : memref<64x512xf32, #tpu.memory_space<vmem>>[vector<16xi32>, vector<16xi32>], vector<16xf32>,
        %swap3A_442 = arith.index_cast %while3A_409 : i32 to index
        %swap3A_443 = arith.constant 48 : index
        %swap3A_444 = tpu.vector_load %arg20[%swap3A_442, %swap3A_443] {strides = array<i32>} : memref<64x128xf32, #tpu.memory_space<vmem>>, vector<16xf32>,
        tpu.vector_store %arg20[%swap3A_442, %swap3A_443], %gather3A_441 {strides = array<i32>} : memref<64x128xf32, #tpu.memory_space<vmem>>, vector<16xf32>,
        %broadcast_in_dim3A_445 = vector.broadcast %while3A_409 : i32 to vector<16xi32>
        %broadcast_in_dim3A_446 = vector.broadcast %squeeze3A : i32 to vector<16xi32>
        tpu.vector_store_idx %arg21[%broadcast_in_dim3A_445], %broadcast_in_dim3A_446 masked %eq3A_1 : memref<64xi32, #tpu.memory_space<vmem>>[vector<16xi32>], vector<16xi32>, vector<16xi1>
        %add3A_447 = arith.constant 1 : i32
        %add3A_448 = arith.addi %while3A_409, %add3A_447 : i32
        %eq3A_449 = arith.constant 64 : i32
        %eq3A_450 = arith.cmpi eq, %add3A_448, %eq3A_449 : i32
        %convert_element_type3A_451 = arith.extui %eq3A_450 : i1 to i32
        %cond3A_452 = arith.constant 0 : i32
        %cond3A_453 = arith.cmpi ne, %convert_element_type3A_451, %cond3A_452 : i32
        scf.if %cond3A_453 {
          %eq3A_458 = arith.constant 0 : i32
          %eq3A_459 = arith.cmpi eq, %arg0, %eq3A_458 : i32
          %convert_element_type3A_460 = arith.extui %eq3A_459 : i1 to i32
          %cond3A_461 = arith.constant 0 : i32
          %cond3A_462 = arith.cmpi ne, %convert_element_type3A_460, %cond3A_461 : i32
          scf.if %cond3A_462 {
            %dma_start3A_468 = arith.constant 0 : i32
            %dma_start3A_469 = arith.constant 0 : i32
            %dma_start3A_470 = tpu.memref_slice %arg7[%dma_start3A_468, %dma_start3A_469] : memref<16448x128xf32, #tpu.memory_space<hbm>> -> memref<16448x128xf32, #tpu.memory_space<hbm>>
            tpu.enqueue_indirect_dma source(%arg20 : memref<64x128xf32, #tpu.memory_space<vmem>>) target(%dma_start3A_470 : memref<16448x128xf32, #tpu.memory_space<hbm>>) offsets(%arg21 : memref<64xi32, #tpu.memory_space<vmem>>) semaphore(%arg29 : memref<!tpu.dma_semaphore, #tpu.memory_space<semaphore_mem>>)
            %dma_wait3A_471 = arith.constant 0 : i32
            %dma_wait3A_472 = arith.constant 0 : i32
            %dma_wait3A_473 = tpu.memref_slice %arg7[%dma_wait3A_471, %dma_wait3A_472] : memref<16448x128xf32, #tpu.memory_space<hbm>> -> memref<16448x128xf32, #tpu.memory_space<hbm>>
            tpu.wait_indirect_dma semaphore(%arg29 : memref<!tpu.dma_semaphore, #tpu.memory_space<semaphore_mem>>) src(%arg20 : memref<64x128xf32, #tpu.memory_space<vmem>>) dst(%dma_wait3A_473 : memref<16448x128xf32, #tpu.memory_space<hbm>>)
          } else {
          }
          %eq3A_463 = arith.constant 1 : i32
          %eq3A_464 = arith.cmpi eq, %arg0, %eq3A_463 : i32
          %convert_element_type3A_465 = arith.extui %eq3A_464 : i1 to i32
          %cond3A_466 = arith.constant 0 : i32
          %cond3A_467 = arith.cmpi ne, %convert_element_type3A_465, %cond3A_466 : i32
          scf.if %cond3A_467 {
            %dma_start3A_468 = arith.constant 0 : i32
            %dma_start3A_469 = arith.constant 0 : i32
            %dma_start3A_470 = tpu.memref_slice %arg8[%dma_start3A_468, %dma_start3A_469] : memref<16448x128xf32, #tpu.memory_space<hbm>> -> memref<16448x128xf32, #tpu.memory_space<hbm>>
            tpu.enqueue_indirect_dma source(%arg20 : memref<64x128xf32, #tpu.memory_space<vmem>>) target(%dma_start3A_470 : memref<16448x128xf32, #tpu.memory_space<hbm>>) offsets(%arg21 : memref<64xi32, #tpu.memory_space<vmem>>) semaphore(%arg29 : memref<!tpu.dma_semaphore, #tpu.memory_space<semaphore_mem>>)
            %dma_wait3A_471 = arith.constant 0 : i32
            %dma_wait3A_472 = arith.constant 0 : i32
            %dma_wait3A_473 = tpu.memref_slice %arg8[%dma_wait3A_471, %dma_wait3A_472] : memref<16448x128xf32, #tpu.memory_space<hbm>> -> memref<16448x128xf32, #tpu.memory_space<hbm>>
            tpu.wait_indirect_dma semaphore(%arg29 : memref<!tpu.dma_semaphore, #tpu.memory_space<semaphore_mem>>) src(%arg20 : memref<64x128xf32, #tpu.memory_space<vmem>>) dst(%dma_wait3A_473 : memref<16448x128xf32, #tpu.memory_space<hbm>>)
          } else {
          }
        } else {
        }
        %eq3A_454 = arith.constant 64 : i32
        %eq3A_455 = arith.cmpi eq, %add3A_448, %eq3A_454 : i32
        %jit3A = arith.constant 0 : i32
        %select_n3A = arith.select %eq3A_455, %jit3A, %add3A_448 : i32
        %add3A_456 = arith.constant 1 : i32
        %add3A_457 = arith.addi %while3A_408, %add3A_456 : i32
        scf.yield %add3A_457, %select_n3A : i32, i32
      }
      %add3A_328 = arith.constant 1 : i32
      %add3A_329 = arith.addi %mul3A_255, %add3A_328 : i32
      %add3A_330 = arith.constant 3 : i32
      %add3A_331 = arith.addi %add3A_329, %add3A_330 : i32
      %mul3A_332 = arith.constant 4 : i32
      %mul3A_333 = arith.muli %mul3A_332, %add3A_331 : i32
      %add3A_334 = arith.addi %mul3A_2, %mul3A_333 : i32
      %mul3A_335 = arith.constant 4 : i32
      %mul3A_336 = arith.muli %mul3A_335, %add3A_331 : i32
      %add3A_337 = arith.addi %mul3A_2, %mul3A_336 : i32
      %min3A_338 = arith.constant 7809 : i32
      %min3A_339 = arith.minsi %add3A_337, %min3A_338 : i32
      %mul3A_340 = arith.constant 128 : i32
      %mul3A_341 = arith.muli %min3A_339, %mul3A_340 : i32
      %multiple_of3A_342 = tpu.assume_multiple %mul3A_341, 128 : i32
      %lt3A_343 = arith.cmpi slt, %add3A_334, %min3A_4 : i32
      %eq3A_344 = arith.constant 0 : i32
      %eq3A_345 = arith.cmpi eq, %arg0, %eq3A_344 : i32
      %and3A_346 = arith.andi %lt3A_343, %eq3A_345 : i1
      %convert_element_type3A_347 = arith.extui %and3A_346 : i1 to i32
      %cond3A_348 = arith.constant 0 : i32
      %cond3A_349 = arith.cmpi ne, %convert_element_type3A_347, %cond3A_348 : i32
      scf.if %cond3A_349 {
        %dma_start3A_408 = arith.constant 0 : i32
        %dma_start3A_409 = tpu.memref_slice %arg3[%dma_start3A_408, %multiple_of3A_342] : memref<64x1000000xf32, #tpu.memory_space<hbm>> -> memref<64x512xf32, #tpu.memory_space<hbm>>
        %dma_start3A_410 = arith.constant 0 : i32
        %dma_start3A_411 = tpu.memref_slice %arg3[%dma_start3A_410, %multiple_of3A_342] : memref<64x1000000xf32, #tpu.memory_space<hbm>> -> memref<64x512xf32, #tpu.memory_space<hbm>>
        tpu.enqueue_dma source(%dma_start3A_411 : memref<64x512xf32, #tpu.memory_space<hbm>>) target(%arg18 : memref<64x512xf32, #tpu.memory_space<vmem>>) target_semaphore(%arg27 : memref<!tpu.dma_semaphore, #tpu.memory_space<semaphore_mem>>)
      } else {
      }
      %lt3A_350 = arith.cmpi slt, %add3A_334, %min3A_4 : i32
      %eq3A_351 = arith.constant 1 : i32
      %eq3A_352 = arith.cmpi eq, %arg0, %eq3A_351 : i32
      %and3A_353 = arith.andi %lt3A_350, %eq3A_352 : i1
      %convert_element_type3A_354 = arith.extui %and3A_353 : i1 to i32
      %cond3A_355 = arith.constant 0 : i32
      %cond3A_356 = arith.cmpi ne, %convert_element_type3A_354, %cond3A_355 : i32
      scf.if %cond3A_356 {
        %dma_start3A_408 = arith.constant 0 : i32
        %dma_start3A_409 = tpu.memref_slice %arg4[%dma_start3A_408, %multiple_of3A_342] : memref<64x1000000xf32, #tpu.memory_space<hbm>> -> memref<64x512xf32, #tpu.memory_space<hbm>>
        %dma_start3A_410 = arith.constant 0 : i32
        %dma_start3A_411 = tpu.memref_slice %arg4[%dma_start3A_410, %multiple_of3A_342] : memref<64x1000000xf32, #tpu.memory_space<hbm>> -> memref<64x512xf32, #tpu.memory_space<hbm>>
        tpu.enqueue_dma source(%dma_start3A_411 : memref<64x512xf32, #tpu.memory_space<hbm>>) target(%arg18 : memref<64x512xf32, #tpu.memory_space<vmem>>) target_semaphore(%arg27 : memref<!tpu.dma_semaphore, #tpu.memory_space<semaphore_mem>>)
      } else {
      }
      %add3A_357 = arith.constant 2 : i32
      %add3A_358 = arith.addi %mul3A_255, %add3A_357 : i32
      %mul3A_359 = arith.constant 4 : i32
      %mul3A_360 = arith.muli %mul3A_359, %add3A_358 : i32
      %add3A_361 = arith.addi %mul3A_2, %mul3A_360 : i32
      %lt3A_362 = arith.cmpi slt, %add3A_361, %min3A_4 : i32
      %convert_element_type3A_363 = arith.extui %lt3A_362 : i1 to i32
      %cond3A_364 = arith.constant 0 : i32
      %cond3A_365 = arith.cmpi ne, %convert_element_type3A_363, %cond3A_364 : i32
      scf.if %cond3A_365 {
        %dma_wait3A_408 = arith.constant 0 : i32
        %dma_wait3A_409 = arith.constant 0 : i32
        %dma_wait3A_410 = tpu.memref_slice %arg3[%dma_wait3A_408, %dma_wait3A_409] : memref<64x1000000xf32, #tpu.memory_space<hbm>> -> memref<64x512xf32, #tpu.memory_space<hbm>>
        %dma_wait3A_411 = arith.constant 0 : i32
        %dma_wait3A_412 = arith.constant 0 : i32
        %dma_wait3A_413 = tpu.memref_slice %arg3[%dma_wait3A_411, %dma_wait3A_412] : memref<64x1000000xf32, #tpu.memory_space<hbm>> -> memref<64x512xf32, #tpu.memory_space<hbm>>
        tpu.wait_dma2 semaphore(%arg28 : memref<!tpu.dma_semaphore, #tpu.memory_space<semaphore_mem>>) src(%dma_wait3A_413 : memref<64x512xf32, #tpu.memory_space<hbm>>) dst(%arg19 : memref<64x512xf32, #tpu.memory_space<vmem>>)
      } else {
      }
      %add3A_366 = arith.constant 2 : i32
      %add3A_367 = arith.addi %mul3A_255, %add3A_366 : i32
      %mul3A_368 = arith.constant 4 : i32
      %mul3A_369 = arith.muli %mul3A_368, %add3A_367 : i32
      %add3A_370 = arith.addi %mul3A_2, %mul3A_369 : i32
      %min3A_371 = arith.constant 7809 : i32
      %min3A_372 = arith.minsi %add3A_370, %min3A_371 : i32
      %min3A_373 = arith.constant 122 : i32
      %min3A_374 = arith.minsi %add3A_367, %min3A_373 : i32
      %get3A_375 = arith.index_cast %min3A_374 : i32 to index
      %get3A_376 = memref.load %arg24[%get3A_375] : memref<490xi32, #tpu.memory_space<smem>>
      %while3A_377 = arith.constant 0 : i32
      %while3A_378:2 = scf.while (%while3A_408 = %while3A_377, %while3A_409 = %while3A_327#1) : (i32, i32) -> (i32, i32) {
        %lt3A_410 = arith.cmpi slt, %while3A_408, %get3A_376 : i32
        scf.condition(%lt3A_410) %while3A_408, %while3A_409 : i32, i32
      } do {
      ^bb0(%while3A_408: i32, %while3A_409: i32):
        %mul3A_410 = arith.constant 40 : i32
        %mul3A_411 = arith.muli %min3A_374, %mul3A_410 : i32
        %add3A_412 = arith.addi %mul3A_411, %while3A_408 : i32
        %broadcast_in_dim3A = vector.broadcast %add3A_412 : i32 to vector<16xi32>
        %gather3A = tpu.vector_load_idx %arg15[%broadcast_in_dim3A] : memref<4920xi32, #tpu.memory_space<vmem>>[vector<16xi32>], vector<16xi32>,
        %slice3A = vector.extract_strided_slice %gather3A {offsets = [0], sizes = [1], strides = [1]} : vector<16xi32> to vector<1xi32>
        %squeeze3A = vector.extract %slice3A[0] : i32 from vector<1xi32>
        %gather3A_413 = tpu.vector_load_idx %arg16[%broadcast_in_dim3A] : memref<4920xi32, #tpu.memory_space<vmem>>[vector<16xi32>], vector<16xi32>,
        %mul3A_414 = arith.constant 128 : i32
        %mul3A_415 = arith.muli %min3A_372, %mul3A_414 : i32
        %sub3A_416 = vector.broadcast %mul3A_415 : i32 to vector<16xi32>
        %sub3A_417 = arith.subi %gather3A_413, %sub3A_416 : vector<16xi32>
        %add3A_418 = arith.constant 0 : i32
        %add3A_419 = vector.broadcast %add3A_418 : i32 to vector<16xi32>
        %add3A_420 = arith.addi %iota3A, %add3A_419 : vector<16xi32>
        %gather3A_421 = tpu.vector_load_idx %arg19[%add3A_420, %sub3A_417] : memref<64x512xf32, #tpu.memory_space<vmem>>[vector<16xi32>, vector<16xi32>], vector<16xf32>,
        %swap3A = arith.index_cast %while3A_409 : i32 to index
        %swap3A_422 = arith.constant 0 : index
        %swap3A_423 = tpu.vector_load %arg20[%swap3A, %swap3A_422] {strides = array<i32>} : memref<64x128xf32, #tpu.memory_space<vmem>>, vector<16xf32>,
        tpu.vector_store %arg20[%swap3A, %swap3A_422], %gather3A_421 {strides = array<i32>} : memref<64x128xf32, #tpu.memory_space<vmem>>, vector<16xf32>,
        %add3A_424 = arith.constant 16 : i32
        %add3A_425 = vector.broadcast %add3A_424 : i32 to vector<16xi32>
        %add3A_426 = arith.addi %iota3A, %add3A_425 : vector<16xi32>
        %gather3A_427 = tpu.vector_load_idx %arg19[%add3A_426, %sub3A_417] : memref<64x512xf32, #tpu.memory_space<vmem>>[vector<16xi32>, vector<16xi32>], vector<16xf32>,
        %swap3A_428 = arith.index_cast %while3A_409 : i32 to index
        %swap3A_429 = arith.constant 16 : index
        %swap3A_430 = tpu.vector_load %arg20[%swap3A_428, %swap3A_429] {strides = array<i32>} : memref<64x128xf32, #tpu.memory_space<vmem>>, vector<16xf32>,
        tpu.vector_store %arg20[%swap3A_428, %swap3A_429], %gather3A_427 {strides = array<i32>} : memref<64x128xf32, #tpu.memory_space<vmem>>, vector<16xf32>,
        %add3A_431 = arith.constant 32 : i32
        %add3A_432 = vector.broadcast %add3A_431 : i32 to vector<16xi32>
        %add3A_433 = arith.addi %iota3A, %add3A_432 : vector<16xi32>
        %gather3A_434 = tpu.vector_load_idx %arg19[%add3A_433, %sub3A_417] : memref<64x512xf32, #tpu.memory_space<vmem>>[vector<16xi32>, vector<16xi32>], vector<16xf32>,
        %swap3A_435 = arith.index_cast %while3A_409 : i32 to index
        %swap3A_436 = arith.constant 32 : index
        %swap3A_437 = tpu.vector_load %arg20[%swap3A_435, %swap3A_436] {strides = array<i32>} : memref<64x128xf32, #tpu.memory_space<vmem>>, vector<16xf32>,
        tpu.vector_store %arg20[%swap3A_435, %swap3A_436], %gather3A_434 {strides = array<i32>} : memref<64x128xf32, #tpu.memory_space<vmem>>, vector<16xf32>,
        %add3A_438 = arith.constant 48 : i32
        %add3A_439 = vector.broadcast %add3A_438 : i32 to vector<16xi32>
        %add3A_440 = arith.addi %iota3A, %add3A_439 : vector<16xi32>
        %gather3A_441 = tpu.vector_load_idx %arg19[%add3A_440, %sub3A_417] : memref<64x512xf32, #tpu.memory_space<vmem>>[vector<16xi32>, vector<16xi32>], vector<16xf32>,
        %swap3A_442 = arith.index_cast %while3A_409 : i32 to index
        %swap3A_443 = arith.constant 48 : index
        %swap3A_444 = tpu.vector_load %arg20[%swap3A_442, %swap3A_443] {strides = array<i32>} : memref<64x128xf32, #tpu.memory_space<vmem>>, vector<16xf32>,
        tpu.vector_store %arg20[%swap3A_442, %swap3A_443], %gather3A_441 {strides = array<i32>} : memref<64x128xf32, #tpu.memory_space<vmem>>, vector<16xf32>,
        %broadcast_in_dim3A_445 = vector.broadcast %while3A_409 : i32 to vector<16xi32>
        %broadcast_in_dim3A_446 = vector.broadcast %squeeze3A : i32 to vector<16xi32>
        tpu.vector_store_idx %arg21[%broadcast_in_dim3A_445], %broadcast_in_dim3A_446 masked %eq3A_1 : memref<64xi32, #tpu.memory_space<vmem>>[vector<16xi32>], vector<16xi32>, vector<16xi1>
        %add3A_447 = arith.constant 1 : i32
        %add3A_448 = arith.addi %while3A_409, %add3A_447 : i32
        %eq3A_449 = arith.constant 64 : i32
        %eq3A_450 = arith.cmpi eq, %add3A_448, %eq3A_449 : i32
        %convert_element_type3A_451 = arith.extui %eq3A_450 : i1 to i32
        %cond3A_452 = arith.constant 0 : i32
        %cond3A_453 = arith.cmpi ne, %convert_element_type3A_451, %cond3A_452 : i32
        scf.if %cond3A_453 {
          %eq3A_458 = arith.constant 0 : i32
          %eq3A_459 = arith.cmpi eq, %arg0, %eq3A_458 : i32
          %convert_element_type3A_460 = arith.extui %eq3A_459 : i1 to i32
          %cond3A_461 = arith.constant 0 : i32
          %cond3A_462 = arith.cmpi ne, %convert_element_type3A_460, %cond3A_461 : i32
          scf.if %cond3A_462 {
            %dma_start3A_468 = arith.constant 0 : i32
            %dma_start3A_469 = arith.constant 0 : i32
            %dma_start3A_470 = tpu.memref_slice %arg7[%dma_start3A_468, %dma_start3A_469] : memref<16448x128xf32, #tpu.memory_space<hbm>> -> memref<16448x128xf32, #tpu.memory_space<hbm>>
            tpu.enqueue_indirect_dma source(%arg20 : memref<64x128xf32, #tpu.memory_space<vmem>>) target(%dma_start3A_470 : memref<16448x128xf32, #tpu.memory_space<hbm>>) offsets(%arg21 : memref<64xi32, #tpu.memory_space<vmem>>) semaphore(%arg29 : memref<!tpu.dma_semaphore, #tpu.memory_space<semaphore_mem>>)
            %dma_wait3A_471 = arith.constant 0 : i32
            %dma_wait3A_472 = arith.constant 0 : i32
            %dma_wait3A_473 = tpu.memref_slice %arg7[%dma_wait3A_471, %dma_wait3A_472] : memref<16448x128xf32, #tpu.memory_space<hbm>> -> memref<16448x128xf32, #tpu.memory_space<hbm>>
            tpu.wait_indirect_dma semaphore(%arg29 : memref<!tpu.dma_semaphore, #tpu.memory_space<semaphore_mem>>) src(%arg20 : memref<64x128xf32, #tpu.memory_space<vmem>>) dst(%dma_wait3A_473 : memref<16448x128xf32, #tpu.memory_space<hbm>>)
          } else {
          }
          %eq3A_463 = arith.constant 1 : i32
          %eq3A_464 = arith.cmpi eq, %arg0, %eq3A_463 : i32
          %convert_element_type3A_465 = arith.extui %eq3A_464 : i1 to i32
          %cond3A_466 = arith.constant 0 : i32
          %cond3A_467 = arith.cmpi ne, %convert_element_type3A_465, %cond3A_466 : i32
          scf.if %cond3A_467 {
            %dma_start3A_468 = arith.constant 0 : i32
            %dma_start3A_469 = arith.constant 0 : i32
            %dma_start3A_470 = tpu.memref_slice %arg8[%dma_start3A_468, %dma_start3A_469] : memref<16448x128xf32, #tpu.memory_space<hbm>> -> memref<16448x128xf32, #tpu.memory_space<hbm>>
            tpu.enqueue_indirect_dma source(%arg20 : memref<64x128xf32, #tpu.memory_space<vmem>>) target(%dma_start3A_470 : memref<16448x128xf32, #tpu.memory_space<hbm>>) offsets(%arg21 : memref<64xi32, #tpu.memory_space<vmem>>) semaphore(%arg29 : memref<!tpu.dma_semaphore, #tpu.memory_space<semaphore_mem>>)
            %dma_wait3A_471 = arith.constant 0 : i32
            %dma_wait3A_472 = arith.constant 0 : i32
            %dma_wait3A_473 = tpu.memref_slice %arg8[%dma_wait3A_471, %dma_wait3A_472] : memref<16448x128xf32, #tpu.memory_space<hbm>> -> memref<16448x128xf32, #tpu.memory_space<hbm>>
            tpu.wait_indirect_dma semaphore(%arg29 : memref<!tpu.dma_semaphore, #tpu.memory_space<semaphore_mem>>) src(%arg20 : memref<64x128xf32, #tpu.memory_space<vmem>>) dst(%dma_wait3A_473 : memref<16448x128xf32, #tpu.memory_space<hbm>>)
          } else {
          }
        } else {
        }
        %eq3A_454 = arith.constant 64 : i32
        %eq3A_455 = arith.cmpi eq, %add3A_448, %eq3A_454 : i32
        %jit3A = arith.constant 0 : i32
        %select_n3A = arith.select %eq3A_455, %jit3A, %add3A_448 : i32
        %add3A_456 = arith.constant 1 : i32
        %add3A_457 = arith.addi %while3A_408, %add3A_456 : i32
        scf.yield %add3A_457, %select_n3A : i32, i32
      }
      %add3A_379 = arith.constant 2 : i32
      %add3A_380 = arith.addi %mul3A_255, %add3A_379 : i32
      %add3A_381 = arith.constant 3 : i32
      %add3A_382 = arith.addi %add3A_380, %add3A_381 : i32
      %mul3A_383 = arith.constant 4 : i32
      %mul3A_384 = arith.muli %mul3A_383, %add3A_382 : i32
      %add3A_385 = arith.addi %mul3A_2, %mul3A_384 : i32
      %mul3A_386 = arith.constant 4 : i32
      %mul3A_387 = arith.muli %mul3A_386, %add3A_382 : i32
      %add3A_388 = arith.addi %mul3A_2, %mul3A_387 : i32
      %min3A_389 = arith.constant 7809 : i32
      %min3A_390 = arith.minsi %add3A_388, %min3A_389 : i32
      %mul3A_391 = arith.constant 128 : i32
      %mul3A_392 = arith.muli %min3A_390, %mul3A_391 : i32
      %multiple_of3A_393 = tpu.assume_multiple %mul3A_392, 128 : i32
      %lt3A_394 = arith.cmpi slt, %add3A_385, %min3A_4 : i32
      %eq3A_395 = arith.constant 0 : i32
      %eq3A_396 = arith.cmpi eq, %arg0, %eq3A_395 : i32
      %and3A_397 = arith.andi %lt3A_394, %eq3A_396 : i1
      %convert_element_type3A_398 = arith.extui %and3A_397 : i1 to i32
      %cond3A_399 = arith.constant 0 : i32
      %cond3A_400 = arith.cmpi ne, %convert_element_type3A_398, %cond3A_399 : i32
      scf.if %cond3A_400 {
        %dma_start3A_408 = arith.constant 0 : i32
        %dma_start3A_409 = tpu.memref_slice %arg3[%dma_start3A_408, %multiple_of3A_393] : memref<64x1000000xf32, #tpu.memory_space<hbm>> -> memref<64x512xf32, #tpu.memory_space<hbm>>
        %dma_start3A_410 = arith.constant 0 : i32
        %dma_start3A_411 = tpu.memref_slice %arg3[%dma_start3A_410, %multiple_of3A_393] : memref<64x1000000xf32, #tpu.memory_space<hbm>> -> memref<64x512xf32, #tpu.memory_space<hbm>>
        tpu.enqueue_dma source(%dma_start3A_411 : memref<64x512xf32, #tpu.memory_space<hbm>>) target(%arg19 : memref<64x512xf32, #tpu.memory_space<vmem>>) target_semaphore(%arg28 : memref<!tpu.dma_semaphore, #tpu.memory_space<semaphore_mem>>)
      } else {
      }
      %lt3A_401 = arith.cmpi slt, %add3A_385, %min3A_4 : i32
      %eq3A_402 = arith.constant 1 : i32
      %eq3A_403 = arith.cmpi eq, %arg0, %eq3A_402 : i32
      %and3A_404 = arith.andi %lt3A_401, %eq3A_403 : i1
      %convert_element_type3A_405 = arith.extui %and3A_404 : i1 to i32
      %cond3A_406 = arith.constant 0 : i32
      %cond3A_407 = arith.cmpi ne, %convert_element_type3A_405, %cond3A_406 : i32
      scf.if %cond3A_407 {
        %dma_start3A_408 = arith.constant 0 : i32
        %dma_start3A_409 = tpu.memref_slice %arg4[%dma_start3A_408, %multiple_of3A_393] : memref<64x1000000xf32, #tpu.memory_space<hbm>> -> memref<64x512xf32, #tpu.memory_space<hbm>>
        %dma_start3A_410 = arith.constant 0 : i32
        %dma_start3A_411 = tpu.memref_slice %arg4[%dma_start3A_410, %multiple_of3A_393] : memref<64x1000000xf32, #tpu.memory_space<hbm>> -> memref<64x512xf32, #tpu.memory_space<hbm>>
        tpu.enqueue_dma source(%dma_start3A_411 : memref<64x512xf32, #tpu.memory_space<hbm>>) target(%arg19 : memref<64x512xf32, #tpu.memory_space<vmem>>) target_semaphore(%arg28 : memref<!tpu.dma_semaphore, #tpu.memory_space<semaphore_mem>>)
      } else {
      }
      scf.yield %while3A_378#1 : i32
    }
    %scan3A_231 = arith.constant 41 : i32
    %eq3A_232 = arith.constant 0 : i32
    %eq3A_233 = arith.cmpi eq, %arg0, %eq3A_232 : i32
    %convert_element_type3A_234 = arith.extui %eq3A_233 : i1 to i32
    %cond3A_235 = arith.constant 0 : i32
    %cond3A_236 = arith.cmpi ne, %convert_element_type3A_234, %cond3A_235 : i32
    scf.if %cond3A_236 {
      %dma_start3A_252 = arith.constant 0 : i32
      %dma_start3A_253 = arith.constant 0 : i32
      %dma_start3A_254 = tpu.memref_slice %arg7[%dma_start3A_252, %dma_start3A_253] : memref<16448x128xf32, #tpu.memory_space<hbm>> -> memref<16448x128xf32, #tpu.memory_space<hbm>>
      tpu.enqueue_indirect_dma source(%arg20 : memref<64x128xf32, #tpu.memory_space<vmem>>) target(%dma_start3A_254 : memref<16448x128xf32, #tpu.memory_space<hbm>>) offsets(%arg21 : memref<64xi32, #tpu.memory_space<vmem>>) semaphore(%arg29 : memref<!tpu.dma_semaphore, #tpu.memory_space<semaphore_mem>>)
      %dma_wait3A_255 = arith.constant 0 : i32
      %dma_wait3A_256 = arith.constant 0 : i32
      %dma_wait3A_257 = tpu.memref_slice %arg7[%dma_wait3A_255, %dma_wait3A_256] : memref<16448x128xf32, #tpu.memory_space<hbm>> -> memref<16448x128xf32, #tpu.memory_space<hbm>>
      tpu.wait_indirect_dma semaphore(%arg29 : memref<!tpu.dma_semaphore, #tpu.memory_space<semaphore_mem>>) src(%arg20 : memref<64x128xf32, #tpu.memory_space<vmem>>) dst(%dma_wait3A_257 : memref<16448x128xf32, #tpu.memory_space<hbm>>)
    } else {
    }
    %eq3A_237 = arith.constant 1 : i32
    %eq3A_238 = arith.cmpi eq, %arg0, %eq3A_237 : i32
    %convert_element_type3A_239 = arith.extui %eq3A_238 : i1 to i32
    %cond3A_240 = arith.constant 0 : i32
    %cond3A_241 = arith.cmpi ne, %convert_element_type3A_239, %cond3A_240 : i32
    scf.if %cond3A_241 {
      %dma_start3A_252 = arith.constant 0 : i32
      %dma_start3A_253 = arith.constant 0 : i32
      %dma_start3A_254 = tpu.memref_slice %arg8[%dma_start3A_252, %dma_start3A_253] : memref<16448x128xf32, #tpu.memory_space<hbm>> -> memref<16448x128xf32, #tpu.memory_space<hbm>>
      tpu.enqueue_indirect_dma source(%arg20 : memref<64x128xf32, #tpu.memory_space<vmem>>) target(%dma_start3A_254 : memref<16448x128xf32, #tpu.memory_space<hbm>>) offsets(%arg21 : memref<64xi32, #tpu.memory_space<vmem>>) semaphore(%arg29 : memref<!tpu.dma_semaphore, #tpu.memory_space<semaphore_mem>>)
      %dma_wait3A_255 = arith.constant 0 : i32
      %dma_wait3A_256 = arith.constant 0 : i32
      %dma_wait3A_257 = tpu.memref_slice %arg8[%dma_wait3A_255, %dma_wait3A_256] : memref<16448x128xf32, #tpu.memory_space<hbm>> -> memref<16448x128xf32, #tpu.memory_space<hbm>>
      tpu.wait_indirect_dma semaphore(%arg29 : memref<!tpu.dma_semaphore, #tpu.memory_space<semaphore_mem>>) src(%arg20 : memref<64x128xf32, #tpu.memory_space<vmem>>) dst(%dma_wait3A_257 : memref<16448x128xf32, #tpu.memory_space<hbm>>)
    } else {
    }
    %eq3A_242 = arith.constant 0 : i32
    %eq3A_243 = arith.cmpi eq, %arg0, %eq3A_242 : i32
    %convert_element_type3A_244 = arith.extui %eq3A_243 : i1 to i32
    %cond3A_245 = arith.constant 0 : i32
    %cond3A_246 = arith.cmpi ne, %convert_element_type3A_244, %cond3A_245 : i32
    scf.if %cond3A_246 {
      %dma_wait3A_252 = arith.constant 0 : i32
      %dma_wait3A_253 = tpu.memref_slice %arg5[%dma_wait3A_252] : memref<1000000xf32, #tpu.memory_space<hbm>> -> memref<1000000xf32, #tpu.memory_space<hbm>>
      tpu.wait_indirect_dma semaphore(%arg30 : memref<!tpu.dma_semaphore, #tpu.memory_space<semaphore_mem>>) src(%dma_wait3A_253 : memref<1000000xf32, #tpu.memory_space<hbm>>) dst(%arg23 : memref<1024xf32, #tpu.memory_space<vmem>>)
      "tpu.region"() ({
        %run_scoped3A = tpu.sem_alloc : memref<!tpu.dma_semaphore, #tpu.memory_space<semaphore_mem>>
        %dma_start3A_254 = tpu.memref_slice %arg9[%mul3A_6] : memref<16384xf32, #tpu.memory_space<hbm>> -> memref<1024xf32, #tpu.memory_space<hbm>>
        %dma_start3A_255 = tpu.memref_slice %arg9[%mul3A_6] : memref<16384xf32, #tpu.memory_space<hbm>> -> memref<1024xf32, #tpu.memory_space<hbm>>
        tpu.enqueue_dma source(%arg23 : memref<1024xf32, #tpu.memory_space<vmem>>) target(%dma_start3A_255 : memref<1024xf32, #tpu.memory_space<hbm>>) target_semaphore(%run_scoped3A : memref<!tpu.dma_semaphore, #tpu.memory_space<semaphore_mem>>)
        %dma_wait3A_256 = tpu.memref_slice %arg9[%mul3A_6] : memref<16384xf32, #tpu.memory_space<hbm>> -> memref<1024xf32, #tpu.memory_space<hbm>>
        %dma_wait3A_257 = tpu.memref_slice %arg9[%mul3A_6] : memref<16384xf32, #tpu.memory_space<hbm>> -> memref<1024xf32, #tpu.memory_space<hbm>>
        tpu.wait_dma2 semaphore(%run_scoped3A : memref<!tpu.dma_semaphore, #tpu.memory_space<semaphore_mem>>) src(%arg23 : memref<1024xf32, #tpu.memory_space<vmem>>) dst(%dma_wait3A_257 : memref<1024xf32, #tpu.memory_space<hbm>>)
        tpu.yield
      }) : () -> ()
    } else {
    }
    %eq3A_247 = arith.constant 1 : i32
    %eq3A_248 = arith.cmpi eq, %arg0, %eq3A_247 : i32
    %convert_element_type3A_249 = arith.extui %eq3A_248 : i1 to i32
    %cond3A_250 = arith.constant 0 : i32
    %cond3A_251 = arith.cmpi ne, %convert_element_type3A_249, %cond3A_250 : i32
    scf.if %cond3A_251 {
      %dma_wait3A_252 = arith.constant 0 : i32
      %dma_wait3A_253 = tpu.memref_slice %arg6[%dma_wait3A_252] : memref<1000000xf32, #tpu.memory_space<hbm>> -> memref<1000000xf32, #tpu.memory_space<hbm>>
      tpu.wait_indirect_dma semaphore(%arg30 : memref<!tpu.dma_semaphore, #tpu.memory_space<semaphore_mem>>) src(%dma_wait3A_253 : memref<1000000xf32, #tpu.memory_space<hbm>>) dst(%arg23 : memref<1024xf32, #tpu.memory_space<vmem>>)
      "tpu.region"() ({
        %run_scoped3A = tpu.sem_alloc : memref<!tpu.dma_semaphore, #tpu.memory_space<semaphore_mem>>
        %dma_start3A_254 = tpu.memref_slice %arg10[%mul3A_6] : memref<16384xf32, #tpu.memory_space<hbm>> -> memref<1024xf32, #tpu.memory_space<hbm>>
        %dma_start3A_255 = tpu.memref_slice %arg10[%mul3A_6] : memref<16384xf32, #tpu.memory_space<hbm>> -> memref<1024xf32, #tpu.memory_space<hbm>>
        tpu.enqueue_dma source(%arg23 : memref<1024xf32, #tpu.memory_space<vmem>>) target(%dma_start3A_255 : memref<1024xf32, #tpu.memory_space<hbm>>) target_semaphore(%run_scoped3A : memref<!tpu.dma_semaphore, #tpu.memory_space<semaphore_mem>>)
        %dma_wait3A_256 = tpu.memref_slice %arg10[%mul3A_6] : memref<16384xf32, #tpu.memory_space<hbm>> -> memref<1024xf32, #tpu.memory_space<hbm>>
        %dma_wait3A_257 = tpu.memref_slice %arg10[%mul3A_6] : memref<16384xf32, #tpu.memory_space<hbm>> -> memref<1024xf32, #tpu.memory_space<hbm>>
        tpu.wait_dma2 semaphore(%run_scoped3A : memref<!tpu.dma_semaphore, #tpu.memory_space<semaphore_mem>>) src(%arg23 : memref<1024xf32, #tpu.memory_space<vmem>>) dst(%dma_wait3A_257 : memref<1024xf32, #tpu.memory_space<hbm>>)
        tpu.yield
      }) : () -> ()
    } else {
    }
    return
  }
}

module attributes {stable_mosaic.version = 14 : i64} {
  func.func @_dot_phase(%arg0: i32, %arg1: memref<2048x128xf32, #tpu.memory_space<vmem>>, %arg2: memref<2048x128xf32, #tpu.memory_space<vmem>>, %arg3: memref<2048xf32, #tpu.memory_space<vmem>>, %arg4: memref<2048xf32, #tpu.memory_space<vmem>>, %arg5: memref<2048xf32, #tpu.memory_space<vmem>>) attributes {dimension_semantics = [#tpu.dimension_semantics<arbitrary>], iteration_bounds = array<i64: 8>, scalar_prefetch = 0 : i64, scratch_operands = 0 : i64, tpu.core_type = #tpu.core_type<tc>, window_params = [{transform_indices = @transform_0, window_bounds = array<i64: 2048, 128>}, {transform_indices = @transform_1, window_bounds = array<i64: 2048, 128>}, {transform_indices = @transform_2, window_bounds = array<i64: 2048>}, {transform_indices = @transform_3, window_bounds = array<i64: 2048>}, {transform_indices = @transform_4, window_bounds = array<i64: 2048>}]} {
    %get3A = arith.constant 0 : index
    %get3A_0 = arith.constant 0 : index
    %get3A_1 = vector.load %arg1[%get3A, %get3A_0] : memref<2048x128xf32, #tpu.memory_space<vmem>>, vector<2048x64xf32>
    %get3A_2 = arith.constant 0 : index
    %get3A_3 = arith.constant 0 : index
    %get3A_4 = vector.load %arg2[%get3A_2, %get3A_3] : memref<2048x128xf32, #tpu.memory_space<vmem>>, vector<2048x64xf32>
    %mul3A = arith.mulf %get3A_1, %get3A_4 : vector<2048x64xf32>
    %reduce_sum3A = arith.constant dense<0.000000e+00> : vector<2048xf32>
    %reduce_sum3A_5 = vector.multi_reduction <add>, %mul3A, %reduce_sum3A [1] : vector<2048x64xf32> to vector<2048xf32>
    %get3A_6 = arith.constant 0 : index
    %get3A_7 = vector.load %arg3[%get3A_6] : memref<2048xf32, #tpu.memory_space<vmem>>, vector<2048xf32>
    %add3A = arith.addf %reduce_sum3A_5, %get3A_7 : vector<2048xf32>
    %get3A_8 = arith.constant 0 : index
    %get3A_9 = vector.load %arg4[%get3A_8] : memref<2048xf32, #tpu.memory_space<vmem>>, vector<2048xf32>
    %add3A_10 = arith.addf %add3A, %get3A_9 : vector<2048xf32>
    %swap3A = arith.constant 0 : index
    %swap3A_11 = vector.load %arg5[%swap3A] : memref<2048xf32, #tpu.memory_space<vmem>>, vector<2048xf32>
    tpu.vector_store %arg5[%swap3A], %add3A_10 {strides = array<i32>} : memref<2048xf32, #tpu.memory_space<vmem>>, vector<2048xf32>,
    return
  }
  func.func @transform_0(%arg0: i32) -> (i32, i32) {
    %c0_i32 = arith.constant 0 : i32
    %c0_i32_0 = arith.constant 0 : i32
    return %arg0, %c0_i32 : i32, i32
  }
  func.func @transform_1(%arg0: i32) -> (i32, i32) {
    %c0_i32 = arith.constant 0 : i32
    %c0_i32_0 = arith.constant 0 : i32
    return %arg0, %c0_i32 : i32, i32
  }
  func.func @transform_2(%arg0: i32) -> i32 {
    %c0_i32 = arith.constant 0 : i32
    return %arg0 : i32
  }
  func.func @transform_3(%arg0: i32) -> i32 {
    %c0_i32 = arith.constant 0 : i32
    return %arg0 : i32
  }
  func.func @transform_4(%arg0: i32) -> i32 {
    %c0_i32 = arith.constant 0 : i32
    return %arg0 : i32
  }
}

</mosaic_0001>

<sc_bundles>
// kernel: kernel.4.cloned.1.call-start
scs
__scs_entry_jumppad:
0x0: {  	(pc) =	sbr.rel $0x88, $3  }
0x1: {  	(tag) =	ssettag $0x0;
	lr =	simm.s32 $0x1  }
0x2: {  	[smem:$0x3F9C] =	sst lr;
	_ =	strace $0xD0000000  }
0x3: {  	_ = 	snop  }
0x4: {  	_ = 	snop  }
0x5: {  	_ = 	snop  }
0x6: {  	_ = 	snop  }
0x7: {  	_ = 	snop  }
__scs_overlays_trampoline_lowered:
0x8: {  	[smem:$0x3FAB] =	sst s0  }
0x9: {  	[smem:$0x3FAC] =	sst s1  }
0xa: {  	[smem:$0x3FAD] =	sst s2  }
0xb: {  	[smem:$0x3FAE] =	sst s3  }
0xc: {  	[smem:$0x3FAF] =	sst s4  }
0xd: {  	[smem:$0x3FB0] =	sst s5  }
0xe: {  	[smem:$0x3FB1] =	sst s6  }
0xf: {  	[smem:$0x3FB2] =	sst s7  }
0x10: {  	[smem:$0x3FB3] =	sst s8  }
0x11: {  	[smem:$0x3FB4] =	sst s9;
	s0 =	simm.s32 @!p0 $0x0  }
0x12: {  	s1 =	sld [smem:$0x3F9A];
	s0 =	simm.s32 @p0 $0x1  }
0x13: {  	[smem:$0x3FB5] =	sst s0;
	s0 =	simm.s32 @!p1 $0x0  }
0x14: {  	s2 =	sld [smem:$0x3F99];
	s0 =	simm.s32 @p1 $0x1  }
0x15: {  	[smem:$0x3FB6] =	sst s0;
	s0 =	simm.s32 @!p2 $0x0  }
0x16: {  	s3 =	sld [smem:$0x3FDB];
	s0 =	simm.s32 @p2 $0x1  }
0x17: {  	s4 =	simm.s32 $0x1BF5;
	[smem:$0x3FB8] =	sst s0  }
0x18: {  	s0 =	sld [smem:$0x3F9B];
	_ =	swait.ge [sflag:s4], $0x0  }
0x19: {  	s7 =	sld [smem:$0x3F9C]  }
0x1a: {  	s8 =	sadd.s32 $0xFFFFE003, lr  }
0x1b: {  	s9 =	sadd.s32 $0xFFFFFEF7, lr;
	s5 =	simm.s32 $0xFFFFFFFF;
	p2 =	slt.u32 s8, $0xFFFFF086  }
0x1c: {  	p1 =	slt.u32 s9, $0xF7A;
	s5 =	simm.s32 @!p2 $0x0  }
0x1d: {  	s5 =	simm.s32 @p1 $0x1;
	p0 =	seq.s32 s7, s2  }
0x1e: {  	s7 =	smul.u32 @!p0 $0xF7A, s2;
	p2 =	seq.s32 @!p0 s5, $0x0  }
0x1f: {  	s9 =	smul.u32 $0xF7A, s1;
	s8 =	simm.s32 @!p0 $0x1BF5;
	p2 =	por !p2, p0  }
0x20: {  	[sflag:s8] =	ssyncset.s32 @!p0 $0xFFFFF086;
	s6 =	sadd.s32 @!p0 s3, s7;
	s7 =	simm.s32 @!p0 $0x108  }
0x21: {  	s3 =	sadd.s32 s3, s9;
	s6 =	sadd.s32 @!p0 $0x88, s6;
	s7 =	simm.s32 @p2 $0x1082  }
0x22: {  	[simem:s7], [sflag:s8] =	dma.local @!p0 [hbm:s6], $0xF7A  }
0x23: {  	s9 =	sor.u32 $0xD0000000, s2;
	s6 =	simm.s32 $0x108;
	_ =	swait.ge @!p0 [sflag:s8], $0x0  }
0x24: {  	s3 =	sadd.s32 $0x88, s3;
	s6 =	simm.s32 @!p1 $0x1082;
	[sflag:s4] =	ssyncset.s32 $0xFFFFF086  }
0x25: {  	[simem:s6], [sflag:s4] =	dma.local [hbm:s3], $0xF7A  }
0x26: {  	[smem:$0x3F9C] =	sst s1;
	(tag) =	ssettag s2;
	_ =	strace s9  }
0x27: {  	s1 =	sld [smem:$0x3FAC]  }
0x28: {  	s2 =	sld [smem:$0x3FAD]  }
0x29: {  	s4 =	sld [smem:$0x3FAF]  }
0x2a: {  	p0 =	seq.s32 s5, $0x0;
	s5 =	sld [smem:$0x3FB0]  }
0x2b: {  	s6 =	sld [smem:$0x3FB1]  }
0x2c: {  	s7 =	sld [smem:$0x3FB2]  }
0x2d: {  	s3 =	simm.s32 $0x108;
	s8 =	sld [smem:$0x3FB3]  }
0x2e: {  	s3 =	simm.s32 @!p0 $0x1082;
	s9 =	sld [smem:$0x3FB4]  }
0x2f: {  	lr =	sadd.s32 s0, s3;
	s0 =	sld [smem:$0x3FAB]  }
0x30: {  	s3 =	sld [smem:$0x3FAE]  }
0x31: {  	[smem:$0x3FB7] =	sst s10  }
0x32: {  	s10 =	sld [smem:$0x3FB5];
	_ =	sdelay $0x3  }
0x33: {  	p0 =	seq.s32 s10, $0x1;
	s10 =	sld [smem:$0x3FB7];
	_ =	sdelay $0x3  }
0x34: {  	[smem:$0x3FB7] =	sst s10  }
0x35: {  	s10 =	sld [smem:$0x3FB6];
	_ =	sdelay $0x3  }
0x36: {  	p1 =	seq.s32 s10, $0x1;
	s10 =	sld [smem:$0x3FB7];
	_ =	sdelay $0x3  }
0x37: {  	[smem:$0x3FB7] =	sst s10  }
0x38: {  	s10 =	sld [smem:$0x3FB8]  }
0x39: {  	_ = 	snop;
	(pc) =	sbr.ind lr, $3  }
0x3a: {  	_ = 	snop  }
0x3b: {  	_ = 	snop  }
0x3c: {  	p2 =	seq.s32 s10, $0x1;
	s10 =	sld [smem:$0x3FB7]  }
0x3d: {  	_ =	shalt  }
0x3e: {  	_ =	shalt  }
0x3f: {  	_ =	shalt  }
0x40: {  	_ =	shalt  }
0x41: {  	_ =	shalt  }
0x42: {  	_ =	shalt  }
0x43: {  	_ =	shalt  }
0x44: {  	_ =	shalt  }
0x45: {  	_ =	shalt  }
0x46: {  	_ =	shalt  }
0x47: {  	_ =	shalt  }
0x48: {  	_ =	shalt  }
0x49: {  	_ =	shalt  }
0x4a: {  	_ =	shalt  }
0x4b: {  	_ =	shalt  }
0x4c: {  	_ =	shalt  }
0x4d: {  	_ =	shalt  }
0x4e: {  	_ =	shalt  }
0x4f: {  	_ =	shalt  }
0x50: {  	_ =	shalt  }
0x51: {  	_ =	shalt  }
0x52: {  	_ =	shalt  }
0x53: {  	_ =	shalt  }
0x54: {  	_ =	shalt  }
0x55: {  	_ =	shalt  }
0x56: {  	_ =	shalt  }
0x57: {  	_ =	shalt  }
0x58: {  	_ =	shalt  }
0x59: {  	_ =	shalt  }
0x5a: {  	_ =	shalt  }
0x5b: {  	_ =	shalt  }
0x5c: {  	_ =	shalt  }
0x5d: {  	_ =	shalt  }
0x5e: {  	_ =	shalt  }
0x5f: {  	_ =	shalt  }
0x60: {  	_ =	shalt  }
0x61: {  	_ =	shalt  }
0x62: {  	_ =	shalt  }
0x63: {  	_ =	shalt  }
0x64: {  	_ =	shalt  }
0x65: {  	_ =	shalt  }
0x66: {  	_ =	shalt  }
0x67: {  	_ =	shalt  }
0x68: {  	_ =	shalt  }
0x69: {  	_ =	shalt  }
0x6a: {  	_ =	shalt  }
0x6b: {  	_ =	shalt  }
0x6c: {  	_ =	shalt  }
0x6d: {  	_ =	shalt  }
0x6e: {  	_ =	shalt  }
0x6f: {  	_ =	shalt  }
0x70: {  	_ =	shalt  }
0x71: {  	_ =	shalt  }
0x72: {  	_ =	shalt  }
0x73: {  	_ =	shalt  }
0x74: {  	_ =	shalt  }
0x75: {  	_ =	shalt  }
0x76: {  	_ =	shalt  }
0x77: {  	_ =	shalt  }
0x78: {  	_ =	shalt  }
0x79: {  	_ =	shalt  }
0x7a: {  	_ =	shalt  }
0x7b: {  	_ =	shalt  }
0x7c: {  	_ =	shalt  }
0x7d: {  	_ =	shalt  }
0x7e: {  	_ =	shalt  }
0x7f: {  	_ =	shalt  }
0x80: {  	_ =	shalt  }
0x81: {  	_ =	shalt  }
0x82: {  	_ =	shalt  }
0x83: {  	_ =	shalt  }
0x84: {  	_ =	shalt  }
0x85: {  	_ =	shalt  }
0x86: {  	_ =	shalt  }
0x87: {  	_ =	shalt  }
.Lfunc_end0:
.L_simem_size_0:
called_computation_lowered:
.L_overlay_start_0:
0x88: {  	s2 =	sld [smem:$0x3FD9]  }
0x89: {  	s3 =	sld [smem:$0x3FFE];
	_ =	sdelay $0x1  }
0x8a: {  	s1 =	srdreg.scid  }
0x8b: {  	s0 =	sand.u32 $0x1, s1  }
0x8c: {  	s17 =	sshll.u32 s0, $0xA;
	s2 =	sadd.s32 s3, s2  }
0x8d: {  	s2 =	sadd.s32 s2, s17  }
0x8e: {  	[smem:$0x3FC3] =	sst s2  }
0x8f: {  	_ = 	snop  }
0x90: {  	s2 =	sld [smem:$0x3FC8]  }
0x91: {  	s18 =	sld [smem:$0x3FC7]  }
0x92: {  	s4 =	sld [smem:$0x3FD0];
	(tm) =	ssettm $0x1  }
0x93: {  	s5 =	sld [smem:$0x3FFB];
	_ =	sdelay $0x3  }
0x94: {  	_ =	strace s5  }
0x95: {  	s5 =	sld [smem:$0x3FFC];
	_ =	sdelay $0x3  }
0x96: {  	_ =	strace s5  }
0x97: {  	s5 =	sld [smem:$0x3FFD];
	_ =	sdelay $0x3  }
0x98: {  	_ =	strace s5  }
0x99: {  	_ =	strace $0x8FFFFFFF  }
0x9a: {  	s19 =	sld [smem:$0x3FDB];
	_ =	sdelay $0x1  }
0x9b: {  	s6 =	simm.s32 $_scs_section_size  }
0x9c: {  	s7 =	simm.s32 $_size__tile_overlayer_lowered;
	s8 =	simm.s32 $_tile_overlayer_lowered  }
0x9d: {  	s22 =	simm.s32 $0x1BFF;
	s21 =	sshll.u32 s8, $0x1;
	s5 =	sadd.s32 s6, s19  }
0x9e: {  	s9 =	simm.s32 $0x0;
	s20 =	sshll.u32 s7, $0x1;
	s7 =	sadd.s32 s21, s5  }
0x9f: {  	[timem:s9], [sflag:s22] =	dma.local [hbm:s7], s20  }
0xa0: {  	_ =	swait.ge [sflag:s22], s20  }
0xa1: {  	s6 =	ssub.s32 $0x0, s20;
	[sflag:s22] =	ssyncset.done $0x0  }
0xa2: {  	[sflag:s22] =	ssyncadd.s32 s6;
	_ =	sdelay $0x1  }
0xa3: {  	s23 =	simm.s32 $0x1B8B  }
0xa4: {  	_ =	swait.ge [sflag:s23], $0x1  }
0xa5: {  	[sflag:s23] =	ssyncset.done $0x0  }
0xa6: {  	s25 =	simm.s32 $0x1B8E;
	s24 =	sld [smem:$0x3FFE];
	[sflag:s23] =	ssyncadd.s32 $0xFFFFFFFF  }
0xa7: {  	s26 =	simm.s32 $execute0_lowered;
	[smem:$0x3FD2] =	sst s25  }
0xa8: {  	s7 =	sshll.u32 s26, $0x1;
	_ =	strace $0x80000046;
	[dreg:$0x1] =	wrdreg $0xFFFFFFFF  }
0xa9: {  	s28 =	simm.s32 $_size_execute0_lowered;
	s5 =	sadd.s32 s5, s7;
	[dreg:$0x0] =	wrdreg $0x0  }
0xaa: {  	s7 =	sshll.u32 s28, $0x1;
	[dreg:$0x2] =	wrdreg s5  }
0xab: {  	[dreg:$0x3] =	wrdreg s7  }
0xac: {  	[dreg:$0x4] =	wrdreg $0xC0  }
0xad: {  	_ =	task [dreg:s9], $0x5FFFF  }
0xae: {  	[dreg:$0x1] =	wrdreg $0xFFFFFFFF  }
0xaf: {  	[dreg:$0x0] =	wrdreg $0x60  }
0xb0: {  	[dreg:$0x2] =	wrdreg s24  }
0xb1: {  	[dreg:$0x3] =	wrdreg s2  }
0xb2: {  	[dreg:$0x4] =	wrdreg s18  }
0xb3: {  	[dreg:$0x5] =	wrdreg s4  }
0xb4: {  	[dreg:$0x6] =	wrdreg $0x9  }
0xb5: {  	_ =	task.clear_ibuf [dreg:s9], $0x7FFFF;
	_ =	strace $0x90000046  }
0xb6: {  	s29 =	simm.s32 $0x9;
	_ =	strace $0x80000048  }
0xb7: {  	_ =	swait.ge [sflag:s29], $0x1  }
0xb8: {  	[sflag:s29] =	ssyncadd.s32 $0xFFFFFFFF  }
0xb9: {  	_ =	strace $0x90000048  }
0xba: {  	_ =	sfence  }
0xbb: {  	s30 =	sld [smem:$0x0];
	_ =	sdelay $0x2  }
0xbc: {  	s31 =	sshll.u32 s1, $0xD;
	s1 =	sshrl.u32 s1, $0x2  }
0xbd: {  	s3 =	sand.u32 $0x4000, s31;
	s1 =	sadd.s32 s1, s30  }
0xbe: {  	s0 =	sor.u32 s3, s0;
	s1 =	sshll.u32 s1, $0x11  }
0xbf: {  	s0 =	sor.u32 s1, s0  }
0xc0: {  	s0 =	sadd.s32 $0x8F2B, s0  }
0xc1: {  	[sflag:s0] =	ssyncadd.remote.s32 $0x1  }
0xc2: {  	_ =	sfence.sel $0xFFFF  }
0xc3: {  	[dreg:$0x0] =	wrdreg $0xFFFFFFFF;
	(pc) =	sbr.abs _section_cstart, $3  }
0xc4: {  	[dreg:$0x1] =	wrdreg $0xFFFFFFFF  }
0xc5: {  	_ =	task.clear_ibuf [dreg:s9], $0x2FFFF;
	_ =	strace $0x9FFFFFFF  }
0xc6: {  	(tm) =	ssettm $0x7FFFFFFF  }
0xc7: {  	_ =	shalt  }
tec
execute0_lowered:
.L_overlay_start_1:
0x0: {  	(tag) =	ssettag $0x1  }
0x1: {  	s0 =	rddreg [dreg:$0x0]  }
0x2: {  	s31 =	rddreg [dreg:$0x1]  }
0x3: {  	v0 =	vimm.s32 $0x1380;
	vm14 =	vcmask $0x300;
	s3 =	stileid.u32;
	s4 =	rddreg [dreg:$0x2]  }
0x4: {  	vm13 =	vcmask $0x704;
	vm12 =	vcmask $0xB08;
	vm11 =	vcmask $0xF0C;
	s1 =	srdreg.scid;
	s7 =	rddreg [dreg:$0x3];
	s6 =	simm.s32 $0x0  }
0x5: {  	vm10 =	vcmask $0x1310;
	vm9 =	vcmask $0x1714;
	vm8 =	vcmask $0x1B18;
	s1 =	sand.u32 $0x1, s1;
	s2 =	smul.u32 $0x1E9, s3;
	[smem:$0x7FF] =	sst s6  }
0x6: {  	vm7 =	vcmask $0x1F1C;
	vm4 =	vcmask $0x2320;
	vm5 =	vcmask $0x2724;
	s16 =	sadd.s32 $0x3DE00, s0;
	s8 =	sadd.s32 $0xA00, s0;
	s22 =	sadd.s32 $0x1F400, s0  }
0x7: {  	vm6 =	vcmask $0x2B28;
	vm3 =	vcmask $0x2F2C;
	vm2 =	vcmask $0x3330;
	s10 =	sadd.s32 $0x3EE00, s0;
	s23 =	sshll.u32 s3, $0x7;
	s11 =	sadd.s32 $0x7F200, s0  }
0x8: {  	vm1 =	vcmask $0x3734;
	vm0 =	vcmask $0x3B38;
	v6 =	vimm.s32 $0x4000;
	s14 =	sshll.u32 s3, $0x8;
	_ =	strace $0x80000047;
	[dreg:$0x6] =	wrdreg s8  }
0x9: {  	v8 =	vimm.s32 $0x3380;
	v9 =	vimm.s32 $0x5380;
	v10 =	vimm.s32 $0x7380;
	s15 =	smul.u32 $0xF480, s3;
	s18 =	sadd.s32 $0x3E000, s0;
	[dreg:$0x7] =	wrdreg s22  }
0xa: {  	v0 =	vsel vm14, $0x0, v0;
	v8 =	vsel vm14, $0x2000, v8;
	v9 =	vsel vm14, $0x4000, v9;
	s20 =	sadd.s32 $0x3E200, s0;
	s21 =	sadd.s32 $0x3E400, s0;
	[dreg:$0x5] =	wrdreg s16  }
0xb: {  	v10 =	vsel vm14, $0x6000, v10;
	s3 =	simm.s32 $0x6;
	v0 =	vsel vm13, $0x80, v0;
	s9 =	sadd.s32 s23, s0;
	v8 =	vsel vm13, $0x2080, v8;
	[dreg:$0xf] =	wrdreg s18  }
0xc: {  	s12 =	ssub.s32 $0x2, s1;
	v9 =	vsel vm13, $0x4080, v9;
	v10 =	vsel vm13, $0x6080, v10;
	s24 =	sadd.s32 s16, s14;
	[dreg:$0x11] =	wrdreg s20;
	v0 =	vsel vm12, $0x100, v0  }
0xd: {  	p0 =	seq.s32 s1, $0x1;
	s19 =	sadd.s32 s7, s23;
	[dreg:$0x12] =	wrdreg s21;
	v8 =	vsel vm12, $0x2100, v8;
	v9 =	vsel vm12, $0x4100, v9;
	v10 =	vsel vm12, $0x6100, v10  }
0xe: {  	s22 =	sadd.s32 $0x3E600, s0;
	s23 =	sadd.s32 $0x3E800, s0;
	[dreg:$0x8] =	wrdreg s24;
	v0 =	vsel vm11, $0x180, v0;
	v8 =	vsel vm11, $0x2180, v8;
	v9 =	vsel vm11, $0x4180, v9  }
0xf: {  	p1 =	sne.s32 s1, $0x0;
	s14 =	simm.s32 $0x2000;
	[dreg:$0x10] =	wrdreg s19;
	v10 =	vsel vm11, $0x6180, v10;
	v0 =	vsel vm10, $0x200, v0;
	v8 =	vsel vm10, $0x2200, v8  }
0x10: {  	s18 =	simm.s32 $0x5300;
	s20 =	simm.s32 $0xD300;
	[dreg:$0x13] =	wrdreg s22;
	v9 =	vsel vm10, $0x4200, v9;
	v10 =	vsel vm10, $0x6200, v10;
	v0 =	vsel vm9, $0x280, v0  }
0x11: {  	s21 =	simm.s32 $0x15300;
	s25 =	sadd.s32 s31, s15;
	[dreg:$0x14] =	wrdreg s23;
	v8 =	vsel vm9, $0x2280, v8;
	v9 =	vsel vm9, $0x4280, v9;
	v10 =	vsel vm9, $0x6280, v10  }
0x12: {  	s5 =	sadd.s32 $0x1E9, s2;
	s28 =	sadd.s32 s4, s15;
	[dreg:$0x9] =	wrdreg s25;
	v0 =	vsel vm8, $0x300, v0;
	v8 =	vsel vm8, $0x2300, v8;
	v9 =	vsel vm8, $0x4300, v9  }
0x13: {  	s13 =	sshrl.u32 s12, $0x1;
	s24 =	sadd.s32 $0x3EA00, s0;
	[dreg:$0xa] =	wrdreg s28;
	v10 =	vsel vm8, $0x6300, v10;
	v0 =	vsel vm7, $0x380, v0;
	v8 =	vsel vm7, $0x2380, v8  }
0x14: {  	s26 =	sadd.s32 $0x200, s15;
	s0 =	sadd.s32 $0x3EC00, s0;
	[dreg:$0x15] =	wrdreg s24;
	v9 =	vsel vm7, $0x4380, v9;
	v10 =	vsel vm7, $0x6380, v10;
	v1 =	vsel vm4, $0x1000, v0  }
0x15: {  	s30 =	sadd.s32 $0x400, s15;
	s29 =	sadd.s32 s31, s26;
	[dreg:$0x16] =	wrdreg s0;
	v0 =	vmov s1;
	v8 =	vsel vm4, $0x3000, v8;
	v9 =	vsel vm4, $0x5000, v9  }
0x16: {  	p2 =	por !p0, !p0;
	s15 =	sadd.s32 s4, s26;
	[dreg:$0xb] =	wrdreg s29;
	v10 =	vsel vm4, $0x7000, v10;
	v2 =	vsel vm5, $0x1080, v1;
	v1 =	vmov s2  }
0x17: {  	s19 =	simm.s32 $0x1F300;
	s16 =	sadd.s32 s31, s30;
	[dreg:$0xc] =	wrdreg s15;
	v8 =	vsel vm5, $0x3080, v8;
	v9 =	vsel vm5, $0x5080, v9;
	v10 =	vsel vm5, $0x7080, v10  }
0x18: {  	s13 =	ssub.s32 s12, s13;
	s17 =	sadd.s32 s4, s30;
	[dreg:$0xd] =	wrdreg s16;
	v3 =	vsel vm6, $0x1100, v2;
	v2 =	vmov s5;
	v8 =	vsel vm6, $0x3100, v8  }
0x19: {  	s12 =	smin.u32 s5, $0x1E85;
	s25 =	sadd.s32 $0xBF600, s9;
	[dreg:$0xe] =	wrdreg s17;
	v9 =	vsel vm6, $0x5100, v9;
	v10 =	vsel vm6, $0x7100, v10;
	v4 =	vsel vm3, $0x1180, v3  }
0x1a: {  	s0 =	simm.s32 @!p2 $0x0;
	s28 =	sadd.s32 $0xC, s2;
	[dreg:$0x17] =	wrdreg s25;
	v3 =	vlaneseq.u32;
	v8 =	vsel vm3, $0x3180, v8;
	v9 =	vsel vm3, $0x5180, v9  }
.Ltmp0:
0x1b: {  	s30 =	sadd.s32 $0x14, s2;
	[dreg:$0x19] =	wrdreg s28;
	v10 =	vsel vm3, $0x7180, v10;
	v5 =	vsel vm2, $0x1200, v4;
	v4 =	vmul.u32 $0x2, v3;
	(pc) =	sbr.rel .LBB2_1-.Ltmp0, $4  }
0x1c: {  	s26 =	smax.u32 s13, $0x1;
	s0 =	simm.s32 @p2 $0x1;
	[dreg:$0x1b] =	wrdreg s30;
	v8 =	vsel vm2, $0x3200, v8;
	v9 =	vsel vm2, $0x5200, v9;
	v10 =	vsel vm2, $0x7200, v10  }
0x1d: {  	s29 =	sadd.s32 $0x10, s2;
	s13 =	simm.s32 $0x1000;
	[dreg:$0x18] =	wrdreg s26;
	v7 =	vsel vm1, $0x1280, v5;
	v5 =	vimm.s32 $0x0;
	v8 =	vsel vm1, $0x3280, v8  }
0x1e: {  	s15 =	simm.s32 $0x2600;
	s16 =	simm.s32 $0x2C00;
	[smem:$0x7FD] =	sst s0;
	v9 =	vsel vm1, $0x5280, v9;
	v10 =	vsel vm1, $0x7280, v10;
	v7 =	vsel vm0, $0x1300, v7  }
0x1f: {  	s17 =	simm.s32 $0x3F80;
	[dreg:$0x1a] =	wrdreg s29;
	s5 =	simm.s32 $0x0;
	v8 =	vsel vm0, $0x3300, v8;
	v9 =	vsel vm0, $0x5300, v9;
	v10 =	vsel vm0, $0x7300, v10  }
.LBB2_45:
0x20: {  	s0 =	simm.s32 @!p1 $0x40;
	s3 =	simm.s32 @!p1 $0x1F300;
	s5 =	simm.s32 @!p1 $0x1D300  }
0x21: {  	[hbm4b:s10+s0] =	stream.indirect.scatter @!p1 [tilespmem:s5], [sflag:$0x4], $0x80, s3, s0, $0xb8;
	[tilespmem:$0x1FB80] =	vst v63  }
0x22: {  	s0 =	simm.s32 @!p1 $0x4  }
0x23: {  	_ =	swait.ge @!p1 [sflag:s0], $0x2000  }
0x24: {  	s3 =	simm.s32 @p0 $0x1F300;
	[sflag:s0] =	ssyncset.done @!p1 $0x0  }
0x25: {  	s5 =	simm.s32 @p0 $0x1D300;
	[sflag:s0] =	ssyncadd.s32 @!p1 $0xFFFFE000;
	s0 =	simm.s32 @p0 $0x40  }
0x26: {  	[hbm4b:s11+s0] =	stream.indirect.scatter @p0 [tilespmem:s5], [sflag:$0x4], $0x80, s3, s0, $0xb8;
	[tilespmem:$0x1FB80] =	vst v63  }
0x27: {  	s0 =	simm.s32 @p0 $0x4  }
0x28: {  	_ =	swait.ge @p0 [sflag:s0], $0x2000  }
0x29: {  	[sflag:s0] =	ssyncset.done @p0 $0x0  }
0x2a: {  	[sflag:s0] =	ssyncadd.s32 @p0 $0xFFFFE000;
	s0 =	simm.s32 @!p1 $0x5  }
0x2b: {  	_ =	swait.ge @!p1 [sflag:s0], $0x400  }
0x2c: {  	s3 =	simm.s32 @!p1 $0x1F780;
	[sflag:s0] =	ssyncset.done @!p1 $0x0  }
0x2d: {  	s5 =	rddreg [dreg:$0x10];
	[sflag:s0] =	ssyncadd.s32 @!p1 $0xFFFFFC00;
	s0 =	simm.s32 @!p1 $0x0  }
0x2e: {  	[hbm4b:s5+s0] =	stream.linear.scatter @!p1 [tilespmem:s3], [sflag:$0x7], $0x400, $0x38;
	[tilespmem:$0x1FB80] =	vst v63  }
0x2f: {  	s0 =	simm.s32 @!p1 $0x7  }
0x30: {  	_ =	swait.ge @!p1 [sflag:s0], $0x400  }
0x31: {  	[sflag:s0] =	ssyncset.done @!p1 $0x0  }
0x32: {  	[sflag:s0] =	ssyncadd.s32 @!p1 $0xFFFFFC00;
	s0 =	simm.s32 @p0 $0x5  }
0x33: {  	_ =	swait.ge @p0 [sflag:s0], $0x400  }
0x34: {  	s3 =	simm.s32 @p0 $0x1F780;
	[sflag:s0] =	ssyncset.done @p0 $0x0  }
0x35: {  	s5 =	rddreg [dreg:$0x17];
	[sflag:s0] =	ssyncadd.s32 @p0 $0xFFFFFC00;
	s0 =	simm.s32 @p0 $0x0  }
0x36: {  	[hbm4b:s5+s0] =	stream.linear.scatter @p0 [tilespmem:s3], [sflag:$0x7], $0x400, $0x38;
	[tilespmem:$0x1FB80] =	vst v63  }
0x37: {  	s0 =	simm.s32 @p0 $0x7  }
0x38: {  	_ =	swait.ge @p0 [sflag:s0], $0x400  }
0x39: {  	s29 =	rddreg [dreg:$0x1c]  }
0x3a: {  	s30 =	rddreg [dreg:$0x18];
	s5 =	sadd.s32 $0x1, s29  }
0x3b: {  	p2 =	sne.s32 s5, s30  }
.Ltmp1:
0x3c: {  	_ = 	snop;
	(pc) =	sbr.rel @!p2 .LBB2_46-.Ltmp1, $3  }
0x3d: {  	_ =	sdelay $0x1  }
0x3e: {  	[sflag:s0] =	ssyncset.done @p0 $0x0  }
0x3f: {  	s3 =	simm.s32 $0x6;
	[sflag:s0] =	ssyncadd.s32 @p0 $0xFFFFFC00  }
.LBB2_1:
0x40: {  	v11 =	vmov s6  }
0x41: {  	v11 =	vshll.u32 v11, $0x1  }
0x42: {  	v11 =	vor.u32 v4, v11  }
0x43: {  	s0 =	rddreg [dreg:$0x8];
	s29 =	simm.s32 $0x7;
	v11 =	vor.u32 v0, v11  }
0x44: {  	[tilespmem:s6], [sflag:$0x7] =	stream.linear.gather [hbm4b:s0+s6], $0x800, $0x38;
	[tilespmem:$0x1FB80] =	vst v63  }
0x45: {  	s7 =	simm.s32 $0x10;
	_ =	swait.ge [sflag:s29], $0x800  }
0x46: {  	v12 =	vmov s7;
	[sflag:s29] =	ssyncset.done $0x0  }
0x47: {  	v12 =	vshll.u32 v12, $0x1;
	[sflag:s29] =	ssyncadd.s32 $0xFFFFF800  }
0x48: {  	v12 =	vor.u32 v4, v12;
	v11 =	vld.idx.msk [tilespmem:v11+s6+$0x0], $0xffff  }
0x49: {  	v12 =	vor.u32 v0, v12;
	_ =	sdelay $0x1  }
0x4a: {  	s8 =	simm.s32 $0x20  }
0x4b: {  	s7 =	simm.s32 $0x1F3A0;
	v13 =	vmov s8  }
0x4c: {  	[tilespmem:s7+$0xFFFFFFE0] =	vst v11;
	v11 =	vshll.u32 v13, $0x1  }
0x4d: {  	v12 =	vld.idx.msk [tilespmem:v12+s6+$0x0], $0xffff;
	v11 =	vor.u32 v4, v11  }
0x4e: {  	v11 =	vor.u32 v0, v11;
	_ =	sdelay $0x1  }
0x4f: {  	s30 =	simm.s32 $0x30  }
0x50: {  	v13 =	vmov s30  }
0x51: {  	v13 =	vshll.u32 v13, $0x1;
	[tilespmem:s7+$0xFFFFFFF0] =	vst v12  }
0x52: {  	v12 =	vor.u32 v4, v13;
	v11 =	vld.idx.msk [tilespmem:v11+s6+$0x0], $0xffff  }
0x53: {  	v12 =	vor.u32 v0, v12;
	_ =	sdelay $0x2  }
0x54: {  	s9 =	simm.s32 $0x40;
	s8 =	simm.s32 $0x0  }
.LBB2_2:
0x55: {  	v13 =	vmov s9;
	s8 =	sadd.s32 $0x4, s8;
	[tilespmem:s7+$0x0] =	vst v11  }
0x56: {  	v11 =	vshll.u32 v13, $0x1;
	p3 =	slt.u32 s8, $0x3C;
	v12 =	vld.idx.msk [tilespmem:v12+s6+$0x0], $0xffff  }
0x57: {  	v11 =	vor.u32 v4, v11  }
0x58: {  	v11 =	vor.u32 v0, v11;
	_ =	sdelay $0x2  }
0x59: {  	s22 =	sadd.s32 $0x10, s9  }
0x5a: {  	v13 =	vmov s22;
	[tilespmem:s7+$0x10] =	vst v12  }
0x5b: {  	v12 =	vshll.u32 v13, $0x1;
	v11 =	vld.idx.msk [tilespmem:v11+s6+$0x0], $0xffff  }
0x5c: {  	v12 =	vor.u32 v4, v12  }
0x5d: {  	v12 =	vor.u32 v0, v12;
	_ =	sdelay $0x2  }
0x5e: {  	s22 =	sadd.s32 $0x20, s9;
	s7 =	sadd.s32 $0x40, s7  }
0x5f: {  	[tilespmem:s7+$0xFFFFFFE0] =	vst v11;
	v11 =	vmov s22  }
0x60: {  	v12 =	vld.idx.msk [tilespmem:v12+s6+$0x0], $0xffff;
	v11 =	vshll.u32 v11, $0x1  }
0x61: {  	v11 =	vor.u32 v4, v11  }
0x62: {  	v11 =	vor.u32 v0, v11;
	_ =	sdelay $0x2  }
0x63: {  	s22 =	sadd.s32 $0x30, s9  }
0x64: {  	[tilespmem:s7+$0xFFFFFFF0] =	vst v12;
	v12 =	vmov s22  }
0x65: {  	v11 =	vld.idx.msk [tilespmem:v11+s6+$0x0], $0xffff;
	v12 =	vshll.u32 v12, $0x1  }
.Ltmp2:
0x66: {  	v12 =	vor.u32 v4, v12;
	(pc) =	sbr.rel @p3 .LBB2_2-.Ltmp2, $2  }
0x67: {  	v12 =	vor.u32 v0, v12;
	_ =	sdelay $0x2  }
0x68: {  	s9 =	sadd.s32 $0x40, s9  }
0x69: {  	_ =	sdelay $0x2  }
0x6a: {  	[tilespmem:s7+$0x0] =	vst v11  }
0x6b: {  	v11 =	vld.idx.msk [tilespmem:v12+s6+$0x0], $0xffff;
	_ =	sdelay $0x3  }
0x6c: {  	s8 =	simm.s32 @!p1 $0x7A1400;
	s9 =	simm.s32 @!p1 $0x5300  }
0x6d: {  	s0 =	rddreg [dreg:$0x9];
	s22 =	simm.s32 @p0 $0x7A1400;
	[tilespmem:s7+$0x10] =	vst v11;
	s7 =	simm.s32 @!p1 $0x1000  }
0x6e: {  	[tilespmem:s9], [sflag:$0x1] =	stream.strided.gather @!p1 [hbm4b:s0+s7], $0x8000, s8, s7, $0x38;
	[tilespmem:$0x1FB80] =	vst v63  }
0x6f: {  	s23 =	simm.s32 @p0 $0x5300;
	s9 =	simm.s32 @p0 $0x1000;
	s0 =	rddreg [dreg:$0xa]  }
0x70: {  	[tilespmem:s23], [sflag:$0x1] =	stream.strided.gather @p0 [hbm4b:s0+s9], $0x8000, s22, s9, $0x38;
	[tilespmem:$0x1FB80] =	vst v63  }
0x71: {  	s23 =	simm.s32 @!p1 $0xD300;
	s0 =	rddreg [dreg:$0xb]  }
0x72: {  	[tilespmem:s23], [sflag:$0x2] =	stream.strided.gather @!p1 [hbm4b:s0+s7], $0x8000, s8, s7, $0x38;
	[tilespmem:$0x1FB80] =	vst v63  }
0x73: {  	s23 =	simm.s32 @p0 $0xD300;
	s0 =	rddreg [dreg:$0xc]  }
0x74: {  	[tilespmem:s23], [sflag:$0x2] =	stream.strided.gather @p0 [hbm4b:s0+s9], $0x8000, s22, s9, $0x38;
	[tilespmem:$0x1FB80] =	vst v63  }
0x75: {  	s23 =	simm.s32 @!p1 $0x15300;
	s0 =	rddreg [dreg:$0xd]  }
0x76: {  	[tilespmem:s23], [sflag:$0x3] =	stream.strided.gather @!p1 [hbm4b:s0+s7], $0x8000, s8, s7, $0x38;
	[tilespmem:$0x1FB80] =	vst v63  }
0x77: {  	s7 =	simm.s32 @p0 $0x15300;
	s0 =	rddreg [dreg:$0xe];
	s8 =	simm.s32 @!p1 $0x1F380  }
0x78: {  	[tilespmem:s7], [sflag:$0x3] =	stream.strided.gather @p0 [hbm4b:s0+s9], $0x8000, s22, s9, $0x38;
	[tilespmem:$0x1FB80] =	vst v63  }
0x79: {  	s7 =	simm.s32 @!p1 $0x400;
	s9 =	simm.s32 @!p1 $0x1F780;
	s0 =	rddreg [dreg:$0x6]  }
0x7a: {  	[tilespmem:s9], [sflag:$0x5] =	stream.indirect.gather @!p1 [hbm4b:s0+s7], $0x1, s8, s7, $0xb8;
	[tilespmem:$0x1FB80] =	vst v63  }
0x7b: {  	s7 =	simm.s32 @p0 $0x400  }
0x7c: {  	s8 =	simm.s32 @p0 $0x1F380;
	s9 =	simm.s32 @p0 $0x1F780;
	s0 =	rddreg [dreg:$0x7]  }
0x7d: {  	[tilespmem:s9], [sflag:$0x5] =	stream.indirect.gather @p0 [hbm4b:s0+s7], $0x1, s8, s7, $0xb8;
	[tilespmem:$0x1FB80] =	vst v63  }
0x7e: {  	s29 =	rddreg [dreg:$0x5];
	s7 =	simm.s32 $0x0  }
0x7f: {  	[tilespmem:s7], [sflag:$0x6] =	stream.linear.gather [hbm4b:s29+s7], $0x1000, $0x38;
	[tilespmem:$0x1FB80] =	vst v63  }
0x80: {  	_ =	swait.ge [sflag:s3], $0x1000  }
0x81: {  	s23 =	simm.s32 $0x30;
	[sflag:s3] =	ssyncset.done $0x0  }
0x82: {  	s8 =	simm.s32 $0xFFFFFFFC;
	s30 =	rddreg [dreg:$0xf];
	[sflag:s3] =	ssyncadd.s32 $0xFFFFF000  }
0x83: {  	[tilespmem:s13], [sflag:$0x6] =	stream.linear.gather [hbm4b:s30+s7], $0x1000, $0x38;
	[tilespmem:$0x1FB80] =	vst v63  }
.LBB2_4:
0x84: {  	s9 =	sadd.s32 $0xFFFFFFD0, s23  }
0x85: {  	v11 =	vor.u32 s9, v3  }
0x86: {  	v12 =	vshll.u32 v11, $0x1  }
0x87: {  	v12 =	vor.u32 v0, v12;
	_ =	sdelay $0x4  }
0x88: {  	v12 =	vld.idx.msk [tilespmem:v12+s6+$0x0], $0xffff;
	_ =	sdelay $0x4  }
0x89: {  	v13 =	vshrl.u32 v12, $0x7  }
0x8a: {  	vm0 =	vge.u32 v13, v1;
	vm1 =	vlt.u32 v13, v2  }
0x8b: {  	vm0 =	vmand vm0, vm1  }
0x8c: {  	v41 =	vsel vm0, $0x1, v5  }
0x8d: {  	(xrf0) =	vadd.scan.msk.s32 $0xffff, v41;
	_ =	sdelay $0x2  }
0x8e: {  	v42 =	vmov s7  }
0x8f: {  	v13 =	vadd.s32 $0xFFFFFFFF, v42  }
0x90: {  	v13 =	vbroadcast v13, $0x0  }
0x91: {  	v14, _, _ =	vpop (xrf0)  }
0x92: {  	v13 =	vadd.s32 v14, v13  }
0x93: {  	s22 =	sadd.s32 $0xFFFFFFE0, s23;
	vm6 =	vlt.s32 v13, $0x5FF  }
0x94: {  	v15 =	vor.u32 s22, v3;
	v43 =	vmpcnt.ones.xlane vm0;
	v13 =	vnsel vm6, $0x5FF, v13  }
0x95: {  	v16 =	vshll.u32 v15, $0x1  }
0x96: {  	v44 =	vor.u32 v0, v16;
	(v2sf) =	vpush v43, $0x0;
	_ =	sdelay $0x2  }
0x97: {  	[tilespmem:v13+s14+$0x0] =	vst.idx.msk vm0, v11  }
0x98: {  	[tilespmem:v13+s15+$0x0] =	vst.idx.msk vm0, v12  }
0x99: {  	v11 =	vld.idx.msk [tilespmem:v44+s6+$0x0], $0xffff;
	_ =	sdelay $0x4  }
0x9a: {  	v45 =	vshrl.u32 v11, $0x7  }
0x9b: {  	vm7 =	vge.u32 v45, v1;
	vm8 =	vlt.u32 v45, v2  }
0x9c: {  	vm0 =	vmand vm7, vm8  }
0x9d: {  	v46 =	vsel vm0, $0x1, v5  }
0x9e: {  	(xrf0) =	vadd.scan.msk.s32 $0xffff, v46  }
0x9f: {  	s24 =	spop (v2sf)  }
0xa0: {  	s25 =	sadd.s32 s7, s24  }
0xa1: {  	v47 =	vmov s25  }
0xa2: {  	v12 =	vadd.s32 $0xFFFFFFFF, v47  }
0xa3: {  	v12 =	vbroadcast v12, $0x0  }
0xa4: {  	v48, _, _ =	vpop (xrf0)  }
0xa5: {  	v12 =	vadd.s32 v48, v12  }
0xa6: {  	s26 =	sadd.s32 $0xFFFFFFF0, s23;
	vm9 =	vlt.s32 v12, $0x5FF  }
0xa7: {  	v50 =	vor.u32 s26, v3;
	v49 =	vmpcnt.ones.xlane vm0;
	v12 =	vnsel vm9, $0x5FF, v12  }
0xa8: {  	v51 =	vshll.u32 v50, $0x1  }
0xa9: {  	v52 =	vor.u32 v0, v51;
	(v2sf) =	vpush v49, $0x0;
	_ =	sdelay $0x2  }
0xaa: {  	[tilespmem:v12+s14+$0x0] =	vst.idx.msk vm0, v15  }
0xab: {  	[tilespmem:v12+s15+$0x0] =	vst.idx.msk vm0, v11  }
0xac: {  	v11 =	vld.idx.msk [tilespmem:v52+s6+$0x0], $0xffff;
	_ =	sdelay $0x4  }
0xad: {  	v53 =	vshrl.u32 v11, $0x7  }
0xae: {  	vm10 =	vge.u32 v53, v1;
	vm11 =	vlt.u32 v53, v2  }
0xaf: {  	vm0 =	vmand vm10, vm11  }
0xb0: {  	v54 =	vsel vm0, $0x1, v5  }
0xb1: {  	(xrf0) =	vadd.scan.msk.s32 $0xffff, v54  }
0xb2: {  	s28 =	spop (v2sf)  }
0xb3: {  	s7 =	sadd.s32 s25, s28  }
0xb4: {  	v55 =	vmov s7  }
0xb5: {  	v12 =	vadd.s32 $0xFFFFFFFF, v55  }
0xb6: {  	v12 =	vbroadcast v12, $0x0  }
0xb7: {  	v56, _, _ =	vpop (xrf0)  }
0xb8: {  	v12 =	vadd.s32 v56, v12  }
0xb9: {  	vm12 =	vlt.s32 v12, $0x5FF  }
0xba: {  	v57 =	vor.u32 s23, v3;
	v12 =	vnsel vm12, $0x5FF, v12  }
0xbb: {  	v58 =	vshll.u32 v57, $0x1  }
0xbc: {  	v15 =	vor.u32 v0, v58;
	v59 =	vmpcnt.ones.xlane vm0;
	_ =	sdelay $0x1  }
0xbd: {  	(v2sf) =	vpush v59, $0x0  }
0xbe: {  	[tilespmem:v12+s14+$0x0] =	vst.idx.msk vm0, v50  }
0xbf: {  	[tilespmem:v12+s15+$0x0] =	vst.idx.msk vm0, v11  }
0xc0: {  	v11 =	vld.idx.msk [tilespmem:v15+s6+$0x0], $0xffff;
	_ =	sdelay $0x4  }
0xc1: {  	v60 =	vshrl.u32 v11, $0x7  }
0xc2: {  	vm13 =	vge.u32 v60, v1;
	vm14 =	vlt.u32 v60, v2  }
0xc3: {  	vm0 =	vmand vm13, vm14  }
0xc4: {  	v61 =	vmpcnt.ones.xlane vm0;
	_ =	sdelay $0x1  }
0xc5: {  	v62 =	vsel vm0, $0x1, v5;
	(v2sf) =	vpush v61, $0x0  }
0xc6: {  	(xrf0) =	vadd.scan.msk.s32 $0xffff, v62  }
0xc7: {  	s29 =	spop (v2sf)  }
0xc8: {  	s7 =	sadd.s32 s7, s29  }
0xc9: {  	v63 =	vmov s7  }
0xca: {  	v12 =	vadd.s32 $0xFFFFFFFF, v63  }
0xcb: {  	v12 =	vbroadcast v12, $0x0  }
0xcc: {  	v14, _, _ =	vpop (xrf0)  }
0xcd: {  	v12 =	vadd.s32 v14, v12  }
0xce: {  	vm15 =	vlt.s32 v12, $0x5FF  }
0xcf: {  	s8 =	sadd.s32 $0x4, s8;
	v12 =	vnsel vm15, $0x5FF, v12  }
0xd0: {  	p2 =	slt.u32 s8, $0x7C  }
.Ltmp3:
0xd1: {  	_ = 	snop;
	(pc) =	sbr.rel @p2 .LBB2_4-.Ltmp3, $3  }
0xd2: {  	_ =	sdelay $0x1  }
0xd3: {  	[tilespmem:v12+s14+$0x0] =	vst.idx.msk vm0, v57;
	s30 =	spop (v2sf)  }
0xd4: {  	s23 =	sadd.s32 $0x40, s23;
	[tilespmem:v12+s15+$0x0] =	vst.idx.msk vm0, v11;
	s7 =	sadd.s32 s7, s30  }
0xd5: {  	_ =	swait.ge [sflag:s3], $0x1000  }
0xd6: {  	s23 =	simm.s32 $0x0;
	[sflag:s3] =	ssyncset.done $0x0  }
0xd7: {  	s24 =	simm.s32 $0xFFFFFFFC;
	s0 =	rddreg [dreg:$0x11];
	[sflag:s3] =	ssyncadd.s32 $0xFFFFF000  }
0xd8: {  	[tilespmem:s23], [sflag:$0x6] =	stream.linear.gather [hbm4b:s0+s23], $0x1000, $0x38;
	[tilespmem:$0x1FB80] =	vst v63  }
.LBB2_6:
0xd9: {  	v11 =	vmov s23  }
0xda: {  	v11 =	vshll.u32 v11, $0x1  }
0xdb: {  	v11 =	vor.u32 v4, v11  }
0xdc: {  	v11 =	vor.u32 v0, v11;
	_ =	sdelay $0x4  }
0xdd: {  	v11 =	vld.idx.msk [tilespmem:v11+s13+$0x0], $0xffff;
	_ =	sdelay $0x4  }
0xde: {  	v12 =	vshrl.u32 v11, $0x7  }
0xdf: {  	vm0 =	vge.u32 v12, v1;
	vm1 =	vlt.u32 v12, v2  }
0xe0: {  	vm0 =	vmand vm0, vm1  }
0xe1: {  	v41 =	vsel vm0, $0x1, v5  }
0xe2: {  	(xrf0) =	vadd.scan.msk.s32 $0xffff, v41;
	_ =	sdelay $0x2  }
0xe3: {  	v42 =	vmov s7  }
0xe4: {  	v12 =	vadd.s32 $0xFFFFFFFF, v42  }
0xe5: {  	v12 =	vbroadcast v12, $0x0  }
0xe6: {  	v13, _, _ =	vpop (xrf0)  }
0xe7: {  	s8 =	sadd.s32 $0x10, s23;
	v12 =	vadd.s32 v13, v12  }
0xe8: {  	v43 =	vmov s8;
	vm6 =	vlt.s32 v12, $0x5FF  }
0xe9: {  	v14 =	vmpcnt.ones.xlane vm0;
	v13 =	vshll.u32 v43, $0x1;
	v12 =	vnsel vm6, $0x5FF, v12  }
0xea: {  	v13 =	vor.u32 v4, v13  }
0xeb: {  	(v2sf) =	vpush v14, $0x0;
	v13 =	vor.u32 v0, v13  }
0xec: {  	s28 =	sadd.s32 $0x800, s23  }
0xed: {  	v44 =	vor.u32 s28, v3  }
0xee: {  	[tilespmem:v12+s14+$0x0] =	vst.idx.msk vm0, v44  }
0xef: {  	[tilespmem:v12+s15+$0x0] =	vst.idx.msk vm0, v11  }
0xf0: {  	v11 =	vld.idx.msk [tilespmem:v13+s13+$0x0], $0xffff;
	_ =	sdelay $0x4  }
0xf1: {  	v45 =	vshrl.u32 v11, $0x7  }
0xf2: {  	vm7 =	vge.u32 v45, v1;
	vm8 =	vlt.u32 v45, v2  }
0xf3: {  	vm0 =	vmand vm7, vm8  }
0xf4: {  	v46 =	vsel vm0, $0x1, v5  }
0xf5: {  	(xrf0) =	vadd.scan.msk.s32 $0xffff, v46  }
0xf6: {  	s29 =	spop (v2sf)  }
0xf7: {  	s30 =	sadd.s32 s7, s29  }
0xf8: {  	v47 =	vmov s30  }
0xf9: {  	v12 =	vadd.s32 $0xFFFFFFFF, v47  }
0xfa: {  	v12 =	vbroadcast v12, $0x0  }
0xfb: {  	v48, _, _ =	vpop (xrf0)  }
0xfc: {  	s0 =	sadd.s32 $0x20, s23;
	v12 =	vadd.s32 v48, v12  }
0xfd: {  	v49 =	vmov s0;
	vm9 =	vlt.s32 v12, $0x5FF  }
0xfe: {  	v13 =	vshll.u32 v49, $0x1;
	v50 =	vmpcnt.ones.xlane vm0;
	v12 =	vnsel vm9, $0x5FF, v12  }
0xff: {  	v13 =	vor.u32 v4, v13  }
0x100: {  	v13 =	vor.u32 v0, v13;
	(v2sf) =	vpush v50, $0x0  }
0x101: {  	s9 =	sadd.s32 $0x810, s23  }
0x102: {  	v51 =	vor.u32 s9, v3  }
0x103: {  	[tilespmem:v12+s14+$0x0] =	vst.idx.msk vm0, v51  }
0x104: {  	[tilespmem:v12+s15+$0x0] =	vst.idx.msk vm0, v11  }
0x105: {  	v11 =	vld.idx.msk [tilespmem:v13+s13+$0x0], $0xffff;
	_ =	sdelay $0x4  }
0x106: {  	v52 =	vshrl.u32 v11, $0x7  }
0x107: {  	vm10 =	vge.u32 v52, v1;
	vm11 =	vlt.u32 v52, v2  }
0x108: {  	vm0 =	vmand vm10, vm11  }
0x109: {  	v53 =	vsel vm0, $0x1, v5  }
0x10a: {  	(xrf0) =	vadd.scan.msk.s32 $0xffff, v53  }
0x10b: {  	s22 =	spop (v2sf)  }
0x10c: {  	s7 =	sadd.s32 s30, s22  }
0x10d: {  	v54 =	vmov s7  }
0x10e: {  	v12 =	vadd.s32 $0xFFFFFFFF, v54  }
0x10f: {  	v12 =	vbroadcast v12, $0x0  }
0x110: {  	v55, _, _ =	vpop (xrf0)  }
0x111: {  	s25 =	sadd.s32 $0x30, s23;
	v12 =	vadd.s32 v55, v12  }
0x112: {  	v56 =	vmov s25;
	vm12 =	vlt.s32 v12, $0x5FF  }
0x113: {  	v13 =	vshll.u32 v56, $0x1;
	v12 =	vnsel vm12, $0x5FF, v12  }
0x114: {  	v13 =	vor.u32 v4, v13  }
0x115: {  	v13 =	vor.u32 v0, v13;
	v57 =	vmpcnt.ones.xlane vm0  }
0x116: {  	s26 =	sadd.s32 $0x820, s23  }
0x117: {  	v58 =	vor.u32 s26, v3;
	(v2sf) =	vpush v57, $0x0  }
0x118: {  	[tilespmem:v12+s14+$0x0] =	vst.idx.msk vm0, v58  }
0x119: {  	[tilespmem:v12+s15+$0x0] =	vst.idx.msk vm0, v11  }
0x11a: {  	v11 =	vld.idx.msk [tilespmem:v13+s13+$0x0], $0xffff;
	_ =	sdelay $0x4  }
0x11b: {  	v59 =	vshrl.u32 v11, $0x7  }
0x11c: {  	vm13 =	vge.u32 v59, v1;
	vm14 =	vlt.u32 v59, v2  }
0x11d: {  	vm0 =	vmand vm13, vm14  }
0x11e: {  	v60 =	vmpcnt.ones.xlane vm0;
	_ =	sdelay $0x1  }
0x11f: {  	v61 =	vsel vm0, $0x1, v5;
	(v2sf) =	vpush v60, $0x0  }
0x120: {  	(xrf0) =	vadd.scan.msk.s32 $0xffff, v61  }
0x121: {  	s28 =	spop (v2sf)  }
0x122: {  	s7 =	sadd.s32 s7, s28  }
0x123: {  	v62 =	vmov s7  }
0x124: {  	v12 =	vadd.s32 $0xFFFFFFFF, v62  }
0x125: {  	v12 =	vbroadcast v12, $0x0  }
0x126: {  	v13, _, _ =	vpop (xrf0)  }
0x127: {  	v12 =	vadd.s32 v13, v12  }
0x128: {  	vm15 =	vlt.s32 v12, $0x5FF  }
0x129: {  	s24 =	sadd.s32 $0x4, s24;
	v12 =	vnsel vm15, $0x5FF, v12  }
0x12a: {  	p2 =	slt.u32 s24, $0x7C  }
.Ltmp4:
0x12b: {  	_ = 	snop;
	(pc) =	sbr.rel @p2 .LBB2_6-.Ltmp4, $4  }
0x12c: {  	s29 =	sadd.s32 $0x830, s23  }
0x12d: {  	v63 =	vor.u32 s29, v3  }
0x12e: {  	[tilespmem:v12+s14+$0x0] =	vst.idx.msk vm0, v63;
	s30 =	spop (v2sf)  }
0x12f: {  	s23 =	sadd.s32 $0x40, s23;
	[tilespmem:v12+s15+$0x0] =	vst.idx.msk vm0, v11;
	s7 =	sadd.s32 s7, s30  }
0x130: {  	_ =	swait.ge [sflag:s3], $0x1000  }
0x131: {  	s23 =	simm.s32 $0x0;
	[sflag:s3] =	ssyncset.done $0x0  }
0x132: {  	s24 =	simm.s32 $0xFFFFFFFC;
	s0 =	rddreg [dreg:$0x12];
	[sflag:s3] =	ssyncadd.s32 $0xFFFFF000  }
0x133: {  	[tilespmem:s13], [sflag:$0x6] =	stream.linear.gather [hbm4b:s0+s23], $0x1000, $0x38;
	[tilespmem:$0x1FB80] =	vst v63  }
.LBB2_8:
0x134: {  	v11 =	vmov s23  }
0x135: {  	v11 =	vshll.u32 v11, $0x1  }
0x136: {  	v11 =	vor.u32 v4, v11  }
0x137: {  	v11 =	vor.u32 v0, v11;
	_ =	sdelay $0x4  }
0x138: {  	v11 =	vld.idx.msk [tilespmem:v11+s6+$0x0], $0xffff;
	_ =	sdelay $0x4  }
0x139: {  	v12 =	vshrl.u32 v11, $0x7  }
0x13a: {  	vm0 =	vge.u32 v12, v1;
	vm1 =	vlt.u32 v12, v2  }
0x13b: {  	vm0 =	vmand vm0, vm1  }
0x13c: {  	v41 =	vsel vm0, $0x1, v5  }
0x13d: {  	(xrf0) =	vadd.scan.msk.s32 $0xffff, v41;
	_ =	sdelay $0x2  }
0x13e: {  	v42 =	vmov s7  }
0x13f: {  	v12 =	vadd.s32 $0xFFFFFFFF, v42  }
0x140: {  	v12 =	vbroadcast v12, $0x0  }
0x141: {  	v13, _, _ =	vpop (xrf0)  }
0x142: {  	s8 =	sadd.s32 $0x10, s23;
	v12 =	vadd.s32 v13, v12  }
0x143: {  	v43 =	vmov s8;
	vm6 =	vlt.s32 v12, $0x5FF  }
0x144: {  	v14 =	vmpcnt.ones.xlane vm0;
	v13 =	vshll.u32 v43, $0x1;
	v12 =	vnsel vm6, $0x5FF, v12  }
0x145: {  	v13 =	vor.u32 v4, v13  }
0x146: {  	(v2sf) =	vpush v14, $0x0;
	v13 =	vor.u32 v0, v13  }
0x147: {  	s28 =	sadd.s32 $0x1000, s23  }
0x148: {  	v44 =	vor.u32 s28, v3  }
0x149: {  	[tilespmem:v12+s14+$0x0] =	vst.idx.msk vm0, v44  }
0x14a: {  	[tilespmem:v12+s15+$0x0] =	vst.idx.msk vm0, v11  }
0x14b: {  	v11 =	vld.idx.msk [tilespmem:v13+s6+$0x0], $0xffff;
	_ =	sdelay $0x4  }
0x14c: {  	v45 =	vshrl.u32 v11, $0x7  }
0x14d: {  	vm7 =	vge.u32 v45, v1;
	vm8 =	vlt.u32 v45, v2  }
0x14e: {  	vm0 =	vmand vm7, vm8  }
0x14f: {  	v46 =	vsel vm0, $0x1, v5  }
0x150: {  	(xrf0) =	vadd.scan.msk.s32 $0xffff, v46  }
0x151: {  	s29 =	spop (v2sf)  }
0x152: {  	s30 =	sadd.s32 s7, s29  }
0x153: {  	v47 =	vmov s30  }
0x154: {  	v12 =	vadd.s32 $0xFFFFFFFF, v47  }
0x155: {  	v12 =	vbroadcast v12, $0x0  }
0x156: {  	v48, _, _ =	vpop (xrf0)  }
0x157: {  	s0 =	sadd.s32 $0x20, s23;
	v12 =	vadd.s32 v48, v12  }
0x158: {  	v49 =	vmov s0;
	vm9 =	vlt.s32 v12, $0x5FF  }
0x159: {  	v13 =	vshll.u32 v49, $0x1;
	v50 =	vmpcnt.ones.xlane vm0;
	v12 =	vnsel vm9, $0x5FF, v12  }
0x15a: {  	v13 =	vor.u32 v4, v13  }
0x15b: {  	v13 =	vor.u32 v0, v13;
	(v2sf) =	vpush v50, $0x0  }
0x15c: {  	s9 =	sadd.s32 $0x1010, s23  }
0x15d: {  	v51 =	vor.u32 s9, v3  }
0x15e: {  	[tilespmem:v12+s14+$0x0] =	vst.idx.msk vm0, v51  }
0x15f: {  	[tilespmem:v12+s15+$0x0] =	vst.idx.msk vm0, v11  }
0x160: {  	v11 =	vld.idx.msk [tilespmem:v13+s6+$0x0], $0xffff;
	_ =	sdelay $0x4  }
0x161: {  	v52 =	vshrl.u32 v11, $0x7  }
0x162: {  	vm10 =	vge.u32 v52, v1;
	vm11 =	vlt.u32 v52, v2  }
0x163: {  	vm0 =	vmand vm10, vm11  }
0x164: {  	v53 =	vsel vm0, $0x1, v5  }
0x165: {  	(xrf0) =	vadd.scan.msk.s32 $0xffff, v53  }
0x166: {  	s22 =	spop (v2sf)  }
0x167: {  	s7 =	sadd.s32 s30, s22  }
0x168: {  	v54 =	vmov s7  }
0x169: {  	v12 =	vadd.s32 $0xFFFFFFFF, v54  }
0x16a: {  	v12 =	vbroadcast v12, $0x0  }
0x16b: {  	v55, _, _ =	vpop (xrf0)  }
0x16c: {  	s25 =	sadd.s32 $0x30, s23;
	v12 =	vadd.s32 v55, v12  }
0x16d: {  	v56 =	vmov s25;
	vm12 =	vlt.s32 v12, $0x5FF  }
0x16e: {  	v13 =	vshll.u32 v56, $0x1;
	v12 =	vnsel vm12, $0x5FF, v12  }
0x16f: {  	v13 =	vor.u32 v4, v13  }
0x170: {  	v13 =	vor.u32 v0, v13;
	v57 =	vmpcnt.ones.xlane vm0  }
0x171: {  	s26 =	sadd.s32 $0x1020, s23  }
0x172: {  	v58 =	vor.u32 s26, v3;
	(v2sf) =	vpush v57, $0x0  }
0x173: {  	[tilespmem:v12+s14+$0x0] =	vst.idx.msk vm0, v58  }
0x174: {  	[tilespmem:v12+s15+$0x0] =	vst.idx.msk vm0, v11  }
0x175: {  	v11 =	vld.idx.msk [tilespmem:v13+s6+$0x0], $0xffff;
	_ =	sdelay $0x4  }
0x176: {  	v59 =	vshrl.u32 v11, $0x7  }
0x177: {  	vm13 =	vge.u32 v59, v1;
	vm14 =	vlt.u32 v59, v2  }
0x178: {  	vm0 =	vmand vm13, vm14  }
0x179: {  	v60 =	vmpcnt.ones.xlane vm0;
	_ =	sdelay $0x1  }
0x17a: {  	v61 =	vsel vm0, $0x1, v5;
	(v2sf) =	vpush v60, $0x0  }
0x17b: {  	(xrf0) =	vadd.scan.msk.s32 $0xffff, v61  }
0x17c: {  	s28 =	spop (v2sf)  }
0x17d: {  	s7 =	sadd.s32 s7, s28  }
0x17e: {  	v62 =	vmov s7  }
0x17f: {  	v12 =	vadd.s32 $0xFFFFFFFF, v62  }
0x180: {  	v12 =	vbroadcast v12, $0x0  }
0x181: {  	v13, _, _ =	vpop (xrf0)  }
0x182: {  	v12 =	vadd.s32 v13, v12  }
0x183: {  	vm15 =	vlt.s32 v12, $0x5FF  }
0x184: {  	s24 =	sadd.s32 $0x4, s24;
	v12 =	vnsel vm15, $0x5FF, v12  }
0x185: {  	p2 =	slt.u32 s24, $0x7C  }
.Ltmp5:
0x186: {  	_ = 	snop;
	(pc) =	sbr.rel @p2 .LBB2_8-.Ltmp5, $4  }
0x187: {  	s29 =	sadd.s32 $0x1030, s23  }
0x188: {  	v63 =	vor.u32 s29, v3  }
0x189: {  	[tilespmem:v12+s14+$0x0] =	vst.idx.msk vm0, v63;
	s30 =	spop (v2sf)  }
0x18a: {  	s23 =	sadd.s32 $0x40, s23;
	[tilespmem:v12+s15+$0x0] =	vst.idx.msk vm0, v11;
	s7 =	sadd.s32 s7, s30  }
0x18b: {  	_ =	swait.ge [sflag:s3], $0x1000  }
0x18c: {  	s23 =	simm.s32 $0x0;
	[sflag:s3] =	ssyncset.done $0x0  }
0x18d: {  	s24 =	simm.s32 $0xFFFFFFFC;
	s0 =	rddreg [dreg:$0x13];
	[sflag:s3] =	ssyncadd.s32 $0xFFFFF000  }
0x18e: {  	[tilespmem:s23], [sflag:$0x6] =	stream.linear.gather [hbm4b:s0+s23], $0x1000, $0x38;
	[tilespmem:$0x1FB80] =	vst v63  }
.LBB2_10:
0x18f: {  	v11 =	vmov s23  }
0x190: {  	v11 =	vshll.u32 v11, $0x1  }
0x191: {  	v11 =	vor.u32 v4, v11  }
0x192: {  	v11 =	vor.u32 v0, v11;
	_ =	sdelay $0x4  }
0x193: {  	v11 =	vld.idx.msk [tilespmem:v11+s13+$0x0], $0xffff;
	_ =	sdelay $0x4  }
0x194: {  	v12 =	vshrl.u32 v11, $0x7  }
0x195: {  	vm0 =	vge.u32 v12, v1;
	vm1 =	vlt.u32 v12, v2  }
0x196: {  	vm0 =	vmand vm0, vm1  }
0x197: {  	v41 =	vsel vm0, $0x1, v5  }
0x198: {  	(xrf0) =	vadd.scan.msk.s32 $0xffff, v41;
	_ =	sdelay $0x2  }
0x199: {  	v42 =	vmov s7  }
0x19a: {  	v12 =	vadd.s32 $0xFFFFFFFF, v42  }
0x19b: {  	v12 =	vbroadcast v12, $0x0  }
0x19c: {  	v13, _, _ =	vpop (xrf0)  }
0x19d: {  	s8 =	sadd.s32 $0x10, s23;
	v12 =	vadd.s32 v13, v12  }
0x19e: {  	v43 =	vmov s8;
	vm6 =	vlt.s32 v12, $0x5FF  }
0x19f: {  	v14 =	vmpcnt.ones.xlane vm0;
	v13 =	vshll.u32 v43, $0x1;
	v12 =	vnsel vm6, $0x5FF, v12  }
0x1a0: {  	v13 =	vor.u32 v4, v13  }
0x1a1: {  	(v2sf) =	vpush v14, $0x0;
	v13 =	vor.u32 v0, v13  }
0x1a2: {  	s28 =	sadd.s32 $0x1800, s23  }
0x1a3: {  	v44 =	vor.u32 s28, v3  }
0x1a4: {  	[tilespmem:v12+s14+$0x0] =	vst.idx.msk vm0, v44  }
0x1a5: {  	[tilespmem:v12+s15+$0x0] =	vst.idx.msk vm0, v11  }
0x1a6: {  	v11 =	vld.idx.msk [tilespmem:v13+s13+$0x0], $0xffff;
	_ =	sdelay $0x4  }
0x1a7: {  	v45 =	vshrl.u32 v11, $0x7  }
0x1a8: {  	vm7 =	vge.u32 v45, v1;
	vm8 =	vlt.u32 v45, v2  }
0x1a9: {  	vm0 =	vmand vm7, vm8  }
0x1aa: {  	v46 =	vsel vm0, $0x1, v5  }
0x1ab: {  	(xrf0) =	vadd.scan.msk.s32 $0xffff, v46  }
0x1ac: {  	s29 =	spop (v2sf)  }
0x1ad: {  	s30 =	sadd.s32 s7, s29  }
0x1ae: {  	v47 =	vmov s30  }
0x1af: {  	v12 =	vadd.s32 $0xFFFFFFFF, v47  }
0x1b0: {  	v12 =	vbroadcast v12, $0x0  }
0x1b1: {  	v48, _, _ =	vpop (xrf0)  }
0x1b2: {  	s0 =	sadd.s32 $0x20, s23;
	v12 =	vadd.s32 v48, v12  }
0x1b3: {  	v49 =	vmov s0;
	vm9 =	vlt.s32 v12, $0x5FF  }
0x1b4: {  	v13 =	vshll.u32 v49, $0x1;
	v50 =	vmpcnt.ones.xlane vm0;
	v12 =	vnsel vm9, $0x5FF, v12  }
0x1b5: {  	v13 =	vor.u32 v4, v13  }
0x1b6: {  	v13 =	vor.u32 v0, v13;
	(v2sf) =	vpush v50, $0x0  }
0x1b7: {  	s9 =	sadd.s32 $0x1810, s23  }
0x1b8: {  	v51 =	vor.u32 s9, v3  }
0x1b9: {  	[tilespmem:v12+s14+$0x0] =	vst.idx.msk vm0, v51  }
0x1ba: {  	[tilespmem:v12+s15+$0x0] =	vst.idx.msk vm0, v11  }
0x1bb: {  	v11 =	vld.idx.msk [tilespmem:v13+s13+$0x0], $0xffff;
	_ =	sdelay $0x4  }
0x1bc: {  	v52 =	vshrl.u32 v11, $0x7  }
0x1bd: {  	vm10 =	vge.u32 v52, v1;
	vm11 =	vlt.u32 v52, v2  }
0x1be: {  	vm0 =	vmand vm10, vm11  }
0x1bf: {  	v53 =	vsel vm0, $0x1, v5  }
0x1c0: {  	(xrf0) =	vadd.scan.msk.s32 $0xffff, v53  }
0x1c1: {  	s22 =	spop (v2sf)  }
0x1c2: {  	s7 =	sadd.s32 s30, s22  }
0x1c3: {  	v54 =	vmov s7  }
0x1c4: {  	v12 =	vadd.s32 $0xFFFFFFFF, v54  }
0x1c5: {  	v12 =	vbroadcast v12, $0x0  }
0x1c6: {  	v55, _, _ =	vpop (xrf0)  }
0x1c7: {  	s25 =	sadd.s32 $0x30, s23;
	v12 =	vadd.s32 v55, v12  }
0x1c8: {  	v56 =	vmov s25;
	vm12 =	vlt.s32 v12, $0x5FF  }
0x1c9: {  	v13 =	vshll.u32 v56, $0x1;
	v12 =	vnsel vm12, $0x5FF, v12  }
0x1ca: {  	v13 =	vor.u32 v4, v13  }
0x1cb: {  	v13 =	vor.u32 v0, v13;
	v57 =	vmpcnt.ones.xlane vm0  }
0x1cc: {  	s26 =	sadd.s32 $0x1820, s23  }
0x1cd: {  	v58 =	vor.u32 s26, v3;
	(v2sf) =	vpush v57, $0x0  }
0x1ce: {  	[tilespmem:v12+s14+$0x0] =	vst.idx.msk vm0, v58  }
0x1cf: {  	[tilespmem:v12+s15+$0x0] =	vst.idx.msk vm0, v11  }
0x1d0: {  	v11 =	vld.idx.msk [tilespmem:v13+s13+$0x0], $0xffff;
	_ =	sdelay $0x4  }
0x1d1: {  	v59 =	vshrl.u32 v11, $0x7  }
0x1d2: {  	vm13 =	vge.u32 v59, v1;
	vm14 =	vlt.u32 v59, v2  }
0x1d3: {  	vm0 =	vmand vm13, vm14  }
0x1d4: {  	v60 =	vmpcnt.ones.xlane vm0;
	_ =	sdelay $0x1  }
0x1d5: {  	v61 =	vsel vm0, $0x1, v5;
	(v2sf) =	vpush v60, $0x0  }
0x1d6: {  	(xrf0) =	vadd.scan.msk.s32 $0xffff, v61  }
0x1d7: {  	s28 =	spop (v2sf)  }
0x1d8: {  	s7 =	sadd.s32 s7, s28  }
0x1d9: {  	v62 =	vmov s7  }
0x1da: {  	v12 =	vadd.s32 $0xFFFFFFFF, v62  }
0x1db: {  	v12 =	vbroadcast v12, $0x0  }
0x1dc: {  	v13, _, _ =	vpop (xrf0)  }
0x1dd: {  	v12 =	vadd.s32 v13, v12  }
0x1de: {  	vm15 =	vlt.s32 v12, $0x5FF  }
0x1df: {  	s24 =	sadd.s32 $0x4, s24;
	v12 =	vnsel vm15, $0x5FF, v12  }
0x1e0: {  	p2 =	slt.u32 s24, $0x7C  }
.Ltmp6:
0x1e1: {  	_ = 	snop;
	(pc) =	sbr.rel @p2 .LBB2_10-.Ltmp6, $4  }
0x1e2: {  	s29 =	sadd.s32 $0x1830, s23  }
0x1e3: {  	v63 =	vor.u32 s29, v3  }
0x1e4: {  	[tilespmem:v12+s14+$0x0] =	vst.idx.msk vm0, v63;
	s30 =	spop (v2sf)  }
0x1e5: {  	s23 =	sadd.s32 $0x40, s23;
	[tilespmem:v12+s15+$0x0] =	vst.idx.msk vm0, v11;
	s7 =	sadd.s32 s7, s30  }
0x1e6: {  	_ =	swait.ge [sflag:s3], $0x1000  }
0x1e7: {  	s23 =	simm.s32 $0x0;
	[sflag:s3] =	ssyncset.done $0x0  }
0x1e8: {  	s24 =	simm.s32 $0xFFFFFFFC;
	s0 =	rddreg [dreg:$0x14];
	[sflag:s3] =	ssyncadd.s32 $0xFFFFF000  }
0x1e9: {  	[tilespmem:s13], [sflag:$0x6] =	stream.linear.gather [hbm4b:s0+s23], $0x1000, $0x38;
	[tilespmem:$0x1FB80] =	vst v63  }
.LBB2_12:
0x1ea: {  	v11 =	vmov s23  }
0x1eb: {  	v11 =	vshll.u32 v11, $0x1  }
0x1ec: {  	v11 =	vor.u32 v4, v11  }
0x1ed: {  	v11 =	vor.u32 v0, v11;
	_ =	sdelay $0x4  }
0x1ee: {  	v11 =	vld.idx.msk [tilespmem:v11+s6+$0x0], $0xffff;
	_ =	sdelay $0x4  }
0x1ef: {  	v12 =	vshrl.u32 v11, $0x7  }
0x1f0: {  	vm0 =	vge.u32 v12, v1;
	vm1 =	vlt.u32 v12, v2  }
0x1f1: {  	vm0 =	vmand vm0, vm1  }
0x1f2: {  	v41 =	vsel vm0, $0x1, v5  }
0x1f3: {  	(xrf0) =	vadd.scan.msk.s32 $0xffff, v41;
	_ =	sdelay $0x2  }
0x1f4: {  	v42 =	vmov s7  }
0x1f5: {  	v12 =	vadd.s32 $0xFFFFFFFF, v42  }
0x1f6: {  	v12 =	vbroadcast v12, $0x0  }
0x1f7: {  	v13, _, _ =	vpop (xrf0)  }
0x1f8: {  	s8 =	sadd.s32 $0x10, s23;
	v12 =	vadd.s32 v13, v12  }
0x1f9: {  	v43 =	vmov s8;
	vm6 =	vlt.s32 v12, $0x5FF  }
0x1fa: {  	v14 =	vmpcnt.ones.xlane vm0;
	v13 =	vshll.u32 v43, $0x1;
	v12 =	vnsel vm6, $0x5FF, v12  }
0x1fb: {  	v13 =	vor.u32 v4, v13  }
0x1fc: {  	(v2sf) =	vpush v14, $0x0;
	v13 =	vor.u32 v0, v13  }
0x1fd: {  	s28 =	sadd.s32 $0x2000, s23  }
0x1fe: {  	v44 =	vor.u32 s28, v3  }
0x1ff: {  	[tilespmem:v12+s14+$0x0] =	vst.idx.msk vm0, v44  }
0x200: {  	[tilespmem:v12+s15+$0x0] =	vst.idx.msk vm0, v11  }
0x201: {  	v11 =	vld.idx.msk [tilespmem:v13+s6+$0x0], $0xffff;
	_ =	sdelay $0x4  }
0x202: {  	v45 =	vshrl.u32 v11, $0x7  }
0x203: {  	vm7 =	vge.u32 v45, v1;
	vm8 =	vlt.u32 v45, v2  }
0x204: {  	vm0 =	vmand vm7, vm8  }
0x205: {  	v46 =	vsel vm0, $0x1, v5  }
0x206: {  	(xrf0) =	vadd.scan.msk.s32 $0xffff, v46  }
0x207: {  	s29 =	spop (v2sf)  }
0x208: {  	s30 =	sadd.s32 s7, s29  }
0x209: {  	v47 =	vmov s30  }
0x20a: {  	v12 =	vadd.s32 $0xFFFFFFFF, v47  }
0x20b: {  	v12 =	vbroadcast v12, $0x0  }
0x20c: {  	v48, _, _ =	vpop (xrf0)  }
0x20d: {  	s0 =	sadd.s32 $0x20, s23;
	v12 =	vadd.s32 v48, v12  }
0x20e: {  	v49 =	vmov s0;
	vm9 =	vlt.s32 v12, $0x5FF  }
0x20f: {  	v13 =	vshll.u32 v49, $0x1;
	v50 =	vmpcnt.ones.xlane vm0;
	v12 =	vnsel vm9, $0x5FF, v12  }
0x210: {  	v13 =	vor.u32 v4, v13  }
0x211: {  	v13 =	vor.u32 v0, v13;
	(v2sf) =	vpush v50, $0x0  }
0x212: {  	s9 =	sadd.s32 $0x2010, s23  }
0x213: {  	v51 =	vor.u32 s9, v3  }
0x214: {  	[tilespmem:v12+s14+$0x0] =	vst.idx.msk vm0, v51  }
0x215: {  	[tilespmem:v12+s15+$0x0] =	vst.idx.msk vm0, v11  }
0x216: {  	v11 =	vld.idx.msk [tilespmem:v13+s6+$0x0], $0xffff;
	_ =	sdelay $0x4  }
0x217: {  	v52 =	vshrl.u32 v11, $0x7  }
0x218: {  	vm10 =	vge.u32 v52, v1;
	vm11 =	vlt.u32 v52, v2  }
0x219: {  	vm0 =	vmand vm10, vm11  }
0x21a: {  	v53 =	vsel vm0, $0x1, v5  }
0x21b: {  	(xrf0) =	vadd.scan.msk.s32 $0xffff, v53  }
0x21c: {  	s22 =	spop (v2sf)  }
0x21d: {  	s7 =	sadd.s32 s30, s22  }
0x21e: {  	v54 =	vmov s7  }
0x21f: {  	v12 =	vadd.s32 $0xFFFFFFFF, v54  }
0x220: {  	v12 =	vbroadcast v12, $0x0  }
0x221: {  	v55, _, _ =	vpop (xrf0)  }
0x222: {  	s25 =	sadd.s32 $0x30, s23;
	v12 =	vadd.s32 v55, v12  }
0x223: {  	v56 =	vmov s25;
	vm12 =	vlt.s32 v12, $0x5FF  }
0x224: {  	v13 =	vshll.u32 v56, $0x1;
	v12 =	vnsel vm12, $0x5FF, v12  }
0x225: {  	v13 =	vor.u32 v4, v13  }
0x226: {  	v13 =	vor.u32 v0, v13;
	v57 =	vmpcnt.ones.xlane vm0  }
0x227: {  	s26 =	sadd.s32 $0x2020, s23  }
0x228: {  	v58 =	vor.u32 s26, v3;
	(v2sf) =	vpush v57, $0x0  }
0x229: {  	[tilespmem:v12+s14+$0x0] =	vst.idx.msk vm0, v58  }
0x22a: {  	[tilespmem:v12+s15+$0x0] =	vst.idx.msk vm0, v11  }
0x22b: {  	v11 =	vld.idx.msk [tilespmem:v13+s6+$0x0], $0xffff;
	_ =	sdelay $0x4  }
0x22c: {  	v59 =	vshrl.u32 v11, $0x7  }
0x22d: {  	vm13 =	vge.u32 v59, v1;
	vm14 =	vlt.u32 v59, v2  }
0x22e: {  	vm0 =	vmand vm13, vm14  }
0x22f: {  	v60 =	vmpcnt.ones.xlane vm0;
	_ =	sdelay $0x1  }
0x230: {  	v61 =	vsel vm0, $0x1, v5;
	(v2sf) =	vpush v60, $0x0  }
0x231: {  	(xrf0) =	vadd.scan.msk.s32 $0xffff, v61  }
0x232: {  	s28 =	spop (v2sf)  }
0x233: {  	s7 =	sadd.s32 s7, s28  }
0x234: {  	v62 =	vmov s7  }
0x235: {  	v12 =	vadd.s32 $0xFFFFFFFF, v62  }
0x236: {  	v12 =	vbroadcast v12, $0x0  }
0x237: {  	v13, _, _ =	vpop (xrf0)  }
0x238: {  	v12 =	vadd.s32 v13, v12  }
0x239: {  	vm15 =	vlt.s32 v12, $0x5FF  }
0x23a: {  	s24 =	sadd.s32 $0x4, s24;
	v12 =	vnsel vm15, $0x5FF, v12  }
0x23b: {  	p2 =	slt.u32 s24, $0x7C  }
.Ltmp7:
0x23c: {  	_ = 	snop;
	(pc) =	sbr.rel @p2 .LBB2_12-.Ltmp7, $4  }
0x23d: {  	s29 =	sadd.s32 $0x2030, s23  }
0x23e: {  	v63 =	vor.u32 s29, v3  }
0x23f: {  	[tilespmem:v12+s14+$0x0] =	vst.idx.msk vm0, v63;
	s30 =	spop (v2sf)  }
0x240: {  	s23 =	sadd.s32 $0x40, s23;
	[tilespmem:v12+s15+$0x0] =	vst.idx.msk vm0, v11;
	s7 =	sadd.s32 s7, s30  }
0x241: {  	_ =	swait.ge [sflag:s3], $0x1000  }
0x242: {  	s23 =	simm.s32 $0x0;
	[sflag:s3] =	ssyncset.done $0x0  }
0x243: {  	s24 =	simm.s32 $0xFFFFFFFC;
	s0 =	rddreg [dreg:$0x15];
	[sflag:s3] =	ssyncadd.s32 $0xFFFFF000  }
0x244: {  	[tilespmem:s23], [sflag:$0x6] =	stream.linear.gather [hbm4b:s0+s23], $0x1000, $0x38;
	[tilespmem:$0x1FB80] =	vst v63  }
.LBB2_14:
0x245: {  	v11 =	vmov s23  }
0x246: {  	v11 =	vshll.u32 v11, $0x1  }
0x247: {  	v11 =	vor.u32 v4, v11  }
0x248: {  	v11 =	vor.u32 v0, v11;
	_ =	sdelay $0x4  }
0x249: {  	v11 =	vld.idx.msk [tilespmem:v11+s13+$0x0], $0xffff;
	_ =	sdelay $0x4  }
0x24a: {  	v12 =	vshrl.u32 v11, $0x7  }
0x24b: {  	vm0 =	vge.u32 v12, v1;
	vm1 =	vlt.u32 v12, v2  }
0x24c: {  	vm0 =	vmand vm0, vm1  }
0x24d: {  	v41 =	vsel vm0, $0x1, v5  }
0x24e: {  	(xrf0) =	vadd.scan.msk.s32 $0xffff, v41;
	_ =	sdelay $0x2  }
0x24f: {  	v42 =	vmov s7  }
0x250: {  	v12 =	vadd.s32 $0xFFFFFFFF, v42  }
0x251: {  	v12 =	vbroadcast v12, $0x0  }
0x252: {  	v13, _, _ =	vpop (xrf0)  }
0x253: {  	s8 =	sadd.s32 $0x10, s23;
	v12 =	vadd.s32 v13, v12  }
0x254: {  	v43 =	vmov s8;
	vm6 =	vlt.s32 v12, $0x5FF  }
0x255: {  	v14 =	vmpcnt.ones.xlane vm0;
	v13 =	vshll.u32 v43, $0x1;
	v12 =	vnsel vm6, $0x5FF, v12  }
0x256: {  	v13 =	vor.u32 v4, v13  }
0x257: {  	(v2sf) =	vpush v14, $0x0;
	v13 =	vor.u32 v0, v13  }
0x258: {  	s28 =	sadd.s32 $0x2800, s23  }
0x259: {  	v44 =	vor.u32 s28, v3  }
0x25a: {  	[tilespmem:v12+s14+$0x0] =	vst.idx.msk vm0, v44  }
0x25b: {  	[tilespmem:v12+s15+$0x0] =	vst.idx.msk vm0, v11  }
0x25c: {  	v11 =	vld.idx.msk [tilespmem:v13+s13+$0x0], $0xffff;
	_ =	sdelay $0x4  }
0x25d: {  	v45 =	vshrl.u32 v11, $0x7  }
0x25e: {  	vm7 =	vge.u32 v45, v1;
	vm8 =	vlt.u32 v45, v2  }
0x25f: {  	vm0 =	vmand vm7, vm8  }
0x260: {  	v46 =	vsel vm0, $0x1, v5  }
0x261: {  	(xrf0) =	vadd.scan.msk.s32 $0xffff, v46  }
0x262: {  	s29 =	spop (v2sf)  }
0x263: {  	s30 =	sadd.s32 s7, s29  }
0x264: {  	v47 =	vmov s30  }
0x265: {  	v12 =	vadd.s32 $0xFFFFFFFF, v47  }
0x266: {  	v12 =	vbroadcast v12, $0x0  }
0x267: {  	v48, _, _ =	vpop (xrf0)  }
0x268: {  	s0 =	sadd.s32 $0x20, s23;
	v12 =	vadd.s32 v48, v12  }
0x269: {  	v49 =	vmov s0;
	vm9 =	vlt.s32 v12, $0x5FF  }
0x26a: {  	v13 =	vshll.u32 v49, $0x1;
	v50 =	vmpcnt.ones.xlane vm0;
	v12 =	vnsel vm9, $0x5FF, v12  }
0x26b: {  	v13 =	vor.u32 v4, v13  }
0x26c: {  	v13 =	vor.u32 v0, v13;
	(v2sf) =	vpush v50, $0x0  }
0x26d: {  	s9 =	sadd.s32 $0x2810, s23  }
0x26e: {  	v51 =	vor.u32 s9, v3  }
0x26f: {  	[tilespmem:v12+s14+$0x0] =	vst.idx.msk vm0, v51  }
0x270: {  	[tilespmem:v12+s15+$0x0] =	vst.idx.msk vm0, v11  }
0x271: {  	v11 =	vld.idx.msk [tilespmem:v13+s13+$0x0], $0xffff;
	_ =	sdelay $0x4  }
0x272: {  	v52 =	vshrl.u32 v11, $0x7  }
0x273: {  	vm10 =	vge.u32 v52, v1;
	vm11 =	vlt.u32 v52, v2  }
0x274: {  	vm0 =	vmand vm10, vm11  }
0x275: {  	v53 =	vsel vm0, $0x1, v5  }
0x276: {  	(xrf0) =	vadd.scan.msk.s32 $0xffff, v53  }
0x277: {  	s22 =	spop (v2sf)  }
0x278: {  	s7 =	sadd.s32 s30, s22  }
0x279: {  	v54 =	vmov s7  }
0x27a: {  	v12 =	vadd.s32 $0xFFFFFFFF, v54  }
0x27b: {  	v12 =	vbroadcast v12, $0x0  }
0x27c: {  	v55, _, _ =	vpop (xrf0)  }
0x27d: {  	s25 =	sadd.s32 $0x30, s23;
	v12 =	vadd.s32 v55, v12  }
0x27e: {  	v56 =	vmov s25;
	vm12 =	vlt.s32 v12, $0x5FF  }
0x27f: {  	v13 =	vshll.u32 v56, $0x1;
	v12 =	vnsel vm12, $0x5FF, v12  }
0x280: {  	v13 =	vor.u32 v4, v13  }
0x281: {  	v13 =	vor.u32 v0, v13;
	v57 =	vmpcnt.ones.xlane vm0  }
0x282: {  	s26 =	sadd.s32 $0x2820, s23  }
0x283: {  	v58 =	vor.u32 s26, v3;
	(v2sf) =	vpush v57, $0x0  }
0x284: {  	[tilespmem:v12+s14+$0x0] =	vst.idx.msk vm0, v58  }
0x285: {  	[tilespmem:v12+s15+$0x0] =	vst.idx.msk vm0, v11  }
0x286: {  	v11 =	vld.idx.msk [tilespmem:v13+s13+$0x0], $0xffff;
	_ =	sdelay $0x4  }
0x287: {  	v59 =	vshrl.u32 v11, $0x7  }
0x288: {  	vm13 =	vge.u32 v59, v1;
	vm14 =	vlt.u32 v59, v2  }
0x289: {  	vm0 =	vmand vm13, vm14  }
0x28a: {  	v60 =	vmpcnt.ones.xlane vm0;
	_ =	sdelay $0x1  }
0x28b: {  	v61 =	vsel vm0, $0x1, v5;
	(v2sf) =	vpush v60, $0x0  }
0x28c: {  	(xrf0) =	vadd.scan.msk.s32 $0xffff, v61  }
0x28d: {  	s28 =	spop (v2sf)  }
0x28e: {  	s7 =	sadd.s32 s7, s28  }
0x28f: {  	v62 =	vmov s7  }
0x290: {  	v12 =	vadd.s32 $0xFFFFFFFF, v62  }
0x291: {  	v12 =	vbroadcast v12, $0x0  }
0x292: {  	v13, _, _ =	vpop (xrf0)  }
0x293: {  	v12 =	vadd.s32 v13, v12  }
0x294: {  	vm15 =	vlt.s32 v12, $0x5FF  }
0x295: {  	s24 =	sadd.s32 $0x4, s24;
	v12 =	vnsel vm15, $0x5FF, v12  }
0x296: {  	p2 =	slt.u32 s24, $0x7C  }
.Ltmp8:
0x297: {  	_ = 	snop;
	(pc) =	sbr.rel @p2 .LBB2_14-.Ltmp8, $4  }
0x298: {  	s29 =	sadd.s32 $0x2830, s23  }
0x299: {  	v63 =	vor.u32 s29, v3  }
0x29a: {  	[tilespmem:v12+s14+$0x0] =	vst.idx.msk vm0, v63;
	s30 =	spop (v2sf)  }
0x29b: {  	s23 =	sadd.s32 $0x40, s23;
	[tilespmem:v12+s15+$0x0] =	vst.idx.msk vm0, v11;
	s7 =	sadd.s32 s7, s30  }
0x29c: {  	_ =	swait.ge [sflag:s3], $0x1000  }
0x29d: {  	s23 =	simm.s32 $0x0;
	[sflag:s3] =	ssyncset.done $0x0  }
0x29e: {  	s24 =	simm.s32 $0xFFFFFFFC;
	s0 =	rddreg [dreg:$0x16];
	[sflag:s3] =	ssyncadd.s32 $0xFFFFF000  }
0x29f: {  	[tilespmem:s13], [sflag:$0x6] =	stream.linear.gather [hbm4b:s0+s23], $0x1000, $0x38;
	[tilespmem:$0x1FB80] =	vst v63  }
.LBB2_16:
0x2a0: {  	v11 =	vmov s23  }
0x2a1: {  	v11 =	vshll.u32 v11, $0x1  }
0x2a2: {  	v11 =	vor.u32 v4, v11  }
0x2a3: {  	v11 =	vor.u32 v0, v11;
	_ =	sdelay $0x4  }
0x2a4: {  	v11 =	vld.idx.msk [tilespmem:v11+s6+$0x0], $0xffff;
	_ =	sdelay $0x4  }
0x2a5: {  	v12 =	vshrl.u32 v11, $0x7  }
0x2a6: {  	vm0 =	vge.u32 v12, v1;
	vm1 =	vlt.u32 v12, v2  }
0x2a7: {  	vm0 =	vmand vm0, vm1  }
0x2a8: {  	v41 =	vsel vm0, $0x1, v5  }
0x2a9: {  	(xrf0) =	vadd.scan.msk.s32 $0xffff, v41;
	_ =	sdelay $0x2  }
0x2aa: {  	v42 =	vmov s7  }
0x2ab: {  	v12 =	vadd.s32 $0xFFFFFFFF, v42  }
0x2ac: {  	v12 =	vbroadcast v12, $0x0  }
0x2ad: {  	v13, _, _ =	vpop (xrf0)  }
0x2ae: {  	s8 =	sadd.s32 $0x10, s23;
	v12 =	vadd.s32 v13, v12  }
0x2af: {  	v43 =	vmov s8;
	vm6 =	vlt.s32 v12, $0x5FF  }
0x2b0: {  	v14 =	vmpcnt.ones.xlane vm0;
	v13 =	vshll.u32 v43, $0x1;
	v12 =	vnsel vm6, $0x5FF, v12  }
0x2b1: {  	v13 =	vor.u32 v4, v13  }
0x2b2: {  	(v2sf) =	vpush v14, $0x0;
	v13 =	vor.u32 v0, v13  }
0x2b3: {  	s28 =	sadd.s32 $0x3000, s23  }
0x2b4: {  	v44 =	vor.u32 s28, v3  }
0x2b5: {  	[tilespmem:v12+s14+$0x0] =	vst.idx.msk vm0, v44  }
0x2b6: {  	[tilespmem:v12+s15+$0x0] =	vst.idx.msk vm0, v11  }
0x2b7: {  	v11 =	vld.idx.msk [tilespmem:v13+s6+$0x0], $0xffff;
	_ =	sdelay $0x4  }
0x2b8: {  	v45 =	vshrl.u32 v11, $0x7  }
0x2b9: {  	vm7 =	vge.u32 v45, v1;
	vm8 =	vlt.u32 v45, v2  }
0x2ba: {  	vm0 =	vmand vm7, vm8  }
0x2bb: {  	v46 =	vsel vm0, $0x1, v5  }
0x2bc: {  	(xrf0) =	vadd.scan.msk.s32 $0xffff, v46  }
0x2bd: {  	s29 =	spop (v2sf)  }
0x2be: {  	s30 =	sadd.s32 s7, s29  }
0x2bf: {  	v47 =	vmov s30  }
0x2c0: {  	v12 =	vadd.s32 $0xFFFFFFFF, v47  }
0x2c1: {  	v12 =	vbroadcast v12, $0x0  }
0x2c2: {  	v48, _, _ =	vpop (xrf0)  }
0x2c3: {  	s0 =	sadd.s32 $0x20, s23;
	v12 =	vadd.s32 v48, v12  }
0x2c4: {  	v49 =	vmov s0;
	vm9 =	vlt.s32 v12, $0x5FF  }
0x2c5: {  	v13 =	vshll.u32 v49, $0x1;
	v50 =	vmpcnt.ones.xlane vm0;
	v12 =	vnsel vm9, $0x5FF, v12  }
0x2c6: {  	v13 =	vor.u32 v4, v13  }
0x2c7: {  	v13 =	vor.u32 v0, v13;
	(v2sf) =	vpush v50, $0x0  }
0x2c8: {  	s9 =	sadd.s32 $0x3010, s23  }
0x2c9: {  	v51 =	vor.u32 s9, v3  }
0x2ca: {  	[tilespmem:v12+s14+$0x0] =	vst.idx.msk vm0, v51  }
0x2cb: {  	[tilespmem:v12+s15+$0x0] =	vst.idx.msk vm0, v11  }
0x2cc: {  	v11 =	vld.idx.msk [tilespmem:v13+s6+$0x0], $0xffff;
	_ =	sdelay $0x4  }
0x2cd: {  	v52 =	vshrl.u32 v11, $0x7  }
0x2ce: {  	vm10 =	vge.u32 v52, v1;
	vm11 =	vlt.u32 v52, v2  }
0x2cf: {  	vm0 =	vmand vm10, vm11  }
0x2d0: {  	v53 =	vsel vm0, $0x1, v5  }
0x2d1: {  	(xrf0) =	vadd.scan.msk.s32 $0xffff, v53  }
0x2d2: {  	s22 =	spop (v2sf)  }
0x2d3: {  	s7 =	sadd.s32 s30, s22  }
0x2d4: {  	v54 =	vmov s7  }
0x2d5: {  	v12 =	vadd.s32 $0xFFFFFFFF, v54  }
0x2d6: {  	v12 =	vbroadcast v12, $0x0  }
0x2d7: {  	v55, _, _ =	vpop (xrf0)  }
0x2d8: {  	s25 =	sadd.s32 $0x30, s23;
	v12 =	vadd.s32 v55, v12  }
0x2d9: {  	v56 =	vmov s25;
	vm12 =	vlt.s32 v12, $0x5FF  }
0x2da: {  	v13 =	vshll.u32 v56, $0x1;
	v12 =	vnsel vm12, $0x5FF, v12  }
0x2db: {  	v13 =	vor.u32 v4, v13  }
0x2dc: {  	v13 =	vor.u32 v0, v13;
	v57 =	vmpcnt.ones.xlane vm0  }
0x2dd: {  	s26 =	sadd.s32 $0x3020, s23  }
0x2de: {  	v58 =	vor.u32 s26, v3;
	(v2sf) =	vpush v57, $0x0  }
0x2df: {  	[tilespmem:v12+s14+$0x0] =	vst.idx.msk vm0, v58  }
0x2e0: {  	[tilespmem:v12+s15+$0x0] =	vst.idx.msk vm0, v11  }
0x2e1: {  	v11 =	vld.idx.msk [tilespmem:v13+s6+$0x0], $0xffff;
	_ =	sdelay $0x4  }
0x2e2: {  	v59 =	vshrl.u32 v11, $0x7  }
0x2e3: {  	vm13 =	vge.u32 v59, v1;
	vm14 =	vlt.u32 v59, v2  }
0x2e4: {  	vm0 =	vmand vm13, vm14  }
0x2e5: {  	v60 =	vmpcnt.ones.xlane vm0;
	_ =	sdelay $0x1  }
0x2e6: {  	v61 =	vsel vm0, $0x1, v5;
	(v2sf) =	vpush v60, $0x0  }
0x2e7: {  	(xrf0) =	vadd.scan.msk.s32 $0xffff, v61  }
0x2e8: {  	s28 =	spop (v2sf)  }
0x2e9: {  	s7 =	sadd.s32 s7, s28  }
0x2ea: {  	v62 =	vmov s7  }
0x2eb: {  	v12 =	vadd.s32 $0xFFFFFFFF, v62  }
0x2ec: {  	v12 =	vbroadcast v12, $0x0  }
0x2ed: {  	v13, _, _ =	vpop (xrf0)  }
0x2ee: {  	v12 =	vadd.s32 v13, v12  }
0x2ef: {  	vm15 =	vlt.s32 v12, $0x5FF  }
0x2f0: {  	s24 =	sadd.s32 $0x4, s24;
	v12 =	vnsel vm15, $0x5FF, v12  }
0x2f1: {  	p2 =	slt.u32 s24, $0x7C  }
.Ltmp9:
0x2f2: {  	_ = 	snop;
	(pc) =	sbr.rel @p2 .LBB2_16-.Ltmp9, $4  }
0x2f3: {  	s29 =	sadd.s32 $0x3030, s23  }
0x2f4: {  	v63 =	vor.u32 s29, v3  }
0x2f5: {  	[tilespmem:v12+s14+$0x0] =	vst.idx.msk vm0, v63;
	s30 =	spop (v2sf)  }
0x2f6: {  	s23 =	sadd.s32 $0x40, s23;
	[tilespmem:v12+s15+$0x0] =	vst.idx.msk vm0, v11;
	s7 =	sadd.s32 s7, s30  }
0x2f7: {  	_ =	swait.ge [sflag:s3], $0x1000  }
0x2f8: {  	[sflag:s3] =	ssyncset.done $0x0  }
0x2f9: {  	s23 =	simm.s32 $0xFFFFFFFC;
	s24 =	simm.s32 $0x0;
	[sflag:s3] =	ssyncadd.s32 $0xFFFFF000  }
.LBB2_18:
0x2fa: {  	v11 =	vmov s24  }
0x2fb: {  	v11 =	vshll.u32 v11, $0x1  }
0x2fc: {  	v11 =	vor.u32 v4, v11  }
0x2fd: {  	v11 =	vor.u32 v0, v11;
	_ =	sdelay $0x4  }
0x2fe: {  	v11 =	vld.idx.msk [tilespmem:v11+s13+$0x0], $0xffff;
	_ =	sdelay $0x4  }
0x2ff: {  	v12 =	vshrl.u32 v11, $0x7  }
0x300: {  	vm0 =	vge.u32 v12, v1;
	vm1 =	vlt.u32 v12, v2  }
0x301: {  	vm0 =	vmand vm0, vm1  }
0x302: {  	v41 =	vsel vm0, $0x1, v5  }
0x303: {  	(xrf0) =	vadd.scan.msk.s32 $0xffff, v41;
	_ =	sdelay $0x2  }
0x304: {  	v42 =	vmov s7  }
0x305: {  	v12 =	vadd.s32 $0xFFFFFFFF, v42  }
0x306: {  	v12 =	vbroadcast v12, $0x0  }
0x307: {  	v13, _, _ =	vpop (xrf0)  }
0x308: {  	s8 =	sadd.s32 $0x10, s24;
	v12 =	vadd.s32 v13, v12  }
0x309: {  	v43 =	vmov s8;
	vm6 =	vlt.s32 v12, $0x5FF  }
0x30a: {  	v14 =	vmpcnt.ones.xlane vm0;
	v13 =	vshll.u32 v43, $0x1;
	v12 =	vnsel vm6, $0x5FF, v12  }
0x30b: {  	v13 =	vor.u32 v4, v13  }
0x30c: {  	(v2sf) =	vpush v14, $0x0;
	v13 =	vor.u32 v0, v13  }
0x30d: {  	s29 =	sadd.s32 $0x3800, s24  }
0x30e: {  	v44 =	vor.u32 s29, v3  }
0x30f: {  	[tilespmem:v12+s14+$0x0] =	vst.idx.msk vm0, v44  }
0x310: {  	[tilespmem:v12+s15+$0x0] =	vst.idx.msk vm0, v11  }
0x311: {  	v11 =	vld.idx.msk [tilespmem:v13+s13+$0x0], $0xffff;
	_ =	sdelay $0x4  }
0x312: {  	v45 =	vshrl.u32 v11, $0x7  }
0x313: {  	vm7 =	vge.u32 v45, v1;
	vm8 =	vlt.u32 v45, v2  }
0x314: {  	vm0 =	vmand vm7, vm8  }
0x315: {  	v46 =	vsel vm0, $0x1, v5  }
0x316: {  	(xrf0) =	vadd.scan.msk.s32 $0xffff, v46  }
0x317: {  	s30 =	spop (v2sf)  }
0x318: {  	s0 =	sadd.s32 s7, s30  }
0x319: {  	v47 =	vmov s0  }
0x31a: {  	v12 =	vadd.s32 $0xFFFFFFFF, v47  }
0x31b: {  	v12 =	vbroadcast v12, $0x0  }
0x31c: {  	v48, _, _ =	vpop (xrf0)  }
0x31d: {  	s3 =	sadd.s32 $0x20, s24;
	v12 =	vadd.s32 v48, v12  }
0x31e: {  	v49 =	vmov s3;
	vm9 =	vlt.s32 v12, $0x5FF  }
0x31f: {  	v13 =	vshll.u32 v49, $0x1;
	v50 =	vmpcnt.ones.xlane vm0;
	v12 =	vnsel vm9, $0x5FF, v12  }
0x320: {  	v13 =	vor.u32 v4, v13  }
0x321: {  	v13 =	vor.u32 v0, v13;
	(v2sf) =	vpush v50, $0x0  }
0x322: {  	s9 =	sadd.s32 $0x3810, s24  }
0x323: {  	v51 =	vor.u32 s9, v3  }
0x324: {  	[tilespmem:v12+s14+$0x0] =	vst.idx.msk vm0, v51  }
0x325: {  	[tilespmem:v12+s15+$0x0] =	vst.idx.msk vm0, v11  }
0x326: {  	v11 =	vld.idx.msk [tilespmem:v13+s13+$0x0], $0xffff;
	_ =	sdelay $0x4  }
0x327: {  	v52 =	vshrl.u32 v11, $0x7  }
0x328: {  	vm10 =	vge.u32 v52, v1;
	vm11 =	vlt.u32 v52, v2  }
0x329: {  	vm0 =	vmand vm10, vm11  }
0x32a: {  	v53 =	vsel vm0, $0x1, v5  }
0x32b: {  	(xrf0) =	vadd.scan.msk.s32 $0xffff, v53  }
0x32c: {  	s22 =	spop (v2sf)  }
0x32d: {  	s7 =	sadd.s32 s0, s22  }
0x32e: {  	v54 =	vmov s7  }
0x32f: {  	v12 =	vadd.s32 $0xFFFFFFFF, v54  }
0x330: {  	v12 =	vbroadcast v12, $0x0  }
0x331: {  	v55, _, _ =	vpop (xrf0)  }
0x332: {  	s25 =	sadd.s32 $0x30, s24;
	v12 =	vadd.s32 v55, v12  }
0x333: {  	v56 =	vmov s25;
	vm12 =	vlt.s32 v12, $0x5FF  }
0x334: {  	v13 =	vshll.u32 v56, $0x1;
	v12 =	vnsel vm12, $0x5FF, v12  }
0x335: {  	v13 =	vor.u32 v4, v13  }
0x336: {  	v13 =	vor.u32 v0, v13;
	v57 =	vmpcnt.ones.xlane vm0  }
0x337: {  	s26 =	sadd.s32 $0x3820, s24  }
0x338: {  	v58 =	vor.u32 s26, v3;
	(v2sf) =	vpush v57, $0x0  }
0x339: {  	[tilespmem:v12+s14+$0x0] =	vst.idx.msk vm0, v58  }
0x33a: {  	[tilespmem:v12+s15+$0x0] =	vst.idx.msk vm0, v11  }
0x33b: {  	v11 =	vld.idx.msk [tilespmem:v13+s13+$0x0], $0xffff;
	_ =	sdelay $0x4  }
0x33c: {  	v59 =	vshrl.u32 v11, $0x7  }
0x33d: {  	vm13 =	vge.u32 v59, v1;
	vm14 =	vlt.u32 v59, v2  }
0x33e: {  	vm0 =	vmand vm13, vm14  }
0x33f: {  	v60 =	vmpcnt.ones.xlane vm0;
	_ =	sdelay $0x1  }
0x340: {  	v61 =	vsel vm0, $0x1, v5;
	(v2sf) =	vpush v60, $0x0  }
0x341: {  	(xrf0) =	vadd.scan.msk.s32 $0xffff, v61  }
0x342: {  	s28 =	spop (v2sf)  }
0x343: {  	s7 =	sadd.s32 s7, s28  }
0x344: {  	v62 =	vmov s7  }
0x345: {  	v12 =	vadd.s32 $0xFFFFFFFF, v62  }
0x346: {  	v12 =	vbroadcast v12, $0x0  }
0x347: {  	v13, _, _ =	vpop (xrf0)  }
0x348: {  	v12 =	vadd.s32 v13, v12  }
0x349: {  	vm15 =	vlt.s32 v12, $0x5FF  }
0x34a: {  	s23 =	sadd.s32 $0x4, s23;
	v12 =	vnsel vm15, $0x5FF, v12  }
0x34b: {  	p2 =	slt.u32 s23, $0x7C  }
.Ltmp10:
0x34c: {  	_ = 	snop;
	(pc) =	sbr.rel @p2 .LBB2_18-.Ltmp10, $4  }
0x34d: {  	s29 =	sadd.s32 $0x3830, s24  }
0x34e: {  	v63 =	vor.u32 s29, v3  }
0x34f: {  	[tilespmem:v12+s14+$0x0] =	vst.idx.msk vm0, v63;
	s30 =	spop (v2sf)  }
0x350: {  	s24 =	sadd.s32 $0x40, s24;
	[tilespmem:v12+s15+$0x0] =	vst.idx.msk vm0, v11;
	s7 =	sadd.s32 s7, s30  }
0x351: {  	s8 =	simm.s32 $0x4;
	s9 =	simm.s32 $0x0  }
.LBB2_20:
0x352: {  	p2 =	seq.s32 s8, $0x1EC  }
0x353: {  	[smem:s9] =	sst s6;
	s9 =	smov.u32 s8;
	s8 =	sadd.s32 $0x4, s8  }
.Ltmp11:
0x354: {  	(pc) =	sbr.rel @!p2 .LBB2_20-.Ltmp11, $2  }
0x355: {  	_ =	sdelay $0x2  }
0x356: {  	s9 =	sshra.s32 s9, $0x2  }
0x357: {  	p2 =	sgt.s32 s7, $0x0  }
.Ltmp12:
0x358: {  	_ = 	snop;
	(pc) =	sbr.rel @!p2 .LBB2_22-.Ltmp12, $2  }
0x359: {  	_ =	sdelay $0x2  }
0x35a: {  	[smem:s9] =	sst s6;
	s8 =	simm.s32 $0x0  }
0x35b: {  	v12 =	vmov s8;
	_ =	sdelay $0x4  }
0x35c: {  	v11 =	vld.idx.msk [tilespmem:v12+s15+$0x0], $0xffff;
	_ =	sdelay $0x4  }
0x35d: {  	(v2sf) =	vpush v11, $0x0;
	_ =	sdelay $0xe  }
0x35e: {  	s9 =	spop (v2sf)  }
0x35f: {  	s9 =	sshrl.u32 s9, $0x7  }
0x360: {  	s9 =	ssub.s32 s9, s2  }
0x361: {  	s9 =	sshrl.u32 s9, $0x2  }
0x362: {  	s22 =	sld [smem:s9+$0x0];
	_ =	sdelay $0x2  }
0x363: {  	s8 =	sadd.s32 $0x1, s8;
	p2 =	slt.s32 s22, $0x27  }
0x364: {  	s22 =	simm.s32 @!p2 $0x27;
	p2 =	slt.s32 s8, s7  }
.Ltmp13:
0x365: {  	_ = 	snop;
	(pc) =	sbr.rel @!p2 .LBB2_28-.Ltmp13, $3  }
0x366: {  	s23 =	smul.u32 $0x28, s9;
	_ =	sdelay $0x1  }
0x367: {  	s24 =	sadd.s32 $0x1, s22;
	s22 =	sadd.s32 s22, s23  }
0x368: {  	v12 =	vld.idx.msk [tilespmem:v12+s14+$0x0], $0xffff;
	[smem:s9] =	sst s24;
	v13 =	vmov s22  }
.LBB2_27:
0x369: {  	_ = 	snop  }
0x36a: {  	v14 =	vmov s8  }
0x36b: {  	s8 =	sadd.s32 $0x1, s8  }
0x36c: {  	p3 =	slt.s32 s8, s7  }
0x36d: {  	[tilespmem:v13+s16+$0x0] =	vst.idx.msk $0x1, v12  }
0x36e: {  	[tilespmem:v13+s17+$0x0] =	vst.idx.msk $0x1, v11  }
0x36f: {  	v11 =	vld.idx.msk [tilespmem:v14+s15+$0x0], $0xffff;
	_ =	sdelay $0x5  }
0x370: {  	(v2sf) =	vpush v11, $0x0;
	_ =	sdelay $0xe  }
0x371: {  	s9 =	spop (v2sf)  }
0x372: {  	s9 =	sshrl.u32 s9, $0x7  }
0x373: {  	s9 =	ssub.s32 s9, s2  }
0x374: {  	s9 =	sshrl.u32 s9, $0x2  }
0x375: {  	s22 =	sld [smem:s9+$0x0];
	_ =	sdelay $0x1  }
.Ltmp14:
0x376: {  	(pc) =	sbr.rel @p3 .LBB2_27-.Ltmp14, $4  }
0x377: {  	s23 =	smul.u32 $0x28, s9;
	p2 =	slt.s32 s22, $0x27  }
0x378: {  	s22 =	simm.s32 @!p2 $0x27  }
0x379: {  	v12 =	vld.idx.msk [tilespmem:v14+s14+$0x0], $0xffff;
	s24 =	sadd.s32 $0x1, s22;
	s22 =	sadd.s32 s22, s23  }
0x37a: {  	[smem:s9] =	sst s24;
	v13 =	vmov s22  }
.LBB2_28:
0x37b: {  	_ =	sdelay $0x3  }
0x37c: {  	[tilespmem:v13+s16+$0x0] =	vst.idx.msk $0x1, v12  }
0x37d: {  	[tilespmem:v13+s17+$0x0] =	vst.idx.msk $0x1, v11  }
.LBB2_22:
.Ltmp15:
0x37e: {  	(pc) =	sbr.rel .LBB2_23-.Ltmp15, $4  }
0x37f: {  	[tilespmem:$0x1F300] =	vst v6  }
0x380: {  	[tilespmem:$0x1F310] =	vst v6  }
0x381: {  	[dreg:$0x1c] =	wrdreg s5;
	[tilespmem:$0x1F320] =	vst v6;
	s23 =	simm.s32 $0x0;
	s24 =	simm.s32 $0x28  }
0x382: {  	[tilespmem:$0x1F330] =	vst v6;
	s25 =	simm.s32 $0x50;
	s29 =	simm.s32 $0x0;
	s26 =	simm.s32 $0x0  }
.LBB2_40:
0x383: {  	_ = 	snop  }
.LBB2_43:
0x384: {  	p2 =	por p6, !p3  }
0x385: {  	_ =	swait.ge @!p2 [sflag:s30], $0x2000  }
0x386: {  	[sflag:s30] =	ssyncset.done @!p2 $0x0  }
0x387: {  	[sflag:s30] =	ssyncadd.s32 @!p2 $0xFFFFE000  }
0x388: {  	v13 =	vld.idx.msk [tilespmem:v12+s17+$0x0], $0xffff;
	_ =	sdelay $0x4  }
0x389: {  	v11 =	vsub.s32 v13, v11  }
0x38a: {  	v11 =	vshll.u32 v11, $0x3  }
0x38b: {  	v13 =	vand.u32 $0x7F, v13;
	v11 =	vand.u32 $0xFFFFFC00, v11  }
0x38c: {  	v11 =	vor.u32 v13, v11  }
0x38d: {  	v13 =	vadd.s32 v7, v11;
	_ =	sdelay $0x4  }
0x38e: {  	p2 =	por !p5, !p3;
	v13 =	vld.idx.msk [tilespmem:v13+s21+$0x0], $0xffff  }
0x38f: {  	s9 =	smov.u32 @p2 s22;
	v14 =	vadd.s32 v8, v11  }
0x390: {  	s29 =	smov.u32 @p3 s9  }
0x391: {  	s0 =	sshll.u32 s29, $0x9  }
0x392: {  	s0 =	sshra.s32 s0, $0x2  }
0x393: {  	v61 =	vld.idx.msk [tilespmem:v12+s16+$0x0], $0xffff;
	[tilespmem:s0+$0x1D300] =	vst v13  }
0x394: {  	v13 =	vld.idx.msk [tilespmem:v14+s21+$0x0], $0xffff  }
0x395: {  	v62 =	vadd.s32 v9, v11;
	_ =	sdelay $0x3  }
0x396: {  	[tilespmem:s0+$0x1D310] =	vst v13  }
0x397: {  	v13 =	vld.idx.msk [tilespmem:v62+s21+$0x0], $0xffff  }
0x398: {  	v11 =	vadd.s32 v10, v11;
	_ =	sdelay $0x3  }
0x399: {  	[tilespmem:s0+$0x1D320] =	vst v13  }
0x39a: {  	v11 =	vld.idx.msk [tilespmem:v11+s21+$0x0], $0xffff  }
0x39b: {  	v63 =	vmov s29;
	s3 =	sadd.s32 $0x1, s29  }
0x39c: {  	p3 =	sne.s32 s3, $0x40  }
0x39d: {  	p2 =	sne.s32 @!p3 s1, $0x0  }
0x39e: {  	v12 =	vbroadcast v61, $0x0;
	p2 =	por p2, p3  }
0x39f: {  	s5 =	simm.s32 @!p2 $0x1F300;
	[tilespmem:s0+$0x1D330] =	vst v11  }
0x3a0: {  	s7 =	simm.s32 @!p2 $0x1D300;
	s8 =	simm.s32 @!p2 $0x4;
	s0 =	simm.s32 @!p2 $0x40;
	[tilespmem:v63+s19+$0x0] =	vst.idx.msk $0x1, v12  }
0x3a1: {  	[hbm4b:s10+s0] =	stream.indirect.scatter @!p2 [tilespmem:s7], [sflag:$0x4], $0x80, s5, s0, $0xb8;
	[tilespmem:$0x1FB80] =	vst v63  }
0x3a2: {  	p4 =	por !p0, p3;
	_ =	swait.ge @!p2 [sflag:s8], $0x2000  }
0x3a3: {  	s0 =	simm.s32 @!p4 $0x40;
	s5 =	simm.s32 @!p4 $0x4;
	[sflag:s8] =	ssyncset.done @!p2 $0x0  }
0x3a4: {  	s7 =	simm.s32 @!p4 $0x1F300;
	[sflag:s8] =	ssyncadd.s32 @!p2 $0xFFFFE000;
	s8 =	simm.s32 @!p4 $0x1D300  }
0x3a5: {  	[hbm4b:s11+s0] =	stream.indirect.scatter @!p4 [tilespmem:s8], [sflag:$0x4], $0x80, s7, s0, $0xb8;
	[tilespmem:$0x1FB80] =	vst v63  }
0x3a6: {  	s29 =	simm.s32 @!p4 $0x0;
	_ =	swait.ge @!p4 [sflag:s5], $0x2000  }
0x3a7: {  	s29 =	simm.s32 @p4 $0x0;
	[sflag:s5] =	ssyncset.done @!p4 $0x0  }
0x3a8: {  	s29 =	smov.u32 @p3 s3;
	[sflag:s5] =	ssyncadd.s32 @!p4 $0xFFFFE000  }
.LBB2_44:
0x3a9: {  	s0 =	rddreg [dreg:$0x1b]  }
0x3aa: {  	s30 =	sld [smem:$0x7FD];
	s0 =	sadd.s32 s28, s0  }
0x3ab: {  	p2 =	slt.s32 s0, $0x1E81;
	s3 =	smov.u32 s0;
	p3 =	sge.u32 @!p1 s0, s12  }
0x3ac: {  	p5 =	sge.u32 s0, s12;
	s3 =	simm.s32 @!p2 $0x1E81;
	p2 =	por p3, p1  }
0x3ad: {  	p6 =	seq.s32 s30, $0x1;
	s5 =	sshll.u32 @!p2 s3, $0x7;
	s7 =	simm.s32 @!p2 $0x1000  }
0x3ae: {  	s8 =	simm.s32 @!p2 $0x7A1400;
	s9 =	simm.s32 @!p2 $0x15300;
	s5 =	sadd.s32 @!p2 s31, s5  }
0x3af: {  	[tilespmem:s9], [sflag:$0x3] =	stream.strided.gather @!p2 [hbm4b:s5+s7], $0x8000, s8, s7, $0x38;
	[tilespmem:$0x1FB80] =	vst v63  }
0x3b0: {  	p2 =	por p5, p6  }
0x3b1: {  	s26 =	sadd.s32 $0x1, s26;
	s0 =	sshll.u32 @!p2 s3, $0x7;
	s3 =	simm.s32 @!p2 $0x1000  }
0x3b2: {  	s5 =	simm.s32 @!p2 $0x7A1400;
	s7 =	simm.s32 @!p2 $0x15300;
	s0 =	sadd.s32 @!p2 s4, s0  }
0x3b3: {  	[tilespmem:s7], [sflag:$0x3] =	stream.strided.gather @!p2 [hbm4b:s0+s3], $0x8000, s5, s3, $0x38;
	[tilespmem:$0x1FB80] =	vst v63  }
0x3b4: {  	p2 =	sne.s32 s26, $0x29  }
.Ltmp16:
0x3b5: {  	_ = 	snop;
	(pc) =	sbr.rel @!p2 .LBB2_45-.Ltmp16, $2  }
0x3b6: {  	_ =	sdelay $0x2  }
0x3b7: {  	s23 =	sadd.s32 $0x78, s23;
	s24 =	sadd.s32 $0x78, s24;
	s25 =	sadd.s32 $0x78, s25  }
.LBB2_23:
0x3b8: {  	s28 =	smul.u32 $0xC, s26;
	_ =	sdelay $0x1  }
0x3b9: {  	s9 =	sadd.s32 s2, s28  }
0x3ba: {  	p2 =	sge.u32 s9, s12  }
0x3bb: {  	s8 =	simm.s32 @!p2 $0x1  }
0x3bc: {  	_ =	swait.ge @!p2 [sflag:s8], $0x8000  }
0x3bd: {  	s7 =	smul.u32 $0x3, s26;
	[sflag:s8] =	ssyncset.done @!p2 $0x0  }
0x3be: {  	[sflag:s8] =	ssyncadd.s32 @!p2 $0xFFFF8000  }
0x3bf: {  	s8 =	sld [smem:s7+$0x0];
	_ =	sdelay $0x2  }
0x3c0: {  	p2 =	slt.s32 s8, $0x1  }
.Ltmp17:
0x3c1: {  	_ = 	snop;
	(pc) =	sbr.rel @p2 .LBB2_32-.Ltmp17, $1  }
0x3c2: {  	_ =	sdelay $0x3  }
0x3c3: {  	p2 =	slt.s32 s9, $0x1E81;
	s8 =	sadd.s32 $0xFFFFFFFF, s8  }
0x3c4: {  	s9 =	simm.s32 @!p2 $0x1E81;
	p2 =	sne.s32 s8, $0x0  }
.Ltmp18:
0x3c5: {  	_ = 	snop;
	(pc) =	sbr.rel @!p2 .LBB2_25-.Ltmp18, $3  }
0x3c6: {  	_ =	sdelay $0x1  }
0x3c7: {  	s9 =	sshll.u32 s9, $0x7  }
0x3c8: {  	v12 =	vmov s23;
	p3 =	por $0x0, $0x0;
	v11 =	vmov s9  }
0x3c9: {  	_ =	sdelay $0x3  }
0x3ca: {  	v13 =	vld.idx.msk [tilespmem:v12+s17+$0x0], $0xffff;
	_ =	sdelay $0x4  }
0x3cb: {  	v14 =	vsub.s32 v13, v11  }
0x3cc: {  	v14 =	vshll.u32 v14, $0x3  }
0x3cd: {  	v13 =	vand.u32 $0x7F, v13;
	v14 =	vand.u32 $0xFFFFFC00, v14  }
0x3ce: {  	v13 =	vor.u32 v13, v14  }
0x3cf: {  	v14 =	vadd.s32 v7, v13;
	_ =	sdelay $0x4  }
0x3d0: {  	v14 =	vld.idx.msk [tilespmem:v14+s18+$0x0], $0xffff  }
0x3d1: {  	v15 =	vadd.s32 v8, v13;
	_ =	sdelay $0x1  }
0x3d2: {  	s9 =	sshll.u32 s29, $0x9  }
0x3d3: {  	s22 =	sshra.s32 s9, $0x2  }
0x3d4: {  	v12 =	vld.idx.msk [tilespmem:v12+s16+$0x0], $0xffff;
	[tilespmem:s22+$0x1D300] =	vst v14  }
0x3d5: {  	v14 =	vld.idx.msk [tilespmem:v15+s18+$0x0], $0xffff  }
0x3d6: {  	v15 =	vadd.s32 v9, v13;
	_ =	sdelay $0x3  }
0x3d7: {  	[tilespmem:s22+$0x1D310] =	vst v14  }
0x3d8: {  	v14 =	vld.idx.msk [tilespmem:v15+s18+$0x0], $0xffff  }
0x3d9: {  	v13 =	vadd.s32 v10, v13;
	_ =	sdelay $0x3  }
0x3da: {  	[tilespmem:s22+$0x1D320] =	vst v14  }
0x3db: {  	v13 =	vld.idx.msk [tilespmem:v13+s18+$0x0], $0xffff  }
0x3dc: {  	s9 =	sadd.s32 $0x1, s29;
	v14 =	vmov s29  }
0x3dd: {  	p5 =	sne.s32 s9, $0x40  }
0x3de: {  	p2 =	sne.s32 @!p5 s1, $0x0  }
0x3df: {  	p2 =	por p2, p5;
	v12 =	vbroadcast v12, $0x0  }
0x3e0: {  	s30 =	simm.s32 @!p2 $0x1F300;
	[tilespmem:s22+$0x1D330] =	vst v13  }
0x3e1: {  	s31 =	simm.s32 @!p2 $0x1D300;
	s5 =	simm.s32 @!p2 $0x4;
	s22 =	simm.s32 @!p2 $0x40;
	[tilespmem:v14+s19+$0x0] =	vst.idx.msk $0x1, v12  }
0x3e2: {  	[hbm4b:s10+s22] =	stream.indirect.scatter @!p2 [tilespmem:s31], [sflag:$0x4], $0x80, s30, s22, $0xb8;
	[tilespmem:$0x1FB80] =	vst v63  }
0x3e3: {  	_ =	swait.ge @!p2 [sflag:s5], $0x2000  }
0x3e4: {  	p6 =	por !p0, p5;
	s30 =	sadd.s32 $0xFFFFFFFF, s8;
	[sflag:s5] =	ssyncset.done @!p2 $0x0  }
0x3e5: {  	s8 =	simm.s32 @!p6 $0x40;
	[sflag:s5] =	ssyncadd.s32 @!p2 $0xFFFFE000;
	p2 =	sne.s32 s30, $0x0  }
.Ltmp19:
0x3e6: {  	s22 =	simm.s32 @!p6 $0x1D300;
	s5 =	simm.s32 @!p6 $0x1F300;
	(pc) =	sbr.rel @!p2 .LBB2_31-.Ltmp19, $4  }
0x3e7: {  	[hbm4b:s11+s8] =	stream.indirect.scatter @!p6 [tilespmem:s22], [sflag:$0x4], $0x80, s5, s8, $0xb8;
	[tilespmem:$0x1FB80] =	vst v63  }
0x3e8: {  	s8 =	sadd.s32 $0x1, s23  }
0x3e9: {  	s22 =	simm.s32 @!p6 $0x0;
	v12 =	vmov s8  }
0x3ea: {  	p3 =	por $0x1, $0x1;
	s31 =	simm.s32 @!p6 $0x4;
	s22 =	simm.s32 @p6 $0x0  }
.LBB2_30:
0x3eb: {  	s30 =	sadd.s32 $0xFFFFFFFF, s30;
	_ =	swait.ge @!p6 [sflag:s31], $0x2000;
	s22 =	smov.u32 @p5 s9  }
0x3ec: {  	p4 =	sne.s32 s30, $0x0;
	[sflag:s31] =	ssyncset.done @!p6 $0x0  }
0x3ed: {  	[sflag:s31] =	ssyncadd.s32 @!p6 $0xFFFFE000  }
0x3ee: {  	v13 =	vld.idx.msk [tilespmem:v12+s17+$0x0], $0xffff;
	_ =	sdelay $0x5  }
0x3ef: {  	v14 =	vsub.s32 v13, v11  }
0x3f0: {  	v13 =	vand.u32 $0x7F, v13;
	v14 =	vshll.u32 v14, $0x3  }
0x3f1: {  	v14 =	vand.u32 $0xFFFFFC00, v14  }
0x3f2: {  	v13 =	vor.u32 v13, v14  }
0x3f3: {  	v14 =	vadd.s32 v7, v13;
	_ =	sdelay $0x4  }
0x3f4: {  	v14 =	vld.idx.msk [tilespmem:v14+s18+$0x0], $0xffff  }
0x3f5: {  	v15 =	vadd.s32 v8, v13;
	_ =	sdelay $0x1  }
0x3f6: {  	s5 =	sshll.u32 s22, $0x9  }
0x3f7: {  	s5 =	sshra.s32 s5, $0x2;
	v12 =	vld.idx.msk [tilespmem:v12+s16+$0x0], $0xffff;
	_ =	sdelay $0x1  }
0x3f8: {  	[tilespmem:s5+$0x1D300] =	vst v14  }
0x3f9: {  	v14 =	vld.idx.msk [tilespmem:v15+s18+$0x0], $0xffff  }
0x3fa: {  	v15 =	vadd.s32 v9, v13;
	_ =	sdelay $0x4  }
0x3fb: {  	[tilespmem:s5+$0x1D310] =	vst v14  }
0x3fc: {  	v14 =	vld.idx.msk [tilespmem:v15+s18+$0x0], $0xffff  }
0x3fd: {  	v13 =	vadd.s32 v10, v13;
	_ =	sdelay $0x4  }
0x3fe: {  	[tilespmem:s5+$0x1D320] =	vst v14  }
0x3ff: {  	v13 =	vld.idx.msk [tilespmem:v13+s18+$0x0], $0xffff  }
0x400: {  	v14 =	vmov s22  }
0x401: {  	s9 =	sadd.s32 $0x1, s22  }
0x402: {  	p5 =	sne.s32 s9, $0x40  }
0x403: {  	p2 =	sne.s32 @!p5 s1, $0x0;
	v12 =	vbroadcast v12, $0x0  }
0x404: {  	p2 =	por p2, p5  }
0x405: {  	s31 =	simm.s32 @!p2 $0x1D300;
	s22 =	simm.s32 @!p2 $0x1F300;
	[tilespmem:s5+$0x1D330] =	vst v13;
	s5 =	simm.s32 @!p2 $0x40  }
0x406: {  	s8 =	sadd.s32 $0x1, s8;
	s0 =	simm.s32 @!p2 $0x4;
	[tilespmem:v14+s19+$0x0] =	vst.idx.msk $0x1, v12  }
0x407: {  	[hbm4b:s10+s5] =	stream.indirect.scatter @!p2 [tilespmem:s31], [sflag:$0x4], $0x80, s22, s5, $0xb8;
	[tilespmem:$0x1FB80] =	vst v63  }
.Ltmp20:
0x408: {  	p6 =	por !p0, p5;
	_ =	swait.ge @!p2 [sflag:s0], $0x2000;
	(pc) =	sbr.rel @p4 .LBB2_30-.Ltmp20, $4  }
0x409: {  	s5 =	simm.s32 @!p6 $0x40;
	s31 =	simm.s32 @!p6 $0x4;
	[sflag:s0] =	ssyncset.done @!p2 $0x0  }
0x40a: {  	v12 =	vmov s8;
	s22 =	simm.s32 @!p6 $0x0;
	[sflag:s0] =	ssyncadd.s32 @!p2 $0xFFFFE000;
	s0 =	simm.s32 @!p6 $0x1F300  }
0x40b: {  	s3 =	simm.s32 @!p6 $0x1D300;
	s22 =	simm.s32 @p6 $0x0  }
0x40c: {  	[hbm4b:s11+s5] =	stream.indirect.scatter @!p6 [tilespmem:s3], [sflag:$0x4], $0x80, s0, s5, $0xb8;
	[tilespmem:$0x1FB80] =	vst v63  }
.LBB2_31:
0x40d: {  	p2 =	por p6, !p3  }
0x40e: {  	_ =	swait.ge @!p2 [sflag:s31], $0x2000  }
0x40f: {  	[sflag:s31] =	ssyncset.done @!p2 $0x0  }
0x410: {  	[sflag:s31] =	ssyncadd.s32 @!p2 $0xFFFFE000  }
0x411: {  	v13 =	vld.idx.msk [tilespmem:v12+s17+$0x0], $0xffff;
	_ =	sdelay $0x4  }
0x412: {  	v11 =	vsub.s32 v13, v11  }
0x413: {  	v11 =	vshll.u32 v11, $0x3  }
0x414: {  	v13 =	vand.u32 $0x7F, v13;
	v11 =	vand.u32 $0xFFFFFC00, v11  }
0x415: {  	v11 =	vor.u32 v13, v11  }
0x416: {  	v13 =	vadd.s32 v7, v11;
	_ =	sdelay $0x4  }
0x417: {  	p2 =	por !p5, !p3;
	v13 =	vld.idx.msk [tilespmem:v13+s18+$0x0], $0xffff  }
0x418: {  	s9 =	smov.u32 @p2 s22;
	v14 =	vadd.s32 v8, v11  }
0x419: {  	s29 =	smov.u32 @p3 s9  }
0x41a: {  	s0 =	sshll.u32 s29, $0x9  }
0x41b: {  	s0 =	sshra.s32 s0, $0x2  }
0x41c: {  	v61 =	vld.idx.msk [tilespmem:v12+s16+$0x0], $0xffff;
	[tilespmem:s0+$0x1D300] =	vst v13  }
0x41d: {  	v13 =	vld.idx.msk [tilespmem:v14+s18+$0x0], $0xffff  }
0x41e: {  	v62 =	vadd.s32 v9, v11;
	_ =	sdelay $0x3  }
0x41f: {  	[tilespmem:s0+$0x1D310] =	vst v13  }
0x420: {  	v13 =	vld.idx.msk [tilespmem:v62+s18+$0x0], $0xffff  }
0x421: {  	v11 =	vadd.s32 v10, v11;
	_ =	sdelay $0x3  }
0x422: {  	[tilespmem:s0+$0x1D320] =	vst v13  }
0x423: {  	v11 =	vld.idx.msk [tilespmem:v11+s18+$0x0], $0xffff  }
0x424: {  	v63 =	vmov s29;
	s3 =	sadd.s32 $0x1, s29  }
0x425: {  	p3 =	sne.s32 s3, $0x40  }
0x426: {  	p2 =	sne.s32 @!p3 s1, $0x0  }
0x427: {  	v12 =	vbroadcast v61, $0x0;
	p2 =	por p2, p3  }
0x428: {  	s5 =	simm.s32 @!p2 $0x1F300;
	[tilespmem:s0+$0x1D330] =	vst v11  }
0x429: {  	s8 =	simm.s32 @!p2 $0x1D300;
	s9 =	simm.s32 @!p2 $0x4;
	s0 =	simm.s32 @!p2 $0x40;
	[tilespmem:v63+s19+$0x0] =	vst.idx.msk $0x1, v12  }
0x42a: {  	[hbm4b:s10+s0] =	stream.indirect.scatter @!p2 [tilespmem:s8], [sflag:$0x4], $0x80, s5, s0, $0xb8;
	[tilespmem:$0x1FB80] =	vst v63  }
0x42b: {  	p4 =	por !p0, p3;
	_ =	swait.ge @!p2 [sflag:s9], $0x2000  }
0x42c: {  	s0 =	simm.s32 @!p4 $0x40;
	s5 =	simm.s32 @!p4 $0x4;
	[sflag:s9] =	ssyncset.done @!p2 $0x0  }
0x42d: {  	s8 =	simm.s32 @!p4 $0x1F300;
	[sflag:s9] =	ssyncadd.s32 @!p2 $0xFFFFE000;
	s9 =	simm.s32 @!p4 $0x1D300  }
0x42e: {  	[hbm4b:s11+s0] =	stream.indirect.scatter @!p4 [tilespmem:s9], [sflag:$0x4], $0x80, s8, s0, $0xb8;
	[tilespmem:$0x1FB80] =	vst v63  }
0x42f: {  	_ =	swait.ge @!p4 [sflag:s5], $0x2000  }
0x430: {  	s29 =	simm.s32 @!p4 $0x0;
	[sflag:s5] =	ssyncset.done @!p4 $0x0  }
0x431: {  	s29 =	simm.s32 @p4 $0x0;
	[sflag:s5] =	ssyncadd.s32 @!p4 $0xFFFFE000  }
0x432: {  	s29 =	smov.u32 @p3 s3;
	s31 =	rddreg [dreg:$0x1]  }
.LBB2_32:
0x433: {  	s0 =	rddreg [dreg:$0x19]  }
0x434: {  	s0 =	sadd.s32 s28, s0  }
0x435: {  	p2 =	slt.s32 s0, $0x1E81;
	s3 =	smov.u32 s0;
	p3 =	sge.u32 @!p1 s0, s12  }
0x436: {  	s3 =	simm.s32 @!p2 $0x1E81;
	p2 =	por p3, p1  }
0x437: {  	s5 =	sshll.u32 @!p2 s3, $0x7;
	s8 =	simm.s32 @!p2 $0x1000  }
0x438: {  	s9 =	simm.s32 @!p2 $0x7A1400;
	s22 =	simm.s32 @!p2 $0x5300;
	s5 =	sadd.s32 @!p2 s31, s5  }
0x439: {  	[tilespmem:s22], [sflag:$0x1] =	stream.strided.gather @!p2 [hbm4b:s5+s8], $0x8000, s9, s8, $0x38;
	[tilespmem:$0x1FB80] =	vst v63  }
0x43a: {  	s9 =	sld [smem:$0x7FD];
	_ =	sdelay $0x2  }
0x43b: {  	p5 =	sge.u32 s0, s12;
	p6 =	seq.s32 s9, $0x1  }
0x43c: {  	s22 =	sadd.s32 $0x1, s7;
	p2 =	por p5, p6  }
0x43d: {  	s30 =	sshll.u32 s22, $0x2;
	s0 =	sshll.u32 @!p2 s3, $0x7;
	s3 =	simm.s32 @!p2 $0x1000  }
0x43e: {  	s5 =	simm.s32 @!p2 $0x7A1400;
	s8 =	simm.s32 @!p2 $0x5300;
	s0 =	sadd.s32 @!p2 s4, s0  }
0x43f: {  	[tilespmem:s8], [sflag:$0x1] =	stream.strided.gather @!p2 [hbm4b:s0+s3], $0x8000, s5, s3, $0x38;
	[tilespmem:$0x1FB80] =	vst v63  }
0x440: {  	s8 =	sadd.s32 s2, s30  }
0x441: {  	p2 =	sge.u32 s8, s12  }
0x442: {  	s3 =	simm.s32 @!p2 $0x2  }
0x443: {  	_ =	swait.ge @!p2 [sflag:s3], $0x8000  }
0x444: {  	[sflag:s3] =	ssyncset.done @!p2 $0x0  }
0x445: {  	[sflag:s3] =	ssyncadd.s32 @!p2 $0xFFFF8000  }
0x446: {  	s9 =	sld [smem:s22+$0x0];
	_ =	sdelay $0x2  }
0x447: {  	p2 =	slt.s32 s9, $0x1  }
.Ltmp21:
0x448: {  	_ = 	snop;
	(pc) =	sbr.rel @p2 .LBB2_38-.Ltmp21, $1  }
0x449: {  	_ =	sdelay $0x3  }
0x44a: {  	s0 =	smin.u32 s8, $0x1E81;
	s8 =	sadd.s32 $0xFFFFFFFF, s9  }
0x44b: {  	p2 =	sne.s32 s8, $0x0  }
.Ltmp22:
0x44c: {  	_ = 	snop;
	(pc) =	sbr.rel @!p2 .LBB2_34-.Ltmp22, $3  }
0x44d: {  	_ =	sdelay $0x1  }
0x44e: {  	s0 =	sshll.u32 s0, $0x7  }
0x44f: {  	v12 =	vmov s24;
	p3 =	por $0x0, $0x0;
	v11 =	vmov s0  }
0x450: {  	_ =	sdelay $0x3  }
0x451: {  	v13 =	vld.idx.msk [tilespmem:v12+s17+$0x0], $0xffff;
	_ =	sdelay $0x4  }
0x452: {  	v14 =	vsub.s32 v13, v11  }
0x453: {  	v14 =	vshll.u32 v14, $0x3  }
0x454: {  	v13 =	vand.u32 $0x7F, v13;
	v14 =	vand.u32 $0xFFFFFC00, v14  }
0x455: {  	v13 =	vor.u32 v13, v14  }
0x456: {  	v14 =	vadd.s32 v7, v13;
	_ =	sdelay $0x4  }
0x457: {  	v14 =	vld.idx.msk [tilespmem:v14+s20+$0x0], $0xffff  }
0x458: {  	v15 =	vadd.s32 v8, v13;
	_ =	sdelay $0x1  }
0x459: {  	s0 =	sshll.u32 s29, $0x9  }
0x45a: {  	s0 =	sshra.s32 s0, $0x2  }
0x45b: {  	v12 =	vld.idx.msk [tilespmem:v12+s16+$0x0], $0xffff;
	[tilespmem:s0+$0x1D300] =	vst v14  }
0x45c: {  	v14 =	vld.idx.msk [tilespmem:v15+s20+$0x0], $0xffff  }
0x45d: {  	v15 =	vadd.s32 v9, v13;
	_ =	sdelay $0x3  }
0x45e: {  	[tilespmem:s0+$0x1D310] =	vst v14  }
0x45f: {  	v14 =	vld.idx.msk [tilespmem:v15+s20+$0x0], $0xffff  }
0x460: {  	v13 =	vadd.s32 v10, v13;
	_ =	sdelay $0x3  }
0x461: {  	[tilespmem:s0+$0x1D320] =	vst v14  }
0x462: {  	v13 =	vld.idx.msk [tilespmem:v13+s20+$0x0], $0xffff  }
0x463: {  	s9 =	sadd.s32 $0x1, s29;
	v14 =	vmov s29  }
0x464: {  	p5 =	sne.s32 s9, $0x40  }
0x465: {  	p2 =	sne.s32 @!p5 s1, $0x0  }
0x466: {  	p2 =	por p2, p5;
	v12 =	vbroadcast v12, $0x0  }
0x467: {  	s3 =	simm.s32 @!p2 $0x1F300;
	[tilespmem:s0+$0x1D330] =	vst v13  }
0x468: {  	s5 =	simm.s32 @!p2 $0x1D300;
	s22 =	simm.s32 @!p2 $0x4;
	s0 =	simm.s32 @!p2 $0x40;
	[tilespmem:v14+s19+$0x0] =	vst.idx.msk $0x1, v12  }
0x469: {  	[hbm4b:s10+s0] =	stream.indirect.scatter @!p2 [tilespmem:s5], [sflag:$0x4], $0x80, s3, s0, $0xb8;
	[tilespmem:$0x1FB80] =	vst v63  }
0x46a: {  	_ =	swait.ge @!p2 [sflag:s22], $0x2000  }
0x46b: {  	s30 =	sadd.s32 $0xFFFFFFFF, s8;
	[sflag:s22] =	ssyncset.done @!p2 $0x0  }
0x46c: {  	[sflag:s22] =	ssyncadd.s32 @!p2 $0xFFFFE000;
	p2 =	sne.s32 s30, $0x0  }
.Ltmp23:
0x46d: {  	p6 =	por !p0, p5;
	(pc) =	sbr.rel @!p2 .LBB2_37-.Ltmp23, $4  }
0x46e: {  	s8 =	sadd.s32 $0x1, s24;
	s0 =	simm.s32 @!p6 $0x40  }
0x46f: {  	s3 =	simm.s32 @!p6 $0x1F300;
	s5 =	simm.s32 @!p6 $0x1D300;
	s22 =	simm.s32 @!p6 $0x0  }
0x470: {  	v12 =	vmov s8;
	[hbm4b:s11+s0] =	stream.indirect.scatter @!p6 [tilespmem:s5], [sflag:$0x4], $0x80, s3, s0, $0xb8;
	[tilespmem:$0x1FB80] =	vst v63  }
0x471: {  	p3 =	por $0x1, $0x1;
	s31 =	simm.s32 @!p6 $0x4;
	s22 =	simm.s32 @p6 $0x0  }
.LBB2_36:
0x472: {  	s30 =	sadd.s32 $0xFFFFFFFF, s30;
	_ =	swait.ge @!p6 [sflag:s31], $0x2000;
	s22 =	smov.u32 @p5 s9  }
0x473: {  	p4 =	sne.s32 s30, $0x0;
	[sflag:s31] =	ssyncset.done @!p6 $0x0  }
0x474: {  	[sflag:s31] =	ssyncadd.s32 @!p6 $0xFFFFE000  }
0x475: {  	v13 =	vld.idx.msk [tilespmem:v12+s17+$0x0], $0xffff;
	_ =	sdelay $0x5  }
0x476: {  	v14 =	vsub.s32 v13, v11  }
0x477: {  	v13 =	vand.u32 $0x7F, v13;
	v14 =	vshll.u32 v14, $0x3  }
0x478: {  	v14 =	vand.u32 $0xFFFFFC00, v14  }
0x479: {  	v13 =	vor.u32 v13, v14  }
0x47a: {  	v14 =	vadd.s32 v7, v13;
	_ =	sdelay $0x4  }
0x47b: {  	v14 =	vld.idx.msk [tilespmem:v14+s20+$0x0], $0xffff  }
0x47c: {  	v15 =	vadd.s32 v8, v13;
	_ =	sdelay $0x1  }
0x47d: {  	s0 =	sshll.u32 s22, $0x9  }
0x47e: {  	s0 =	sshra.s32 s0, $0x2;
	v12 =	vld.idx.msk [tilespmem:v12+s16+$0x0], $0xffff;
	_ =	sdelay $0x1  }
0x47f: {  	[tilespmem:s0+$0x1D300] =	vst v14  }
0x480: {  	v14 =	vld.idx.msk [tilespmem:v15+s20+$0x0], $0xffff  }
0x481: {  	v15 =	vadd.s32 v9, v13;
	_ =	sdelay $0x4  }
0x482: {  	[tilespmem:s0+$0x1D310] =	vst v14  }
0x483: {  	v14 =	vld.idx.msk [tilespmem:v15+s20+$0x0], $0xffff  }
0x484: {  	v13 =	vadd.s32 v10, v13;
	_ =	sdelay $0x4  }
0x485: {  	[tilespmem:s0+$0x1D320] =	vst v14  }
0x486: {  	v13 =	vld.idx.msk [tilespmem:v13+s20+$0x0], $0xffff  }
0x487: {  	v14 =	vmov s22  }
0x488: {  	s9 =	sadd.s32 $0x1, s22  }
0x489: {  	p5 =	sne.s32 s9, $0x40  }
0x48a: {  	p2 =	sne.s32 @!p5 s1, $0x0;
	v12 =	vbroadcast v12, $0x0  }
0x48b: {  	p2 =	por p2, p5  }
0x48c: {  	s3 =	simm.s32 @!p2 $0x1F300;
	s5 =	simm.s32 @!p2 $0x1D300;
	[tilespmem:s0+$0x1D330] =	vst v13;
	s0 =	simm.s32 @!p2 $0x40  }
0x48d: {  	s8 =	sadd.s32 $0x1, s8;
	s22 =	simm.s32 @!p2 $0x4;
	[tilespmem:v14+s19+$0x0] =	vst.idx.msk $0x1, v12  }
0x48e: {  	[hbm4b:s10+s0] =	stream.indirect.scatter @!p2 [tilespmem:s5], [sflag:$0x4], $0x80, s3, s0, $0xb8;
	[tilespmem:$0x1FB80] =	vst v63  }
.Ltmp24:
0x48f: {  	p6 =	por !p0, p5;
	_ =	swait.ge @!p2 [sflag:s22], $0x2000;
	(pc) =	sbr.rel @p4 .LBB2_36-.Ltmp24, $4  }
0x490: {  	s31 =	simm.s32 @!p6 $0x4;
	s0 =	simm.s32 @!p6 $0x40;
	[sflag:s22] =	ssyncset.done @!p2 $0x0  }
0x491: {  	v12 =	vmov s8;
	s3 =	simm.s32 @!p6 $0x1F300;
	[sflag:s22] =	ssyncadd.s32 @!p2 $0xFFFFE000;
	s22 =	simm.s32 @!p6 $0x0  }
0x492: {  	s5 =	simm.s32 @!p6 $0x1D300;
	s22 =	simm.s32 @p6 $0x0  }
0x493: {  	[hbm4b:s11+s0] =	stream.indirect.scatter @!p6 [tilespmem:s5], [sflag:$0x4], $0x80, s3, s0, $0xb8;
	[tilespmem:$0x1FB80] =	vst v63  }
.LBB2_37:
0x494: {  	p2 =	por p6, !p3  }
0x495: {  	_ =	swait.ge @!p2 [sflag:s31], $0x2000  }
0x496: {  	[sflag:s31] =	ssyncset.done @!p2 $0x0  }
0x497: {  	[sflag:s31] =	ssyncadd.s32 @!p2 $0xFFFFE000  }
0x498: {  	v13 =	vld.idx.msk [tilespmem:v12+s17+$0x0], $0xffff;
	_ =	sdelay $0x4  }
0x499: {  	v11 =	vsub.s32 v13, v11  }
0x49a: {  	v11 =	vshll.u32 v11, $0x3  }
0x49b: {  	v13 =	vand.u32 $0x7F, v13;
	v11 =	vand.u32 $0xFFFFFC00, v11  }
0x49c: {  	v11 =	vor.u32 v13, v11  }
0x49d: {  	v13 =	vadd.s32 v7, v11;
	_ =	sdelay $0x4  }
0x49e: {  	p2 =	por !p5, !p3;
	v13 =	vld.idx.msk [tilespmem:v13+s20+$0x0], $0xffff  }
0x49f: {  	s9 =	smov.u32 @p2 s22;
	v14 =	vadd.s32 v8, v11  }
0x4a0: {  	s29 =	smov.u32 @p3 s9  }
0x4a1: {  	s0 =	sshll.u32 s29, $0x9  }
0x4a2: {  	s0 =	sshra.s32 s0, $0x2  }
0x4a3: {  	v61 =	vld.idx.msk [tilespmem:v12+s16+$0x0], $0xffff;
	[tilespmem:s0+$0x1D300] =	vst v13  }
0x4a4: {  	v13 =	vld.idx.msk [tilespmem:v14+s20+$0x0], $0xffff  }
0x4a5: {  	v62 =	vadd.s32 v9, v11;
	_ =	sdelay $0x3  }
0x4a6: {  	[tilespmem:s0+$0x1D310] =	vst v13  }
0x4a7: {  	v13 =	vld.idx.msk [tilespmem:v62+s20+$0x0], $0xffff  }
0x4a8: {  	v11 =	vadd.s32 v10, v11;
	_ =	sdelay $0x3  }
0x4a9: {  	[tilespmem:s0+$0x1D320] =	vst v13  }
0x4aa: {  	v11 =	vld.idx.msk [tilespmem:v11+s20+$0x0], $0xffff  }
0x4ab: {  	v63 =	vmov s29;
	s3 =	sadd.s32 $0x1, s29  }
0x4ac: {  	p3 =	sne.s32 s3, $0x40  }
0x4ad: {  	p2 =	sne.s32 @!p3 s1, $0x0  }
0x4ae: {  	v12 =	vbroadcast v61, $0x0;
	p2 =	por p2, p3  }
0x4af: {  	s5 =	simm.s32 @!p2 $0x1F300;
	[tilespmem:s0+$0x1D330] =	vst v11  }
0x4b0: {  	s8 =	simm.s32 @!p2 $0x1D300;
	s9 =	simm.s32 @!p2 $0x4;
	s0 =	simm.s32 @!p2 $0x40;
	[tilespmem:v63+s19+$0x0] =	vst.idx.msk $0x1, v12  }
0x4b1: {  	[hbm4b:s10+s0] =	stream.indirect.scatter @!p2 [tilespmem:s8], [sflag:$0x4], $0x80, s5, s0, $0xb8;
	[tilespmem:$0x1FB80] =	vst v63  }
0x4b2: {  	p4 =	por !p0, p3;
	_ =	swait.ge @!p2 [sflag:s9], $0x2000  }
0x4b3: {  	s0 =	simm.s32 @!p4 $0x40;
	s5 =	simm.s32 @!p4 $0x4;
	[sflag:s9] =	ssyncset.done @!p2 $0x0  }
0x4b4: {  	s8 =	simm.s32 @!p4 $0x1F300;
	[sflag:s9] =	ssyncadd.s32 @!p2 $0xFFFFE000;
	s9 =	simm.s32 @!p4 $0x1D300  }
0x4b5: {  	[hbm4b:s11+s0] =	stream.indirect.scatter @!p4 [tilespmem:s9], [sflag:$0x4], $0x80, s8, s0, $0xb8;
	[tilespmem:$0x1FB80] =	vst v63  }
0x4b6: {  	_ =	swait.ge @!p4 [sflag:s5], $0x2000  }
0x4b7: {  	s29 =	simm.s32 @!p4 $0x0;
	[sflag:s5] =	ssyncset.done @!p4 $0x0  }
0x4b8: {  	s29 =	simm.s32 @p4 $0x0;
	[sflag:s5] =	ssyncadd.s32 @!p4 $0xFFFFE000  }
0x4b9: {  	s29 =	smov.u32 @p3 s3;
	s31 =	rddreg [dreg:$0x1]  }
.LBB2_38:
0x4ba: {  	s0 =	rddreg [dreg:$0x1a]  }
0x4bb: {  	s0 =	sadd.s32 s28, s0  }
0x4bc: {  	p2 =	slt.s32 s0, $0x1E81;
	s3 =	smov.u32 s0;
	p3 =	sge.u32 @!p1 s0, s12  }
0x4bd: {  	s3 =	simm.s32 @!p2 $0x1E81;
	p2 =	por p3, p1  }
0x4be: {  	s5 =	sshll.u32 @!p2 s3, $0x7;
	s8 =	simm.s32 @!p2 $0x1000  }
0x4bf: {  	s9 =	simm.s32 @!p2 $0x7A1400;
	s22 =	simm.s32 @!p2 $0xD300;
	s5 =	sadd.s32 @!p2 s31, s5  }
0x4c0: {  	[tilespmem:s22], [sflag:$0x2] =	stream.strided.gather @!p2 [hbm4b:s5+s8], $0x8000, s9, s8, $0x38;
	[tilespmem:$0x1FB80] =	vst v63  }
0x4c1: {  	s9 =	sld [smem:$0x7FD];
	_ =	sdelay $0x2  }
0x4c2: {  	p5 =	sge.u32 s0, s12;
	s22 =	sadd.s32 $0x2, s7;
	p6 =	seq.s32 s9, $0x1  }
0x4c3: {  	s30 =	sshll.u32 s22, $0x2;
	p2 =	por p5, p6  }
0x4c4: {  	s7 =	sadd.s32 s2, s30;
	s0 =	sshll.u32 @!p2 s3, $0x7;
	s3 =	simm.s32 @!p2 $0x1000  }
0x4c5: {  	s5 =	simm.s32 @!p2 $0x7A1400;
	s8 =	simm.s32 @!p2 $0xD300;
	s0 =	sadd.s32 @!p2 s4, s0  }
0x4c6: {  	[tilespmem:s8], [sflag:$0x2] =	stream.strided.gather @!p2 [hbm4b:s0+s3], $0x8000, s5, s3, $0x38;
	[tilespmem:$0x1FB80] =	vst v63  }
0x4c7: {  	p2 =	sge.u32 s7, s12  }
0x4c8: {  	s3 =	simm.s32 @!p2 $0x3  }
0x4c9: {  	_ =	swait.ge @!p2 [sflag:s3], $0x8000  }
0x4ca: {  	[sflag:s3] =	ssyncset.done @!p2 $0x0  }
0x4cb: {  	[sflag:s3] =	ssyncadd.s32 @!p2 $0xFFFF8000  }
0x4cc: {  	s8 =	sld [smem:s22+$0x0];
	_ =	sdelay $0x2  }
0x4cd: {  	p2 =	slt.s32 s8, $0x1  }
.Ltmp25:
0x4ce: {  	_ = 	snop;
	(pc) =	sbr.rel @p2 .LBB2_44-.Ltmp25, $1  }
0x4cf: {  	_ =	sdelay $0x3  }
0x4d0: {  	s0 =	smin.u32 s7, $0x1E81;
	s7 =	sadd.s32 $0xFFFFFFFF, s8  }
0x4d1: {  	p2 =	sne.s32 s7, $0x0  }
.Ltmp26:
0x4d2: {  	_ = 	snop;
	(pc) =	sbr.rel @!p2 .LBB2_40-.Ltmp26, $3  }
0x4d3: {  	_ =	sdelay $0x1  }
0x4d4: {  	s0 =	sshll.u32 s0, $0x7  }
0x4d5: {  	v12 =	vmov s25;
	p3 =	por $0x0, $0x0;
	v11 =	vmov s0  }
0x4d6: {  	_ =	sdelay $0x3  }
0x4d7: {  	v13 =	vld.idx.msk [tilespmem:v12+s17+$0x0], $0xffff;
	_ =	sdelay $0x4  }
0x4d8: {  	v14 =	vsub.s32 v13, v11  }
0x4d9: {  	v14 =	vshll.u32 v14, $0x3  }
0x4da: {  	v13 =	vand.u32 $0x7F, v13;
	v14 =	vand.u32 $0xFFFFFC00, v14  }
0x4db: {  	v13 =	vor.u32 v13, v14  }
0x4dc: {  	v14 =	vadd.s32 v7, v13;
	_ =	sdelay $0x4  }
0x4dd: {  	v14 =	vld.idx.msk [tilespmem:v14+s21+$0x0], $0xffff  }
0x4de: {  	v15 =	vadd.s32 v8, v13;
	_ =	sdelay $0x1  }
0x4df: {  	s0 =	sshll.u32 s29, $0x9  }
0x4e0: {  	s0 =	sshra.s32 s0, $0x2  }
0x4e1: {  	v12 =	vld.idx.msk [tilespmem:v12+s16+$0x0], $0xffff;
	[tilespmem:s0+$0x1D300] =	vst v14  }
0x4e2: {  	v14 =	vld.idx.msk [tilespmem:v15+s21+$0x0], $0xffff  }
0x4e3: {  	v15 =	vadd.s32 v9, v13;
	_ =	sdelay $0x3  }
0x4e4: {  	[tilespmem:s0+$0x1D310] =	vst v14  }
0x4e5: {  	v14 =	vld.idx.msk [tilespmem:v15+s21+$0x0], $0xffff  }
0x4e6: {  	v13 =	vadd.s32 v10, v13;
	_ =	sdelay $0x3  }
0x4e7: {  	[tilespmem:s0+$0x1D320] =	vst v14  }
0x4e8: {  	v13 =	vld.idx.msk [tilespmem:v13+s21+$0x0], $0xffff  }
0x4e9: {  	s9 =	sadd.s32 $0x1, s29;
	v14 =	vmov s29  }
0x4ea: {  	p5 =	sne.s32 s9, $0x40  }
0x4eb: {  	p2 =	sne.s32 @!p5 s1, $0x0  }
0x4ec: {  	p2 =	por p2, p5;
	v12 =	vbroadcast v12, $0x0  }
0x4ed: {  	s3 =	simm.s32 @!p2 $0x1F300;
	[tilespmem:s0+$0x1D330] =	vst v13  }
0x4ee: {  	s5 =	simm.s32 @!p2 $0x1D300;
	s8 =	simm.s32 @!p2 $0x4;
	s0 =	simm.s32 @!p2 $0x40;
	[tilespmem:v14+s19+$0x0] =	vst.idx.msk $0x1, v12  }
0x4ef: {  	[hbm4b:s10+s0] =	stream.indirect.scatter @!p2 [tilespmem:s5], [sflag:$0x4], $0x80, s3, s0, $0xb8;
	[tilespmem:$0x1FB80] =	vst v63  }
0x4f0: {  	_ =	swait.ge @!p2 [sflag:s8], $0x2000  }
0x4f1: {  	s7 =	sadd.s32 $0xFFFFFFFF, s7;
	[sflag:s8] =	ssyncset.done @!p2 $0x0  }
0x4f2: {  	[sflag:s8] =	ssyncadd.s32 @!p2 $0xFFFFE000;
	p2 =	sne.s32 s7, $0x0  }
.Ltmp27:
0x4f3: {  	p6 =	por !p0, p5;
	(pc) =	sbr.rel @!p2 .LBB2_43-.Ltmp27, $4  }
0x4f4: {  	p3 =	por $0x1, $0x1;
	s22 =	simm.s32 @!p6 $0x0  }
0x4f5: {  	s30 =	simm.s32 @!p6 $0x4;
	s22 =	simm.s32 @p6 $0x0;
	s8 =	sadd.s32 $0x1, s25  }
0x4f6: {  	s0 =	simm.s32 @!p6 $0x40;
	s3 =	simm.s32 @!p6 $0x1F300;
	s5 =	simm.s32 @!p6 $0x1D300;
	v12 =	vmov s8  }
0x4f7: {  	[hbm4b:s11+s0] =	stream.indirect.scatter @!p6 [tilespmem:s5], [sflag:$0x4], $0x80, s3, s0, $0xb8;
	[tilespmem:$0x1FB80] =	vst v63  }
.LBB2_42:
0x4f8: {  	s7 =	sadd.s32 $0xFFFFFFFF, s7;
	_ =	swait.ge @!p6 [sflag:s30], $0x2000;
	s22 =	smov.u32 @p5 s9  }
0x4f9: {  	p4 =	sne.s32 s7, $0x0;
	[sflag:s30] =	ssyncset.done @!p6 $0x0  }
0x4fa: {  	[sflag:s30] =	ssyncadd.s32 @!p6 $0xFFFFE000  }
0x4fb: {  	v13 =	vld.idx.msk [tilespmem:v12+s17+$0x0], $0xffff;
	_ =	sdelay $0x5  }
0x4fc: {  	v14 =	vsub.s32 v13, v11  }
0x4fd: {  	v13 =	vand.u32 $0x7F, v13;
	v14 =	vshll.u32 v14, $0x3  }
0x4fe: {  	v14 =	vand.u32 $0xFFFFFC00, v14  }
0x4ff: {  	v13 =	vor.u32 v13, v14  }
0x500: {  	v14 =	vadd.s32 v7, v13;
	_ =	sdelay $0x4  }
0x501: {  	v14 =	vld.idx.msk [tilespmem:v14+s21+$0x0], $0xffff  }
0x502: {  	v15 =	vadd.s32 v8, v13;
	_ =	sdelay $0x1  }
0x503: {  	s0 =	sshll.u32 s22, $0x9  }
0x504: {  	s0 =	sshra.s32 s0, $0x2;
	v12 =	vld.idx.msk [tilespmem:v12+s16+$0x0], $0xffff;
	_ =	sdelay $0x1  }
0x505: {  	[tilespmem:s0+$0x1D300] =	vst v14  }
0x506: {  	v14 =	vld.idx.msk [tilespmem:v15+s21+$0x0], $0xffff  }
0x507: {  	v15 =	vadd.s32 v9, v13;
	_ =	sdelay $0x4  }
0x508: {  	[tilespmem:s0+$0x1D310] =	vst v14  }
0x509: {  	v14 =	vld.idx.msk [tilespmem:v15+s21+$0x0], $0xffff  }
0x50a: {  	v13 =	vadd.s32 v10, v13;
	_ =	sdelay $0x4  }
0x50b: {  	[tilespmem:s0+$0x1D320] =	vst v14  }
0x50c: {  	v13 =	vld.idx.msk [tilespmem:v13+s21+$0x0], $0xffff  }
0x50d: {  	v14 =	vmov s22  }
0x50e: {  	s9 =	sadd.s32 $0x1, s22  }
0x50f: {  	p5 =	sne.s32 s9, $0x40  }
0x510: {  	p2 =	sne.s32 @!p5 s1, $0x0;
	v12 =	vbroadcast v12, $0x0  }
0x511: {  	p2 =	por p2, p5  }
0x512: {  	s3 =	simm.s32 @!p2 $0x1F300;
	s5 =	simm.s32 @!p2 $0x1D300;
	[tilespmem:s0+$0x1D330] =	vst v13;
	s0 =	simm.s32 @!p2 $0x40  }
0x513: {  	s8 =	sadd.s32 $0x1, s8;
	s22 =	simm.s32 @!p2 $0x4;
	[tilespmem:v14+s19+$0x0] =	vst.idx.msk $0x1, v12  }
0x514: {  	[hbm4b:s10+s0] =	stream.indirect.scatter @!p2 [tilespmem:s5], [sflag:$0x4], $0x80, s3, s0, $0xb8;
	[tilespmem:$0x1FB80] =	vst v63  }
.Ltmp28:
0x515: {  	p6 =	por !p0, p5;
	_ =	swait.ge @!p2 [sflag:s22], $0x2000;
	(pc) =	sbr.rel @p4 .LBB2_42-.Ltmp28, $4  }
0x516: {  	s30 =	simm.s32 @!p6 $0x4;
	s0 =	simm.s32 @!p6 $0x40;
	[sflag:s22] =	ssyncset.done @!p2 $0x0  }
0x517: {  	v12 =	vmov s8;
	s3 =	simm.s32 @!p6 $0x1F300;
	[sflag:s22] =	ssyncadd.s32 @!p2 $0xFFFFE000;
	s22 =	simm.s32 @!p6 $0x0  }
0x518: {  	s5 =	simm.s32 @!p6 $0x1D300;
	s22 =	simm.s32 @p6 $0x0  }
0x519: {  	[hbm4b:s11+s0] =	stream.indirect.scatter @!p6 [tilespmem:s5], [sflag:$0x4], $0x80, s3, s0, $0xb8;
	[tilespmem:$0x1FB80] =	vst v63  }
.Ltmp29:
0x51a: {  	_ = 	snop;
	(pc) =	sbr.rel .LBB2_43-.Ltmp29, $1  }
0x51b: {  	_ =	sdelay $0x3  }
.LBB2_25:
.Ltmp30:
0x51c: {  	(pc) =	sbr.rel .LBB2_31-.Ltmp30, $2  }
0x51d: {  	_ =	sdelay $0x2  }
0x51e: {  	_ = 	snop  }
.LBB2_34:
.Ltmp31:
0x51f: {  	(pc) =	sbr.rel .LBB2_37-.Ltmp31, $2  }
0x520: {  	_ =	sdelay $0x2  }
0x521: {  	_ = 	snop  }
.LBB2_46:
0x522: {  	_ =	sfence.sel $0x180000  }
0x523: {  	[bflag:$0x0] =	sbarrier.arrive $0xFFFF  }
0x524: {  	_ =	strace $0x90000047  }
0x525: {  	s0 =	stileid.u32;
	[bflag:$0x2] =	sbarrier.arrive $0xFFFF  }
0x526: {  	p0 =	sne.s32 s0, $0x0;
	s0 =	rddreg [dreg:$0x4]  }
0x527: {  	s0 =	sadd.s32 @!p0 $0x100000, s0  }
0x528: {  	[sflag:s0] =	ssyncadd.tile.s32 @!p0 $0x1;
	_ =	shalt  }
.Lfunc_end2:
_tile_overlayer_lowered:
.L_overlay_start_2:
0x529: {  	(tag) =	ssettag $0x2  }
0x52a: {  	s0 =	rddreg [dreg:$0x0];
	s2 =	stileid.u32  }
0x52b: {  	s1 =	rddreg [dreg:$0x1];
	p0 =	sne.s32 s2, $0x0  }
0x52c: {  	s3 =	rddreg [dreg:$0x2];
	[bflag:$0x3] =	sbarrier.arrive $0xFFFF;
	s2 =	simm.s32 @!p0 $0x1C07  }
0x52d: {  	[timem:s3], [sflag:s2] =	dma.local @!p0 [hbm:s0], s1  }
0x52e: {  	s0 =	simm.s32 @!p0 $0x7  }
0x52f: {  	_ =	swait.ge @!p0 [sflag:s0], s1  }
0x530: {  	s1 =	ssub.s32 @!p0 $0x0, s1;
	[sflag:s0] =	ssyncset.done @!p0 $0x0  }
0x531: {  	[sflag:s0] =	ssyncadd.s32 @!p0 s1  }
0x532: {  	[bflag:$0x3] =	sbarrier.arrive $0xFFFF  }
0x533: {  	_ =	shalt  }

</sc_bundles>
